<compile_context>
chip_gen: v7x
topology: tpu7x:2x2x1
jax: 0.10.2.dev20260603
libtpu: 0.0.44.dev20260713+nightly
codegen_flags: <defaults>
</compile_context>

<pallas_src>
import functools
import math

import jax
import jax.numpy as jnp
from jax import lax
from jax.experimental import pallas as pl
from jax.experimental.pallas import tpu as pltpu
from jax.experimental.pallas import tpu_sc as plsc

N = 10000
E = 320000
D = 128
H = 128
PE = 32
OUT = 10

NC = 2
NS = 16
NW = NC * NS
CHUNK = 128
ROWS_T = 640
NPAD = NS * ROWS_T
EC = 125
EC8 = 128
ECH_T = (E // NW) // EC
LAST_START = (NS - 1) * ROWS_T
LAST_REM = (N - LAST_START) % CHUNK

R = 2000
G = N // R
EPS = 1e-5
BN_SCALE = 1.0 / math.sqrt(1.0 + EPS)

_f32 = jnp.float32
_mesh = plsc.VectorSubcoreMesh(core_axis_name="c", subcore_axis_name="s",
                               num_cores=NC, num_subcores=NS)


@functools.partial(
    pl.kernel,
    out_type=[jax.ShapeDtypeStruct((NPAD,), _f32),
              jax.ShapeDtypeStruct((NPAD,), _f32)],
    mesh=_mesh,
    scratch_types=[
        pltpu.VMEM((4, EC), jnp.int32),
        pltpu.VMEM((EC8,), _f32),
        pltpu.VMEM((CHUNK,), _f32),
        pltpu.VMEM_SHARED((NPAD,), _f32),
        pltpu.SemaphoreType.DMA,
        pltpu.SemaphoreType.DMA,
    ],
)
def _sc_degree(dst_hbm, out0_hbm, out1_hbm, dix, ones, zf, acc,
               dsema, ssem):
    c = lax.axis_index("c")
    s = lax.axis_index("s")
    start = s * ROWS_T
    wid = s * NC + c
    base = wid * ECH_T
    for k in range(EC8 // 16):
        ones[pl.ds(k * 16, 16)] = jnp.ones((16,), _f32)
    for k in range(CHUNK // 16):
        zf[pl.ds(k * 16, 16)] = jnp.zeros((16,), _f32)
    zds = [pltpu.async_copy(zf, acc.at[pl.ds(start + q * CHUNK, CHUNK)],
                            dsema) for q in range(ROWS_T // CHUNK)]
    for zd in zds:
        zd.wait()
    plsc.subcore_barrier()

    def quad(q, carry):
        sds = []
        for k in range(4):
            pltpu.sync_copy(dst_hbm.at[base + 4 * q + k], dix.at[k])
            sds.append(pltpu.async_copy(ones.at[pl.ds(0, EC)],
                                        acc.at[dix.at[k]], ssem, add=True))
        for sd in sds:
            sd.wait()
        return carry

    lax.fori_loop(0, ECH_T // 4, quad, 0)
    plsc.subcore_barrier()
    for cc, out_hbm in ((0, out0_hbm), (1, out1_hbm)):
        @pl.when(c == cc)
        def _():
            for q in range(ROWS_T // CHUNK):
                pltpu.sync_copy(acc.at[pl.ds(start + q * CHUNK, CHUNK)], zf)
                pltpu.sync_copy(zf, out_hbm.at[pl.ds(start + q * CHUNK,
                                                     CHUNK)])


@functools.partial(
    pl.kernel,
    out_type=jax.ShapeDtypeStruct((NC, NPAD, H), _f32),
    mesh=_mesh,
    scratch_types=[
        pltpu.VMEM((ECH_T, EC), jnp.int32),
        pltpu.VMEM((EC,), jnp.int32),
        pltpu.VMEM((EC,), jnp.int32),
        pltpu.VMEM((CHUNK, H), _f32),
        pltpu.VMEM((CHUNK, H), _f32),
        pltpu.VMEM_SHARED((NPAD, H), _f32),
        pltpu.SemaphoreType.DMA,
        pltpu.SemaphoreType.DMA,
        pltpu.SemaphoreType.DMA,
        pltpu.SemaphoreType.DMA,
        pltpu.SemaphoreType.DMA,
        pltpu.SemaphoreType.DMA,
    ],
)
def _sc_prop(y_hbm, src_hbm, dst_hbm, out_hbm, sidx, dia, dib, bufa, bufb,
             acc, sema, semb, dsema, dsemb, ssema, ssemb):
    c = lax.axis_index("c")
    s = lax.axis_index("s")
    start = s * ROWS_T
    wid = s * NC + c
    base = wid * ECH_T

    pltpu.sync_copy(src_hbm.at[pl.ds(base, ECH_T)], sidx)

    def zrow(r, carry):
        for k in range(H // 16):
            bufa[r, pl.ds(k * 16, 16)] = jnp.zeros((16,), _f32)
        return carry

    lax.fori_loop(0, CHUNK, zrow, 0)
    zds = [pltpu.async_copy(bufa, acc.at[pl.ds(start + q * CHUNK, CHUNK)],
                            dsema) for q in range(ROWS_T // CHUNK)]
    pltpu.sync_copy(dst_hbm.at[base], dia)
    prime = pltpu.async_copy(y_hbm.at[sidx.at[0]], bufb.at[pl.ds(0, EC)],
                             semb)
    for zd in zds:
        zd.wait()
    plsc.subcore_barrier()
    prime.wait()

    def pair(j, carry):
        c0 = 2 * j
        ddb = pltpu.async_copy(dst_hbm.at[base + c0 + 1], dib, dsemb)
        sb = pltpu.async_copy(bufb.at[pl.ds(0, EC)], acc.at[dia], ssema,
                              add=True)
        da = pltpu.async_copy(y_hbm.at[sidx.at[c0 + 1]],
                              bufa.at[pl.ds(0, EC)], sema)
        ddb.wait()
        da.wait()
        sa = pltpu.async_copy(bufa.at[pl.ds(0, EC)], acc.at[dib], ssemb,
                              add=True)
        sb.wait()

        @pl.when(j < ECH_T // 2 - 1)
        def _():
            dda = pltpu.async_copy(dst_hbm.at[base + c0 + 2], dia, dsema)
            db = pltpu.async_copy(y_hbm.at[sidx.at[c0 + 2]],
                                  bufb.at[pl.ds(0, EC)], semb)
            dda.wait()
            db.wait()

        sa.wait()
        return carry

    lax.fori_loop(0, ECH_T // 2, pair, 0)
    plsc.subcore_barrier()
    pltpu.sync_copy(acc.at[pl.ds(start, ROWS_T)],
                    out_hbm.at[c, pl.ds(start, ROWS_T)])



def _pre_body(d0_ref, d1_ref, z_ref, dv_ref, y0_ref):
    deg = d0_ref[...] + d1_ref[...] + 1.0
    dv = jnp.transpose(lax.rsqrt(jnp.maximum(deg, 1.0)))
    dv_ref[...] = dv
    y0_ref[...] = z_ref[...] * dv[:N]


def _tc_pre(deg0, deg1, pearl_z):
    return pl.pallas_call(
        _pre_body,
        out_shape=[jax.ShapeDtypeStruct((NPAD, 1), _f32),
                   jax.ShapeDtypeStruct((N, H), _f32)],
    )(deg0.reshape(1, NPAD), deg1.reshape(1, NPAD), pearl_z)


def _dot(a, b):
    return jnp.dot(a, b, preferred_element_type=_f32)


def _s1_body(p_ref, y_ref, dv_ref, w_ref, b_ref, o_ref):
    dv = dv_ref[...]
    p = p_ref[...]
    u = (p[0] + p[1] + y_ref[...]) * dv
    z = jnp.maximum(_dot(u, w_ref[...]) + b_ref[...], 0.0)
    o_ref[...] = z * dv


def _tc_stage1(p, y, dinv_col, w, b):
    return pl.pallas_call(
        _s1_body,
        grid=(G,),
        in_specs=[pl.BlockSpec((NC, R, H), lambda i: (0, i, 0)),
                  pl.BlockSpec((R, H), lambda i: (i, 0)),
                  pl.BlockSpec((R, 1), lambda i: (i, 0)),
                  pl.BlockSpec((H, H), lambda i: (0, 0)),
                  pl.BlockSpec((1, H), lambda i: (0, 0))],
        out_specs=pl.BlockSpec((R, H), lambda i: (i, 0)),
        out_shape=jax.ShapeDtypeStruct((N, H), _f32),
    )(p, y, dinv_col, w, b)


def _s2_body(p_ref, y_ref, dv_ref, x_ref, wp2_ref, bp2_ref, wpo_ref, bpo_ref,
             wina_ref, winb_ref, bin_ref, wc1_ref, o_ref):
    dv = dv_ref[...]
    p = p_ref[...]
    u = (p[0] + p[1] + y_ref[...]) * dv
    z2 = jnp.maximum(_dot(u, wp2_ref[...]) + bp2_ref[...], 0.0)
    pe = _dot(z2, wpo_ref[...]) + bpo_ref[...]
    h0 = jnp.maximum(_dot(x_ref[...], wina_ref[...]) + _dot(pe, winb_ref[...])
                     + bin_ref[...], 0.0)
    t1 = _dot(h0, wc1_ref[...])
    o_ref[...] = t1 * dv


def _tc_stage2(p, y, dinv_col, x, wp2, bp2, wpo, bpo, wina, winb, b_in, wc1):
    return pl.pallas_call(
        _s2_body,
        grid=(G,),
        in_specs=[pl.BlockSpec((NC, R, H), lambda i: (0, i, 0)),
                  pl.BlockSpec((R, H), lambda i: (i, 0)),
                  pl.BlockSpec((R, 1), lambda i: (i, 0)),
                  pl.BlockSpec((R, D), lambda i: (i, 0)),
                  pl.BlockSpec((H, H), lambda i: (0, 0)),
                  pl.BlockSpec((1, H), lambda i: (0, 0)),
                  pl.BlockSpec((H, PE), lambda i: (0, 0)),
                  pl.BlockSpec((1, PE), lambda i: (0, 0)),
                  pl.BlockSpec((D, H), lambda i: (0, 0)),
                  pl.BlockSpec((PE, H), lambda i: (0, 0)),
                  pl.BlockSpec((1, H), lambda i: (0, 0)),
                  pl.BlockSpec((H, H), lambda i: (0, 0))],
        out_specs=pl.BlockSpec((R, H), lambda i: (i, 0)),
        out_shape=jax.ShapeDtypeStruct((N, H), _f32),
    )(p, y, dinv_col, x, wp2, bp2, wpo, bpo, wina, winb, b_in, wc1)


def _mid_body(residual, p_ref, y_ref, dv_ref, bc_ref, g_ref, be_ref, w_ref,
              *rest):
    if residual:
        hprev_ref, oy_ref, oh_ref = rest
    else:
        oy_ref, oh_ref = rest
    dv = dv_ref[...]
    p = p_ref[...]
    u = (p[0] + p[1] + y_ref[...]) * dv
    h = jnp.maximum((u + bc_ref[...]) * (g_ref[...] * BN_SCALE) + be_ref[...],
                    0.0)
    if residual:
        h = h + hprev_ref[...]
    oh_ref[...] = h
    oy_ref[...] = _dot(h, w_ref[...]) * dv


def _tc_mid(p, y, dinv_col, bc, g, be, w, hprev=None):
    residual = hprev is not None
    specs = [pl.BlockSpec((NC, R, H), lambda i: (0, i, 0)),
             pl.BlockSpec((R, H), lambda i: (i, 0)),
             pl.BlockSpec((R, 1), lambda i: (i, 0)),
             pl.BlockSpec((1, H), lambda i: (0, 0)),
             pl.BlockSpec((1, H), lambda i: (0, 0)),
             pl.BlockSpec((1, H), lambda i: (0, 0)),
             pl.BlockSpec((H, H), lambda i: (0, 0))]
    args = [p, y, dinv_col, bc, g, be, w]
    if residual:
        specs.append(pl.BlockSpec((R, H), lambda i: (i, 0)))
        args.append(hprev)
    return pl.pallas_call(
        functools.partial(_mid_body, residual),
        grid=(G,),
        in_specs=specs,
        out_specs=[pl.BlockSpec((R, H), lambda i: (i, 0)),
                   pl.BlockSpec((R, H), lambda i: (i, 0))],
        out_shape=[jax.ShapeDtypeStruct((N, H), _f32),
                   jax.ShapeDtypeStruct((N, H), _f32)],
    )(*args)


def _s5_body(p_ref, y_ref, dv_ref, bc_ref, g_ref, be_ref, hprev_ref,
             wout_ref, bout_ref, o_ref, acc_ref):
    i = pl.program_id(0)
    dv = dv_ref[...]
    p = p_ref[...]
    u = (p[0] + p[1] + y_ref[...]) * dv
    h = jnp.maximum((u + bc_ref[...]) * (g_ref[...] * BN_SCALE) + be_ref[...],
                    0.0) + hprev_ref[...]
    part = jnp.sum(h, axis=0, keepdims=True)

    @pl.when(i == 0)
    def _():
        acc_ref[...] = part

    @pl.when(i > 0)
    def _():
        acc_ref[...] = acc_ref[...] + part

    @pl.when(i == G - 1)
    def _():
        o_ref[...] = _dot(acc_ref[...] * (1.0 / N), wout_ref[...]) \
            + bout_ref[...]


def _tc_stage5(p, y, dinv_col, bc, g, be, hprev, wout, bout):
    return pl.pallas_call(
        _s5_body,
        grid=(G,),
        in_specs=[pl.BlockSpec((NC, R, H), lambda i: (0, i, 0)),
                  pl.BlockSpec((R, H), lambda i: (i, 0)),
                  pl.BlockSpec((R, 1), lambda i: (i, 0)),
                  pl.BlockSpec((1, H), lambda i: (0, 0)),
                  pl.BlockSpec((1, H), lambda i: (0, 0)),
                  pl.BlockSpec((1, H), lambda i: (0, 0)),
                  pl.BlockSpec((R, H), lambda i: (i, 0)),
                  pl.BlockSpec((H, OUT), lambda i: (0, 0)),
                  pl.BlockSpec((1, OUT), lambda i: (0, 0))],
        out_specs=pl.BlockSpec((1, OUT), lambda i: (0, 0)),
        out_shape=jax.ShapeDtypeStruct((1, OUT), _f32),
        scratch_shapes=[pltpu.VMEM((1, H), _f32)],
    )(p, y, dinv_col, bc, g, be, hprev, wout, bout)


def kernel(x, edge_index, pearl_z, Wp1, bp1, Wp2, bp2, Wpo, bpo, Win, b_in,
           Wc1, bc1, Wc2, bc2, Wc3, bc3, g1, be1, g2, be2, g3, be3,
           Wout, bout):
    src = edge_index[0]
    dst = edge_index[1]
    src2d = src.reshape(E // EC, EC)
    dst2d = dst.reshape(E // EC, EC)
    row = lambda v: v.reshape(1, -1)

    deg0, deg1 = _sc_degree(dst2d)
    dinv_col, y0 = _tc_pre(deg0, deg1, pearl_z)
    p = _sc_prop(y0, src2d, dst2d)
    y1 = _tc_stage1(p, y0, dinv_col, Wp1, row(bp1))
    p = _sc_prop(y1, src2d, dst2d)
    y2 = _tc_stage2(p, y1, dinv_col, x, Wp2, row(bp2), Wpo, row(bpo),
                    Win[:D], Win[D:], row(b_in), Wc1)
    p = _sc_prop(y2, src2d, dst2d)
    y3, h1 = _tc_mid(p, y2, dinv_col, row(bc1), row(g1), row(be1), Wc2)
    p = _sc_prop(y3, src2d, dst2d)
    y4, h2 = _tc_mid(p, y3, dinv_col, row(bc2), row(g2), row(be2), Wc3,
                     hprev=h1)
    p = _sc_prop(y4, src2d, dst2d)
    return _tc_stage5(p, y4, dinv_col, row(bc3), row(g3), row(be3), h2,
                      Wout, row(bout))

# --- scband reference (transcript-rebuilt; emitter-appended) ---
"""Pipeline reference for scband-gnnwith-pearl-19456201851345 (READ-ONLY COPY).

The authoritative reference and input builder live on the scoring server;
editing this copy changes nothing except your own understanding.
"""

import jax, jax.numpy as jnp
import numpy as np

N = 10000
E = 320000
D = 128
H = 128
PE = 32
OUT = 10


def _gcn_prop(x, src, dst, n):
    loops = jnp.arange(n, dtype=src.dtype)
    s = jnp.concatenate([src, loops])
    d = jnp.concatenate([dst, loops])
    deg = jax.ops.segment_sum(jnp.ones(s.shape[0], dtype=x.dtype), d, num_segments=n)
    dinv = jax.lax.rsqrt(jnp.maximum(deg, 1.0))
    norm = dinv[s] * dinv[d]
    msg = jnp.take(x, s, axis=0) * norm[:, None]
    return jax.ops.segment_sum(msg, d, num_segments=n)


def setup_inputs(seed=0):
    key = jax.random.key(seed)
    ks = jax.random.split(key, 16)
    def w(k, shape, fan_in):
        return jax.random.normal(k, shape, dtype=jnp.float32) * (1.0 / np.sqrt(fan_in))
    inp = {}
    inp["x"] = jax.random.normal(ks[0], (N, D), dtype=jnp.float32)
    inp["edge_index"] = jax.random.randint(ks[1], (2, E), 0, N)
    inp["pearl_z"] = jax.random.normal(ks[2], (N, H), dtype=jnp.float32)
    inp["Wp1"] = w(ks[3], (H, H), H); inp["bp1"] = jnp.zeros((H,), jnp.float32)
    inp["Wp2"] = w(ks[4], (H, H), H); inp["bp2"] = jnp.zeros((H,), jnp.float32)
    inp["Wpo"] = w(ks[5], (H, PE), H); inp["bpo"] = jnp.zeros((PE,), jnp.float32)
    inp["Win"] = w(ks[6], (D + PE, H), D + PE); inp["b_in"] = jnp.zeros((H,), jnp.float32)
    inp["Wc1"] = w(ks[7], (H, H), H); inp["bc1"] = jnp.zeros((H,), jnp.float32)
    inp["Wc2"] = w(ks[8], (H, H), H); inp["bc2"] = jnp.zeros((H,), jnp.float32)
    inp["Wc3"] = w(ks[9], (H, H), H); inp["bc3"] = jnp.zeros((H,), jnp.float32)
    inp["g1"] = jnp.ones((H,), jnp.float32); inp["be1"] = jnp.zeros((H,), jnp.float32)
    inp["g2"] = jnp.ones((H,), jnp.float32); inp["be2"] = jnp.zeros((H,), jnp.float32)
    inp["g3"] = jnp.ones((H,), jnp.float32); inp["be3"] = jnp.zeros((H,), jnp.float32)
    inp["Wout"] = w(ks[10], (H, OUT), H); inp["bout"] = jnp.zeros((OUT,), jnp.float32)
    return inp


def _forward(x, edge_index, pearl_z, Wp1, bp1, Wp2, bp2, Wpo, bpo, Win, b_in, Wc1, bc1, Wc2, bc2, Wc3, bc3, g1, be1, g2, be2, g3, be3, Wout, bout):
    n = x.shape[0]
    src = edge_index[0]
    dst = edge_index[1]
    eps = 1e-5
    def bn(v, g, b):
        # eval-mode BatchNorm1d with default running stats (mean=0, var=1)
        return v * (g / jnp.sqrt(1.0 + eps)) + b
    # PEARL positional encoding: random node init propagated through GCN layers
    z = jax.nn.relu(jnp.dot(_gcn_prop(pearl_z, src, dst, n), Wp1) + bp1)
    z = jax.nn.relu(jnp.dot(_gcn_prop(z, src, dst, n), Wp2) + bp2)
    pe = jnp.dot(z, Wpo) + bpo
    h = jnp.concatenate([x, pe], axis=-1)
    h = jax.nn.relu(jnp.dot(h, Win) + b_in)
    # GCN layer 1 (no residual for i == 0)
    h1 = _gcn_prop(jnp.dot(h, Wc1), src, dst, n) + bc1
    h = jax.nn.relu(bn(h1, g1, be1))
    # GCN layer 2 (residual)
    hp = h
    h2 = _gcn_prop(jnp.dot(h, Wc2), src, dst, n) + bc2
    h = jax.nn.relu(bn(h2, g2, be2)) + hp
    # GCN layer 3 (residual)
    hp = h
    h3 = _gcn_prop(jnp.dot(h, Wc3), src, dst, n) + bc3
    h = jax.nn.relu(bn(h3, g3, be3)) + hp
    # graph-level mean pooling (batch is None)
    pooled = jnp.mean(h, axis=0, keepdims=True)
    return jnp.dot(pooled, Wout) + bout


def reference(x, edge_index, pearl_z, Wp1, bp1, Wp2, bp2, Wpo, bpo, Win, b_in, Wc1, bc1, Wc2, bc2, Wc3, bc3, g1, be1, g2, be2, g3, be3, Wout, bout):
    return _forward(x, edge_index, pearl_z, Wp1, bp1, Wp2, bp2, Wpo, bpo, Win, b_in, Wc1, bc1, Wc2, bc2, Wc3, bc3, g1, be1, g2, be2, g3, be3, Wout, bout)

if __name__ == "__main__":
    import jax
    _d = setup_inputs()
    print(jax.jit(kernel)(*tuple(_d.values())))

</pallas_src>

<mosaic_0001>
#map = affine_map<(d0, d1) -> (0, 0)>
#map1 = affine_map<(d0, d1) -> (0, 0, 0)>
module attributes {stable_mosaic.version = 14 : i64} {
  func.func @_sc_prop(%arg0: i32, %arg1: i32, %arg2: memref<10000x128xf32, #tpu.memory_space<hbm>>, %arg3: memref<2560x125xi32, #tpu.memory_space<hbm>>, %arg4: memref<2560x125xi32, #tpu.memory_space<hbm>>, %arg5: memref<2x10240x128xf32, #tpu.memory_space<hbm>>, %arg6: memref<80x125xi32, #tpu.memory_space<vmem>>, %arg7: memref<125xi32, #tpu.memory_space<vmem>>, %arg8: memref<125xi32, #tpu.memory_space<vmem>>, %arg9: memref<128x128xf32, #tpu.memory_space<vmem>>, %arg10: memref<128x128xf32, #tpu.memory_space<vmem>>, %arg11: memref<10240x128xf32, #tpu.memory_space<vmem_shared>>, %arg12: memref<!tpu.dma_semaphore, #tpu.memory_space<semaphore_mem>>, %arg13: memref<!tpu.dma_semaphore, #tpu.memory_space<semaphore_mem>>, %arg14: memref<!tpu.dma_semaphore, #tpu.memory_space<semaphore_mem>>, %arg15: memref<!tpu.dma_semaphore, #tpu.memory_space<semaphore_mem>>, %arg16: memref<!tpu.dma_semaphore, #tpu.memory_space<semaphore_mem>>, %arg17: memref<!tpu.dma_semaphore, #tpu.memory_space<semaphore_mem>>) attributes {dimension_semantics = [#tpu.dimension_semantics<core_parallel>, #tpu.dimension_semantics<subcore_parallel>], iteration_bounds = array<i64: 2, 16>, scalar_prefetch = 0 : i64, scratch_operands = 12 : i64, tpu.core_type = #tpu.core_type<sc_vector_subcore>, window_params = [{transform_indices = #map}, {transform_indices = #map}, {transform_indices = #map}, {transform_indices = #map1}]} {
    %mul3A = arith.constant 640 : i32
    %mul3A_0 = arith.muli %arg1, %mul3A : i32
    %mul3A_1 = arith.constant 2 : i32
    %mul3A_2 = arith.muli %arg1, %mul3A_1 : i32
    %add3A = arith.addi %mul3A_2, %arg0 : i32
    %mul3A_3 = arith.constant 80 : i32
    %mul3A_4 = arith.muli %add3A, %mul3A_3 : i32
    "tpu.region"() ({
      %run_scoped3A = tpu.sem_alloc : memref<!tpu.dma_semaphore, #tpu.memory_space<semaphore_mem>>
      %dma_start3A_85 = arith.constant 0 : i32
      %dma_start3A_86 = tpu.memref_slice %arg3[%mul3A_4, %dma_start3A_85] : memref<2560x125xi32, #tpu.memory_space<hbm>> -> memref<80x125xi32, #tpu.memory_space<hbm>>
      %dma_start3A_87 = arith.constant 0 : i32
      %dma_start3A_88 = tpu.memref_slice %arg3[%mul3A_4, %dma_start3A_87] : memref<2560x125xi32, #tpu.memory_space<hbm>> -> memref<80x125xi32, #tpu.memory_space<hbm>>
      tpu.enqueue_dma source(%dma_start3A_88 : memref<80x125xi32, #tpu.memory_space<hbm>>) target(%arg6 : memref<80x125xi32, #tpu.memory_space<vmem>>) target_semaphore(%run_scoped3A : memref<!tpu.dma_semaphore, #tpu.memory_space<semaphore_mem>>)
      %dma_wait3A_89 = arith.constant 0 : i32
      %dma_wait3A_90 = tpu.memref_slice %arg3[%mul3A_4, %dma_wait3A_89] : memref<2560x125xi32, #tpu.memory_space<hbm>> -> memref<80x125xi32, #tpu.memory_space<hbm>>
      %dma_wait3A_91 = arith.constant 0 : i32
      %dma_wait3A_92 = tpu.memref_slice %arg3[%mul3A_4, %dma_wait3A_91] : memref<2560x125xi32, #tpu.memory_space<hbm>> -> memref<80x125xi32, #tpu.memory_space<hbm>>
      tpu.wait_dma2 semaphore(%run_scoped3A : memref<!tpu.dma_semaphore, #tpu.memory_space<semaphore_mem>>) src(%dma_wait3A_92 : memref<80x125xi32, #tpu.memory_space<hbm>>) dst(%arg6 : memref<80x125xi32, #tpu.memory_space<vmem>>)
      tpu.yield
    }) : () -> ()
    %scan3A = arith.constant 0 : i32
    %scan3A_5 = arith.constant 0 : i32
    %scan3A_6 = arith.constant 128 : i32
    %scan3A_7 = arith.addi %scan3A_5, %scan3A_6 : i32
    %scan3A_8 = arith.constant 1 : i32
    scf.for %scan3A_85 = %scan3A_5 to %scan3A_7 step %scan3A_8  : i32 {
      %broadcast_in_dim3A = arith.constant 0.000000e+00 : f32
      %broadcast_in_dim3A_86 = vector.broadcast %broadcast_in_dim3A : f32 to vector<16xf32>
      %swap3A = arith.index_cast %scan3A_85 : i32 to index
      %swap3A_87 = arith.constant 0 : index
      %swap3A_88 = tpu.vector_load %arg9[%swap3A, %swap3A_87] {strides = array<i32>} : memref<128x128xf32, #tpu.memory_space<vmem>>, vector<1x16xf32>,
      %swap3A_89 = vector.shape_cast %swap3A_88 : vector<1x16xf32> to vector<16xf32>
      %swap3A_90 = vector.shape_cast %broadcast_in_dim3A_86 : vector<16xf32> to vector<1x16xf32>
      tpu.vector_store %arg9[%swap3A, %swap3A_87], %swap3A_90 {strides = array<i32>} : memref<128x128xf32, #tpu.memory_space<vmem>>, vector<1x16xf32>,
      %broadcast_in_dim3A_91 = arith.constant 0.000000e+00 : f32
      %broadcast_in_dim3A_92 = vector.broadcast %broadcast_in_dim3A_91 : f32 to vector<16xf32>
      %swap3A_93 = arith.index_cast %scan3A_85 : i32 to index
      %swap3A_94 = arith.constant 16 : index
      %swap3A_95 = tpu.vector_load %arg9[%swap3A_93, %swap3A_94] {strides = array<i32>} : memref<128x128xf32, #tpu.memory_space<vmem>>, vector<1x16xf32>,
      %swap3A_96 = vector.shape_cast %swap3A_95 : vector<1x16xf32> to vector<16xf32>
      %swap3A_97 = vector.shape_cast %broadcast_in_dim3A_92 : vector<16xf32> to vector<1x16xf32>
      tpu.vector_store %arg9[%swap3A_93, %swap3A_94], %swap3A_97 {strides = array<i32>} : memref<128x128xf32, #tpu.memory_space<vmem>>, vector<1x16xf32>,
      %broadcast_in_dim3A_98 = arith.constant 0.000000e+00 : f32
      %broadcast_in_dim3A_99 = vector.broadcast %broadcast_in_dim3A_98 : f32 to vector<16xf32>
      %swap3A_100 = arith.index_cast %scan3A_85 : i32 to index
      %swap3A_101 = arith.constant 32 : index
      %swap3A_102 = tpu.vector_load %arg9[%swap3A_100, %swap3A_101] {strides = array<i32>} : memref<128x128xf32, #tpu.memory_space<vmem>>, vector<1x16xf32>,
      %swap3A_103 = vector.shape_cast %swap3A_102 : vector<1x16xf32> to vector<16xf32>
      %swap3A_104 = vector.shape_cast %broadcast_in_dim3A_99 : vector<16xf32> to vector<1x16xf32>
      tpu.vector_store %arg9[%swap3A_100, %swap3A_101], %swap3A_104 {strides = array<i32>} : memref<128x128xf32, #tpu.memory_space<vmem>>, vector<1x16xf32>,
      %broadcast_in_dim3A_105 = arith.constant 0.000000e+00 : f32
      %broadcast_in_dim3A_106 = vector.broadcast %broadcast_in_dim3A_105 : f32 to vector<16xf32>
      %swap3A_107 = arith.index_cast %scan3A_85 : i32 to index
      %swap3A_108 = arith.constant 48 : index
      %swap3A_109 = tpu.vector_load %arg9[%swap3A_107, %swap3A_108] {strides = array<i32>} : memref<128x128xf32, #tpu.memory_space<vmem>>, vector<1x16xf32>,
      %swap3A_110 = vector.shape_cast %swap3A_109 : vector<1x16xf32> to vector<16xf32>
      %swap3A_111 = vector.shape_cast %broadcast_in_dim3A_106 : vector<16xf32> to vector<1x16xf32>
      tpu.vector_store %arg9[%swap3A_107, %swap3A_108], %swap3A_111 {strides = array<i32>} : memref<128x128xf32, #tpu.memory_space<vmem>>, vector<1x16xf32>,
      %broadcast_in_dim3A_112 = arith.constant 0.000000e+00 : f32
      %broadcast_in_dim3A_113 = vector.broadcast %broadcast_in_dim3A_112 : f32 to vector<16xf32>
      %swap3A_114 = arith.index_cast %scan3A_85 : i32 to index
      %swap3A_115 = arith.constant 64 : index
      %swap3A_116 = tpu.vector_load %arg9[%swap3A_114, %swap3A_115] {strides = array<i32>} : memref<128x128xf32, #tpu.memory_space<vmem>>, vector<1x16xf32>,
      %swap3A_117 = vector.shape_cast %swap3A_116 : vector<1x16xf32> to vector<16xf32>
      %swap3A_118 = vector.shape_cast %broadcast_in_dim3A_113 : vector<16xf32> to vector<1x16xf32>
      tpu.vector_store %arg9[%swap3A_114, %swap3A_115], %swap3A_118 {strides = array<i32>} : memref<128x128xf32, #tpu.memory_space<vmem>>, vector<1x16xf32>,
      %broadcast_in_dim3A_119 = arith.constant 0.000000e+00 : f32
      %broadcast_in_dim3A_120 = vector.broadcast %broadcast_in_dim3A_119 : f32 to vector<16xf32>
      %swap3A_121 = arith.index_cast %scan3A_85 : i32 to index
      %swap3A_122 = arith.constant 80 : index
      %swap3A_123 = tpu.vector_load %arg9[%swap3A_121, %swap3A_122] {strides = array<i32>} : memref<128x128xf32, #tpu.memory_space<vmem>>, vector<1x16xf32>,
      %swap3A_124 = vector.shape_cast %swap3A_123 : vector<1x16xf32> to vector<16xf32>
      %swap3A_125 = vector.shape_cast %broadcast_in_dim3A_120 : vector<16xf32> to vector<1x16xf32>
      tpu.vector_store %arg9[%swap3A_121, %swap3A_122], %swap3A_125 {strides = array<i32>} : memref<128x128xf32, #tpu.memory_space<vmem>>, vector<1x16xf32>,
      %broadcast_in_dim3A_126 = arith.constant 0.000000e+00 : f32
      %broadcast_in_dim3A_127 = vector.broadcast %broadcast_in_dim3A_126 : f32 to vector<16xf32>
      %swap3A_128 = arith.index_cast %scan3A_85 : i32 to index
      %swap3A_129 = arith.constant 96 : index
      %swap3A_130 = tpu.vector_load %arg9[%swap3A_128, %swap3A_129] {strides = array<i32>} : memref<128x128xf32, #tpu.memory_space<vmem>>, vector<1x16xf32>,
      %swap3A_131 = vector.shape_cast %swap3A_130 : vector<1x16xf32> to vector<16xf32>
      %swap3A_132 = vector.shape_cast %broadcast_in_dim3A_127 : vector<16xf32> to vector<1x16xf32>
      tpu.vector_store %arg9[%swap3A_128, %swap3A_129], %swap3A_132 {strides = array<i32>} : memref<128x128xf32, #tpu.memory_space<vmem>>, vector<1x16xf32>,
      %broadcast_in_dim3A_133 = arith.constant 0.000000e+00 : f32
      %broadcast_in_dim3A_134 = vector.broadcast %broadcast_in_dim3A_133 : f32 to vector<16xf32>
      %swap3A_135 = arith.index_cast %scan3A_85 : i32 to index
      %swap3A_136 = arith.constant 112 : index
      %swap3A_137 = tpu.vector_load %arg9[%swap3A_135, %swap3A_136] {strides = array<i32>} : memref<128x128xf32, #tpu.memory_space<vmem>>, vector<1x16xf32>,
      %swap3A_138 = vector.shape_cast %swap3A_137 : vector<1x16xf32> to vector<16xf32>
      %swap3A_139 = vector.shape_cast %broadcast_in_dim3A_134 : vector<16xf32> to vector<1x16xf32>
      tpu.vector_store %arg9[%swap3A_135, %swap3A_136], %swap3A_139 {strides = array<i32>} : memref<128x128xf32, #tpu.memory_space<vmem>>, vector<1x16xf32>,
    }
    %scan3A_9 = arith.constant 128 : i32
    %add3A_10 = arith.constant 0 : i32
    %add3A_11 = arith.addi %mul3A_0, %add3A_10 : i32
    %dma_start3A = arith.constant 0 : i32
    %dma_start3A_12 = tpu.memref_slice %arg11[%add3A_11, %dma_start3A] : memref<10240x128xf32, #tpu.memory_space<vmem_shared>> -> memref<128x128xf32, #tpu.memory_space<vmem_shared>>
    %dma_start3A_13 = arith.constant 0 : i32
    %dma_start3A_14 = tpu.memref_slice %arg11[%add3A_11, %dma_start3A_13] : memref<10240x128xf32, #tpu.memory_space<vmem_shared>> -> memref<128x128xf32, #tpu.memory_space<vmem_shared>>
    tpu.enqueue_dma source(%arg9 : memref<128x128xf32, #tpu.memory_space<vmem>>) target(%dma_start3A_14 : memref<128x128xf32, #tpu.memory_space<vmem_shared>>) target_semaphore(%arg14 : memref<!tpu.dma_semaphore, #tpu.memory_space<semaphore_mem>>)
    %add3A_15 = arith.constant 128 : i32
    %add3A_16 = arith.addi %mul3A_0, %add3A_15 : i32
    %dma_start3A_17 = arith.constant 0 : i32
    %dma_start3A_18 = tpu.memref_slice %arg11[%add3A_16, %dma_start3A_17] : memref<10240x128xf32, #tpu.memory_space<vmem_shared>> -> memref<128x128xf32, #tpu.memory_space<vmem_shared>>
    %dma_start3A_19 = arith.constant 0 : i32
    %dma_start3A_20 = tpu.memref_slice %arg11[%add3A_16, %dma_start3A_19] : memref<10240x128xf32, #tpu.memory_space<vmem_shared>> -> memref<128x128xf32, #tpu.memory_space<vmem_shared>>
    tpu.enqueue_dma source(%arg9 : memref<128x128xf32, #tpu.memory_space<vmem>>) target(%dma_start3A_20 : memref<128x128xf32, #tpu.memory_space<vmem_shared>>) target_semaphore(%arg14 : memref<!tpu.dma_semaphore, #tpu.memory_space<semaphore_mem>>)
    %add3A_21 = arith.constant 256 : i32
    %add3A_22 = arith.addi %mul3A_0, %add3A_21 : i32
    %dma_start3A_23 = arith.constant 0 : i32
    %dma_start3A_24 = tpu.memref_slice %arg11[%add3A_22, %dma_start3A_23] : memref<10240x128xf32, #tpu.memory_space<vmem_shared>> -> memref<128x128xf32, #tpu.memory_space<vmem_shared>>
    %dma_start3A_25 = arith.constant 0 : i32
    %dma_start3A_26 = tpu.memref_slice %arg11[%add3A_22, %dma_start3A_25] : memref<10240x128xf32, #tpu.memory_space<vmem_shared>> -> memref<128x128xf32, #tpu.memory_space<vmem_shared>>
    tpu.enqueue_dma source(%arg9 : memref<128x128xf32, #tpu.memory_space<vmem>>) target(%dma_start3A_26 : memref<128x128xf32, #tpu.memory_space<vmem_shared>>) target_semaphore(%arg14 : memref<!tpu.dma_semaphore, #tpu.memory_space<semaphore_mem>>)
    %add3A_27 = arith.constant 384 : i32
    %add3A_28 = arith.addi %mul3A_0, %add3A_27 : i32
    %dma_start3A_29 = arith.constant 0 : i32
    %dma_start3A_30 = tpu.memref_slice %arg11[%add3A_28, %dma_start3A_29] : memref<10240x128xf32, #tpu.memory_space<vmem_shared>> -> memref<128x128xf32, #tpu.memory_space<vmem_shared>>
    %dma_start3A_31 = arith.constant 0 : i32
    %dma_start3A_32 = tpu.memref_slice %arg11[%add3A_28, %dma_start3A_31] : memref<10240x128xf32, #tpu.memory_space<vmem_shared>> -> memref<128x128xf32, #tpu.memory_space<vmem_shared>>
    tpu.enqueue_dma source(%arg9 : memref<128x128xf32, #tpu.memory_space<vmem>>) target(%dma_start3A_32 : memref<128x128xf32, #tpu.memory_space<vmem_shared>>) target_semaphore(%arg14 : memref<!tpu.dma_semaphore, #tpu.memory_space<semaphore_mem>>)
    %add3A_33 = arith.constant 512 : i32
    %add3A_34 = arith.addi %mul3A_0, %add3A_33 : i32
    %dma_start3A_35 = arith.constant 0 : i32
    %dma_start3A_36 = tpu.memref_slice %arg11[%add3A_34, %dma_start3A_35] : memref<10240x128xf32, #tpu.memory_space<vmem_shared>> -> memref<128x128xf32, #tpu.memory_space<vmem_shared>>
    %dma_start3A_37 = arith.constant 0 : i32
    %dma_start3A_38 = tpu.memref_slice %arg11[%add3A_34, %dma_start3A_37] : memref<10240x128xf32, #tpu.memory_space<vmem_shared>> -> memref<128x128xf32, #tpu.memory_space<vmem_shared>>
    tpu.enqueue_dma source(%arg9 : memref<128x128xf32, #tpu.memory_space<vmem>>) target(%dma_start3A_38 : memref<128x128xf32, #tpu.memory_space<vmem_shared>>) target_semaphore(%arg14 : memref<!tpu.dma_semaphore, #tpu.memory_space<semaphore_mem>>)
    "tpu.region"() ({
      %run_scoped3A = tpu.sem_alloc : memref<!tpu.dma_semaphore, #tpu.memory_space<semaphore_mem>>
      %dma_start3A_85 = arith.constant 0 : i32
      %dma_start3A_86 = tpu.memref_slice %arg4[%mul3A_4, %dma_start3A_85] : memref<2560x125xi32, #tpu.memory_space<hbm>> -> memref<1x125xi32, #tpu.memory_space<hbm>>
      %dma_start3A_87 = tpu.memref_squeeze %dma_start3A_86 : memref<1x125xi32, #tpu.memory_space<hbm>> -> memref<125xi32, #tpu.memory_space<hbm>>
      %dma_start3A_88 = arith.constant 0 : i32
      %dma_start3A_89 = tpu.memref_slice %arg4[%mul3A_4, %dma_start3A_88] : memref<2560x125xi32, #tpu.memory_space<hbm>> -> memref<1x125xi32, #tpu.memory_space<hbm>>
      %dma_start3A_90 = tpu.memref_squeeze %dma_start3A_89 : memref<1x125xi32, #tpu.memory_space<hbm>> -> memref<125xi32, #tpu.memory_space<hbm>>
      tpu.enqueue_dma source(%dma_start3A_90 : memref<125xi32, #tpu.memory_space<hbm>>) target(%arg7 : memref<125xi32, #tpu.memory_space<vmem>>) target_semaphore(%run_scoped3A : memref<!tpu.dma_semaphore, #tpu.memory_space<semaphore_mem>>)
      %dma_wait3A_91 = arith.constant 0 : i32
      %dma_wait3A_92 = tpu.memref_slice %arg4[%mul3A_4, %dma_wait3A_91] : memref<2560x125xi32, #tpu.memory_space<hbm>> -> memref<1x125xi32, #tpu.memory_space<hbm>>
      %dma_wait3A_93 = tpu.memref_squeeze %dma_wait3A_92 : memref<1x125xi32, #tpu.memory_space<hbm>> -> memref<125xi32, #tpu.memory_space<hbm>>
      %dma_wait3A_94 = arith.constant 0 : i32
      %dma_wait3A_95 = tpu.memref_slice %arg4[%mul3A_4, %dma_wait3A_94] : memref<2560x125xi32, #tpu.memory_space<hbm>> -> memref<1x125xi32, #tpu.memory_space<hbm>>
      %dma_wait3A_96 = tpu.memref_squeeze %dma_wait3A_95 : memref<1x125xi32, #tpu.memory_space<hbm>> -> memref<125xi32, #tpu.memory_space<hbm>>
      tpu.wait_dma2 semaphore(%run_scoped3A : memref<!tpu.dma_semaphore, #tpu.memory_space<semaphore_mem>>) src(%dma_wait3A_96 : memref<125xi32, #tpu.memory_space<hbm>>) dst(%arg7 : memref<125xi32, #tpu.memory_space<vmem>>)
      tpu.yield
    }) : () -> ()
    %dma_start3A_39 = arith.constant 0 : i32
    %dma_start3A_40 = arith.constant 0 : i32
    %dma_start3A_41 = arith.constant 0 : i32
    %dma_start3A_42 = tpu.memref_slice %arg10[%dma_start3A_40, %dma_start3A_41] : memref<128x128xf32, #tpu.memory_space<vmem>> -> memref<125x128xf32, #tpu.memory_space<vmem>>
    %dma_start3A_43 = arith.constant 0 : i32
    %dma_start3A_44 = tpu.memref_slice %arg6[%dma_start3A_39, %dma_start3A_43] : memref<80x125xi32, #tpu.memory_space<vmem>> -> memref<1x125xi32, #tpu.memory_space<vmem>>
    %dma_start3A_45 = tpu.memref_squeeze %dma_start3A_44 : memref<1x125xi32, #tpu.memory_space<vmem>> -> memref<125xi32, #tpu.memory_space<vmem>>
    %dma_start3A_46 = arith.constant 0 : i32
    %dma_start3A_47 = arith.constant 0 : i32
    %dma_start3A_48 = tpu.memref_slice %arg2[%dma_start3A_46, %dma_start3A_47] : memref<10000x128xf32, #tpu.memory_space<hbm>> -> memref<10000x128xf32, #tpu.memory_space<hbm>>
    tpu.enqueue_indirect_dma source(%dma_start3A_48 : memref<10000x128xf32, #tpu.memory_space<hbm>>) target(%dma_start3A_42 : memref<125x128xf32, #tpu.memory_space<vmem>>) offsets(%dma_start3A_45 : memref<125xi32, #tpu.memory_space<vmem>>) semaphore(%arg13 : memref<!tpu.dma_semaphore, #tpu.memory_space<semaphore_mem>>)
    %dma_wait3A = arith.constant 0 : i32
    %dma_wait3A_49 = tpu.memref_slice %arg11[%add3A_11, %dma_wait3A] : memref<10240x128xf32, #tpu.memory_space<vmem_shared>> -> memref<128x128xf32, #tpu.memory_space<vmem_shared>>
    %dma_wait3A_50 = arith.constant 0 : i32
    %dma_wait3A_51 = tpu.memref_slice %arg11[%add3A_11, %dma_wait3A_50] : memref<10240x128xf32, #tpu.memory_space<vmem_shared>> -> memref<128x128xf32, #tpu.memory_space<vmem_shared>>
    tpu.wait_dma2 semaphore(%arg14 : memref<!tpu.dma_semaphore, #tpu.memory_space<semaphore_mem>>) src(%arg9 : memref<128x128xf32, #tpu.memory_space<vmem>>) dst(%dma_wait3A_51 : memref<128x128xf32, #tpu.memory_space<vmem_shared>>)
    %dma_wait3A_52 = arith.constant 0 : i32
    %dma_wait3A_53 = tpu.memref_slice %arg11[%add3A_16, %dma_wait3A_52] : memref<10240x128xf32, #tpu.memory_space<vmem_shared>> -> memref<128x128xf32, #tpu.memory_space<vmem_shared>>
    %dma_wait3A_54 = arith.constant 0 : i32
    %dma_wait3A_55 = tpu.memref_slice %arg11[%add3A_16, %dma_wait3A_54] : memref<10240x128xf32, #tpu.memory_space<vmem_shared>> -> memref<128x128xf32, #tpu.memory_space<vmem_shared>>
    tpu.wait_dma2 semaphore(%arg14 : memref<!tpu.dma_semaphore, #tpu.memory_space<semaphore_mem>>) src(%arg9 : memref<128x128xf32, #tpu.memory_space<vmem>>) dst(%dma_wait3A_55 : memref<128x128xf32, #tpu.memory_space<vmem_shared>>)
    %dma_wait3A_56 = arith.constant 0 : i32
    %dma_wait3A_57 = tpu.memref_slice %arg11[%add3A_22, %dma_wait3A_56] : memref<10240x128xf32, #tpu.memory_space<vmem_shared>> -> memref<128x128xf32, #tpu.memory_space<vmem_shared>>
    %dma_wait3A_58 = arith.constant 0 : i32
    %dma_wait3A_59 = tpu.memref_slice %arg11[%add3A_22, %dma_wait3A_58] : memref<10240x128xf32, #tpu.memory_space<vmem_shared>> -> memref<128x128xf32, #tpu.memory_space<vmem_shared>>
    tpu.wait_dma2 semaphore(%arg14 : memref<!tpu.dma_semaphore, #tpu.memory_space<semaphore_mem>>) src(%arg9 : memref<128x128xf32, #tpu.memory_space<vmem>>) dst(%dma_wait3A_59 : memref<128x128xf32, #tpu.memory_space<vmem_shared>>)
    %dma_wait3A_60 = arith.constant 0 : i32
    %dma_wait3A_61 = tpu.memref_slice %arg11[%add3A_28, %dma_wait3A_60] : memref<10240x128xf32, #tpu.memory_space<vmem_shared>> -> memref<128x128xf32, #tpu.memory_space<vmem_shared>>
    %dma_wait3A_62 = arith.constant 0 : i32
    %dma_wait3A_63 = tpu.memref_slice %arg11[%add3A_28, %dma_wait3A_62] : memref<10240x128xf32, #tpu.memory_space<vmem_shared>> -> memref<128x128xf32, #tpu.memory_space<vmem_shared>>
    tpu.wait_dma2 semaphore(%arg14 : memref<!tpu.dma_semaphore, #tpu.memory_space<semaphore_mem>>) src(%arg9 : memref<128x128xf32, #tpu.memory_space<vmem>>) dst(%dma_wait3A_63 : memref<128x128xf32, #tpu.memory_space<vmem_shared>>)
    %dma_wait3A_64 = arith.constant 0 : i32
    %dma_wait3A_65 = tpu.memref_slice %arg11[%add3A_34, %dma_wait3A_64] : memref<10240x128xf32, #tpu.memory_space<vmem_shared>> -> memref<128x128xf32, #tpu.memory_space<vmem_shared>>
    %dma_wait3A_66 = arith.constant 0 : i32
    %dma_wait3A_67 = tpu.memref_slice %arg11[%add3A_34, %dma_wait3A_66] : memref<10240x128xf32, #tpu.memory_space<vmem_shared>> -> memref<128x128xf32, #tpu.memory_space<vmem_shared>>
    tpu.wait_dma2 semaphore(%arg14 : memref<!tpu.dma_semaphore, #tpu.memory_space<semaphore_mem>>) src(%arg9 : memref<128x128xf32, #tpu.memory_space<vmem>>) dst(%dma_wait3A_67 : memref<128x128xf32, #tpu.memory_space<vmem_shared>>)
    %barrier3A = arith.constant 0 : index
    tpu.barrier barrier_id(%barrier3A)
    %dma_wait3A_68 = arith.constant 0 : i32
    %dma_wait3A_69 = arith.constant 0 : i32
    %dma_wait3A_70 = arith.constant 0 : i32
    %dma_wait3A_71 = tpu.memref_slice %arg10[%dma_wait3A_69, %dma_wait3A_70] : memref<128x128xf32, #tpu.memory_space<vmem>> -> memref<125x128xf32, #tpu.memory_space<vmem>>
    %dma_wait3A_72 = arith.constant 0 : i32
    %dma_wait3A_73 = tpu.memref_slice %arg6[%dma_wait3A_68, %dma_wait3A_72] : memref<80x125xi32, #tpu.memory_space<vmem>> -> memref<1x125xi32, #tpu.memory_space<vmem>>
    %dma_wait3A_74 = tpu.memref_squeeze %dma_wait3A_73 : memref<1x125xi32, #tpu.memory_space<vmem>> -> memref<125xi32, #tpu.memory_space<vmem>>
    %dma_wait3A_75 = arith.constant 0 : i32
    %dma_wait3A_76 = arith.constant 0 : i32
    %dma_wait3A_77 = tpu.memref_slice %arg2[%dma_wait3A_75, %dma_wait3A_76] : memref<10000x128xf32, #tpu.memory_space<hbm>> -> memref<10000x128xf32, #tpu.memory_space<hbm>>
    tpu.wait_indirect_dma semaphore(%arg13 : memref<!tpu.dma_semaphore, #tpu.memory_space<semaphore_mem>>) src(%dma_wait3A_77 : memref<10000x128xf32, #tpu.memory_space<hbm>>) dst(%dma_wait3A_71 : memref<125x128xf32, #tpu.memory_space<vmem>>)
    %scan3A_78 = arith.constant 0 : i32
    %scan3A_79 = arith.constant 0 : i32
    %scan3A_80 = arith.constant 40 : i32
    %scan3A_81 = arith.addi %scan3A_79, %scan3A_80 : i32
    %scan3A_82 = arith.constant 1 : i32
    scf.for %scan3A_85 = %scan3A_79 to %scan3A_81 step %scan3A_82  : i32 {
      %mul3A_86 = arith.constant 2 : i32
      %mul3A_87 = arith.muli %mul3A_86, %scan3A_85 : i32
      %add3A_88 = arith.addi %mul3A_4, %mul3A_87 : i32
      %add3A_89 = arith.constant 1 : i32
      %add3A_90 = arith.addi %add3A_88, %add3A_89 : i32
      %dma_start3A_91 = arith.constant 0 : i32
      %dma_start3A_92 = tpu.memref_slice %arg4[%add3A_90, %dma_start3A_91] : memref<2560x125xi32, #tpu.memory_space<hbm>> -> memref<1x125xi32, #tpu.memory_space<hbm>>
      %dma_start3A_93 = tpu.memref_squeeze %dma_start3A_92 : memref<1x125xi32, #tpu.memory_space<hbm>> -> memref<125xi32, #tpu.memory_space<hbm>>
      %dma_start3A_94 = arith.constant 0 : i32
      %dma_start3A_95 = tpu.memref_slice %arg4[%add3A_90, %dma_start3A_94] : memref<2560x125xi32, #tpu.memory_space<hbm>> -> memref<1x125xi32, #tpu.memory_space<hbm>>
      %dma_start3A_96 = tpu.memref_squeeze %dma_start3A_95 : memref<1x125xi32, #tpu.memory_space<hbm>> -> memref<125xi32, #tpu.memory_space<hbm>>
      tpu.enqueue_dma source(%dma_start3A_96 : memref<125xi32, #tpu.memory_space<hbm>>) target(%arg8 : memref<125xi32, #tpu.memory_space<vmem>>) target_semaphore(%arg15 : memref<!tpu.dma_semaphore, #tpu.memory_space<semaphore_mem>>)
      %dma_start3A_97 = arith.constant 0 : i32
      %dma_start3A_98 = arith.constant 0 : i32
      %dma_start3A_99 = tpu.memref_slice %arg10[%dma_start3A_97, %dma_start3A_98] : memref<128x128xf32, #tpu.memory_space<vmem>> -> memref<125x128xf32, #tpu.memory_space<vmem>>
      %dma_start3A_100 = arith.constant 0 : i32
      %dma_start3A_101 = arith.constant 0 : i32
      %dma_start3A_102 = tpu.memref_slice %arg11[%dma_start3A_100, %dma_start3A_101] : memref<10240x128xf32, #tpu.memory_space<vmem_shared>> -> memref<10240x128xf32, #tpu.memory_space<vmem_shared>>
      tpu.enqueue_indirect_dma source(%dma_start3A_99 : memref<125x128xf32, #tpu.memory_space<vmem>>) target(%dma_start3A_102 : memref<10240x128xf32, #tpu.memory_space<vmem_shared>>) offsets(%arg7 : memref<125xi32, #tpu.memory_space<vmem>>) semaphore(%arg16 : memref<!tpu.dma_semaphore, #tpu.memory_space<semaphore_mem>>) {add = true}
      %add3A_103 = arith.constant 1 : i32
      %add3A_104 = arith.addi %mul3A_87, %add3A_103 : i32
      %dma_start3A_105 = arith.constant 0 : i32
      %dma_start3A_106 = arith.constant 0 : i32
      %dma_start3A_107 = tpu.memref_slice %arg9[%dma_start3A_105, %dma_start3A_106] : memref<128x128xf32, #tpu.memory_space<vmem>> -> memref<125x128xf32, #tpu.memory_space<vmem>>
      %dma_start3A_108 = arith.constant 0 : i32
      %dma_start3A_109 = tpu.memref_slice %arg6[%add3A_104, %dma_start3A_108] : memref<80x125xi32, #tpu.memory_space<vmem>> -> memref<1x125xi32, #tpu.memory_space<vmem>>
      %dma_start3A_110 = tpu.memref_squeeze %dma_start3A_109 : memref<1x125xi32, #tpu.memory_space<vmem>> -> memref<125xi32, #tpu.memory_space<vmem>>
      %dma_start3A_111 = arith.constant 0 : i32
      %dma_start3A_112 = arith.constant 0 : i32
      %dma_start3A_113 = tpu.memref_slice %arg2[%dma_start3A_111, %dma_start3A_112] : memref<10000x128xf32, #tpu.memory_space<hbm>> -> memref<10000x128xf32, #tpu.memory_space<hbm>>
      tpu.enqueue_indirect_dma source(%dma_start3A_113 : memref<10000x128xf32, #tpu.memory_space<hbm>>) target(%dma_start3A_107 : memref<125x128xf32, #tpu.memory_space<vmem>>) offsets(%dma_start3A_110 : memref<125xi32, #tpu.memory_space<vmem>>) semaphore(%arg12 : memref<!tpu.dma_semaphore, #tpu.memory_space<semaphore_mem>>)
      %dma_wait3A_114 = arith.constant 0 : i32
      %dma_wait3A_115 = tpu.memref_slice %arg4[%add3A_90, %dma_wait3A_114] : memref<2560x125xi32, #tpu.memory_space<hbm>> -> memref<1x125xi32, #tpu.memory_space<hbm>>
      %dma_wait3A_116 = tpu.memref_squeeze %dma_wait3A_115 : memref<1x125xi32, #tpu.memory_space<hbm>> -> memref<125xi32, #tpu.memory_space<hbm>>
      %dma_wait3A_117 = arith.constant 0 : i32
      %dma_wait3A_118 = tpu.memref_slice %arg4[%add3A_90, %dma_wait3A_117] : memref<2560x125xi32, #tpu.memory_space<hbm>> -> memref<1x125xi32, #tpu.memory_space<hbm>>
      %dma_wait3A_119 = tpu.memref_squeeze %dma_wait3A_118 : memref<1x125xi32, #tpu.memory_space<hbm>> -> memref<125xi32, #tpu.memory_space<hbm>>
      tpu.wait_dma2 semaphore(%arg15 : memref<!tpu.dma_semaphore, #tpu.memory_space<semaphore_mem>>) src(%dma_wait3A_119 : memref<125xi32, #tpu.memory_space<hbm>>) dst(%arg8 : memref<125xi32, #tpu.memory_space<vmem>>)
      %dma_wait3A_120 = arith.constant 0 : i32
      %dma_wait3A_121 = arith.constant 0 : i32
      %dma_wait3A_122 = tpu.memref_slice %arg9[%dma_wait3A_120, %dma_wait3A_121] : memref<128x128xf32, #tpu.memory_space<vmem>> -> memref<125x128xf32, #tpu.memory_space<vmem>>
      %dma_wait3A_123 = arith.constant 0 : i32
      %dma_wait3A_124 = tpu.memref_slice %arg6[%add3A_104, %dma_wait3A_123] : memref<80x125xi32, #tpu.memory_space<vmem>> -> memref<1x125xi32, #tpu.memory_space<vmem>>
      %dma_wait3A_125 = tpu.memref_squeeze %dma_wait3A_124 : memref<1x125xi32, #tpu.memory_space<vmem>> -> memref<125xi32, #tpu.memory_space<vmem>>
      %dma_wait3A_126 = arith.constant 0 : i32
      %dma_wait3A_127 = arith.constant 0 : i32
      %dma_wait3A_128 = tpu.memref_slice %arg2[%dma_wait3A_126, %dma_wait3A_127] : memref<10000x128xf32, #tpu.memory_space<hbm>> -> memref<10000x128xf32, #tpu.memory_space<hbm>>
      tpu.wait_indirect_dma semaphore(%arg12 : memref<!tpu.dma_semaphore, #tpu.memory_space<semaphore_mem>>) src(%dma_wait3A_128 : memref<10000x128xf32, #tpu.memory_space<hbm>>) dst(%dma_wait3A_122 : memref<125x128xf32, #tpu.memory_space<vmem>>)
      %dma_start3A_129 = arith.constant 0 : i32
      %dma_start3A_130 = arith.constant 0 : i32
      %dma_start3A_131 = tpu.memref_slice %arg9[%dma_start3A_129, %dma_start3A_130] : memref<128x128xf32, #tpu.memory_space<vmem>> -> memref<125x128xf32, #tpu.memory_space<vmem>>
      %dma_start3A_132 = arith.constant 0 : i32
      %dma_start3A_133 = arith.constant 0 : i32
      %dma_start3A_134 = tpu.memref_slice %arg11[%dma_start3A_132, %dma_start3A_133] : memref<10240x128xf32, #tpu.memory_space<vmem_shared>> -> memref<10240x128xf32, #tpu.memory_space<vmem_shared>>
      tpu.enqueue_indirect_dma source(%dma_start3A_131 : memref<125x128xf32, #tpu.memory_space<vmem>>) target(%dma_start3A_134 : memref<10240x128xf32, #tpu.memory_space<vmem_shared>>) offsets(%arg8 : memref<125xi32, #tpu.memory_space<vmem>>) semaphore(%arg17 : memref<!tpu.dma_semaphore, #tpu.memory_space<semaphore_mem>>) {add = true}
      %dma_wait3A_135 = arith.constant 0 : i32
      %dma_wait3A_136 = arith.constant 0 : i32
      %dma_wait3A_137 = tpu.memref_slice %arg10[%dma_wait3A_135, %dma_wait3A_136] : memref<128x128xf32, #tpu.memory_space<vmem>> -> memref<125x128xf32, #tpu.memory_space<vmem>>
      %dma_wait3A_138 = arith.constant 0 : i32
      %dma_wait3A_139 = arith.constant 0 : i32
      %dma_wait3A_140 = tpu.memref_slice %arg11[%dma_wait3A_138, %dma_wait3A_139] : memref<10240x128xf32, #tpu.memory_space<vmem_shared>> -> memref<10240x128xf32, #tpu.memory_space<vmem_shared>>
      tpu.wait_indirect_dma semaphore(%arg16 : memref<!tpu.dma_semaphore, #tpu.memory_space<semaphore_mem>>) src(%dma_wait3A_137 : memref<125x128xf32, #tpu.memory_space<vmem>>) dst(%dma_wait3A_140 : memref<10240x128xf32, #tpu.memory_space<vmem_shared>>)
      %lt3A = arith.constant 39 : i32
      %lt3A_141 = arith.cmpi slt, %scan3A_85, %lt3A : i32
      %convert_element_type3A = arith.extui %lt3A_141 : i1 to i32
      %cond3A = arith.constant 0 : i32
      %cond3A_142 = arith.cmpi ne, %convert_element_type3A, %cond3A : i32
      scf.if %cond3A_142 {
        %add3A_149 = arith.addi %mul3A_4, %mul3A_87 : i32
        %add3A_150 = arith.constant 2 : i32
        %add3A_151 = arith.addi %add3A_149, %add3A_150 : i32
        %dma_start3A_152 = arith.constant 0 : i32
        %dma_start3A_153 = tpu.memref_slice %arg4[%add3A_151, %dma_start3A_152] : memref<2560x125xi32, #tpu.memory_space<hbm>> -> memref<1x125xi32, #tpu.memory_space<hbm>>
        %dma_start3A_154 = tpu.memref_squeeze %dma_start3A_153 : memref<1x125xi32, #tpu.memory_space<hbm>> -> memref<125xi32, #tpu.memory_space<hbm>>
        %dma_start3A_155 = arith.constant 0 : i32
        %dma_start3A_156 = tpu.memref_slice %arg4[%add3A_151, %dma_start3A_155] : memref<2560x125xi32, #tpu.memory_space<hbm>> -> memref<1x125xi32, #tpu.memory_space<hbm>>
        %dma_start3A_157 = tpu.memref_squeeze %dma_start3A_156 : memref<1x125xi32, #tpu.memory_space<hbm>> -> memref<125xi32, #tpu.memory_space<hbm>>
        tpu.enqueue_dma source(%dma_start3A_157 : memref<125xi32, #tpu.memory_space<hbm>>) target(%arg7 : memref<125xi32, #tpu.memory_space<vmem>>) target_semaphore(%arg14 : memref<!tpu.dma_semaphore, #tpu.memory_space<semaphore_mem>>)
        %add3A_158 = arith.constant 2 : i32
        %add3A_159 = arith.addi %mul3A_87, %add3A_158 : i32
        %dma_start3A_160 = arith.constant 0 : i32
        %dma_start3A_161 = arith.constant 0 : i32
        %dma_start3A_162 = tpu.memref_slice %arg10[%dma_start3A_160, %dma_start3A_161] : memref<128x128xf32, #tpu.memory_space<vmem>> -> memref<125x128xf32, #tpu.memory_space<vmem>>
        %dma_start3A_163 = arith.constant 0 : i32
        %dma_start3A_164 = tpu.memref_slice %arg6[%add3A_159, %dma_start3A_163] : memref<80x125xi32, #tpu.memory_space<vmem>> -> memref<1x125xi32, #tpu.memory_space<vmem>>
        %dma_start3A_165 = tpu.memref_squeeze %dma_start3A_164 : memref<1x125xi32, #tpu.memory_space<vmem>> -> memref<125xi32, #tpu.memory_space<vmem>>
        %dma_start3A_166 = arith.constant 0 : i32
        %dma_start3A_167 = arith.constant 0 : i32
        %dma_start3A_168 = tpu.memref_slice %arg2[%dma_start3A_166, %dma_start3A_167] : memref<10000x128xf32, #tpu.memory_space<hbm>> -> memref<10000x128xf32, #tpu.memory_space<hbm>>
        tpu.enqueue_indirect_dma source(%dma_start3A_168 : memref<10000x128xf32, #tpu.memory_space<hbm>>) target(%dma_start3A_162 : memref<125x128xf32, #tpu.memory_space<vmem>>) offsets(%dma_start3A_165 : memref<125xi32, #tpu.memory_space<vmem>>) semaphore(%arg13 : memref<!tpu.dma_semaphore, #tpu.memory_space<semaphore_mem>>)
        %dma_wait3A_169 = arith.constant 0 : i32
        %dma_wait3A_170 = tpu.memref_slice %arg4[%add3A_151, %dma_wait3A_169] : memref<2560x125xi32, #tpu.memory_space<hbm>> -> memref<1x125xi32, #tpu.memory_space<hbm>>
        %dma_wait3A_171 = tpu.memref_squeeze %dma_wait3A_170 : memref<1x125xi32, #tpu.memory_space<hbm>> -> memref<125xi32, #tpu.memory_space<hbm>>
        %dma_wait3A_172 = arith.constant 0 : i32
        %dma_wait3A_173 = tpu.memref_slice %arg4[%add3A_151, %dma_wait3A_172] : memref<2560x125xi32, #tpu.memory_space<hbm>> -> memref<1x125xi32, #tpu.memory_space<hbm>>
        %dma_wait3A_174 = tpu.memref_squeeze %dma_wait3A_173 : memref<1x125xi32, #tpu.memory_space<hbm>> -> memref<125xi32, #tpu.memory_space<hbm>>
        tpu.wait_dma2 semaphore(%arg14 : memref<!tpu.dma_semaphore, #tpu.memory_space<semaphore_mem>>) src(%dma_wait3A_174 : memref<125xi32, #tpu.memory_space<hbm>>) dst(%arg7 : memref<125xi32, #tpu.memory_space<vmem>>)
        %dma_wait3A_175 = arith.constant 0 : i32
        %dma_wait3A_176 = arith.constant 0 : i32
        %dma_wait3A_177 = tpu.memref_slice %arg10[%dma_wait3A_175, %dma_wait3A_176] : memref<128x128xf32, #tpu.memory_space<vmem>> -> memref<125x128xf32, #tpu.memory_space<vmem>>
        %dma_wait3A_178 = arith.constant 0 : i32
        %dma_wait3A_179 = tpu.memref_slice %arg6[%add3A_159, %dma_wait3A_178] : memref<80x125xi32, #tpu.memory_space<vmem>> -> memref<1x125xi32, #tpu.memory_space<vmem>>
        %dma_wait3A_180 = tpu.memref_squeeze %dma_wait3A_179 : memref<1x125xi32, #tpu.memory_space<vmem>> -> memref<125xi32, #tpu.memory_space<vmem>>
        %dma_wait3A_181 = arith.constant 0 : i32
        %dma_wait3A_182 = arith.constant 0 : i32
        %dma_wait3A_183 = tpu.memref_slice %arg2[%dma_wait3A_181, %dma_wait3A_182] : memref<10000x128xf32, #tpu.memory_space<hbm>> -> memref<10000x128xf32, #tpu.memory_space<hbm>>
        tpu.wait_indirect_dma semaphore(%arg13 : memref<!tpu.dma_semaphore, #tpu.memory_space<semaphore_mem>>) src(%dma_wait3A_183 : memref<10000x128xf32, #tpu.memory_space<hbm>>) dst(%dma_wait3A_177 : memref<125x128xf32, #tpu.memory_space<vmem>>)
      } else {
      }
      %dma_wait3A_143 = arith.constant 0 : i32
      %dma_wait3A_144 = arith.constant 0 : i32
      %dma_wait3A_145 = tpu.memref_slice %arg9[%dma_wait3A_143, %dma_wait3A_144] : memref<128x128xf32, #tpu.memory_space<vmem>> -> memref<125x128xf32, #tpu.memory_space<vmem>>
      %dma_wait3A_146 = arith.constant 0 : i32
      %dma_wait3A_147 = arith.constant 0 : i32
      %dma_wait3A_148 = tpu.memref_slice %arg11[%dma_wait3A_146, %dma_wait3A_147] : memref<10240x128xf32, #tpu.memory_space<vmem_shared>> -> memref<10240x128xf32, #tpu.memory_space<vmem_shared>>
      tpu.wait_indirect_dma semaphore(%arg17 : memref<!tpu.dma_semaphore, #tpu.memory_space<semaphore_mem>>) src(%dma_wait3A_145 : memref<125x128xf32, #tpu.memory_space<vmem>>) dst(%dma_wait3A_148 : memref<10240x128xf32, #tpu.memory_space<vmem_shared>>)
    }
    %scan3A_83 = arith.constant 40 : i32
    %barrier3A_84 = arith.constant 0 : index
    tpu.barrier barrier_id(%barrier3A_84)
    "tpu.region"() ({
      %run_scoped3A = tpu.sem_alloc : memref<!tpu.dma_semaphore, #tpu.memory_space<semaphore_mem>>
      %dma_start3A_85 = arith.constant 0 : i32
      %dma_start3A_86 = tpu.memref_slice %arg5[%arg0, %mul3A_0, %dma_start3A_85] : memref<2x10240x128xf32, #tpu.memory_space<hbm>> -> memref<1x640x128xf32, #tpu.memory_space<hbm>>
      %dma_start3A_87 = tpu.memref_squeeze %dma_start3A_86 : memref<1x640x128xf32, #tpu.memory_space<hbm>> -> memref<640x128xf32, #tpu.memory_space<hbm>>
      %dma_start3A_88 = arith.constant 0 : i32
      %dma_start3A_89 = tpu.memref_slice %arg11[%mul3A_0, %dma_start3A_88] : memref<10240x128xf32, #tpu.memory_space<vmem_shared>> -> memref<640x128xf32, #tpu.memory_space<vmem_shared>>
      tpu.enqueue_dma source(%dma_start3A_89 : memref<640x128xf32, #tpu.memory_space<vmem_shared>>) target(%dma_start3A_87 : memref<640x128xf32, #tpu.memory_space<hbm>>) target_semaphore(%run_scoped3A : memref<!tpu.dma_semaphore, #tpu.memory_space<semaphore_mem>>)
      %dma_wait3A_90 = arith.constant 0 : i32
      %dma_wait3A_91 = tpu.memref_slice %arg5[%arg0, %mul3A_0, %dma_wait3A_90] : memref<2x10240x128xf32, #tpu.memory_space<hbm>> -> memref<1x640x128xf32, #tpu.memory_space<hbm>>
      %dma_wait3A_92 = tpu.memref_squeeze %dma_wait3A_91 : memref<1x640x128xf32, #tpu.memory_space<hbm>> -> memref<640x128xf32, #tpu.memory_space<hbm>>
      %dma_wait3A_93 = arith.constant 0 : i32
      %dma_wait3A_94 = tpu.memref_slice %arg11[%mul3A_0, %dma_wait3A_93] : memref<10240x128xf32, #tpu.memory_space<vmem_shared>> -> memref<640x128xf32, #tpu.memory_space<vmem_shared>>
      tpu.wait_dma2 semaphore(%run_scoped3A : memref<!tpu.dma_semaphore, #tpu.memory_space<semaphore_mem>>) src(%dma_wait3A_94 : memref<640x128xf32, #tpu.memory_space<vmem_shared>>) dst(%dma_wait3A_92 : memref<640x128xf32, #tpu.memory_space<hbm>>)
      tpu.yield
    }) : () -> ()
    return
  }
}

#map = affine_map<(d0, d1) -> (0, 0)>
#map1 = affine_map<(d0, d1) -> (0)>
module attributes {stable_mosaic.version = 14 : i64} {
  func.func @_sc_degree(%arg0: i32, %arg1: i32, %arg2: memref<2560x125xi32, #tpu.memory_space<hbm>>, %arg3: memref<10240xf32, #tpu.memory_space<hbm>>, %arg4: memref<10240xf32, #tpu.memory_space<hbm>>, %arg5: memref<4x125xi32, #tpu.memory_space<vmem>>, %arg6: memref<128xf32, #tpu.memory_space<vmem>>, %arg7: memref<128xf32, #tpu.memory_space<vmem>>, %arg8: memref<10240xf32, #tpu.memory_space<vmem_shared>>, %arg9: memref<!tpu.dma_semaphore, #tpu.memory_space<semaphore_mem>>, %arg10: memref<!tpu.dma_semaphore, #tpu.memory_space<semaphore_mem>>) attributes {dimension_semantics = [#tpu.dimension_semantics<core_parallel>, #tpu.dimension_semantics<subcore_parallel>], iteration_bounds = array<i64: 2, 16>, scalar_prefetch = 0 : i64, scratch_operands = 6 : i64, tpu.core_type = #tpu.core_type<sc_vector_subcore>, window_params = [{transform_indices = #map}, {transform_indices = #map1}, {transform_indices = #map1}]} {
    %mul3A = arith.constant 640 : i32
    %mul3A_0 = arith.muli %arg1, %mul3A : i32
    %mul3A_1 = arith.constant 2 : i32
    %mul3A_2 = arith.muli %arg1, %mul3A_1 : i32
    %add3A = arith.addi %mul3A_2, %arg0 : i32
    %mul3A_3 = arith.constant 80 : i32
    %mul3A_4 = arith.muli %add3A, %mul3A_3 : i32
    %broadcast_in_dim3A = arith.constant 1.000000e+00 : f32
    %broadcast_in_dim3A_5 = vector.broadcast %broadcast_in_dim3A : f32 to vector<16xf32>
    %swap3A = arith.constant 0 : index
    %swap3A_6 = tpu.vector_load %arg6[%swap3A] {strides = array<i32>} : memref<128xf32, #tpu.memory_space<vmem>>, vector<16xf32>,
    %swap3A_7 = vector.shape_cast %swap3A_6 : vector<16xf32> to vector<16xf32>
    %swap3A_8 = vector.shape_cast %broadcast_in_dim3A_5 : vector<16xf32> to vector<16xf32>
    tpu.vector_store %arg6[%swap3A], %swap3A_8 {strides = array<i32>} : memref<128xf32, #tpu.memory_space<vmem>>, vector<16xf32>,
    %broadcast_in_dim3A_9 = arith.constant 1.000000e+00 : f32
    %broadcast_in_dim3A_10 = vector.broadcast %broadcast_in_dim3A_9 : f32 to vector<16xf32>
    %swap3A_11 = arith.constant 16 : index
    %swap3A_12 = tpu.vector_load %arg6[%swap3A_11] {strides = array<i32>} : memref<128xf32, #tpu.memory_space<vmem>>, vector<16xf32>,
    %swap3A_13 = vector.shape_cast %swap3A_12 : vector<16xf32> to vector<16xf32>
    %swap3A_14 = vector.shape_cast %broadcast_in_dim3A_10 : vector<16xf32> to vector<16xf32>
    tpu.vector_store %arg6[%swap3A_11], %swap3A_14 {strides = array<i32>} : memref<128xf32, #tpu.memory_space<vmem>>, vector<16xf32>,
    %broadcast_in_dim3A_15 = arith.constant 1.000000e+00 : f32
    %broadcast_in_dim3A_16 = vector.broadcast %broadcast_in_dim3A_15 : f32 to vector<16xf32>
    %swap3A_17 = arith.constant 32 : index
    %swap3A_18 = tpu.vector_load %arg6[%swap3A_17] {strides = array<i32>} : memref<128xf32, #tpu.memory_space<vmem>>, vector<16xf32>,
    %swap3A_19 = vector.shape_cast %swap3A_18 : vector<16xf32> to vector<16xf32>
    %swap3A_20 = vector.shape_cast %broadcast_in_dim3A_16 : vector<16xf32> to vector<16xf32>
    tpu.vector_store %arg6[%swap3A_17], %swap3A_20 {strides = array<i32>} : memref<128xf32, #tpu.memory_space<vmem>>, vector<16xf32>,
    %broadcast_in_dim3A_21 = arith.constant 1.000000e+00 : f32
    %broadcast_in_dim3A_22 = vector.broadcast %broadcast_in_dim3A_21 : f32 to vector<16xf32>
    %swap3A_23 = arith.constant 48 : index
    %swap3A_24 = tpu.vector_load %arg6[%swap3A_23] {strides = array<i32>} : memref<128xf32, #tpu.memory_space<vmem>>, vector<16xf32>,
    %swap3A_25 = vector.shape_cast %swap3A_24 : vector<16xf32> to vector<16xf32>
    %swap3A_26 = vector.shape_cast %broadcast_in_dim3A_22 : vector<16xf32> to vector<16xf32>
    tpu.vector_store %arg6[%swap3A_23], %swap3A_26 {strides = array<i32>} : memref<128xf32, #tpu.memory_space<vmem>>, vector<16xf32>,
    %broadcast_in_dim3A_27 = arith.constant 1.000000e+00 : f32
    %broadcast_in_dim3A_28 = vector.broadcast %broadcast_in_dim3A_27 : f32 to vector<16xf32>
    %swap3A_29 = arith.constant 64 : index
    %swap3A_30 = tpu.vector_load %arg6[%swap3A_29] {strides = array<i32>} : memref<128xf32, #tpu.memory_space<vmem>>, vector<16xf32>,
    %swap3A_31 = vector.shape_cast %swap3A_30 : vector<16xf32> to vector<16xf32>
    %swap3A_32 = vector.shape_cast %broadcast_in_dim3A_28 : vector<16xf32> to vector<16xf32>
    tpu.vector_store %arg6[%swap3A_29], %swap3A_32 {strides = array<i32>} : memref<128xf32, #tpu.memory_space<vmem>>, vector<16xf32>,
    %broadcast_in_dim3A_33 = arith.constant 1.000000e+00 : f32
    %broadcast_in_dim3A_34 = vector.broadcast %broadcast_in_dim3A_33 : f32 to vector<16xf32>
    %swap3A_35 = arith.constant 80 : index
    %swap3A_36 = tpu.vector_load %arg6[%swap3A_35] {strides = array<i32>} : memref<128xf32, #tpu.memory_space<vmem>>, vector<16xf32>,
    %swap3A_37 = vector.shape_cast %swap3A_36 : vector<16xf32> to vector<16xf32>
    %swap3A_38 = vector.shape_cast %broadcast_in_dim3A_34 : vector<16xf32> to vector<16xf32>
    tpu.vector_store %arg6[%swap3A_35], %swap3A_38 {strides = array<i32>} : memref<128xf32, #tpu.memory_space<vmem>>, vector<16xf32>,
    %broadcast_in_dim3A_39 = arith.constant 1.000000e+00 : f32
    %broadcast_in_dim3A_40 = vector.broadcast %broadcast_in_dim3A_39 : f32 to vector<16xf32>
    %swap3A_41 = arith.constant 96 : index
    %swap3A_42 = tpu.vector_load %arg6[%swap3A_41] {strides = array<i32>} : memref<128xf32, #tpu.memory_space<vmem>>, vector<16xf32>,
    %swap3A_43 = vector.shape_cast %swap3A_42 : vector<16xf32> to vector<16xf32>
    %swap3A_44 = vector.shape_cast %broadcast_in_dim3A_40 : vector<16xf32> to vector<16xf32>
    tpu.vector_store %arg6[%swap3A_41], %swap3A_44 {strides = array<i32>} : memref<128xf32, #tpu.memory_space<vmem>>, vector<16xf32>,
    %broadcast_in_dim3A_45 = arith.constant 1.000000e+00 : f32
    %broadcast_in_dim3A_46 = vector.broadcast %broadcast_in_dim3A_45 : f32 to vector<16xf32>
    %swap3A_47 = arith.constant 112 : index
    %swap3A_48 = tpu.vector_load %arg6[%swap3A_47] {strides = array<i32>} : memref<128xf32, #tpu.memory_space<vmem>>, vector<16xf32>,
    %swap3A_49 = vector.shape_cast %swap3A_48 : vector<16xf32> to vector<16xf32>
    %swap3A_50 = vector.shape_cast %broadcast_in_dim3A_46 : vector<16xf32> to vector<16xf32>
    tpu.vector_store %arg6[%swap3A_47], %swap3A_50 {strides = array<i32>} : memref<128xf32, #tpu.memory_space<vmem>>, vector<16xf32>,
    %broadcast_in_dim3A_51 = arith.constant 0.000000e+00 : f32
    %broadcast_in_dim3A_52 = vector.broadcast %broadcast_in_dim3A_51 : f32 to vector<16xf32>
    %swap3A_53 = arith.constant 0 : index
    %swap3A_54 = tpu.vector_load %arg7[%swap3A_53] {strides = array<i32>} : memref<128xf32, #tpu.memory_space<vmem>>, vector<16xf32>,
    %swap3A_55 = vector.shape_cast %swap3A_54 : vector<16xf32> to vector<16xf32>
    %swap3A_56 = vector.shape_cast %broadcast_in_dim3A_52 : vector<16xf32> to vector<16xf32>
    tpu.vector_store %arg7[%swap3A_53], %swap3A_56 {strides = array<i32>} : memref<128xf32, #tpu.memory_space<vmem>>, vector<16xf32>,
    %broadcast_in_dim3A_57 = arith.constant 0.000000e+00 : f32
    %broadcast_in_dim3A_58 = vector.broadcast %broadcast_in_dim3A_57 : f32 to vector<16xf32>
    %swap3A_59 = arith.constant 16 : index
    %swap3A_60 = tpu.vector_load %arg7[%swap3A_59] {strides = array<i32>} : memref<128xf32, #tpu.memory_space<vmem>>, vector<16xf32>,
    %swap3A_61 = vector.shape_cast %swap3A_60 : vector<16xf32> to vector<16xf32>
    %swap3A_62 = vector.shape_cast %broadcast_in_dim3A_58 : vector<16xf32> to vector<16xf32>
    tpu.vector_store %arg7[%swap3A_59], %swap3A_62 {strides = array<i32>} : memref<128xf32, #tpu.memory_space<vmem>>, vector<16xf32>,
    %broadcast_in_dim3A_63 = arith.constant 0.000000e+00 : f32
    %broadcast_in_dim3A_64 = vector.broadcast %broadcast_in_dim3A_63 : f32 to vector<16xf32>
    %swap3A_65 = arith.constant 32 : index
    %swap3A_66 = tpu.vector_load %arg7[%swap3A_65] {strides = array<i32>} : memref<128xf32, #tpu.memory_space<vmem>>, vector<16xf32>,
    %swap3A_67 = vector.shape_cast %swap3A_66 : vector<16xf32> to vector<16xf32>
    %swap3A_68 = vector.shape_cast %broadcast_in_dim3A_64 : vector<16xf32> to vector<16xf32>
    tpu.vector_store %arg7[%swap3A_65], %swap3A_68 {strides = array<i32>} : memref<128xf32, #tpu.memory_space<vmem>>, vector<16xf32>,
    %broadcast_in_dim3A_69 = arith.constant 0.000000e+00 : f32
    %broadcast_in_dim3A_70 = vector.broadcast %broadcast_in_dim3A_69 : f32 to vector<16xf32>
    %swap3A_71 = arith.constant 48 : index
    %swap3A_72 = tpu.vector_load %arg7[%swap3A_71] {strides = array<i32>} : memref<128xf32, #tpu.memory_space<vmem>>, vector<16xf32>,
    %swap3A_73 = vector.shape_cast %swap3A_72 : vector<16xf32> to vector<16xf32>
    %swap3A_74 = vector.shape_cast %broadcast_in_dim3A_70 : vector<16xf32> to vector<16xf32>
    tpu.vector_store %arg7[%swap3A_71], %swap3A_74 {strides = array<i32>} : memref<128xf32, #tpu.memory_space<vmem>>, vector<16xf32>,
    %broadcast_in_dim3A_75 = arith.constant 0.000000e+00 : f32
    %broadcast_in_dim3A_76 = vector.broadcast %broadcast_in_dim3A_75 : f32 to vector<16xf32>
    %swap3A_77 = arith.constant 64 : index
    %swap3A_78 = tpu.vector_load %arg7[%swap3A_77] {strides = array<i32>} : memref<128xf32, #tpu.memory_space<vmem>>, vector<16xf32>,
    %swap3A_79 = vector.shape_cast %swap3A_78 : vector<16xf32> to vector<16xf32>
    %swap3A_80 = vector.shape_cast %broadcast_in_dim3A_76 : vector<16xf32> to vector<16xf32>
    tpu.vector_store %arg7[%swap3A_77], %swap3A_80 {strides = array<i32>} : memref<128xf32, #tpu.memory_space<vmem>>, vector<16xf32>,
    %broadcast_in_dim3A_81 = arith.constant 0.000000e+00 : f32
    %broadcast_in_dim3A_82 = vector.broadcast %broadcast_in_dim3A_81 : f32 to vector<16xf32>
    %swap3A_83 = arith.constant 80 : index
    %swap3A_84 = tpu.vector_load %arg7[%swap3A_83] {strides = array<i32>} : memref<128xf32, #tpu.memory_space<vmem>>, vector<16xf32>,
    %swap3A_85 = vector.shape_cast %swap3A_84 : vector<16xf32> to vector<16xf32>
    %swap3A_86 = vector.shape_cast %broadcast_in_dim3A_82 : vector<16xf32> to vector<16xf32>
    tpu.vector_store %arg7[%swap3A_83], %swap3A_86 {strides = array<i32>} : memref<128xf32, #tpu.memory_space<vmem>>, vector<16xf32>,
    %broadcast_in_dim3A_87 = arith.constant 0.000000e+00 : f32
    %broadcast_in_dim3A_88 = vector.broadcast %broadcast_in_dim3A_87 : f32 to vector<16xf32>
    %swap3A_89 = arith.constant 96 : index
    %swap3A_90 = tpu.vector_load %arg7[%swap3A_89] {strides = array<i32>} : memref<128xf32, #tpu.memory_space<vmem>>, vector<16xf32>,
    %swap3A_91 = vector.shape_cast %swap3A_90 : vector<16xf32> to vector<16xf32>
    %swap3A_92 = vector.shape_cast %broadcast_in_dim3A_88 : vector<16xf32> to vector<16xf32>
    tpu.vector_store %arg7[%swap3A_89], %swap3A_92 {strides = array<i32>} : memref<128xf32, #tpu.memory_space<vmem>>, vector<16xf32>,
    %broadcast_in_dim3A_93 = arith.constant 0.000000e+00 : f32
    %broadcast_in_dim3A_94 = vector.broadcast %broadcast_in_dim3A_93 : f32 to vector<16xf32>
    %swap3A_95 = arith.constant 112 : index
    %swap3A_96 = tpu.vector_load %arg7[%swap3A_95] {strides = array<i32>} : memref<128xf32, #tpu.memory_space<vmem>>, vector<16xf32>,
    %swap3A_97 = vector.shape_cast %swap3A_96 : vector<16xf32> to vector<16xf32>
    %swap3A_98 = vector.shape_cast %broadcast_in_dim3A_94 : vector<16xf32> to vector<16xf32>
    tpu.vector_store %arg7[%swap3A_95], %swap3A_98 {strides = array<i32>} : memref<128xf32, #tpu.memory_space<vmem>>, vector<16xf32>,
    %add3A_99 = arith.constant 0 : i32
    %add3A_100 = arith.addi %mul3A_0, %add3A_99 : i32
    %dma_start3A = tpu.memref_slice %arg8[%add3A_100] : memref<10240xf32, #tpu.memory_space<vmem_shared>> -> memref<128xf32, #tpu.memory_space<vmem_shared>>
    %dma_start3A_101 = tpu.memref_slice %arg8[%add3A_100] : memref<10240xf32, #tpu.memory_space<vmem_shared>> -> memref<128xf32, #tpu.memory_space<vmem_shared>>
    tpu.enqueue_dma source(%arg7 : memref<128xf32, #tpu.memory_space<vmem>>) target(%dma_start3A_101 : memref<128xf32, #tpu.memory_space<vmem_shared>>) target_semaphore(%arg9 : memref<!tpu.dma_semaphore, #tpu.memory_space<semaphore_mem>>)
    %add3A_102 = arith.constant 128 : i32
    %add3A_103 = arith.addi %mul3A_0, %add3A_102 : i32
    %dma_start3A_104 = tpu.memref_slice %arg8[%add3A_103] : memref<10240xf32, #tpu.memory_space<vmem_shared>> -> memref<128xf32, #tpu.memory_space<vmem_shared>>
    %dma_start3A_105 = tpu.memref_slice %arg8[%add3A_103] : memref<10240xf32, #tpu.memory_space<vmem_shared>> -> memref<128xf32, #tpu.memory_space<vmem_shared>>
    tpu.enqueue_dma source(%arg7 : memref<128xf32, #tpu.memory_space<vmem>>) target(%dma_start3A_105 : memref<128xf32, #tpu.memory_space<vmem_shared>>) target_semaphore(%arg9 : memref<!tpu.dma_semaphore, #tpu.memory_space<semaphore_mem>>)
    %add3A_106 = arith.constant 256 : i32
    %add3A_107 = arith.addi %mul3A_0, %add3A_106 : i32
    %dma_start3A_108 = tpu.memref_slice %arg8[%add3A_107] : memref<10240xf32, #tpu.memory_space<vmem_shared>> -> memref<128xf32, #tpu.memory_space<vmem_shared>>
    %dma_start3A_109 = tpu.memref_slice %arg8[%add3A_107] : memref<10240xf32, #tpu.memory_space<vmem_shared>> -> memref<128xf32, #tpu.memory_space<vmem_shared>>
    tpu.enqueue_dma source(%arg7 : memref<128xf32, #tpu.memory_space<vmem>>) target(%dma_start3A_109 : memref<128xf32, #tpu.memory_space<vmem_shared>>) target_semaphore(%arg9 : memref<!tpu.dma_semaphore, #tpu.memory_space<semaphore_mem>>)
    %add3A_110 = arith.constant 384 : i32
    %add3A_111 = arith.addi %mul3A_0, %add3A_110 : i32
    %dma_start3A_112 = tpu.memref_slice %arg8[%add3A_111] : memref<10240xf32, #tpu.memory_space<vmem_shared>> -> memref<128xf32, #tpu.memory_space<vmem_shared>>
    %dma_start3A_113 = tpu.memref_slice %arg8[%add3A_111] : memref<10240xf32, #tpu.memory_space<vmem_shared>> -> memref<128xf32, #tpu.memory_space<vmem_shared>>
    tpu.enqueue_dma source(%arg7 : memref<128xf32, #tpu.memory_space<vmem>>) target(%dma_start3A_113 : memref<128xf32, #tpu.memory_space<vmem_shared>>) target_semaphore(%arg9 : memref<!tpu.dma_semaphore, #tpu.memory_space<semaphore_mem>>)
    %add3A_114 = arith.constant 512 : i32
    %add3A_115 = arith.addi %mul3A_0, %add3A_114 : i32
    %dma_start3A_116 = tpu.memref_slice %arg8[%add3A_115] : memref<10240xf32, #tpu.memory_space<vmem_shared>> -> memref<128xf32, #tpu.memory_space<vmem_shared>>
    %dma_start3A_117 = tpu.memref_slice %arg8[%add3A_115] : memref<10240xf32, #tpu.memory_space<vmem_shared>> -> memref<128xf32, #tpu.memory_space<vmem_shared>>
    tpu.enqueue_dma source(%arg7 : memref<128xf32, #tpu.memory_space<vmem>>) target(%dma_start3A_117 : memref<128xf32, #tpu.memory_space<vmem_shared>>) target_semaphore(%arg9 : memref<!tpu.dma_semaphore, #tpu.memory_space<semaphore_mem>>)
    %dma_wait3A = tpu.memref_slice %arg8[%add3A_100] : memref<10240xf32, #tpu.memory_space<vmem_shared>> -> memref<128xf32, #tpu.memory_space<vmem_shared>>
    %dma_wait3A_118 = tpu.memref_slice %arg8[%add3A_100] : memref<10240xf32, #tpu.memory_space<vmem_shared>> -> memref<128xf32, #tpu.memory_space<vmem_shared>>
    tpu.wait_dma2 semaphore(%arg9 : memref<!tpu.dma_semaphore, #tpu.memory_space<semaphore_mem>>) src(%arg7 : memref<128xf32, #tpu.memory_space<vmem>>) dst(%dma_wait3A_118 : memref<128xf32, #tpu.memory_space<vmem_shared>>)
    %dma_wait3A_119 = tpu.memref_slice %arg8[%add3A_103] : memref<10240xf32, #tpu.memory_space<vmem_shared>> -> memref<128xf32, #tpu.memory_space<vmem_shared>>
    %dma_wait3A_120 = tpu.memref_slice %arg8[%add3A_103] : memref<10240xf32, #tpu.memory_space<vmem_shared>> -> memref<128xf32, #tpu.memory_space<vmem_shared>>
    tpu.wait_dma2 semaphore(%arg9 : memref<!tpu.dma_semaphore, #tpu.memory_space<semaphore_mem>>) src(%arg7 : memref<128xf32, #tpu.memory_space<vmem>>) dst(%dma_wait3A_120 : memref<128xf32, #tpu.memory_space<vmem_shared>>)
    %dma_wait3A_121 = tpu.memref_slice %arg8[%add3A_107] : memref<10240xf32, #tpu.memory_space<vmem_shared>> -> memref<128xf32, #tpu.memory_space<vmem_shared>>
    %dma_wait3A_122 = tpu.memref_slice %arg8[%add3A_107] : memref<10240xf32, #tpu.memory_space<vmem_shared>> -> memref<128xf32, #tpu.memory_space<vmem_shared>>
    tpu.wait_dma2 semaphore(%arg9 : memref<!tpu.dma_semaphore, #tpu.memory_space<semaphore_mem>>) src(%arg7 : memref<128xf32, #tpu.memory_space<vmem>>) dst(%dma_wait3A_122 : memref<128xf32, #tpu.memory_space<vmem_shared>>)
    %dma_wait3A_123 = tpu.memref_slice %arg8[%add3A_111] : memref<10240xf32, #tpu.memory_space<vmem_shared>> -> memref<128xf32, #tpu.memory_space<vmem_shared>>
    %dma_wait3A_124 = tpu.memref_slice %arg8[%add3A_111] : memref<10240xf32, #tpu.memory_space<vmem_shared>> -> memref<128xf32, #tpu.memory_space<vmem_shared>>
    tpu.wait_dma2 semaphore(%arg9 : memref<!tpu.dma_semaphore, #tpu.memory_space<semaphore_mem>>) src(%arg7 : memref<128xf32, #tpu.memory_space<vmem>>) dst(%dma_wait3A_124 : memref<128xf32, #tpu.memory_space<vmem_shared>>)
    %dma_wait3A_125 = tpu.memref_slice %arg8[%add3A_115] : memref<10240xf32, #tpu.memory_space<vmem_shared>> -> memref<128xf32, #tpu.memory_space<vmem_shared>>
    %dma_wait3A_126 = tpu.memref_slice %arg8[%add3A_115] : memref<10240xf32, #tpu.memory_space<vmem_shared>> -> memref<128xf32, #tpu.memory_space<vmem_shared>>
    tpu.wait_dma2 semaphore(%arg9 : memref<!tpu.dma_semaphore, #tpu.memory_space<semaphore_mem>>) src(%arg7 : memref<128xf32, #tpu.memory_space<vmem>>) dst(%dma_wait3A_126 : memref<128xf32, #tpu.memory_space<vmem_shared>>)
    %barrier3A = arith.constant 0 : index
    tpu.barrier barrier_id(%barrier3A)
    %scan3A = arith.constant 0 : i32
    %scan3A_127 = arith.constant 0 : i32
    %scan3A_128 = arith.constant 20 : i32
    %scan3A_129 = arith.addi %scan3A_127, %scan3A_128 : i32
    %scan3A_130 = arith.constant 1 : i32
    scf.for %scan3A_140 = %scan3A_127 to %scan3A_129 step %scan3A_130  : i32 {
      %mul3A_141 = arith.constant 4 : i32
      %mul3A_142 = arith.muli %mul3A_141, %scan3A_140 : i32
      %add3A_143 = arith.addi %mul3A_4, %mul3A_142 : i32
      %add3A_144 = arith.constant 0 : i32
      %add3A_145 = arith.addi %add3A_143, %add3A_144 : i32
      %run_scoped3A = arith.constant 0 : i32
      "tpu.region"() ({
        %run_scoped3A_228 = tpu.sem_alloc : memref<!tpu.dma_semaphore, #tpu.memory_space<semaphore_mem>>
        %dma_start3A_229 = arith.constant 0 : i32
        %dma_start3A_230 = tpu.memref_slice %arg5[%run_scoped3A, %dma_start3A_229] : memref<4x125xi32, #tpu.memory_space<vmem>> -> memref<1x125xi32, #tpu.memory_space<vmem>>
        %dma_start3A_231 = tpu.memref_squeeze %dma_start3A_230 : memref<1x125xi32, #tpu.memory_space<vmem>> -> memref<125xi32, #tpu.memory_space<vmem>>
        %dma_start3A_232 = arith.constant 0 : i32
        %dma_start3A_233 = tpu.memref_slice %arg2[%add3A_145, %dma_start3A_232] : memref<2560x125xi32, #tpu.memory_space<hbm>> -> memref<1x125xi32, #tpu.memory_space<hbm>>
        %dma_start3A_234 = tpu.memref_squeeze %dma_start3A_233 : memref<1x125xi32, #tpu.memory_space<hbm>> -> memref<125xi32, #tpu.memory_space<hbm>>
        %dma_start3A_235 = arith.constant 0 : i32
        %dma_start3A_236 = tpu.memref_slice %arg5[%run_scoped3A, %dma_start3A_235] : memref<4x125xi32, #tpu.memory_space<vmem>> -> memref<1x125xi32, #tpu.memory_space<vmem>>
        %dma_start3A_237 = tpu.memref_squeeze %dma_start3A_236 : memref<1x125xi32, #tpu.memory_space<vmem>> -> memref<125xi32, #tpu.memory_space<vmem>>
        %dma_start3A_238 = arith.constant 0 : i32
        %dma_start3A_239 = tpu.memref_slice %arg2[%add3A_145, %dma_start3A_238] : memref<2560x125xi32, #tpu.memory_space<hbm>> -> memref<1x125xi32, #tpu.memory_space<hbm>>
        %dma_start3A_240 = tpu.memref_squeeze %dma_start3A_239 : memref<1x125xi32, #tpu.memory_space<hbm>> -> memref<125xi32, #tpu.memory_space<hbm>>
        tpu.enqueue_dma source(%dma_start3A_240 : memref<125xi32, #tpu.memory_space<hbm>>) target(%dma_start3A_237 : memref<125xi32, #tpu.memory_space<vmem>>) target_semaphore(%run_scoped3A_228 : memref<!tpu.dma_semaphore, #tpu.memory_space<semaphore_mem>>)
        %dma_wait3A_241 = arith.constant 0 : i32
        %dma_wait3A_242 = tpu.memref_slice %arg5[%run_scoped3A, %dma_wait3A_241] : memref<4x125xi32, #tpu.memory_space<vmem>> -> memref<1x125xi32, #tpu.memory_space<vmem>>
        %dma_wait3A_243 = tpu.memref_squeeze %dma_wait3A_242 : memref<1x125xi32, #tpu.memory_space<vmem>> -> memref<125xi32, #tpu.memory_space<vmem>>
        %dma_wait3A_244 = arith.constant 0 : i32
        %dma_wait3A_245 = tpu.memref_slice %arg2[%add3A_145, %dma_wait3A_244] : memref<2560x125xi32, #tpu.memory_space<hbm>> -> memref<1x125xi32, #tpu.memory_space<hbm>>
        %dma_wait3A_246 = tpu.memref_squeeze %dma_wait3A_245 : memref<1x125xi32, #tpu.memory_space<hbm>> -> memref<125xi32, #tpu.memory_space<hbm>>
        %dma_wait3A_247 = arith.constant 0 : i32
        %dma_wait3A_248 = tpu.memref_slice %arg5[%run_scoped3A, %dma_wait3A_247] : memref<4x125xi32, #tpu.memory_space<vmem>> -> memref<1x125xi32, #tpu.memory_space<vmem>>
        %dma_wait3A_249 = tpu.memref_squeeze %dma_wait3A_248 : memref<1x125xi32, #tpu.memory_space<vmem>> -> memref<125xi32, #tpu.memory_space<vmem>>
        %dma_wait3A_250 = arith.constant 0 : i32
        %dma_wait3A_251 = tpu.memref_slice %arg2[%add3A_145, %dma_wait3A_250] : memref<2560x125xi32, #tpu.memory_space<hbm>> -> memref<1x125xi32, #tpu.memory_space<hbm>>
        %dma_wait3A_252 = tpu.memref_squeeze %dma_wait3A_251 : memref<1x125xi32, #tpu.memory_space<hbm>> -> memref<125xi32, #tpu.memory_space<hbm>>
        tpu.wait_dma2 semaphore(%run_scoped3A_228 : memref<!tpu.dma_semaphore, #tpu.memory_space<semaphore_mem>>) src(%dma_wait3A_252 : memref<125xi32, #tpu.memory_space<hbm>>) dst(%dma_wait3A_249 : memref<125xi32, #tpu.memory_space<vmem>>)
        tpu.yield
      }) : () -> ()
      %dma_start3A_146 = arith.constant 0 : i32
      %dma_start3A_147 = arith.constant 0 : i32
      %dma_start3A_148 = tpu.memref_slice %arg6[%dma_start3A_147] : memref<128xf32, #tpu.memory_space<vmem>> -> memref<125xf32, #tpu.memory_space<vmem>>
      %dma_start3A_149 = arith.constant 0 : i32
      %dma_start3A_150 = tpu.memref_slice %arg5[%dma_start3A_146, %dma_start3A_149] : memref<4x125xi32, #tpu.memory_space<vmem>> -> memref<1x125xi32, #tpu.memory_space<vmem>>
      %dma_start3A_151 = tpu.memref_squeeze %dma_start3A_150 : memref<1x125xi32, #tpu.memory_space<vmem>> -> memref<125xi32, #tpu.memory_space<vmem>>
      %dma_start3A_152 = arith.constant 0 : i32
      %dma_start3A_153 = tpu.memref_slice %arg8[%dma_start3A_152] : memref<10240xf32, #tpu.memory_space<vmem_shared>> -> memref<10240xf32, #tpu.memory_space<vmem_shared>>
      tpu.enqueue_indirect_dma source(%dma_start3A_148 : memref<125xf32, #tpu.memory_space<vmem>>) target(%dma_start3A_153 : memref<10240xf32, #tpu.memory_space<vmem_shared>>) offsets(%dma_start3A_151 : memref<125xi32, #tpu.memory_space<vmem>>) semaphore(%arg10 : memref<!tpu.dma_semaphore, #tpu.memory_space<semaphore_mem>>) {add = true}
      %mul3A_154 = arith.constant 4 : i32
      %mul3A_155 = arith.muli %mul3A_154, %scan3A_140 : i32
      %add3A_156 = arith.addi %mul3A_4, %mul3A_155 : i32
      %add3A_157 = arith.constant 1 : i32
      %add3A_158 = arith.addi %add3A_156, %add3A_157 : i32
      %run_scoped3A_159 = arith.constant 1 : i32
      "tpu.region"() ({
        %run_scoped3A_228 = tpu.sem_alloc : memref<!tpu.dma_semaphore, #tpu.memory_space<semaphore_mem>>
        %dma_start3A_229 = arith.constant 0 : i32
        %dma_start3A_230 = tpu.memref_slice %arg5[%run_scoped3A_159, %dma_start3A_229] : memref<4x125xi32, #tpu.memory_space<vmem>> -> memref<1x125xi32, #tpu.memory_space<vmem>>
        %dma_start3A_231 = tpu.memref_squeeze %dma_start3A_230 : memref<1x125xi32, #tpu.memory_space<vmem>> -> memref<125xi32, #tpu.memory_space<vmem>>
        %dma_start3A_232 = arith.constant 0 : i32
        %dma_start3A_233 = tpu.memref_slice %arg2[%add3A_158, %dma_start3A_232] : memref<2560x125xi32, #tpu.memory_space<hbm>> -> memref<1x125xi32, #tpu.memory_space<hbm>>
        %dma_start3A_234 = tpu.memref_squeeze %dma_start3A_233 : memref<1x125xi32, #tpu.memory_space<hbm>> -> memref<125xi32, #tpu.memory_space<hbm>>
        %dma_start3A_235 = arith.constant 0 : i32
        %dma_start3A_236 = tpu.memref_slice %arg5[%run_scoped3A_159, %dma_start3A_235] : memref<4x125xi32, #tpu.memory_space<vmem>> -> memref<1x125xi32, #tpu.memory_space<vmem>>
        %dma_start3A_237 = tpu.memref_squeeze %dma_start3A_236 : memref<1x125xi32, #tpu.memory_space<vmem>> -> memref<125xi32, #tpu.memory_space<vmem>>
        %dma_start3A_238 = arith.constant 0 : i32
        %dma_start3A_239 = tpu.memref_slice %arg2[%add3A_158, %dma_start3A_238] : memref<2560x125xi32, #tpu.memory_space<hbm>> -> memref<1x125xi32, #tpu.memory_space<hbm>>
        %dma_start3A_240 = tpu.memref_squeeze %dma_start3A_239 : memref<1x125xi32, #tpu.memory_space<hbm>> -> memref<125xi32, #tpu.memory_space<hbm>>
        tpu.enqueue_dma source(%dma_start3A_240 : memref<125xi32, #tpu.memory_space<hbm>>) target(%dma_start3A_237 : memref<125xi32, #tpu.memory_space<vmem>>) target_semaphore(%run_scoped3A_228 : memref<!tpu.dma_semaphore, #tpu.memory_space<semaphore_mem>>)
        %dma_wait3A_241 = arith.constant 0 : i32
        %dma_wait3A_242 = tpu.memref_slice %arg5[%run_scoped3A_159, %dma_wait3A_241] : memref<4x125xi32, #tpu.memory_space<vmem>> -> memref<1x125xi32, #tpu.memory_space<vmem>>
        %dma_wait3A_243 = tpu.memref_squeeze %dma_wait3A_242 : memref<1x125xi32, #tpu.memory_space<vmem>> -> memref<125xi32, #tpu.memory_space<vmem>>
        %dma_wait3A_244 = arith.constant 0 : i32
        %dma_wait3A_245 = tpu.memref_slice %arg2[%add3A_158, %dma_wait3A_244] : memref<2560x125xi32, #tpu.memory_space<hbm>> -> memref<1x125xi32, #tpu.memory_space<hbm>>
        %dma_wait3A_246 = tpu.memref_squeeze %dma_wait3A_245 : memref<1x125xi32, #tpu.memory_space<hbm>> -> memref<125xi32, #tpu.memory_space<hbm>>
        %dma_wait3A_247 = arith.constant 0 : i32
        %dma_wait3A_248 = tpu.memref_slice %arg5[%run_scoped3A_159, %dma_wait3A_247] : memref<4x125xi32, #tpu.memory_space<vmem>> -> memref<1x125xi32, #tpu.memory_space<vmem>>
        %dma_wait3A_249 = tpu.memref_squeeze %dma_wait3A_248 : memref<1x125xi32, #tpu.memory_space<vmem>> -> memref<125xi32, #tpu.memory_space<vmem>>
        %dma_wait3A_250 = arith.constant 0 : i32
        %dma_wait3A_251 = tpu.memref_slice %arg2[%add3A_158, %dma_wait3A_250] : memref<2560x125xi32, #tpu.memory_space<hbm>> -> memref<1x125xi32, #tpu.memory_space<hbm>>
        %dma_wait3A_252 = tpu.memref_squeeze %dma_wait3A_251 : memref<1x125xi32, #tpu.memory_space<hbm>> -> memref<125xi32, #tpu.memory_space<hbm>>
        tpu.wait_dma2 semaphore(%run_scoped3A_228 : memref<!tpu.dma_semaphore, #tpu.memory_space<semaphore_mem>>) src(%dma_wait3A_252 : memref<125xi32, #tpu.memory_space<hbm>>) dst(%dma_wait3A_249 : memref<125xi32, #tpu.memory_space<vmem>>)
        tpu.yield
      }) : () -> ()
      %dma_start3A_160 = arith.constant 1 : i32
      %dma_start3A_161 = arith.constant 0 : i32
      %dma_start3A_162 = tpu.memref_slice %arg6[%dma_start3A_161] : memref<128xf32, #tpu.memory_space<vmem>> -> memref<125xf32, #tpu.memory_space<vmem>>
      %dma_start3A_163 = arith.constant 0 : i32
      %dma_start3A_164 = tpu.memref_slice %arg5[%dma_start3A_160, %dma_start3A_163] : memref<4x125xi32, #tpu.memory_space<vmem>> -> memref<1x125xi32, #tpu.memory_space<vmem>>
      %dma_start3A_165 = tpu.memref_squeeze %dma_start3A_164 : memref<1x125xi32, #tpu.memory_space<vmem>> -> memref<125xi32, #tpu.memory_space<vmem>>
      %dma_start3A_166 = arith.constant 0 : i32
      %dma_start3A_167 = tpu.memref_slice %arg8[%dma_start3A_166] : memref<10240xf32, #tpu.memory_space<vmem_shared>> -> memref<10240xf32, #tpu.memory_space<vmem_shared>>
      tpu.enqueue_indirect_dma source(%dma_start3A_162 : memref<125xf32, #tpu.memory_space<vmem>>) target(%dma_start3A_167 : memref<10240xf32, #tpu.memory_space<vmem_shared>>) offsets(%dma_start3A_165 : memref<125xi32, #tpu.memory_space<vmem>>) semaphore(%arg10 : memref<!tpu.dma_semaphore, #tpu.memory_space<semaphore_mem>>) {add = true}
      %mul3A_168 = arith.constant 4 : i32
      %mul3A_169 = arith.muli %mul3A_168, %scan3A_140 : i32
      %add3A_170 = arith.addi %mul3A_4, %mul3A_169 : i32
      %add3A_171 = arith.constant 2 : i32
      %add3A_172 = arith.addi %add3A_170, %add3A_171 : i32
      %run_scoped3A_173 = arith.constant 2 : i32
      "tpu.region"() ({
        %run_scoped3A_228 = tpu.sem_alloc : memref<!tpu.dma_semaphore, #tpu.memory_space<semaphore_mem>>
        %dma_start3A_229 = arith.constant 0 : i32
        %dma_start3A_230 = tpu.memref_slice %arg5[%run_scoped3A_173, %dma_start3A_229] : memref<4x125xi32, #tpu.memory_space<vmem>> -> memref<1x125xi32, #tpu.memory_space<vmem>>
        %dma_start3A_231 = tpu.memref_squeeze %dma_start3A_230 : memref<1x125xi32, #tpu.memory_space<vmem>> -> memref<125xi32, #tpu.memory_space<vmem>>
        %dma_start3A_232 = arith.constant 0 : i32
        %dma_start3A_233 = tpu.memref_slice %arg2[%add3A_172, %dma_start3A_232] : memref<2560x125xi32, #tpu.memory_space<hbm>> -> memref<1x125xi32, #tpu.memory_space<hbm>>
        %dma_start3A_234 = tpu.memref_squeeze %dma_start3A_233 : memref<1x125xi32, #tpu.memory_space<hbm>> -> memref<125xi32, #tpu.memory_space<hbm>>
        %dma_start3A_235 = arith.constant 0 : i32
        %dma_start3A_236 = tpu.memref_slice %arg5[%run_scoped3A_173, %dma_start3A_235] : memref<4x125xi32, #tpu.memory_space<vmem>> -> memref<1x125xi32, #tpu.memory_space<vmem>>
        %dma_start3A_237 = tpu.memref_squeeze %dma_start3A_236 : memref<1x125xi32, #tpu.memory_space<vmem>> -> memref<125xi32, #tpu.memory_space<vmem>>
        %dma_start3A_238 = arith.constant 0 : i32
        %dma_start3A_239 = tpu.memref_slice %arg2[%add3A_172, %dma_start3A_238] : memref<2560x125xi32, #tpu.memory_space<hbm>> -> memref<1x125xi32, #tpu.memory_space<hbm>>
        %dma_start3A_240 = tpu.memref_squeeze %dma_start3A_239 : memref<1x125xi32, #tpu.memory_space<hbm>> -> memref<125xi32, #tpu.memory_space<hbm>>
        tpu.enqueue_dma source(%dma_start3A_240 : memref<125xi32, #tpu.memory_space<hbm>>) target(%dma_start3A_237 : memref<125xi32, #tpu.memory_space<vmem>>) target_semaphore(%run_scoped3A_228 : memref<!tpu.dma_semaphore, #tpu.memory_space<semaphore_mem>>)
        %dma_wait3A_241 = arith.constant 0 : i32
        %dma_wait3A_242 = tpu.memref_slice %arg5[%run_scoped3A_173, %dma_wait3A_241] : memref<4x125xi32, #tpu.memory_space<vmem>> -> memref<1x125xi32, #tpu.memory_space<vmem>>
        %dma_wait3A_243 = tpu.memref_squeeze %dma_wait3A_242 : memref<1x125xi32, #tpu.memory_space<vmem>> -> memref<125xi32, #tpu.memory_space<vmem>>
        %dma_wait3A_244 = arith.constant 0 : i32
        %dma_wait3A_245 = tpu.memref_slice %arg2[%add3A_172, %dma_wait3A_244] : memref<2560x125xi32, #tpu.memory_space<hbm>> -> memref<1x125xi32, #tpu.memory_space<hbm>>
        %dma_wait3A_246 = tpu.memref_squeeze %dma_wait3A_245 : memref<1x125xi32, #tpu.memory_space<hbm>> -> memref<125xi32, #tpu.memory_space<hbm>>
        %dma_wait3A_247 = arith.constant 0 : i32
        %dma_wait3A_248 = tpu.memref_slice %arg5[%run_scoped3A_173, %dma_wait3A_247] : memref<4x125xi32, #tpu.memory_space<vmem>> -> memref<1x125xi32, #tpu.memory_space<vmem>>
        %dma_wait3A_249 = tpu.memref_squeeze %dma_wait3A_248 : memref<1x125xi32, #tpu.memory_space<vmem>> -> memref<125xi32, #tpu.memory_space<vmem>>
        %dma_wait3A_250 = arith.constant 0 : i32
        %dma_wait3A_251 = tpu.memref_slice %arg2[%add3A_172, %dma_wait3A_250] : memref<2560x125xi32, #tpu.memory_space<hbm>> -> memref<1x125xi32, #tpu.memory_space<hbm>>
        %dma_wait3A_252 = tpu.memref_squeeze %dma_wait3A_251 : memref<1x125xi32, #tpu.memory_space<hbm>> -> memref<125xi32, #tpu.memory_space<hbm>>
        tpu.wait_dma2 semaphore(%run_scoped3A_228 : memref<!tpu.dma_semaphore, #tpu.memory_space<semaphore_mem>>) src(%dma_wait3A_252 : memref<125xi32, #tpu.memory_space<hbm>>) dst(%dma_wait3A_249 : memref<125xi32, #tpu.memory_space<vmem>>)
        tpu.yield
      }) : () -> ()
      %dma_start3A_174 = arith.constant 2 : i32
      %dma_start3A_175 = arith.constant 0 : i32
      %dma_start3A_176 = tpu.memref_slice %arg6[%dma_start3A_175] : memref<128xf32, #tpu.memory_space<vmem>> -> memref<125xf32, #tpu.memory_space<vmem>>
      %dma_start3A_177 = arith.constant 0 : i32
      %dma_start3A_178 = tpu.memref_slice %arg5[%dma_start3A_174, %dma_start3A_177] : memref<4x125xi32, #tpu.memory_space<vmem>> -> memref<1x125xi32, #tpu.memory_space<vmem>>
      %dma_start3A_179 = tpu.memref_squeeze %dma_start3A_178 : memref<1x125xi32, #tpu.memory_space<vmem>> -> memref<125xi32, #tpu.memory_space<vmem>>
      %dma_start3A_180 = arith.constant 0 : i32
      %dma_start3A_181 = tpu.memref_slice %arg8[%dma_start3A_180] : memref<10240xf32, #tpu.memory_space<vmem_shared>> -> memref<10240xf32, #tpu.memory_space<vmem_shared>>
      tpu.enqueue_indirect_dma source(%dma_start3A_176 : memref<125xf32, #tpu.memory_space<vmem>>) target(%dma_start3A_181 : memref<10240xf32, #tpu.memory_space<vmem_shared>>) offsets(%dma_start3A_179 : memref<125xi32, #tpu.memory_space<vmem>>) semaphore(%arg10 : memref<!tpu.dma_semaphore, #tpu.memory_space<semaphore_mem>>) {add = true}
      %mul3A_182 = arith.constant 4 : i32
      %mul3A_183 = arith.muli %mul3A_182, %scan3A_140 : i32
      %add3A_184 = arith.addi %mul3A_4, %mul3A_183 : i32
      %add3A_185 = arith.constant 3 : i32
      %add3A_186 = arith.addi %add3A_184, %add3A_185 : i32
      %run_scoped3A_187 = arith.constant 3 : i32
      "tpu.region"() ({
        %run_scoped3A_228 = tpu.sem_alloc : memref<!tpu.dma_semaphore, #tpu.memory_space<semaphore_mem>>
        %dma_start3A_229 = arith.constant 0 : i32
        %dma_start3A_230 = tpu.memref_slice %arg5[%run_scoped3A_187, %dma_start3A_229] : memref<4x125xi32, #tpu.memory_space<vmem>> -> memref<1x125xi32, #tpu.memory_space<vmem>>
        %dma_start3A_231 = tpu.memref_squeeze %dma_start3A_230 : memref<1x125xi32, #tpu.memory_space<vmem>> -> memref<125xi32, #tpu.memory_space<vmem>>
        %dma_start3A_232 = arith.constant 0 : i32
        %dma_start3A_233 = tpu.memref_slice %arg2[%add3A_186, %dma_start3A_232] : memref<2560x125xi32, #tpu.memory_space<hbm>> -> memref<1x125xi32, #tpu.memory_space<hbm>>
        %dma_start3A_234 = tpu.memref_squeeze %dma_start3A_233 : memref<1x125xi32, #tpu.memory_space<hbm>> -> memref<125xi32, #tpu.memory_space<hbm>>
        %dma_start3A_235 = arith.constant 0 : i32
        %dma_start3A_236 = tpu.memref_slice %arg5[%run_scoped3A_187, %dma_start3A_235] : memref<4x125xi32, #tpu.memory_space<vmem>> -> memref<1x125xi32, #tpu.memory_space<vmem>>
        %dma_start3A_237 = tpu.memref_squeeze %dma_start3A_236 : memref<1x125xi32, #tpu.memory_space<vmem>> -> memref<125xi32, #tpu.memory_space<vmem>>
        %dma_start3A_238 = arith.constant 0 : i32
        %dma_start3A_239 = tpu.memref_slice %arg2[%add3A_186, %dma_start3A_238] : memref<2560x125xi32, #tpu.memory_space<hbm>> -> memref<1x125xi32, #tpu.memory_space<hbm>>
        %dma_start3A_240 = tpu.memref_squeeze %dma_start3A_239 : memref<1x125xi32, #tpu.memory_space<hbm>> -> memref<125xi32, #tpu.memory_space<hbm>>
        tpu.enqueue_dma source(%dma_start3A_240 : memref<125xi32, #tpu.memory_space<hbm>>) target(%dma_start3A_237 : memref<125xi32, #tpu.memory_space<vmem>>) target_semaphore(%run_scoped3A_228 : memref<!tpu.dma_semaphore, #tpu.memory_space<semaphore_mem>>)
        %dma_wait3A_241 = arith.constant 0 : i32
        %dma_wait3A_242 = tpu.memref_slice %arg5[%run_scoped3A_187, %dma_wait3A_241] : memref<4x125xi32, #tpu.memory_space<vmem>> -> memref<1x125xi32, #tpu.memory_space<vmem>>
        %dma_wait3A_243 = tpu.memref_squeeze %dma_wait3A_242 : memref<1x125xi32, #tpu.memory_space<vmem>> -> memref<125xi32, #tpu.memory_space<vmem>>
        %dma_wait3A_244 = arith.constant 0 : i32
        %dma_wait3A_245 = tpu.memref_slice %arg2[%add3A_186, %dma_wait3A_244] : memref<2560x125xi32, #tpu.memory_space<hbm>> -> memref<1x125xi32, #tpu.memory_space<hbm>>
        %dma_wait3A_246 = tpu.memref_squeeze %dma_wait3A_245 : memref<1x125xi32, #tpu.memory_space<hbm>> -> memref<125xi32, #tpu.memory_space<hbm>>
        %dma_wait3A_247 = arith.constant 0 : i32
        %dma_wait3A_248 = tpu.memref_slice %arg5[%run_scoped3A_187, %dma_wait3A_247] : memref<4x125xi32, #tpu.memory_space<vmem>> -> memref<1x125xi32, #tpu.memory_space<vmem>>
        %dma_wait3A_249 = tpu.memref_squeeze %dma_wait3A_248 : memref<1x125xi32, #tpu.memory_space<vmem>> -> memref<125xi32, #tpu.memory_space<vmem>>
        %dma_wait3A_250 = arith.constant 0 : i32
        %dma_wait3A_251 = tpu.memref_slice %arg2[%add3A_186, %dma_wait3A_250] : memref<2560x125xi32, #tpu.memory_space<hbm>> -> memref<1x125xi32, #tpu.memory_space<hbm>>
        %dma_wait3A_252 = tpu.memref_squeeze %dma_wait3A_251 : memref<1x125xi32, #tpu.memory_space<hbm>> -> memref<125xi32, #tpu.memory_space<hbm>>
        tpu.wait_dma2 semaphore(%run_scoped3A_228 : memref<!tpu.dma_semaphore, #tpu.memory_space<semaphore_mem>>) src(%dma_wait3A_252 : memref<125xi32, #tpu.memory_space<hbm>>) dst(%dma_wait3A_249 : memref<125xi32, #tpu.memory_space<vmem>>)
        tpu.yield
      }) : () -> ()
      %dma_start3A_188 = arith.constant 3 : i32
      %dma_start3A_189 = arith.constant 0 : i32
      %dma_start3A_190 = tpu.memref_slice %arg6[%dma_start3A_189] : memref<128xf32, #tpu.memory_space<vmem>> -> memref<125xf32, #tpu.memory_space<vmem>>
      %dma_start3A_191 = arith.constant 0 : i32
      %dma_start3A_192 = tpu.memref_slice %arg5[%dma_start3A_188, %dma_start3A_191] : memref<4x125xi32, #tpu.memory_space<vmem>> -> memref<1x125xi32, #tpu.memory_space<vmem>>
      %dma_start3A_193 = tpu.memref_squeeze %dma_start3A_192 : memref<1x125xi32, #tpu.memory_space<vmem>> -> memref<125xi32, #tpu.memory_space<vmem>>
      %dma_start3A_194 = arith.constant 0 : i32
      %dma_start3A_195 = tpu.memref_slice %arg8[%dma_start3A_194] : memref<10240xf32, #tpu.memory_space<vmem_shared>> -> memref<10240xf32, #tpu.memory_space<vmem_shared>>
      tpu.enqueue_indirect_dma source(%dma_start3A_190 : memref<125xf32, #tpu.memory_space<vmem>>) target(%dma_start3A_195 : memref<10240xf32, #tpu.memory_space<vmem_shared>>) offsets(%dma_start3A_193 : memref<125xi32, #tpu.memory_space<vmem>>) semaphore(%arg10 : memref<!tpu.dma_semaphore, #tpu.memory_space<semaphore_mem>>) {add = true}
      %dma_wait3A_196 = arith.constant 0 : i32
      %dma_wait3A_197 = arith.constant 0 : i32
      %dma_wait3A_198 = tpu.memref_slice %arg6[%dma_wait3A_197] : memref<128xf32, #tpu.memory_space<vmem>> -> memref<125xf32, #tpu.memory_space<vmem>>
      %dma_wait3A_199 = arith.constant 0 : i32
      %dma_wait3A_200 = tpu.memref_slice %arg5[%dma_wait3A_196, %dma_wait3A_199] : memref<4x125xi32, #tpu.memory_space<vmem>> -> memref<1x125xi32, #tpu.memory_space<vmem>>
      %dma_wait3A_201 = tpu.memref_squeeze %dma_wait3A_200 : memref<1x125xi32, #tpu.memory_space<vmem>> -> memref<125xi32, #tpu.memory_space<vmem>>
      %dma_wait3A_202 = arith.constant 0 : i32
      %dma_wait3A_203 = tpu.memref_slice %arg8[%dma_wait3A_202] : memref<10240xf32, #tpu.memory_space<vmem_shared>> -> memref<10240xf32, #tpu.memory_space<vmem_shared>>
      tpu.wait_indirect_dma semaphore(%arg10 : memref<!tpu.dma_semaphore, #tpu.memory_space<semaphore_mem>>) src(%dma_wait3A_198 : memref<125xf32, #tpu.memory_space<vmem>>) dst(%dma_wait3A_203 : memref<10240xf32, #tpu.memory_space<vmem_shared>>)
      %dma_wait3A_204 = arith.constant 1 : i32
      %dma_wait3A_205 = arith.constant 0 : i32
      %dma_wait3A_206 = tpu.memref_slice %arg6[%dma_wait3A_205] : memref<128xf32, #tpu.memory_space<vmem>> -> memref<125xf32, #tpu.memory_space<vmem>>
      %dma_wait3A_207 = arith.constant 0 : i32
      %dma_wait3A_208 = tpu.memref_slice %arg5[%dma_wait3A_204, %dma_wait3A_207] : memref<4x125xi32, #tpu.memory_space<vmem>> -> memref<1x125xi32, #tpu.memory_space<vmem>>
      %dma_wait3A_209 = tpu.memref_squeeze %dma_wait3A_208 : memref<1x125xi32, #tpu.memory_space<vmem>> -> memref<125xi32, #tpu.memory_space<vmem>>
      %dma_wait3A_210 = arith.constant 0 : i32
      %dma_wait3A_211 = tpu.memref_slice %arg8[%dma_wait3A_210] : memref<10240xf32, #tpu.memory_space<vmem_shared>> -> memref<10240xf32, #tpu.memory_space<vmem_shared>>
      tpu.wait_indirect_dma semaphore(%arg10 : memref<!tpu.dma_semaphore, #tpu.memory_space<semaphore_mem>>) src(%dma_wait3A_206 : memref<125xf32, #tpu.memory_space<vmem>>) dst(%dma_wait3A_211 : memref<10240xf32, #tpu.memory_space<vmem_shared>>)
      %dma_wait3A_212 = arith.constant 2 : i32
      %dma_wait3A_213 = arith.constant 0 : i32
      %dma_wait3A_214 = tpu.memref_slice %arg6[%dma_wait3A_213] : memref<128xf32, #tpu.memory_space<vmem>> -> memref<125xf32, #tpu.memory_space<vmem>>
      %dma_wait3A_215 = arith.constant 0 : i32
      %dma_wait3A_216 = tpu.memref_slice %arg5[%dma_wait3A_212, %dma_wait3A_215] : memref<4x125xi32, #tpu.memory_space<vmem>> -> memref<1x125xi32, #tpu.memory_space<vmem>>
      %dma_wait3A_217 = tpu.memref_squeeze %dma_wait3A_216 : memref<1x125xi32, #tpu.memory_space<vmem>> -> memref<125xi32, #tpu.memory_space<vmem>>
      %dma_wait3A_218 = arith.constant 0 : i32
      %dma_wait3A_219 = tpu.memref_slice %arg8[%dma_wait3A_218] : memref<10240xf32, #tpu.memory_space<vmem_shared>> -> memref<10240xf32, #tpu.memory_space<vmem_shared>>
      tpu.wait_indirect_dma semaphore(%arg10 : memref<!tpu.dma_semaphore, #tpu.memory_space<semaphore_mem>>) src(%dma_wait3A_214 : memref<125xf32, #tpu.memory_space<vmem>>) dst(%dma_wait3A_219 : memref<10240xf32, #tpu.memory_space<vmem_shared>>)
      %dma_wait3A_220 = arith.constant 3 : i32
      %dma_wait3A_221 = arith.constant 0 : i32
      %dma_wait3A_222 = tpu.memref_slice %arg6[%dma_wait3A_221] : memref<128xf32, #tpu.memory_space<vmem>> -> memref<125xf32, #tpu.memory_space<vmem>>
      %dma_wait3A_223 = arith.constant 0 : i32
      %dma_wait3A_224 = tpu.memref_slice %arg5[%dma_wait3A_220, %dma_wait3A_223] : memref<4x125xi32, #tpu.memory_space<vmem>> -> memref<1x125xi32, #tpu.memory_space<vmem>>
      %dma_wait3A_225 = tpu.memref_squeeze %dma_wait3A_224 : memref<1x125xi32, #tpu.memory_space<vmem>> -> memref<125xi32, #tpu.memory_space<vmem>>
      %dma_wait3A_226 = arith.constant 0 : i32
      %dma_wait3A_227 = tpu.memref_slice %arg8[%dma_wait3A_226] : memref<10240xf32, #tpu.memory_space<vmem_shared>> -> memref<10240xf32, #tpu.memory_space<vmem_shared>>
      tpu.wait_indirect_dma semaphore(%arg10 : memref<!tpu.dma_semaphore, #tpu.memory_space<semaphore_mem>>) src(%dma_wait3A_222 : memref<125xf32, #tpu.memory_space<vmem>>) dst(%dma_wait3A_227 : memref<10240xf32, #tpu.memory_space<vmem_shared>>)
    }
    %scan3A_131 = arith.constant 20 : i32
    %barrier3A_132 = arith.constant 0 : index
    tpu.barrier barrier_id(%barrier3A_132)
    %eq3A = arith.constant 0 : i32
    %eq3A_133 = arith.cmpi eq, %arg0, %eq3A : i32
    %convert_element_type3A = arith.extui %eq3A_133 : i1 to i32
    %cond3A = arith.constant 0 : i32
    %cond3A_134 = arith.cmpi ne, %convert_element_type3A, %cond3A : i32
    scf.if %cond3A_134 {
      %add3A_140 = arith.constant 0 : i32
      %add3A_141 = arith.addi %mul3A_0, %add3A_140 : i32
      "tpu.region"() ({
        %run_scoped3A = tpu.sem_alloc : memref<!tpu.dma_semaphore, #tpu.memory_space<semaphore_mem>>
        %dma_start3A_160 = tpu.memref_slice %arg8[%add3A_141] : memref<10240xf32, #tpu.memory_space<vmem_shared>> -> memref<128xf32, #tpu.memory_space<vmem_shared>>
        %dma_start3A_161 = tpu.memref_slice %arg8[%add3A_141] : memref<10240xf32, #tpu.memory_space<vmem_shared>> -> memref<128xf32, #tpu.memory_space<vmem_shared>>
        tpu.enqueue_dma source(%dma_start3A_161 : memref<128xf32, #tpu.memory_space<vmem_shared>>) target(%arg7 : memref<128xf32, #tpu.memory_space<vmem>>) target_semaphore(%run_scoped3A : memref<!tpu.dma_semaphore, #tpu.memory_space<semaphore_mem>>)
        %dma_wait3A_162 = tpu.memref_slice %arg8[%add3A_141] : memref<10240xf32, #tpu.memory_space<vmem_shared>> -> memref<128xf32, #tpu.memory_space<vmem_shared>>
        %dma_wait3A_163 = tpu.memref_slice %arg8[%add3A_141] : memref<10240xf32, #tpu.memory_space<vmem_shared>> -> memref<128xf32, #tpu.memory_space<vmem_shared>>
        tpu.wait_dma2 semaphore(%run_scoped3A : memref<!tpu.dma_semaphore, #tpu.memory_space<semaphore_mem>>) src(%dma_wait3A_163 : memref<128xf32, #tpu.memory_space<vmem_shared>>) dst(%arg7 : memref<128xf32, #tpu.memory_space<vmem>>)
        tpu.yield
      }) : () -> ()
      %add3A_142 = arith.constant 0 : i32
      %add3A_143 = arith.addi %mul3A_0, %add3A_142 : i32
      "tpu.region"() ({
        %run_scoped3A = tpu.sem_alloc : memref<!tpu.dma_semaphore, #tpu.memory_space<semaphore_mem>>
        %dma_start3A_160 = tpu.memref_slice %arg3[%add3A_143] : memref<10240xf32, #tpu.memory_space<hbm>> -> memref<128xf32, #tpu.memory_space<hbm>>
        %dma_start3A_161 = tpu.memref_slice %arg3[%add3A_143] : memref<10240xf32, #tpu.memory_space<hbm>> -> memref<128xf32, #tpu.memory_space<hbm>>
        tpu.enqueue_dma source(%arg7 : memref<128xf32, #tpu.memory_space<vmem>>) target(%dma_start3A_161 : memref<128xf32, #tpu.memory_space<hbm>>) target_semaphore(%run_scoped3A : memref<!tpu.dma_semaphore, #tpu.memory_space<semaphore_mem>>)
        %dma_wait3A_162 = tpu.memref_slice %arg3[%add3A_143] : memref<10240xf32, #tpu.memory_space<hbm>> -> memref<128xf32, #tpu.memory_space<hbm>>
        %dma_wait3A_163 = tpu.memref_slice %arg3[%add3A_143] : memref<10240xf32, #tpu.memory_space<hbm>> -> memref<128xf32, #tpu.memory_space<hbm>>
        tpu.wait_dma2 semaphore(%run_scoped3A : memref<!tpu.dma_semaphore, #tpu.memory_space<semaphore_mem>>) src(%arg7 : memref<128xf32, #tpu.memory_space<vmem>>) dst(%dma_wait3A_163 : memref<128xf32, #tpu.memory_space<hbm>>)
        tpu.yield
      }) : () -> ()
      %add3A_144 = arith.constant 128 : i32
      %add3A_145 = arith.addi %mul3A_0, %add3A_144 : i32
      "tpu.region"() ({
        %run_scoped3A = tpu.sem_alloc : memref<!tpu.dma_semaphore, #tpu.memory_space<semaphore_mem>>
        %dma_start3A_160 = tpu.memref_slice %arg8[%add3A_145] : memref<10240xf32, #tpu.memory_space<vmem_shared>> -> memref<128xf32, #tpu.memory_space<vmem_shared>>
        %dma_start3A_161 = tpu.memref_slice %arg8[%add3A_145] : memref<10240xf32, #tpu.memory_space<vmem_shared>> -> memref<128xf32, #tpu.memory_space<vmem_shared>>
        tpu.enqueue_dma source(%dma_start3A_161 : memref<128xf32, #tpu.memory_space<vmem_shared>>) target(%arg7 : memref<128xf32, #tpu.memory_space<vmem>>) target_semaphore(%run_scoped3A : memref<!tpu.dma_semaphore, #tpu.memory_space<semaphore_mem>>)
        %dma_wait3A_162 = tpu.memref_slice %arg8[%add3A_145] : memref<10240xf32, #tpu.memory_space<vmem_shared>> -> memref<128xf32, #tpu.memory_space<vmem_shared>>
        %dma_wait3A_163 = tpu.memref_slice %arg8[%add3A_145] : memref<10240xf32, #tpu.memory_space<vmem_shared>> -> memref<128xf32, #tpu.memory_space<vmem_shared>>
        tpu.wait_dma2 semaphore(%run_scoped3A : memref<!tpu.dma_semaphore, #tpu.memory_space<semaphore_mem>>) src(%dma_wait3A_163 : memref<128xf32, #tpu.memory_space<vmem_shared>>) dst(%arg7 : memref<128xf32, #tpu.memory_space<vmem>>)
        tpu.yield
      }) : () -> ()
      %add3A_146 = arith.constant 128 : i32
      %add3A_147 = arith.addi %mul3A_0, %add3A_146 : i32
      "tpu.region"() ({
        %run_scoped3A = tpu.sem_alloc : memref<!tpu.dma_semaphore, #tpu.memory_space<semaphore_mem>>
        %dma_start3A_160 = tpu.memref_slice %arg3[%add3A_147] : memref<10240xf32, #tpu.memory_space<hbm>> -> memref<128xf32, #tpu.memory_space<hbm>>
        %dma_start3A_161 = tpu.memref_slice %arg3[%add3A_147] : memref<10240xf32, #tpu.memory_space<hbm>> -> memref<128xf32, #tpu.memory_space<hbm>>
        tpu.enqueue_dma source(%arg7 : memref<128xf32, #tpu.memory_space<vmem>>) target(%dma_start3A_161 : memref<128xf32, #tpu.memory_space<hbm>>) target_semaphore(%run_scoped3A : memref<!tpu.dma_semaphore, #tpu.memory_space<semaphore_mem>>)
        %dma_wait3A_162 = tpu.memref_slice %arg3[%add3A_147] : memref<10240xf32, #tpu.memory_space<hbm>> -> memref<128xf32, #tpu.memory_space<hbm>>
        %dma_wait3A_163 = tpu.memref_slice %arg3[%add3A_147] : memref<10240xf32, #tpu.memory_space<hbm>> -> memref<128xf32, #tpu.memory_space<hbm>>
        tpu.wait_dma2 semaphore(%run_scoped3A : memref<!tpu.dma_semaphore, #tpu.memory_space<semaphore_mem>>) src(%arg7 : memref<128xf32, #tpu.memory_space<vmem>>) dst(%dma_wait3A_163 : memref<128xf32, #tpu.memory_space<hbm>>)
        tpu.yield
      }) : () -> ()
      %add3A_148 = arith.constant 256 : i32
      %add3A_149 = arith.addi %mul3A_0, %add3A_148 : i32
      "tpu.region"() ({
        %run_scoped3A = tpu.sem_alloc : memref<!tpu.dma_semaphore, #tpu.memory_space<semaphore_mem>>
        %dma_start3A_160 = tpu.memref_slice %arg8[%add3A_149] : memref<10240xf32, #tpu.memory_space<vmem_shared>> -> memref<128xf32, #tpu.memory_space<vmem_shared>>
        %dma_start3A_161 = tpu.memref_slice %arg8[%add3A_149] : memref<10240xf32, #tpu.memory_space<vmem_shared>> -> memref<128xf32, #tpu.memory_space<vmem_shared>>
        tpu.enqueue_dma source(%dma_start3A_161 : memref<128xf32, #tpu.memory_space<vmem_shared>>) target(%arg7 : memref<128xf32, #tpu.memory_space<vmem>>) target_semaphore(%run_scoped3A : memref<!tpu.dma_semaphore, #tpu.memory_space<semaphore_mem>>)
        %dma_wait3A_162 = tpu.memref_slice %arg8[%add3A_149] : memref<10240xf32, #tpu.memory_space<vmem_shared>> -> memref<128xf32, #tpu.memory_space<vmem_shared>>
        %dma_wait3A_163 = tpu.memref_slice %arg8[%add3A_149] : memref<10240xf32, #tpu.memory_space<vmem_shared>> -> memref<128xf32, #tpu.memory_space<vmem_shared>>
        tpu.wait_dma2 semaphore(%run_scoped3A : memref<!tpu.dma_semaphore, #tpu.memory_space<semaphore_mem>>) src(%dma_wait3A_163 : memref<128xf32, #tpu.memory_space<vmem_shared>>) dst(%arg7 : memref<128xf32, #tpu.memory_space<vmem>>)
        tpu.yield
      }) : () -> ()
      %add3A_150 = arith.constant 256 : i32
      %add3A_151 = arith.addi %mul3A_0, %add3A_150 : i32
      "tpu.region"() ({
        %run_scoped3A = tpu.sem_alloc : memref<!tpu.dma_semaphore, #tpu.memory_space<semaphore_mem>>
        %dma_start3A_160 = tpu.memref_slice %arg3[%add3A_151] : memref<10240xf32, #tpu.memory_space<hbm>> -> memref<128xf32, #tpu.memory_space<hbm>>
        %dma_start3A_161 = tpu.memref_slice %arg3[%add3A_151] : memref<10240xf32, #tpu.memory_space<hbm>> -> memref<128xf32, #tpu.memory_space<hbm>>
        tpu.enqueue_dma source(%arg7 : memref<128xf32, #tpu.memory_space<vmem>>) target(%dma_start3A_161 : memref<128xf32, #tpu.memory_space<hbm>>) target_semaphore(%run_scoped3A : memref<!tpu.dma_semaphore, #tpu.memory_space<semaphore_mem>>)
        %dma_wait3A_162 = tpu.memref_slice %arg3[%add3A_151] : memref<10240xf32, #tpu.memory_space<hbm>> -> memref<128xf32, #tpu.memory_space<hbm>>
        %dma_wait3A_163 = tpu.memref_slice %arg3[%add3A_151] : memref<10240xf32, #tpu.memory_space<hbm>> -> memref<128xf32, #tpu.memory_space<hbm>>
        tpu.wait_dma2 semaphore(%run_scoped3A : memref<!tpu.dma_semaphore, #tpu.memory_space<semaphore_mem>>) src(%arg7 : memref<128xf32, #tpu.memory_space<vmem>>) dst(%dma_wait3A_163 : memref<128xf32, #tpu.memory_space<hbm>>)
        tpu.yield
      }) : () -> ()
      %add3A_152 = arith.constant 384 : i32
      %add3A_153 = arith.addi %mul3A_0, %add3A_152 : i32
      "tpu.region"() ({
        %run_scoped3A = tpu.sem_alloc : memref<!tpu.dma_semaphore, #tpu.memory_space<semaphore_mem>>
        %dma_start3A_160 = tpu.memref_slice %arg8[%add3A_153] : memref<10240xf32, #tpu.memory_space<vmem_shared>> -> memref<128xf32, #tpu.memory_space<vmem_shared>>
        %dma_start3A_161 = tpu.memref_slice %arg8[%add3A_153] : memref<10240xf32, #tpu.memory_space<vmem_shared>> -> memref<128xf32, #tpu.memory_space<vmem_shared>>
        tpu.enqueue_dma source(%dma_start3A_161 : memref<128xf32, #tpu.memory_space<vmem_shared>>) target(%arg7 : memref<128xf32, #tpu.memory_space<vmem>>) target_semaphore(%run_scoped3A : memref<!tpu.dma_semaphore, #tpu.memory_space<semaphore_mem>>)
        %dma_wait3A_162 = tpu.memref_slice %arg8[%add3A_153] : memref<10240xf32, #tpu.memory_space<vmem_shared>> -> memref<128xf32, #tpu.memory_space<vmem_shared>>
        %dma_wait3A_163 = tpu.memref_slice %arg8[%add3A_153] : memref<10240xf32, #tpu.memory_space<vmem_shared>> -> memref<128xf32, #tpu.memory_space<vmem_shared>>
        tpu.wait_dma2 semaphore(%run_scoped3A : memref<!tpu.dma_semaphore, #tpu.memory_space<semaphore_mem>>) src(%dma_wait3A_163 : memref<128xf32, #tpu.memory_space<vmem_shared>>) dst(%arg7 : memref<128xf32, #tpu.memory_space<vmem>>)
        tpu.yield
      }) : () -> ()
      %add3A_154 = arith.constant 384 : i32
      %add3A_155 = arith.addi %mul3A_0, %add3A_154 : i32
      "tpu.region"() ({
        %run_scoped3A = tpu.sem_alloc : memref<!tpu.dma_semaphore, #tpu.memory_space<semaphore_mem>>
        %dma_start3A_160 = tpu.memref_slice %arg3[%add3A_155] : memref<10240xf32, #tpu.memory_space<hbm>> -> memref<128xf32, #tpu.memory_space<hbm>>
        %dma_start3A_161 = tpu.memref_slice %arg3[%add3A_155] : memref<10240xf32, #tpu.memory_space<hbm>> -> memref<128xf32, #tpu.memory_space<hbm>>
        tpu.enqueue_dma source(%arg7 : memref<128xf32, #tpu.memory_space<vmem>>) target(%dma_start3A_161 : memref<128xf32, #tpu.memory_space<hbm>>) target_semaphore(%run_scoped3A : memref<!tpu.dma_semaphore, #tpu.memory_space<semaphore_mem>>)
        %dma_wait3A_162 = tpu.memref_slice %arg3[%add3A_155] : memref<10240xf32, #tpu.memory_space<hbm>> -> memref<128xf32, #tpu.memory_space<hbm>>
        %dma_wait3A_163 = tpu.memref_slice %arg3[%add3A_155] : memref<10240xf32, #tpu.memory_space<hbm>> -> memref<128xf32, #tpu.memory_space<hbm>>
        tpu.wait_dma2 semaphore(%run_scoped3A : memref<!tpu.dma_semaphore, #tpu.memory_space<semaphore_mem>>) src(%arg7 : memref<128xf32, #tpu.memory_space<vmem>>) dst(%dma_wait3A_163 : memref<128xf32, #tpu.memory_space<hbm>>)
        tpu.yield
      }) : () -> ()
      %add3A_156 = arith.constant 512 : i32
      %add3A_157 = arith.addi %mul3A_0, %add3A_156 : i32
      "tpu.region"() ({
        %run_scoped3A = tpu.sem_alloc : memref<!tpu.dma_semaphore, #tpu.memory_space<semaphore_mem>>
        %dma_start3A_160 = tpu.memref_slice %arg8[%add3A_157] : memref<10240xf32, #tpu.memory_space<vmem_shared>> -> memref<128xf32, #tpu.memory_space<vmem_shared>>
        %dma_start3A_161 = tpu.memref_slice %arg8[%add3A_157] : memref<10240xf32, #tpu.memory_space<vmem_shared>> -> memref<128xf32, #tpu.memory_space<vmem_shared>>
        tpu.enqueue_dma source(%dma_start3A_161 : memref<128xf32, #tpu.memory_space<vmem_shared>>) target(%arg7 : memref<128xf32, #tpu.memory_space<vmem>>) target_semaphore(%run_scoped3A : memref<!tpu.dma_semaphore, #tpu.memory_space<semaphore_mem>>)
        %dma_wait3A_162 = tpu.memref_slice %arg8[%add3A_157] : memref<10240xf32, #tpu.memory_space<vmem_shared>> -> memref<128xf32, #tpu.memory_space<vmem_shared>>
        %dma_wait3A_163 = tpu.memref_slice %arg8[%add3A_157] : memref<10240xf32, #tpu.memory_space<vmem_shared>> -> memref<128xf32, #tpu.memory_space<vmem_shared>>
        tpu.wait_dma2 semaphore(%run_scoped3A : memref<!tpu.dma_semaphore, #tpu.memory_space<semaphore_mem>>) src(%dma_wait3A_163 : memref<128xf32, #tpu.memory_space<vmem_shared>>) dst(%arg7 : memref<128xf32, #tpu.memory_space<vmem>>)
        tpu.yield
      }) : () -> ()
      %add3A_158 = arith.constant 512 : i32
      %add3A_159 = arith.addi %mul3A_0, %add3A_158 : i32
      "tpu.region"() ({
        %run_scoped3A = tpu.sem_alloc : memref<!tpu.dma_semaphore, #tpu.memory_space<semaphore_mem>>
        %dma_start3A_160 = tpu.memref_slice %arg3[%add3A_159] : memref<10240xf32, #tpu.memory_space<hbm>> -> memref<128xf32, #tpu.memory_space<hbm>>
        %dma_start3A_161 = tpu.memref_slice %arg3[%add3A_159] : memref<10240xf32, #tpu.memory_space<hbm>> -> memref<128xf32, #tpu.memory_space<hbm>>
        tpu.enqueue_dma source(%arg7 : memref<128xf32, #tpu.memory_space<vmem>>) target(%dma_start3A_161 : memref<128xf32, #tpu.memory_space<hbm>>) target_semaphore(%run_scoped3A : memref<!tpu.dma_semaphore, #tpu.memory_space<semaphore_mem>>)
        %dma_wait3A_162 = tpu.memref_slice %arg3[%add3A_159] : memref<10240xf32, #tpu.memory_space<hbm>> -> memref<128xf32, #tpu.memory_space<hbm>>
        %dma_wait3A_163 = tpu.memref_slice %arg3[%add3A_159] : memref<10240xf32, #tpu.memory_space<hbm>> -> memref<128xf32, #tpu.memory_space<hbm>>
        tpu.wait_dma2 semaphore(%run_scoped3A : memref<!tpu.dma_semaphore, #tpu.memory_space<semaphore_mem>>) src(%arg7 : memref<128xf32, #tpu.memory_space<vmem>>) dst(%dma_wait3A_163 : memref<128xf32, #tpu.memory_space<hbm>>)
        tpu.yield
      }) : () -> ()
    } else {
    }
    %eq3A_135 = arith.constant 1 : i32
    %eq3A_136 = arith.cmpi eq, %arg0, %eq3A_135 : i32
    %convert_element_type3A_137 = arith.extui %eq3A_136 : i1 to i32
    %cond3A_138 = arith.constant 0 : i32
    %cond3A_139 = arith.cmpi ne, %convert_element_type3A_137, %cond3A_138 : i32
    scf.if %cond3A_139 {
      %add3A_140 = arith.constant 0 : i32
      %add3A_141 = arith.addi %mul3A_0, %add3A_140 : i32
      "tpu.region"() ({
        %run_scoped3A = tpu.sem_alloc : memref<!tpu.dma_semaphore, #tpu.memory_space<semaphore_mem>>
        %dma_start3A_160 = tpu.memref_slice %arg8[%add3A_141] : memref<10240xf32, #tpu.memory_space<vmem_shared>> -> memref<128xf32, #tpu.memory_space<vmem_shared>>
        %dma_start3A_161 = tpu.memref_slice %arg8[%add3A_141] : memref<10240xf32, #tpu.memory_space<vmem_shared>> -> memref<128xf32, #tpu.memory_space<vmem_shared>>
        tpu.enqueue_dma source(%dma_start3A_161 : memref<128xf32, #tpu.memory_space<vmem_shared>>) target(%arg7 : memref<128xf32, #tpu.memory_space<vmem>>) target_semaphore(%run_scoped3A : memref<!tpu.dma_semaphore, #tpu.memory_space<semaphore_mem>>)
        %dma_wait3A_162 = tpu.memref_slice %arg8[%add3A_141] : memref<10240xf32, #tpu.memory_space<vmem_shared>> -> memref<128xf32, #tpu.memory_space<vmem_shared>>
        %dma_wait3A_163 = tpu.memref_slice %arg8[%add3A_141] : memref<10240xf32, #tpu.memory_space<vmem_shared>> -> memref<128xf32, #tpu.memory_space<vmem_shared>>
        tpu.wait_dma2 semaphore(%run_scoped3A : memref<!tpu.dma_semaphore, #tpu.memory_space<semaphore_mem>>) src(%dma_wait3A_163 : memref<128xf32, #tpu.memory_space<vmem_shared>>) dst(%arg7 : memref<128xf32, #tpu.memory_space<vmem>>)
        tpu.yield
      }) : () -> ()
      %add3A_142 = arith.constant 0 : i32
      %add3A_143 = arith.addi %mul3A_0, %add3A_142 : i32
      "tpu.region"() ({
        %run_scoped3A = tpu.sem_alloc : memref<!tpu.dma_semaphore, #tpu.memory_space<semaphore_mem>>
        %dma_start3A_160 = tpu.memref_slice %arg4[%add3A_143] : memref<10240xf32, #tpu.memory_space<hbm>> -> memref<128xf32, #tpu.memory_space<hbm>>
        %dma_start3A_161 = tpu.memref_slice %arg4[%add3A_143] : memref<10240xf32, #tpu.memory_space<hbm>> -> memref<128xf32, #tpu.memory_space<hbm>>
        tpu.enqueue_dma source(%arg7 : memref<128xf32, #tpu.memory_space<vmem>>) target(%dma_start3A_161 : memref<128xf32, #tpu.memory_space<hbm>>) target_semaphore(%run_scoped3A : memref<!tpu.dma_semaphore, #tpu.memory_space<semaphore_mem>>)
        %dma_wait3A_162 = tpu.memref_slice %arg4[%add3A_143] : memref<10240xf32, #tpu.memory_space<hbm>> -> memref<128xf32, #tpu.memory_space<hbm>>
        %dma_wait3A_163 = tpu.memref_slice %arg4[%add3A_143] : memref<10240xf32, #tpu.memory_space<hbm>> -> memref<128xf32, #tpu.memory_space<hbm>>
        tpu.wait_dma2 semaphore(%run_scoped3A : memref<!tpu.dma_semaphore, #tpu.memory_space<semaphore_mem>>) src(%arg7 : memref<128xf32, #tpu.memory_space<vmem>>) dst(%dma_wait3A_163 : memref<128xf32, #tpu.memory_space<hbm>>)
        tpu.yield
      }) : () -> ()
      %add3A_144 = arith.constant 128 : i32
      %add3A_145 = arith.addi %mul3A_0, %add3A_144 : i32
      "tpu.region"() ({
        %run_scoped3A = tpu.sem_alloc : memref<!tpu.dma_semaphore, #tpu.memory_space<semaphore_mem>>
        %dma_start3A_160 = tpu.memref_slice %arg8[%add3A_145] : memref<10240xf32, #tpu.memory_space<vmem_shared>> -> memref<128xf32, #tpu.memory_space<vmem_shared>>
        %dma_start3A_161 = tpu.memref_slice %arg8[%add3A_145] : memref<10240xf32, #tpu.memory_space<vmem_shared>> -> memref<128xf32, #tpu.memory_space<vmem_shared>>
        tpu.enqueue_dma source(%dma_start3A_161 : memref<128xf32, #tpu.memory_space<vmem_shared>>) target(%arg7 : memref<128xf32, #tpu.memory_space<vmem>>) target_semaphore(%run_scoped3A : memref<!tpu.dma_semaphore, #tpu.memory_space<semaphore_mem>>)
        %dma_wait3A_162 = tpu.memref_slice %arg8[%add3A_145] : memref<10240xf32, #tpu.memory_space<vmem_shared>> -> memref<128xf32, #tpu.memory_space<vmem_shared>>
        %dma_wait3A_163 = tpu.memref_slice %arg8[%add3A_145] : memref<10240xf32, #tpu.memory_space<vmem_shared>> -> memref<128xf32, #tpu.memory_space<vmem_shared>>
        tpu.wait_dma2 semaphore(%run_scoped3A : memref<!tpu.dma_semaphore, #tpu.memory_space<semaphore_mem>>) src(%dma_wait3A_163 : memref<128xf32, #tpu.memory_space<vmem_shared>>) dst(%arg7 : memref<128xf32, #tpu.memory_space<vmem>>)
        tpu.yield
      }) : () -> ()
      %add3A_146 = arith.constant 128 : i32
      %add3A_147 = arith.addi %mul3A_0, %add3A_146 : i32
      "tpu.region"() ({
        %run_scoped3A = tpu.sem_alloc : memref<!tpu.dma_semaphore, #tpu.memory_space<semaphore_mem>>
        %dma_start3A_160 = tpu.memref_slice %arg4[%add3A_147] : memref<10240xf32, #tpu.memory_space<hbm>> -> memref<128xf32, #tpu.memory_space<hbm>>
        %dma_start3A_161 = tpu.memref_slice %arg4[%add3A_147] : memref<10240xf32, #tpu.memory_space<hbm>> -> memref<128xf32, #tpu.memory_space<hbm>>
        tpu.enqueue_dma source(%arg7 : memref<128xf32, #tpu.memory_space<vmem>>) target(%dma_start3A_161 : memref<128xf32, #tpu.memory_space<hbm>>) target_semaphore(%run_scoped3A : memref<!tpu.dma_semaphore, #tpu.memory_space<semaphore_mem>>)
        %dma_wait3A_162 = tpu.memref_slice %arg4[%add3A_147] : memref<10240xf32, #tpu.memory_space<hbm>> -> memref<128xf32, #tpu.memory_space<hbm>>
        %dma_wait3A_163 = tpu.memref_slice %arg4[%add3A_147] : memref<10240xf32, #tpu.memory_space<hbm>> -> memref<128xf32, #tpu.memory_space<hbm>>
        tpu.wait_dma2 semaphore(%run_scoped3A : memref<!tpu.dma_semaphore, #tpu.memory_space<semaphore_mem>>) src(%arg7 : memref<128xf32, #tpu.memory_space<vmem>>) dst(%dma_wait3A_163 : memref<128xf32, #tpu.memory_space<hbm>>)
        tpu.yield
      }) : () -> ()
      %add3A_148 = arith.constant 256 : i32
      %add3A_149 = arith.addi %mul3A_0, %add3A_148 : i32
      "tpu.region"() ({
        %run_scoped3A = tpu.sem_alloc : memref<!tpu.dma_semaphore, #tpu.memory_space<semaphore_mem>>
        %dma_start3A_160 = tpu.memref_slice %arg8[%add3A_149] : memref<10240xf32, #tpu.memory_space<vmem_shared>> -> memref<128xf32, #tpu.memory_space<vmem_shared>>
        %dma_start3A_161 = tpu.memref_slice %arg8[%add3A_149] : memref<10240xf32, #tpu.memory_space<vmem_shared>> -> memref<128xf32, #tpu.memory_space<vmem_shared>>
        tpu.enqueue_dma source(%dma_start3A_161 : memref<128xf32, #tpu.memory_space<vmem_shared>>) target(%arg7 : memref<128xf32, #tpu.memory_space<vmem>>) target_semaphore(%run_scoped3A : memref<!tpu.dma_semaphore, #tpu.memory_space<semaphore_mem>>)
        %dma_wait3A_162 = tpu.memref_slice %arg8[%add3A_149] : memref<10240xf32, #tpu.memory_space<vmem_shared>> -> memref<128xf32, #tpu.memory_space<vmem_shared>>
        %dma_wait3A_163 = tpu.memref_slice %arg8[%add3A_149] : memref<10240xf32, #tpu.memory_space<vmem_shared>> -> memref<128xf32, #tpu.memory_space<vmem_shared>>
        tpu.wait_dma2 semaphore(%run_scoped3A : memref<!tpu.dma_semaphore, #tpu.memory_space<semaphore_mem>>) src(%dma_wait3A_163 : memref<128xf32, #tpu.memory_space<vmem_shared>>) dst(%arg7 : memref<128xf32, #tpu.memory_space<vmem>>)
        tpu.yield
      }) : () -> ()
      %add3A_150 = arith.constant 256 : i32
      %add3A_151 = arith.addi %mul3A_0, %add3A_150 : i32
      "tpu.region"() ({
        %run_scoped3A = tpu.sem_alloc : memref<!tpu.dma_semaphore, #tpu.memory_space<semaphore_mem>>
        %dma_start3A_160 = tpu.memref_slice %arg4[%add3A_151] : memref<10240xf32, #tpu.memory_space<hbm>> -> memref<128xf32, #tpu.memory_space<hbm>>
        %dma_start3A_161 = tpu.memref_slice %arg4[%add3A_151] : memref<10240xf32, #tpu.memory_space<hbm>> -> memref<128xf32, #tpu.memory_space<hbm>>
        tpu.enqueue_dma source(%arg7 : memref<128xf32, #tpu.memory_space<vmem>>) target(%dma_start3A_161 : memref<128xf32, #tpu.memory_space<hbm>>) target_semaphore(%run_scoped3A : memref<!tpu.dma_semaphore, #tpu.memory_space<semaphore_mem>>)
        %dma_wait3A_162 = tpu.memref_slice %arg4[%add3A_151] : memref<10240xf32, #tpu.memory_space<hbm>> -> memref<128xf32, #tpu.memory_space<hbm>>
        %dma_wait3A_163 = tpu.memref_slice %arg4[%add3A_151] : memref<10240xf32, #tpu.memory_space<hbm>> -> memref<128xf32, #tpu.memory_space<hbm>>
        tpu.wait_dma2 semaphore(%run_scoped3A : memref<!tpu.dma_semaphore, #tpu.memory_space<semaphore_mem>>) src(%arg7 : memref<128xf32, #tpu.memory_space<vmem>>) dst(%dma_wait3A_163 : memref<128xf32, #tpu.memory_space<hbm>>)
        tpu.yield
      }) : () -> ()
      %add3A_152 = arith.constant 384 : i32
      %add3A_153 = arith.addi %mul3A_0, %add3A_152 : i32
      "tpu.region"() ({
        %run_scoped3A = tpu.sem_alloc : memref<!tpu.dma_semaphore, #tpu.memory_space<semaphore_mem>>
        %dma_start3A_160 = tpu.memref_slice %arg8[%add3A_153] : memref<10240xf32, #tpu.memory_space<vmem_shared>> -> memref<128xf32, #tpu.memory_space<vmem_shared>>
        %dma_start3A_161 = tpu.memref_slice %arg8[%add3A_153] : memref<10240xf32, #tpu.memory_space<vmem_shared>> -> memref<128xf32, #tpu.memory_space<vmem_shared>>
        tpu.enqueue_dma source(%dma_start3A_161 : memref<128xf32, #tpu.memory_space<vmem_shared>>) target(%arg7 : memref<128xf32, #tpu.memory_space<vmem>>) target_semaphore(%run_scoped3A : memref<!tpu.dma_semaphore, #tpu.memory_space<semaphore_mem>>)
        %dma_wait3A_162 = tpu.memref_slice %arg8[%add3A_153] : memref<10240xf32, #tpu.memory_space<vmem_shared>> -> memref<128xf32, #tpu.memory_space<vmem_shared>>
        %dma_wait3A_163 = tpu.memref_slice %arg8[%add3A_153] : memref<10240xf32, #tpu.memory_space<vmem_shared>> -> memref<128xf32, #tpu.memory_space<vmem_shared>>
        tpu.wait_dma2 semaphore(%run_scoped3A : memref<!tpu.dma_semaphore, #tpu.memory_space<semaphore_mem>>) src(%dma_wait3A_163 : memref<128xf32, #tpu.memory_space<vmem_shared>>) dst(%arg7 : memref<128xf32, #tpu.memory_space<vmem>>)
        tpu.yield
      }) : () -> ()
      %add3A_154 = arith.constant 384 : i32
      %add3A_155 = arith.addi %mul3A_0, %add3A_154 : i32
      "tpu.region"() ({
        %run_scoped3A = tpu.sem_alloc : memref<!tpu.dma_semaphore, #tpu.memory_space<semaphore_mem>>
        %dma_start3A_160 = tpu.memref_slice %arg4[%add3A_155] : memref<10240xf32, #tpu.memory_space<hbm>> -> memref<128xf32, #tpu.memory_space<hbm>>
        %dma_start3A_161 = tpu.memref_slice %arg4[%add3A_155] : memref<10240xf32, #tpu.memory_space<hbm>> -> memref<128xf32, #tpu.memory_space<hbm>>
        tpu.enqueue_dma source(%arg7 : memref<128xf32, #tpu.memory_space<vmem>>) target(%dma_start3A_161 : memref<128xf32, #tpu.memory_space<hbm>>) target_semaphore(%run_scoped3A : memref<!tpu.dma_semaphore, #tpu.memory_space<semaphore_mem>>)
        %dma_wait3A_162 = tpu.memref_slice %arg4[%add3A_155] : memref<10240xf32, #tpu.memory_space<hbm>> -> memref<128xf32, #tpu.memory_space<hbm>>
        %dma_wait3A_163 = tpu.memref_slice %arg4[%add3A_155] : memref<10240xf32, #tpu.memory_space<hbm>> -> memref<128xf32, #tpu.memory_space<hbm>>
        tpu.wait_dma2 semaphore(%run_scoped3A : memref<!tpu.dma_semaphore, #tpu.memory_space<semaphore_mem>>) src(%arg7 : memref<128xf32, #tpu.memory_space<vmem>>) dst(%dma_wait3A_163 : memref<128xf32, #tpu.memory_space<hbm>>)
        tpu.yield
      }) : () -> ()
      %add3A_156 = arith.constant 512 : i32
      %add3A_157 = arith.addi %mul3A_0, %add3A_156 : i32
      "tpu.region"() ({
        %run_scoped3A = tpu.sem_alloc : memref<!tpu.dma_semaphore, #tpu.memory_space<semaphore_mem>>
        %dma_start3A_160 = tpu.memref_slice %arg8[%add3A_157] : memref<10240xf32, #tpu.memory_space<vmem_shared>> -> memref<128xf32, #tpu.memory_space<vmem_shared>>
        %dma_start3A_161 = tpu.memref_slice %arg8[%add3A_157] : memref<10240xf32, #tpu.memory_space<vmem_shared>> -> memref<128xf32, #tpu.memory_space<vmem_shared>>
        tpu.enqueue_dma source(%dma_start3A_161 : memref<128xf32, #tpu.memory_space<vmem_shared>>) target(%arg7 : memref<128xf32, #tpu.memory_space<vmem>>) target_semaphore(%run_scoped3A : memref<!tpu.dma_semaphore, #tpu.memory_space<semaphore_mem>>)
        %dma_wait3A_162 = tpu.memref_slice %arg8[%add3A_157] : memref<10240xf32, #tpu.memory_space<vmem_shared>> -> memref<128xf32, #tpu.memory_space<vmem_shared>>
        %dma_wait3A_163 = tpu.memref_slice %arg8[%add3A_157] : memref<10240xf32, #tpu.memory_space<vmem_shared>> -> memref<128xf32, #tpu.memory_space<vmem_shared>>
        tpu.wait_dma2 semaphore(%run_scoped3A : memref<!tpu.dma_semaphore, #tpu.memory_space<semaphore_mem>>) src(%dma_wait3A_163 : memref<128xf32, #tpu.memory_space<vmem_shared>>) dst(%arg7 : memref<128xf32, #tpu.memory_space<vmem>>)
        tpu.yield
      }) : () -> ()
      %add3A_158 = arith.constant 512 : i32
      %add3A_159 = arith.addi %mul3A_0, %add3A_158 : i32
      "tpu.region"() ({
        %run_scoped3A = tpu.sem_alloc : memref<!tpu.dma_semaphore, #tpu.memory_space<semaphore_mem>>
        %dma_start3A_160 = tpu.memref_slice %arg4[%add3A_159] : memref<10240xf32, #tpu.memory_space<hbm>> -> memref<128xf32, #tpu.memory_space<hbm>>
        %dma_start3A_161 = tpu.memref_slice %arg4[%add3A_159] : memref<10240xf32, #tpu.memory_space<hbm>> -> memref<128xf32, #tpu.memory_space<hbm>>
        tpu.enqueue_dma source(%arg7 : memref<128xf32, #tpu.memory_space<vmem>>) target(%dma_start3A_161 : memref<128xf32, #tpu.memory_space<hbm>>) target_semaphore(%run_scoped3A : memref<!tpu.dma_semaphore, #tpu.memory_space<semaphore_mem>>)
        %dma_wait3A_162 = tpu.memref_slice %arg4[%add3A_159] : memref<10240xf32, #tpu.memory_space<hbm>> -> memref<128xf32, #tpu.memory_space<hbm>>
        %dma_wait3A_163 = tpu.memref_slice %arg4[%add3A_159] : memref<10240xf32, #tpu.memory_space<hbm>> -> memref<128xf32, #tpu.memory_space<hbm>>
        tpu.wait_dma2 semaphore(%run_scoped3A : memref<!tpu.dma_semaphore, #tpu.memory_space<semaphore_mem>>) src(%arg7 : memref<128xf32, #tpu.memory_space<vmem>>) dst(%dma_wait3A_163 : memref<128xf32, #tpu.memory_space<hbm>>)
        tpu.yield
      }) : () -> ()
    } else {
    }
    return
  }
}

#map = affine_map<(d0, d1) -> (0, 0)>
#map1 = affine_map<(d0, d1) -> (0, 0, 0)>
module attributes {stable_mosaic.version = 14 : i64} {
  func.func @_sc_prop(%arg0: i32, %arg1: i32, %arg2: memref<10000x128xf32, #tpu.memory_space<hbm>>, %arg3: memref<2560x125xi32, #tpu.memory_space<hbm>>, %arg4: memref<2560x125xi32, #tpu.memory_space<hbm>>, %arg5: memref<2x10240x128xf32, #tpu.memory_space<hbm>>, %arg6: memref<80x125xi32, #tpu.memory_space<vmem>>, %arg7: memref<125xi32, #tpu.memory_space<vmem>>, %arg8: memref<125xi32, #tpu.memory_space<vmem>>, %arg9: memref<128x128xf32, #tpu.memory_space<vmem>>, %arg10: memref<128x128xf32, #tpu.memory_space<vmem>>, %arg11: memref<10240x128xf32, #tpu.memory_space<vmem_shared>>, %arg12: memref<!tpu.dma_semaphore, #tpu.memory_space<semaphore_mem>>, %arg13: memref<!tpu.dma_semaphore, #tpu.memory_space<semaphore_mem>>, %arg14: memref<!tpu.dma_semaphore, #tpu.memory_space<semaphore_mem>>, %arg15: memref<!tpu.dma_semaphore, #tpu.memory_space<semaphore_mem>>, %arg16: memref<!tpu.dma_semaphore, #tpu.memory_space<semaphore_mem>>, %arg17: memref<!tpu.dma_semaphore, #tpu.memory_space<semaphore_mem>>) attributes {dimension_semantics = [#tpu.dimension_semantics<core_parallel>, #tpu.dimension_semantics<subcore_parallel>], iteration_bounds = array<i64: 2, 16>, scalar_prefetch = 0 : i64, scratch_operands = 12 : i64, tpu.core_type = #tpu.core_type<sc_vector_subcore>, window_params = [{transform_indices = #map}, {transform_indices = #map}, {transform_indices = #map}, {transform_indices = #map1}]} {
    %mul3A = arith.constant 640 : i32
    %mul3A_0 = arith.muli %arg1, %mul3A : i32
    %mul3A_1 = arith.constant 2 : i32
    %mul3A_2 = arith.muli %arg1, %mul3A_1 : i32
    %add3A = arith.addi %mul3A_2, %arg0 : i32
    %mul3A_3 = arith.constant 80 : i32
    %mul3A_4 = arith.muli %add3A, %mul3A_3 : i32
    "tpu.region"() ({
      %run_scoped3A = tpu.sem_alloc : memref<!tpu.dma_semaphore, #tpu.memory_space<semaphore_mem>>
      %dma_start3A_85 = arith.constant 0 : i32
      %dma_start3A_86 = tpu.memref_slice %arg3[%mul3A_4, %dma_start3A_85] : memref<2560x125xi32, #tpu.memory_space<hbm>> -> memref<80x125xi32, #tpu.memory_space<hbm>>
      %dma_start3A_87 = arith.constant 0 : i32
      %dma_start3A_88 = tpu.memref_slice %arg3[%mul3A_4, %dma_start3A_87] : memref<2560x125xi32, #tpu.memory_space<hbm>> -> memref<80x125xi32, #tpu.memory_space<hbm>>
      tpu.enqueue_dma source(%dma_start3A_88 : memref<80x125xi32, #tpu.memory_space<hbm>>) target(%arg6 : memref<80x125xi32, #tpu.memory_space<vmem>>) target_semaphore(%run_scoped3A : memref<!tpu.dma_semaphore, #tpu.memory_space<semaphore_mem>>)
      %dma_wait3A_89 = arith.constant 0 : i32
      %dma_wait3A_90 = tpu.memref_slice %arg3[%mul3A_4, %dma_wait3A_89] : memref<2560x125xi32, #tpu.memory_space<hbm>> -> memref<80x125xi32, #tpu.memory_space<hbm>>
      %dma_wait3A_91 = arith.constant 0 : i32
      %dma_wait3A_92 = tpu.memref_slice %arg3[%mul3A_4, %dma_wait3A_91] : memref<2560x125xi32, #tpu.memory_space<hbm>> -> memref<80x125xi32, #tpu.memory_space<hbm>>
      tpu.wait_dma2 semaphore(%run_scoped3A : memref<!tpu.dma_semaphore, #tpu.memory_space<semaphore_mem>>) src(%dma_wait3A_92 : memref<80x125xi32, #tpu.memory_space<hbm>>) dst(%arg6 : memref<80x125xi32, #tpu.memory_space<vmem>>)
      tpu.yield
    }) : () -> ()
    %scan3A = arith.constant 0 : i32
    %scan3A_5 = arith.constant 0 : i32
    %scan3A_6 = arith.constant 128 : i32
    %scan3A_7 = arith.addi %scan3A_5, %scan3A_6 : i32
    %scan3A_8 = arith.constant 1 : i32
    scf.for %scan3A_85 = %scan3A_5 to %scan3A_7 step %scan3A_8  : i32 {
      %broadcast_in_dim3A = arith.constant 0.000000e+00 : f32
      %broadcast_in_dim3A_86 = vector.broadcast %broadcast_in_dim3A : f32 to vector<16xf32>
      %swap3A = arith.index_cast %scan3A_85 : i32 to index
      %swap3A_87 = arith.constant 0 : index
      %swap3A_88 = tpu.vector_load %arg9[%swap3A, %swap3A_87] {strides = array<i32>} : memref<128x128xf32, #tpu.memory_space<vmem>>, vector<1x16xf32>,
      %swap3A_89 = vector.shape_cast %swap3A_88 : vector<1x16xf32> to vector<16xf32>
      %swap3A_90 = vector.shape_cast %broadcast_in_dim3A_86 : vector<16xf32> to vector<1x16xf32>
      tpu.vector_store %arg9[%swap3A, %swap3A_87], %swap3A_90 {strides = array<i32>} : memref<128x128xf32, #tpu.memory_space<vmem>>, vector<1x16xf32>,
      %broadcast_in_dim3A_91 = arith.constant 0.000000e+00 : f32
      %broadcast_in_dim3A_92 = vector.broadcast %broadcast_in_dim3A_91 : f32 to vector<16xf32>
      %swap3A_93 = arith.index_cast %scan3A_85 : i32 to index
      %swap3A_94 = arith.constant 16 : index
      %swap3A_95 = tpu.vector_load %arg9[%swap3A_93, %swap3A_94] {strides = array<i32>} : memref<128x128xf32, #tpu.memory_space<vmem>>, vector<1x16xf32>,
      %swap3A_96 = vector.shape_cast %swap3A_95 : vector<1x16xf32> to vector<16xf32>
      %swap3A_97 = vector.shape_cast %broadcast_in_dim3A_92 : vector<16xf32> to vector<1x16xf32>
      tpu.vector_store %arg9[%swap3A_93, %swap3A_94], %swap3A_97 {strides = array<i32>} : memref<128x128xf32, #tpu.memory_space<vmem>>, vector<1x16xf32>,
      %broadcast_in_dim3A_98 = arith.constant 0.000000e+00 : f32
      %broadcast_in_dim3A_99 = vector.broadcast %broadcast_in_dim3A_98 : f32 to vector<16xf32>
      %swap3A_100 = arith.index_cast %scan3A_85 : i32 to index
      %swap3A_101 = arith.constant 32 : index
      %swap3A_102 = tpu.vector_load %arg9[%swap3A_100, %swap3A_101] {strides = array<i32>} : memref<128x128xf32, #tpu.memory_space<vmem>>, vector<1x16xf32>,
      %swap3A_103 = vector.shape_cast %swap3A_102 : vector<1x16xf32> to vector<16xf32>
      %swap3A_104 = vector.shape_cast %broadcast_in_dim3A_99 : vector<16xf32> to vector<1x16xf32>
      tpu.vector_store %arg9[%swap3A_100, %swap3A_101], %swap3A_104 {strides = array<i32>} : memref<128x128xf32, #tpu.memory_space<vmem>>, vector<1x16xf32>,
      %broadcast_in_dim3A_105 = arith.constant 0.000000e+00 : f32
      %broadcast_in_dim3A_106 = vector.broadcast %broadcast_in_dim3A_105 : f32 to vector<16xf32>
      %swap3A_107 = arith.index_cast %scan3A_85 : i32 to index
      %swap3A_108 = arith.constant 48 : index
      %swap3A_109 = tpu.vector_load %arg9[%swap3A_107, %swap3A_108] {strides = array<i32>} : memref<128x128xf32, #tpu.memory_space<vmem>>, vector<1x16xf32>,
      %swap3A_110 = vector.shape_cast %swap3A_109 : vector<1x16xf32> to vector<16xf32>
      %swap3A_111 = vector.shape_cast %broadcast_in_dim3A_106 : vector<16xf32> to vector<1x16xf32>
      tpu.vector_store %arg9[%swap3A_107, %swap3A_108], %swap3A_111 {strides = array<i32>} : memref<128x128xf32, #tpu.memory_space<vmem>>, vector<1x16xf32>,
      %broadcast_in_dim3A_112 = arith.constant 0.000000e+00 : f32
      %broadcast_in_dim3A_113 = vector.broadcast %broadcast_in_dim3A_112 : f32 to vector<16xf32>
      %swap3A_114 = arith.index_cast %scan3A_85 : i32 to index
      %swap3A_115 = arith.constant 64 : index
      %swap3A_116 = tpu.vector_load %arg9[%swap3A_114, %swap3A_115] {strides = array<i32>} : memref<128x128xf32, #tpu.memory_space<vmem>>, vector<1x16xf32>,
      %swap3A_117 = vector.shape_cast %swap3A_116 : vector<1x16xf32> to vector<16xf32>
      %swap3A_118 = vector.shape_cast %broadcast_in_dim3A_113 : vector<16xf32> to vector<1x16xf32>
      tpu.vector_store %arg9[%swap3A_114, %swap3A_115], %swap3A_118 {strides = array<i32>} : memref<128x128xf32, #tpu.memory_space<vmem>>, vector<1x16xf32>,
      %broadcast_in_dim3A_119 = arith.constant 0.000000e+00 : f32
      %broadcast_in_dim3A_120 = vector.broadcast %broadcast_in_dim3A_119 : f32 to vector<16xf32>
      %swap3A_121 = arith.index_cast %scan3A_85 : i32 to index
      %swap3A_122 = arith.constant 80 : index
      %swap3A_123 = tpu.vector_load %arg9[%swap3A_121, %swap3A_122] {strides = array<i32>} : memref<128x128xf32, #tpu.memory_space<vmem>>, vector<1x16xf32>,
      %swap3A_124 = vector.shape_cast %swap3A_123 : vector<1x16xf32> to vector<16xf32>
      %swap3A_125 = vector.shape_cast %broadcast_in_dim3A_120 : vector<16xf32> to vector<1x16xf32>
      tpu.vector_store %arg9[%swap3A_121, %swap3A_122], %swap3A_125 {strides = array<i32>} : memref<128x128xf32, #tpu.memory_space<vmem>>, vector<1x16xf32>,
      %broadcast_in_dim3A_126 = arith.constant 0.000000e+00 : f32
      %broadcast_in_dim3A_127 = vector.broadcast %broadcast_in_dim3A_126 : f32 to vector<16xf32>
      %swap3A_128 = arith.index_cast %scan3A_85 : i32 to index
      %swap3A_129 = arith.constant 96 : index
      %swap3A_130 = tpu.vector_load %arg9[%swap3A_128, %swap3A_129] {strides = array<i32>} : memref<128x128xf32, #tpu.memory_space<vmem>>, vector<1x16xf32>,
      %swap3A_131 = vector.shape_cast %swap3A_130 : vector<1x16xf32> to vector<16xf32>
      %swap3A_132 = vector.shape_cast %broadcast_in_dim3A_127 : vector<16xf32> to vector<1x16xf32>
      tpu.vector_store %arg9[%swap3A_128, %swap3A_129], %swap3A_132 {strides = array<i32>} : memref<128x128xf32, #tpu.memory_space<vmem>>, vector<1x16xf32>,
      %broadcast_in_dim3A_133 = arith.constant 0.000000e+00 : f32
      %broadcast_in_dim3A_134 = vector.broadcast %broadcast_in_dim3A_133 : f32 to vector<16xf32>
      %swap3A_135 = arith.index_cast %scan3A_85 : i32 to index
      %swap3A_136 = arith.constant 112 : index
      %swap3A_137 = tpu.vector_load %arg9[%swap3A_135, %swap3A_136] {strides = array<i32>} : memref<128x128xf32, #tpu.memory_space<vmem>>, vector<1x16xf32>,
      %swap3A_138 = vector.shape_cast %swap3A_137 : vector<1x16xf32> to vector<16xf32>
      %swap3A_139 = vector.shape_cast %broadcast_in_dim3A_134 : vector<16xf32> to vector<1x16xf32>
      tpu.vector_store %arg9[%swap3A_135, %swap3A_136], %swap3A_139 {strides = array<i32>} : memref<128x128xf32, #tpu.memory_space<vmem>>, vector<1x16xf32>,
    }
    %scan3A_9 = arith.constant 128 : i32
    %add3A_10 = arith.constant 0 : i32
    %add3A_11 = arith.addi %mul3A_0, %add3A_10 : i32
    %dma_start3A = arith.constant 0 : i32
    %dma_start3A_12 = tpu.memref_slice %arg11[%add3A_11, %dma_start3A] : memref<10240x128xf32, #tpu.memory_space<vmem_shared>> -> memref<128x128xf32, #tpu.memory_space<vmem_shared>>
    %dma_start3A_13 = arith.constant 0 : i32
    %dma_start3A_14 = tpu.memref_slice %arg11[%add3A_11, %dma_start3A_13] : memref<10240x128xf32, #tpu.memory_space<vmem_shared>> -> memref<128x128xf32, #tpu.memory_space<vmem_shared>>
    tpu.enqueue_dma source(%arg9 : memref<128x128xf32, #tpu.memory_space<vmem>>) target(%dma_start3A_14 : memref<128x128xf32, #tpu.memory_space<vmem_shared>>) target_semaphore(%arg14 : memref<!tpu.dma_semaphore, #tpu.memory_space<semaphore_mem>>)
    %add3A_15 = arith.constant 128 : i32
    %add3A_16 = arith.addi %mul3A_0, %add3A_15 : i32
    %dma_start3A_17 = arith.constant 0 : i32
    %dma_start3A_18 = tpu.memref_slice %arg11[%add3A_16, %dma_start3A_17] : memref<10240x128xf32, #tpu.memory_space<vmem_shared>> -> memref<128x128xf32, #tpu.memory_space<vmem_shared>>
    %dma_start3A_19 = arith.constant 0 : i32
    %dma_start3A_20 = tpu.memref_slice %arg11[%add3A_16, %dma_start3A_19] : memref<10240x128xf32, #tpu.memory_space<vmem_shared>> -> memref<128x128xf32, #tpu.memory_space<vmem_shared>>
    tpu.enqueue_dma source(%arg9 : memref<128x128xf32, #tpu.memory_space<vmem>>) target(%dma_start3A_20 : memref<128x128xf32, #tpu.memory_space<vmem_shared>>) target_semaphore(%arg14 : memref<!tpu.dma_semaphore, #tpu.memory_space<semaphore_mem>>)
    %add3A_21 = arith.constant 256 : i32
    %add3A_22 = arith.addi %mul3A_0, %add3A_21 : i32
    %dma_start3A_23 = arith.constant 0 : i32
    %dma_start3A_24 = tpu.memref_slice %arg11[%add3A_22, %dma_start3A_23] : memref<10240x128xf32, #tpu.memory_space<vmem_shared>> -> memref<128x128xf32, #tpu.memory_space<vmem_shared>>
    %dma_start3A_25 = arith.constant 0 : i32
    %dma_start3A_26 = tpu.memref_slice %arg11[%add3A_22, %dma_start3A_25] : memref<10240x128xf32, #tpu.memory_space<vmem_shared>> -> memref<128x128xf32, #tpu.memory_space<vmem_shared>>
    tpu.enqueue_dma source(%arg9 : memref<128x128xf32, #tpu.memory_space<vmem>>) target(%dma_start3A_26 : memref<128x128xf32, #tpu.memory_space<vmem_shared>>) target_semaphore(%arg14 : memref<!tpu.dma_semaphore, #tpu.memory_space<semaphore_mem>>)
    %add3A_27 = arith.constant 384 : i32
    %add3A_28 = arith.addi %mul3A_0, %add3A_27 : i32
    %dma_start3A_29 = arith.constant 0 : i32
    %dma_start3A_30 = tpu.memref_slice %arg11[%add3A_28, %dma_start3A_29] : memref<10240x128xf32, #tpu.memory_space<vmem_shared>> -> memref<128x128xf32, #tpu.memory_space<vmem_shared>>
    %dma_start3A_31 = arith.constant 0 : i32
    %dma_start3A_32 = tpu.memref_slice %arg11[%add3A_28, %dma_start3A_31] : memref<10240x128xf32, #tpu.memory_space<vmem_shared>> -> memref<128x128xf32, #tpu.memory_space<vmem_shared>>
    tpu.enqueue_dma source(%arg9 : memref<128x128xf32, #tpu.memory_space<vmem>>) target(%dma_start3A_32 : memref<128x128xf32, #tpu.memory_space<vmem_shared>>) target_semaphore(%arg14 : memref<!tpu.dma_semaphore, #tpu.memory_space<semaphore_mem>>)
    %add3A_33 = arith.constant 512 : i32
    %add3A_34 = arith.addi %mul3A_0, %add3A_33 : i32
    %dma_start3A_35 = arith.constant 0 : i32
    %dma_start3A_36 = tpu.memref_slice %arg11[%add3A_34, %dma_start3A_35] : memref<10240x128xf32, #tpu.memory_space<vmem_shared>> -> memref<128x128xf32, #tpu.memory_space<vmem_shared>>
    %dma_start3A_37 = arith.constant 0 : i32
    %dma_start3A_38 = tpu.memref_slice %arg11[%add3A_34, %dma_start3A_37] : memref<10240x128xf32, #tpu.memory_space<vmem_shared>> -> memref<128x128xf32, #tpu.memory_space<vmem_shared>>
    tpu.enqueue_dma source(%arg9 : memref<128x128xf32, #tpu.memory_space<vmem>>) target(%dma_start3A_38 : memref<128x128xf32, #tpu.memory_space<vmem_shared>>) target_semaphore(%arg14 : memref<!tpu.dma_semaphore, #tpu.memory_space<semaphore_mem>>)
    "tpu.region"() ({
      %run_scoped3A = tpu.sem_alloc : memref<!tpu.dma_semaphore, #tpu.memory_space<semaphore_mem>>
      %dma_start3A_85 = arith.constant 0 : i32
      %dma_start3A_86 = tpu.memref_slice %arg4[%mul3A_4, %dma_start3A_85] : memref<2560x125xi32, #tpu.memory_space<hbm>> -> memref<1x125xi32, #tpu.memory_space<hbm>>
      %dma_start3A_87 = tpu.memref_squeeze %dma_start3A_86 : memref<1x125xi32, #tpu.memory_space<hbm>> -> memref<125xi32, #tpu.memory_space<hbm>>
      %dma_start3A_88 = arith.constant 0 : i32
      %dma_start3A_89 = tpu.memref_slice %arg4[%mul3A_4, %dma_start3A_88] : memref<2560x125xi32, #tpu.memory_space<hbm>> -> memref<1x125xi32, #tpu.memory_space<hbm>>
      %dma_start3A_90 = tpu.memref_squeeze %dma_start3A_89 : memref<1x125xi32, #tpu.memory_space<hbm>> -> memref<125xi32, #tpu.memory_space<hbm>>
      tpu.enqueue_dma source(%dma_start3A_90 : memref<125xi32, #tpu.memory_space<hbm>>) target(%arg7 : memref<125xi32, #tpu.memory_space<vmem>>) target_semaphore(%run_scoped3A : memref<!tpu.dma_semaphore, #tpu.memory_space<semaphore_mem>>)
      %dma_wait3A_91 = arith.constant 0 : i32
      %dma_wait3A_92 = tpu.memref_slice %arg4[%mul3A_4, %dma_wait3A_91] : memref<2560x125xi32, #tpu.memory_space<hbm>> -> memref<1x125xi32, #tpu.memory_space<hbm>>
      %dma_wait3A_93 = tpu.memref_squeeze %dma_wait3A_92 : memref<1x125xi32, #tpu.memory_space<hbm>> -> memref<125xi32, #tpu.memory_space<hbm>>
      %dma_wait3A_94 = arith.constant 0 : i32
      %dma_wait3A_95 = tpu.memref_slice %arg4[%mul3A_4, %dma_wait3A_94] : memref<2560x125xi32, #tpu.memory_space<hbm>> -> memref<1x125xi32, #tpu.memory_space<hbm>>
      %dma_wait3A_96 = tpu.memref_squeeze %dma_wait3A_95 : memref<1x125xi32, #tpu.memory_space<hbm>> -> memref<125xi32, #tpu.memory_space<hbm>>
      tpu.wait_dma2 semaphore(%run_scoped3A : memref<!tpu.dma_semaphore, #tpu.memory_space<semaphore_mem>>) src(%dma_wait3A_96 : memref<125xi32, #tpu.memory_space<hbm>>) dst(%arg7 : memref<125xi32, #tpu.memory_space<vmem>>)
      tpu.yield
    }) : () -> ()
    %dma_start3A_39 = arith.constant 0 : i32
    %dma_start3A_40 = arith.constant 0 : i32
    %dma_start3A_41 = arith.constant 0 : i32
    %dma_start3A_42 = tpu.memref_slice %arg10[%dma_start3A_40, %dma_start3A_41] : memref<128x128xf32, #tpu.memory_space<vmem>> -> memref<125x128xf32, #tpu.memory_space<vmem>>
    %dma_start3A_43 = arith.constant 0 : i32
    %dma_start3A_44 = tpu.memref_slice %arg6[%dma_start3A_39, %dma_start3A_43] : memref<80x125xi32, #tpu.memory_space<vmem>> -> memref<1x125xi32, #tpu.memory_space<vmem>>
    %dma_start3A_45 = tpu.memref_squeeze %dma_start3A_44 : memref<1x125xi32, #tpu.memory_space<vmem>> -> memref<125xi32, #tpu.memory_space<vmem>>
    %dma_start3A_46 = arith.constant 0 : i32
    %dma_start3A_47 = arith.constant 0 : i32
    %dma_start3A_48 = tpu.memref_slice %arg2[%dma_start3A_46, %dma_start3A_47] : memref<10000x128xf32, #tpu.memory_space<hbm>> -> memref<10000x128xf32, #tpu.memory_space<hbm>>
    tpu.enqueue_indirect_dma source(%dma_start3A_48 : memref<10000x128xf32, #tpu.memory_space<hbm>>) target(%dma_start3A_42 : memref<125x128xf32, #tpu.memory_space<vmem>>) offsets(%dma_start3A_45 : memref<125xi32, #tpu.memory_space<vmem>>) semaphore(%arg13 : memref<!tpu.dma_semaphore, #tpu.memory_space<semaphore_mem>>)
    %dma_wait3A = arith.constant 0 : i32
    %dma_wait3A_49 = tpu.memref_slice %arg11[%add3A_11, %dma_wait3A] : memref<10240x128xf32, #tpu.memory_space<vmem_shared>> -> memref<128x128xf32, #tpu.memory_space<vmem_shared>>
    %dma_wait3A_50 = arith.constant 0 : i32
    %dma_wait3A_51 = tpu.memref_slice %arg11[%add3A_11, %dma_wait3A_50] : memref<10240x128xf32, #tpu.memory_space<vmem_shared>> -> memref<128x128xf32, #tpu.memory_space<vmem_shared>>
    tpu.wait_dma2 semaphore(%arg14 : memref<!tpu.dma_semaphore, #tpu.memory_space<semaphore_mem>>) src(%arg9 : memref<128x128xf32, #tpu.memory_space<vmem>>) dst(%dma_wait3A_51 : memref<128x128xf32, #tpu.memory_space<vmem_shared>>)
    %dma_wait3A_52 = arith.constant 0 : i32
    %dma_wait3A_53 = tpu.memref_slice %arg11[%add3A_16, %dma_wait3A_52] : memref<10240x128xf32, #tpu.memory_space<vmem_shared>> -> memref<128x128xf32, #tpu.memory_space<vmem_shared>>
    %dma_wait3A_54 = arith.constant 0 : i32
    %dma_wait3A_55 = tpu.memref_slice %arg11[%add3A_16, %dma_wait3A_54] : memref<10240x128xf32, #tpu.memory_space<vmem_shared>> -> memref<128x128xf32, #tpu.memory_space<vmem_shared>>
    tpu.wait_dma2 semaphore(%arg14 : memref<!tpu.dma_semaphore, #tpu.memory_space<semaphore_mem>>) src(%arg9 : memref<128x128xf32, #tpu.memory_space<vmem>>) dst(%dma_wait3A_55 : memref<128x128xf32, #tpu.memory_space<vmem_shared>>)
    %dma_wait3A_56 = arith.constant 0 : i32
    %dma_wait3A_57 = tpu.memref_slice %arg11[%add3A_22, %dma_wait3A_56] : memref<10240x128xf32, #tpu.memory_space<vmem_shared>> -> memref<128x128xf32, #tpu.memory_space<vmem_shared>>
    %dma_wait3A_58 = arith.constant 0 : i32
    %dma_wait3A_59 = tpu.memref_slice %arg11[%add3A_22, %dma_wait3A_58] : memref<10240x128xf32, #tpu.memory_space<vmem_shared>> -> memref<128x128xf32, #tpu.memory_space<vmem_shared>>
    tpu.wait_dma2 semaphore(%arg14 : memref<!tpu.dma_semaphore, #tpu.memory_space<semaphore_mem>>) src(%arg9 : memref<128x128xf32, #tpu.memory_space<vmem>>) dst(%dma_wait3A_59 : memref<128x128xf32, #tpu.memory_space<vmem_shared>>)
    %dma_wait3A_60 = arith.constant 0 : i32
    %dma_wait3A_61 = tpu.memref_slice %arg11[%add3A_28, %dma_wait3A_60] : memref<10240x128xf32, #tpu.memory_space<vmem_shared>> -> memref<128x128xf32, #tpu.memory_space<vmem_shared>>
    %dma_wait3A_62 = arith.constant 0 : i32
    %dma_wait3A_63 = tpu.memref_slice %arg11[%add3A_28, %dma_wait3A_62] : memref<10240x128xf32, #tpu.memory_space<vmem_shared>> -> memref<128x128xf32, #tpu.memory_space<vmem_shared>>
    tpu.wait_dma2 semaphore(%arg14 : memref<!tpu.dma_semaphore, #tpu.memory_space<semaphore_mem>>) src(%arg9 : memref<128x128xf32, #tpu.memory_space<vmem>>) dst(%dma_wait3A_63 : memref<128x128xf32, #tpu.memory_space<vmem_shared>>)
    %dma_wait3A_64 = arith.constant 0 : i32
    %dma_wait3A_65 = tpu.memref_slice %arg11[%add3A_34, %dma_wait3A_64] : memref<10240x128xf32, #tpu.memory_space<vmem_shared>> -> memref<128x128xf32, #tpu.memory_space<vmem_shared>>
    %dma_wait3A_66 = arith.constant 0 : i32
    %dma_wait3A_67 = tpu.memref_slice %arg11[%add3A_34, %dma_wait3A_66] : memref<10240x128xf32, #tpu.memory_space<vmem_shared>> -> memref<128x128xf32, #tpu.memory_space<vmem_shared>>
    tpu.wait_dma2 semaphore(%arg14 : memref<!tpu.dma_semaphore, #tpu.memory_space<semaphore_mem>>) src(%arg9 : memref<128x128xf32, #tpu.memory_space<vmem>>) dst(%dma_wait3A_67 : memref<128x128xf32, #tpu.memory_space<vmem_shared>>)
    %barrier3A = arith.constant 0 : index
    tpu.barrier barrier_id(%barrier3A)
    %dma_wait3A_68 = arith.constant 0 : i32
    %dma_wait3A_69 = arith.constant 0 : i32
    %dma_wait3A_70 = arith.constant 0 : i32
    %dma_wait3A_71 = tpu.memref_slice %arg10[%dma_wait3A_69, %dma_wait3A_70] : memref<128x128xf32, #tpu.memory_space<vmem>> -> memref<125x128xf32, #tpu.memory_space<vmem>>
    %dma_wait3A_72 = arith.constant 0 : i32
    %dma_wait3A_73 = tpu.memref_slice %arg6[%dma_wait3A_68, %dma_wait3A_72] : memref<80x125xi32, #tpu.memory_space<vmem>> -> memref<1x125xi32, #tpu.memory_space<vmem>>
    %dma_wait3A_74 = tpu.memref_squeeze %dma_wait3A_73 : memref<1x125xi32, #tpu.memory_space<vmem>> -> memref<125xi32, #tpu.memory_space<vmem>>
    %dma_wait3A_75 = arith.constant 0 : i32
    %dma_wait3A_76 = arith.constant 0 : i32
    %dma_wait3A_77 = tpu.memref_slice %arg2[%dma_wait3A_75, %dma_wait3A_76] : memref<10000x128xf32, #tpu.memory_space<hbm>> -> memref<10000x128xf32, #tpu.memory_space<hbm>>
    tpu.wait_indirect_dma semaphore(%arg13 : memref<!tpu.dma_semaphore, #tpu.memory_space<semaphore_mem>>) src(%dma_wait3A_77 : memref<10000x128xf32, #tpu.memory_space<hbm>>) dst(%dma_wait3A_71 : memref<125x128xf32, #tpu.memory_space<vmem>>)
    %scan3A_78 = arith.constant 0 : i32
    %scan3A_79 = arith.constant 0 : i32
    %scan3A_80 = arith.constant 40 : i32
    %scan3A_81 = arith.addi %scan3A_79, %scan3A_80 : i32
    %scan3A_82 = arith.constant 1 : i32
    scf.for %scan3A_85 = %scan3A_79 to %scan3A_81 step %scan3A_82  : i32 {
      %mul3A_86 = arith.constant 2 : i32
      %mul3A_87 = arith.muli %mul3A_86, %scan3A_85 : i32
      %add3A_88 = arith.addi %mul3A_4, %mul3A_87 : i32
      %add3A_89 = arith.constant 1 : i32
      %add3A_90 = arith.addi %add3A_88, %add3A_89 : i32
      %dma_start3A_91 = arith.constant 0 : i32
      %dma_start3A_92 = tpu.memref_slice %arg4[%add3A_90, %dma_start3A_91] : memref<2560x125xi32, #tpu.memory_space<hbm>> -> memref<1x125xi32, #tpu.memory_space<hbm>>
      %dma_start3A_93 = tpu.memref_squeeze %dma_start3A_92 : memref<1x125xi32, #tpu.memory_space<hbm>> -> memref<125xi32, #tpu.memory_space<hbm>>
      %dma_start3A_94 = arith.constant 0 : i32
      %dma_start3A_95 = tpu.memref_slice %arg4[%add3A_90, %dma_start3A_94] : memref<2560x125xi32, #tpu.memory_space<hbm>> -> memref<1x125xi32, #tpu.memory_space<hbm>>
      %dma_start3A_96 = tpu.memref_squeeze %dma_start3A_95 : memref<1x125xi32, #tpu.memory_space<hbm>> -> memref<125xi32, #tpu.memory_space<hbm>>
      tpu.enqueue_dma source(%dma_start3A_96 : memref<125xi32, #tpu.memory_space<hbm>>) target(%arg8 : memref<125xi32, #tpu.memory_space<vmem>>) target_semaphore(%arg15 : memref<!tpu.dma_semaphore, #tpu.memory_space<semaphore_mem>>)
      %dma_start3A_97 = arith.constant 0 : i32
      %dma_start3A_98 = arith.constant 0 : i32
      %dma_start3A_99 = tpu.memref_slice %arg10[%dma_start3A_97, %dma_start3A_98] : memref<128x128xf32, #tpu.memory_space<vmem>> -> memref<125x128xf32, #tpu.memory_space<vmem>>
      %dma_start3A_100 = arith.constant 0 : i32
      %dma_start3A_101 = arith.constant 0 : i32
      %dma_start3A_102 = tpu.memref_slice %arg11[%dma_start3A_100, %dma_start3A_101] : memref<10240x128xf32, #tpu.memory_space<vmem_shared>> -> memref<10240x128xf32, #tpu.memory_space<vmem_shared>>
      tpu.enqueue_indirect_dma source(%dma_start3A_99 : memref<125x128xf32, #tpu.memory_space<vmem>>) target(%dma_start3A_102 : memref<10240x128xf32, #tpu.memory_space<vmem_shared>>) offsets(%arg7 : memref<125xi32, #tpu.memory_space<vmem>>) semaphore(%arg16 : memref<!tpu.dma_semaphore, #tpu.memory_space<semaphore_mem>>) {add = true}
      %add3A_103 = arith.constant 1 : i32
      %add3A_104 = arith.addi %mul3A_87, %add3A_103 : i32
      %dma_start3A_105 = arith.constant 0 : i32
      %dma_start3A_106 = arith.constant 0 : i32
      %dma_start3A_107 = tpu.memref_slice %arg9[%dma_start3A_105, %dma_start3A_106] : memref<128x128xf32, #tpu.memory_space<vmem>> -> memref<125x128xf32, #tpu.memory_space<vmem>>
      %dma_start3A_108 = arith.constant 0 : i32
      %dma_start3A_109 = tpu.memref_slice %arg6[%add3A_104, %dma_start3A_108] : memref<80x125xi32, #tpu.memory_space<vmem>> -> memref<1x125xi32, #tpu.memory_space<vmem>>
      %dma_start3A_110 = tpu.memref_squeeze %dma_start3A_109 : memref<1x125xi32, #tpu.memory_space<vmem>> -> memref<125xi32, #tpu.memory_space<vmem>>
      %dma_start3A_111 = arith.constant 0 : i32
      %dma_start3A_112 = arith.constant 0 : i32
      %dma_start3A_113 = tpu.memref_slice %arg2[%dma_start3A_111, %dma_start3A_112] : memref<10000x128xf32, #tpu.memory_space<hbm>> -> memref<10000x128xf32, #tpu.memory_space<hbm>>
      tpu.enqueue_indirect_dma source(%dma_start3A_113 : memref<10000x128xf32, #tpu.memory_space<hbm>>) target(%dma_start3A_107 : memref<125x128xf32, #tpu.memory_space<vmem>>) offsets(%dma_start3A_110 : memref<125xi32, #tpu.memory_space<vmem>>) semaphore(%arg12 : memref<!tpu.dma_semaphore, #tpu.memory_space<semaphore_mem>>)
      %dma_wait3A_114 = arith.constant 0 : i32
      %dma_wait3A_115 = tpu.memref_slice %arg4[%add3A_90, %dma_wait3A_114] : memref<2560x125xi32, #tpu.memory_space<hbm>> -> memref<1x125xi32, #tpu.memory_space<hbm>>
      %dma_wait3A_116 = tpu.memref_squeeze %dma_wait3A_115 : memref<1x125xi32, #tpu.memory_space<hbm>> -> memref<125xi32, #tpu.memory_space<hbm>>
      %dma_wait3A_117 = arith.constant 0 : i32
      %dma_wait3A_118 = tpu.memref_slice %arg4[%add3A_90, %dma_wait3A_117] : memref<2560x125xi32, #tpu.memory_space<hbm>> -> memref<1x125xi32, #tpu.memory_space<hbm>>
      %dma_wait3A_119 = tpu.memref_squeeze %dma_wait3A_118 : memref<1x125xi32, #tpu.memory_space<hbm>> -> memref<125xi32, #tpu.memory_space<hbm>>
      tpu.wait_dma2 semaphore(%arg15 : memref<!tpu.dma_semaphore, #tpu.memory_space<semaphore_mem>>) src(%dma_wait3A_119 : memref<125xi32, #tpu.memory_space<hbm>>) dst(%arg8 : memref<125xi32, #tpu.memory_space<vmem>>)
      %dma_wait3A_120 = arith.constant 0 : i32
      %dma_wait3A_121 = arith.constant 0 : i32
      %dma_wait3A_122 = tpu.memref_slice %arg9[%dma_wait3A_120, %dma_wait3A_121] : memref<128x128xf32, #tpu.memory_space<vmem>> -> memref<125x128xf32, #tpu.memory_space<vmem>>
      %dma_wait3A_123 = arith.constant 0 : i32
      %dma_wait3A_124 = tpu.memref_slice %arg6[%add3A_104, %dma_wait3A_123] : memref<80x125xi32, #tpu.memory_space<vmem>> -> memref<1x125xi32, #tpu.memory_space<vmem>>
      %dma_wait3A_125 = tpu.memref_squeeze %dma_wait3A_124 : memref<1x125xi32, #tpu.memory_space<vmem>> -> memref<125xi32, #tpu.memory_space<vmem>>
      %dma_wait3A_126 = arith.constant 0 : i32
      %dma_wait3A_127 = arith.constant 0 : i32
      %dma_wait3A_128 = tpu.memref_slice %arg2[%dma_wait3A_126, %dma_wait3A_127] : memref<10000x128xf32, #tpu.memory_space<hbm>> -> memref<10000x128xf32, #tpu.memory_space<hbm>>
      tpu.wait_indirect_dma semaphore(%arg12 : memref<!tpu.dma_semaphore, #tpu.memory_space<semaphore_mem>>) src(%dma_wait3A_128 : memref<10000x128xf32, #tpu.memory_space<hbm>>) dst(%dma_wait3A_122 : memref<125x128xf32, #tpu.memory_space<vmem>>)
      %dma_start3A_129 = arith.constant 0 : i32
      %dma_start3A_130 = arith.constant 0 : i32
      %dma_start3A_131 = tpu.memref_slice %arg9[%dma_start3A_129, %dma_start3A_130] : memref<128x128xf32, #tpu.memory_space<vmem>> -> memref<125x128xf32, #tpu.memory_space<vmem>>
      %dma_start3A_132 = arith.constant 0 : i32
      %dma_start3A_133 = arith.constant 0 : i32
      %dma_start3A_134 = tpu.memref_slice %arg11[%dma_start3A_132, %dma_start3A_133] : memref<10240x128xf32, #tpu.memory_space<vmem_shared>> -> memref<10240x128xf32, #tpu.memory_space<vmem_shared>>
      tpu.enqueue_indirect_dma source(%dma_start3A_131 : memref<125x128xf32, #tpu.memory_space<vmem>>) target(%dma_start3A_134 : memref<10240x128xf32, #tpu.memory_space<vmem_shared>>) offsets(%arg8 : memref<125xi32, #tpu.memory_space<vmem>>) semaphore(%arg17 : memref<!tpu.dma_semaphore, #tpu.memory_space<semaphore_mem>>) {add = true}
      %dma_wait3A_135 = arith.constant 0 : i32
      %dma_wait3A_136 = arith.constant 0 : i32
      %dma_wait3A_137 = tpu.memref_slice %arg10[%dma_wait3A_135, %dma_wait3A_136] : memref<128x128xf32, #tpu.memory_space<vmem>> -> memref<125x128xf32, #tpu.memory_space<vmem>>
      %dma_wait3A_138 = arith.constant 0 : i32
      %dma_wait3A_139 = arith.constant 0 : i32
      %dma_wait3A_140 = tpu.memref_slice %arg11[%dma_wait3A_138, %dma_wait3A_139] : memref<10240x128xf32, #tpu.memory_space<vmem_shared>> -> memref<10240x128xf32, #tpu.memory_space<vmem_shared>>
      tpu.wait_indirect_dma semaphore(%arg16 : memref<!tpu.dma_semaphore, #tpu.memory_space<semaphore_mem>>) src(%dma_wait3A_137 : memref<125x128xf32, #tpu.memory_space<vmem>>) dst(%dma_wait3A_140 : memref<10240x128xf32, #tpu.memory_space<vmem_shared>>)
      %lt3A = arith.constant 39 : i32
      %lt3A_141 = arith.cmpi slt, %scan3A_85, %lt3A : i32
      %convert_element_type3A = arith.extui %lt3A_141 : i1 to i32
      %cond3A = arith.constant 0 : i32
      %cond3A_142 = arith.cmpi ne, %convert_element_type3A, %cond3A : i32
      scf.if %cond3A_142 {
        %add3A_149 = arith.addi %mul3A_4, %mul3A_87 : i32
        %add3A_150 = arith.constant 2 : i32
        %add3A_151 = arith.addi %add3A_149, %add3A_150 : i32
        %dma_start3A_152 = arith.constant 0 : i32
        %dma_start3A_153 = tpu.memref_slice %arg4[%add3A_151, %dma_start3A_152] : memref<2560x125xi32, #tpu.memory_space<hbm>> -> memref<1x125xi32, #tpu.memory_space<hbm>>
        %dma_start3A_154 = tpu.memref_squeeze %dma_start3A_153 : memref<1x125xi32, #tpu.memory_space<hbm>> -> memref<125xi32, #tpu.memory_space<hbm>>
        %dma_start3A_155 = arith.constant 0 : i32
        %dma_start3A_156 = tpu.memref_slice %arg4[%add3A_151, %dma_start3A_155] : memref<2560x125xi32, #tpu.memory_space<hbm>> -> memref<1x125xi32, #tpu.memory_space<hbm>>
        %dma_start3A_157 = tpu.memref_squeeze %dma_start3A_156 : memref<1x125xi32, #tpu.memory_space<hbm>> -> memref<125xi32, #tpu.memory_space<hbm>>
        tpu.enqueue_dma source(%dma_start3A_157 : memref<125xi32, #tpu.memory_space<hbm>>) target(%arg7 : memref<125xi32, #tpu.memory_space<vmem>>) target_semaphore(%arg14 : memref<!tpu.dma_semaphore, #tpu.memory_space<semaphore_mem>>)
        %add3A_158 = arith.constant 2 : i32
        %add3A_159 = arith.addi %mul3A_87, %add3A_158 : i32
        %dma_start3A_160 = arith.constant 0 : i32
        %dma_start3A_161 = arith.constant 0 : i32
        %dma_start3A_162 = tpu.memref_slice %arg10[%dma_start3A_160, %dma_start3A_161] : memref<128x128xf32, #tpu.memory_space<vmem>> -> memref<125x128xf32, #tpu.memory_space<vmem>>
        %dma_start3A_163 = arith.constant 0 : i32
        %dma_start3A_164 = tpu.memref_slice %arg6[%add3A_159, %dma_start3A_163] : memref<80x125xi32, #tpu.memory_space<vmem>> -> memref<1x125xi32, #tpu.memory_space<vmem>>
        %dma_start3A_165 = tpu.memref_squeeze %dma_start3A_164 : memref<1x125xi32, #tpu.memory_space<vmem>> -> memref<125xi32, #tpu.memory_space<vmem>>
        %dma_start3A_166 = arith.constant 0 : i32
        %dma_start3A_167 = arith.constant 0 : i32
        %dma_start3A_168 = tpu.memref_slice %arg2[%dma_start3A_166, %dma_start3A_167] : memref<10000x128xf32, #tpu.memory_space<hbm>> -> memref<10000x128xf32, #tpu.memory_space<hbm>>
        tpu.enqueue_indirect_dma source(%dma_start3A_168 : memref<10000x128xf32, #tpu.memory_space<hbm>>) target(%dma_start3A_162 : memref<125x128xf32, #tpu.memory_space<vmem>>) offsets(%dma_start3A_165 : memref<125xi32, #tpu.memory_space<vmem>>) semaphore(%arg13 : memref<!tpu.dma_semaphore, #tpu.memory_space<semaphore_mem>>)
        %dma_wait3A_169 = arith.constant 0 : i32
        %dma_wait3A_170 = tpu.memref_slice %arg4[%add3A_151, %dma_wait3A_169] : memref<2560x125xi32, #tpu.memory_space<hbm>> -> memref<1x125xi32, #tpu.memory_space<hbm>>
        %dma_wait3A_171 = tpu.memref_squeeze %dma_wait3A_170 : memref<1x125xi32, #tpu.memory_space<hbm>> -> memref<125xi32, #tpu.memory_space<hbm>>
        %dma_wait3A_172 = arith.constant 0 : i32
        %dma_wait3A_173 = tpu.memref_slice %arg4[%add3A_151, %dma_wait3A_172] : memref<2560x125xi32, #tpu.memory_space<hbm>> -> memref<1x125xi32, #tpu.memory_space<hbm>>
        %dma_wait3A_174 = tpu.memref_squeeze %dma_wait3A_173 : memref<1x125xi32, #tpu.memory_space<hbm>> -> memref<125xi32, #tpu.memory_space<hbm>>
        tpu.wait_dma2 semaphore(%arg14 : memref<!tpu.dma_semaphore, #tpu.memory_space<semaphore_mem>>) src(%dma_wait3A_174 : memref<125xi32, #tpu.memory_space<hbm>>) dst(%arg7 : memref<125xi32, #tpu.memory_space<vmem>>)
        %dma_wait3A_175 = arith.constant 0 : i32
        %dma_wait3A_176 = arith.constant 0 : i32
        %dma_wait3A_177 = tpu.memref_slice %arg10[%dma_wait3A_175, %dma_wait3A_176] : memref<128x128xf32, #tpu.memory_space<vmem>> -> memref<125x128xf32, #tpu.memory_space<vmem>>
        %dma_wait3A_178 = arith.constant 0 : i32
        %dma_wait3A_179 = tpu.memref_slice %arg6[%add3A_159, %dma_wait3A_178] : memref<80x125xi32, #tpu.memory_space<vmem>> -> memref<1x125xi32, #tpu.memory_space<vmem>>
        %dma_wait3A_180 = tpu.memref_squeeze %dma_wait3A_179 : memref<1x125xi32, #tpu.memory_space<vmem>> -> memref<125xi32, #tpu.memory_space<vmem>>
        %dma_wait3A_181 = arith.constant 0 : i32
        %dma_wait3A_182 = arith.constant 0 : i32
        %dma_wait3A_183 = tpu.memref_slice %arg2[%dma_wait3A_181, %dma_wait3A_182] : memref<10000x128xf32, #tpu.memory_space<hbm>> -> memref<10000x128xf32, #tpu.memory_space<hbm>>
        tpu.wait_indirect_dma semaphore(%arg13 : memref<!tpu.dma_semaphore, #tpu.memory_space<semaphore_mem>>) src(%dma_wait3A_183 : memref<10000x128xf32, #tpu.memory_space<hbm>>) dst(%dma_wait3A_177 : memref<125x128xf32, #tpu.memory_space<vmem>>)
      } else {
      }
      %dma_wait3A_143 = arith.constant 0 : i32
      %dma_wait3A_144 = arith.constant 0 : i32
      %dma_wait3A_145 = tpu.memref_slice %arg9[%dma_wait3A_143, %dma_wait3A_144] : memref<128x128xf32, #tpu.memory_space<vmem>> -> memref<125x128xf32, #tpu.memory_space<vmem>>
      %dma_wait3A_146 = arith.constant 0 : i32
      %dma_wait3A_147 = arith.constant 0 : i32
      %dma_wait3A_148 = tpu.memref_slice %arg11[%dma_wait3A_146, %dma_wait3A_147] : memref<10240x128xf32, #tpu.memory_space<vmem_shared>> -> memref<10240x128xf32, #tpu.memory_space<vmem_shared>>
      tpu.wait_indirect_dma semaphore(%arg17 : memref<!tpu.dma_semaphore, #tpu.memory_space<semaphore_mem>>) src(%dma_wait3A_145 : memref<125x128xf32, #tpu.memory_space<vmem>>) dst(%dma_wait3A_148 : memref<10240x128xf32, #tpu.memory_space<vmem_shared>>)
    }
    %scan3A_83 = arith.constant 40 : i32
    %barrier3A_84 = arith.constant 0 : index
    tpu.barrier barrier_id(%barrier3A_84)
    "tpu.region"() ({
      %run_scoped3A = tpu.sem_alloc : memref<!tpu.dma_semaphore, #tpu.memory_space<semaphore_mem>>
      %dma_start3A_85 = arith.constant 0 : i32
      %dma_start3A_86 = tpu.memref_slice %arg5[%arg0, %mul3A_0, %dma_start3A_85] : memref<2x10240x128xf32, #tpu.memory_space<hbm>> -> memref<1x640x128xf32, #tpu.memory_space<hbm>>
      %dma_start3A_87 = tpu.memref_squeeze %dma_start3A_86 : memref<1x640x128xf32, #tpu.memory_space<hbm>> -> memref<640x128xf32, #tpu.memory_space<hbm>>
      %dma_start3A_88 = arith.constant 0 : i32
      %dma_start3A_89 = tpu.memref_slice %arg11[%mul3A_0, %dma_start3A_88] : memref<10240x128xf32, #tpu.memory_space<vmem_shared>> -> memref<640x128xf32, #tpu.memory_space<vmem_shared>>
      tpu.enqueue_dma source(%dma_start3A_89 : memref<640x128xf32, #tpu.memory_space<vmem_shared>>) target(%dma_start3A_87 : memref<640x128xf32, #tpu.memory_space<hbm>>) target_semaphore(%run_scoped3A : memref<!tpu.dma_semaphore, #tpu.memory_space<semaphore_mem>>)
      %dma_wait3A_90 = arith.constant 0 : i32
      %dma_wait3A_91 = tpu.memref_slice %arg5[%arg0, %mul3A_0, %dma_wait3A_90] : memref<2x10240x128xf32, #tpu.memory_space<hbm>> -> memref<1x640x128xf32, #tpu.memory_space<hbm>>
      %dma_wait3A_92 = tpu.memref_squeeze %dma_wait3A_91 : memref<1x640x128xf32, #tpu.memory_space<hbm>> -> memref<640x128xf32, #tpu.memory_space<hbm>>
      %dma_wait3A_93 = arith.constant 0 : i32
      %dma_wait3A_94 = tpu.memref_slice %arg11[%mul3A_0, %dma_wait3A_93] : memref<10240x128xf32, #tpu.memory_space<vmem_shared>> -> memref<640x128xf32, #tpu.memory_space<vmem_shared>>
      tpu.wait_dma2 semaphore(%run_scoped3A : memref<!tpu.dma_semaphore, #tpu.memory_space<semaphore_mem>>) src(%dma_wait3A_94 : memref<640x128xf32, #tpu.memory_space<vmem_shared>>) dst(%dma_wait3A_92 : memref<640x128xf32, #tpu.memory_space<hbm>>)
      tpu.yield
    }) : () -> ()
    return
  }
}

#map = affine_map<(d0, d1) -> (0, 0)>
#map1 = affine_map<(d0, d1) -> (0, 0, 0)>
module attributes {stable_mosaic.version = 14 : i64} {
  func.func @_sc_prop(%arg0: i32, %arg1: i32, %arg2: memref<10000x128xf32, #tpu.memory_space<hbm>>, %arg3: memref<2560x125xi32, #tpu.memory_space<hbm>>, %arg4: memref<2560x125xi32, #tpu.memory_space<hbm>>, %arg5: memref<2x10240x128xf32, #tpu.memory_space<hbm>>, %arg6: memref<80x125xi32, #tpu.memory_space<vmem>>, %arg7: memref<125xi32, #tpu.memory_space<vmem>>, %arg8: memref<125xi32, #tpu.memory_space<vmem>>, %arg9: memref<128x128xf32, #tpu.memory_space<vmem>>, %arg10: memref<128x128xf32, #tpu.memory_space<vmem>>, %arg11: memref<10240x128xf32, #tpu.memory_space<vmem_shared>>, %arg12: memref<!tpu.dma_semaphore, #tpu.memory_space<semaphore_mem>>, %arg13: memref<!tpu.dma_semaphore, #tpu.memory_space<semaphore_mem>>, %arg14: memref<!tpu.dma_semaphore, #tpu.memory_space<semaphore_mem>>, %arg15: memref<!tpu.dma_semaphore, #tpu.memory_space<semaphore_mem>>, %arg16: memref<!tpu.dma_semaphore, #tpu.memory_space<semaphore_mem>>, %arg17: memref<!tpu.dma_semaphore, #tpu.memory_space<semaphore_mem>>) attributes {dimension_semantics = [#tpu.dimension_semantics<core_parallel>, #tpu.dimension_semantics<subcore_parallel>], iteration_bounds = array<i64: 2, 16>, scalar_prefetch = 0 : i64, scratch_operands = 12 : i64, tpu.core_type = #tpu.core_type<sc_vector_subcore>, window_params = [{transform_indices = #map}, {transform_indices = #map}, {transform_indices = #map}, {transform_indices = #map1}]} {
    %mul3A = arith.constant 640 : i32
    %mul3A_0 = arith.muli %arg1, %mul3A : i32
    %mul3A_1 = arith.constant 2 : i32
    %mul3A_2 = arith.muli %arg1, %mul3A_1 : i32
    %add3A = arith.addi %mul3A_2, %arg0 : i32
    %mul3A_3 = arith.constant 80 : i32
    %mul3A_4 = arith.muli %add3A, %mul3A_3 : i32
    "tpu.region"() ({
      %run_scoped3A = tpu.sem_alloc : memref<!tpu.dma_semaphore, #tpu.memory_space<semaphore_mem>>
      %dma_start3A_85 = arith.constant 0 : i32
      %dma_start3A_86 = tpu.memref_slice %arg3[%mul3A_4, %dma_start3A_85] : memref<2560x125xi32, #tpu.memory_space<hbm>> -> memref<80x125xi32, #tpu.memory_space<hbm>>
      %dma_start3A_87 = arith.constant 0 : i32
      %dma_start3A_88 = tpu.memref_slice %arg3[%mul3A_4, %dma_start3A_87] : memref<2560x125xi32, #tpu.memory_space<hbm>> -> memref<80x125xi32, #tpu.memory_space<hbm>>
      tpu.enqueue_dma source(%dma_start3A_88 : memref<80x125xi32, #tpu.memory_space<hbm>>) target(%arg6 : memref<80x125xi32, #tpu.memory_space<vmem>>) target_semaphore(%run_scoped3A : memref<!tpu.dma_semaphore, #tpu.memory_space<semaphore_mem>>)
      %dma_wait3A_89 = arith.constant 0 : i32
      %dma_wait3A_90 = tpu.memref_slice %arg3[%mul3A_4, %dma_wait3A_89] : memref<2560x125xi32, #tpu.memory_space<hbm>> -> memref<80x125xi32, #tpu.memory_space<hbm>>
      %dma_wait3A_91 = arith.constant 0 : i32
      %dma_wait3A_92 = tpu.memref_slice %arg3[%mul3A_4, %dma_wait3A_91] : memref<2560x125xi32, #tpu.memory_space<hbm>> -> memref<80x125xi32, #tpu.memory_space<hbm>>
      tpu.wait_dma2 semaphore(%run_scoped3A : memref<!tpu.dma_semaphore, #tpu.memory_space<semaphore_mem>>) src(%dma_wait3A_92 : memref<80x125xi32, #tpu.memory_space<hbm>>) dst(%arg6 : memref<80x125xi32, #tpu.memory_space<vmem>>)
      tpu.yield
    }) : () -> ()
    %scan3A = arith.constant 0 : i32
    %scan3A_5 = arith.constant 0 : i32
    %scan3A_6 = arith.constant 128 : i32
    %scan3A_7 = arith.addi %scan3A_5, %scan3A_6 : i32
    %scan3A_8 = arith.constant 1 : i32
    scf.for %scan3A_85 = %scan3A_5 to %scan3A_7 step %scan3A_8  : i32 {
      %broadcast_in_dim3A = arith.constant 0.000000e+00 : f32
      %broadcast_in_dim3A_86 = vector.broadcast %broadcast_in_dim3A : f32 to vector<16xf32>
      %swap3A = arith.index_cast %scan3A_85 : i32 to index
      %swap3A_87 = arith.constant 0 : index
      %swap3A_88 = tpu.vector_load %arg9[%swap3A, %swap3A_87] {strides = array<i32>} : memref<128x128xf32, #tpu.memory_space<vmem>>, vector<1x16xf32>,
      %swap3A_89 = vector.shape_cast %swap3A_88 : vector<1x16xf32> to vector<16xf32>
      %swap3A_90 = vector.shape_cast %broadcast_in_dim3A_86 : vector<16xf32> to vector<1x16xf32>
      tpu.vector_store %arg9[%swap3A, %swap3A_87], %swap3A_90 {strides = array<i32>} : memref<128x128xf32, #tpu.memory_space<vmem>>, vector<1x16xf32>,
      %broadcast_in_dim3A_91 = arith.constant 0.000000e+00 : f32
      %broadcast_in_dim3A_92 = vector.broadcast %broadcast_in_dim3A_91 : f32 to vector<16xf32>
      %swap3A_93 = arith.index_cast %scan3A_85 : i32 to index
      %swap3A_94 = arith.constant 16 : index
      %swap3A_95 = tpu.vector_load %arg9[%swap3A_93, %swap3A_94] {strides = array<i32>} : memref<128x128xf32, #tpu.memory_space<vmem>>, vector<1x16xf32>,
      %swap3A_96 = vector.shape_cast %swap3A_95 : vector<1x16xf32> to vector<16xf32>
      %swap3A_97 = vector.shape_cast %broadcast_in_dim3A_92 : vector<16xf32> to vector<1x16xf32>
      tpu.vector_store %arg9[%swap3A_93, %swap3A_94], %swap3A_97 {strides = array<i32>} : memref<128x128xf32, #tpu.memory_space<vmem>>, vector<1x16xf32>,
      %broadcast_in_dim3A_98 = arith.constant 0.000000e+00 : f32
      %broadcast_in_dim3A_99 = vector.broadcast %broadcast_in_dim3A_98 : f32 to vector<16xf32>
      %swap3A_100 = arith.index_cast %scan3A_85 : i32 to index
      %swap3A_101 = arith.constant 32 : index
      %swap3A_102 = tpu.vector_load %arg9[%swap3A_100, %swap3A_101] {strides = array<i32>} : memref<128x128xf32, #tpu.memory_space<vmem>>, vector<1x16xf32>,
      %swap3A_103 = vector.shape_cast %swap3A_102 : vector<1x16xf32> to vector<16xf32>
      %swap3A_104 = vector.shape_cast %broadcast_in_dim3A_99 : vector<16xf32> to vector<1x16xf32>
      tpu.vector_store %arg9[%swap3A_100, %swap3A_101], %swap3A_104 {strides = array<i32>} : memref<128x128xf32, #tpu.memory_space<vmem>>, vector<1x16xf32>,
      %broadcast_in_dim3A_105 = arith.constant 0.000000e+00 : f32
      %broadcast_in_dim3A_106 = vector.broadcast %broadcast_in_dim3A_105 : f32 to vector<16xf32>
      %swap3A_107 = arith.index_cast %scan3A_85 : i32 to index
      %swap3A_108 = arith.constant 48 : index
      %swap3A_109 = tpu.vector_load %arg9[%swap3A_107, %swap3A_108] {strides = array<i32>} : memref<128x128xf32, #tpu.memory_space<vmem>>, vector<1x16xf32>,
      %swap3A_110 = vector.shape_cast %swap3A_109 : vector<1x16xf32> to vector<16xf32>
      %swap3A_111 = vector.shape_cast %broadcast_in_dim3A_106 : vector<16xf32> to vector<1x16xf32>
      tpu.vector_store %arg9[%swap3A_107, %swap3A_108], %swap3A_111 {strides = array<i32>} : memref<128x128xf32, #tpu.memory_space<vmem>>, vector<1x16xf32>,
      %broadcast_in_dim3A_112 = arith.constant 0.000000e+00 : f32
      %broadcast_in_dim3A_113 = vector.broadcast %broadcast_in_dim3A_112 : f32 to vector<16xf32>
      %swap3A_114 = arith.index_cast %scan3A_85 : i32 to index
      %swap3A_115 = arith.constant 64 : index
      %swap3A_116 = tpu.vector_load %arg9[%swap3A_114, %swap3A_115] {strides = array<i32>} : memref<128x128xf32, #tpu.memory_space<vmem>>, vector<1x16xf32>,
      %swap3A_117 = vector.shape_cast %swap3A_116 : vector<1x16xf32> to vector<16xf32>
      %swap3A_118 = vector.shape_cast %broadcast_in_dim3A_113 : vector<16xf32> to vector<1x16xf32>
      tpu.vector_store %arg9[%swap3A_114, %swap3A_115], %swap3A_118 {strides = array<i32>} : memref<128x128xf32, #tpu.memory_space<vmem>>, vector<1x16xf32>,
      %broadcast_in_dim3A_119 = arith.constant 0.000000e+00 : f32
      %broadcast_in_dim3A_120 = vector.broadcast %broadcast_in_dim3A_119 : f32 to vector<16xf32>
      %swap3A_121 = arith.index_cast %scan3A_85 : i32 to index
      %swap3A_122 = arith.constant 80 : index
      %swap3A_123 = tpu.vector_load %arg9[%swap3A_121, %swap3A_122] {strides = array<i32>} : memref<128x128xf32, #tpu.memory_space<vmem>>, vector<1x16xf32>,
      %swap3A_124 = vector.shape_cast %swap3A_123 : vector<1x16xf32> to vector<16xf32>
      %swap3A_125 = vector.shape_cast %broadcast_in_dim3A_120 : vector<16xf32> to vector<1x16xf32>
      tpu.vector_store %arg9[%swap3A_121, %swap3A_122], %swap3A_125 {strides = array<i32>} : memref<128x128xf32, #tpu.memory_space<vmem>>, vector<1x16xf32>,
      %broadcast_in_dim3A_126 = arith.constant 0.000000e+00 : f32
      %broadcast_in_dim3A_127 = vector.broadcast %broadcast_in_dim3A_126 : f32 to vector<16xf32>
      %swap3A_128 = arith.index_cast %scan3A_85 : i32 to index
      %swap3A_129 = arith.constant 96 : index
      %swap3A_130 = tpu.vector_load %arg9[%swap3A_128, %swap3A_129] {strides = array<i32>} : memref<128x128xf32, #tpu.memory_space<vmem>>, vector<1x16xf32>,
      %swap3A_131 = vector.shape_cast %swap3A_130 : vector<1x16xf32> to vector<16xf32>
      %swap3A_132 = vector.shape_cast %broadcast_in_dim3A_127 : vector<16xf32> to vector<1x16xf32>
      tpu.vector_store %arg9[%swap3A_128, %swap3A_129], %swap3A_132 {strides = array<i32>} : memref<128x128xf32, #tpu.memory_space<vmem>>, vector<1x16xf32>,
      %broadcast_in_dim3A_133 = arith.constant 0.000000e+00 : f32
      %broadcast_in_dim3A_134 = vector.broadcast %broadcast_in_dim3A_133 : f32 to vector<16xf32>
      %swap3A_135 = arith.index_cast %scan3A_85 : i32 to index
      %swap3A_136 = arith.constant 112 : index
      %swap3A_137 = tpu.vector_load %arg9[%swap3A_135, %swap3A_136] {strides = array<i32>} : memref<128x128xf32, #tpu.memory_space<vmem>>, vector<1x16xf32>,
      %swap3A_138 = vector.shape_cast %swap3A_137 : vector<1x16xf32> to vector<16xf32>
      %swap3A_139 = vector.shape_cast %broadcast_in_dim3A_134 : vector<16xf32> to vector<1x16xf32>
      tpu.vector_store %arg9[%swap3A_135, %swap3A_136], %swap3A_139 {strides = array<i32>} : memref<128x128xf32, #tpu.memory_space<vmem>>, vector<1x16xf32>,
    }
    %scan3A_9 = arith.constant 128 : i32
    %add3A_10 = arith.constant 0 : i32
    %add3A_11 = arith.addi %mul3A_0, %add3A_10 : i32
    %dma_start3A = arith.constant 0 : i32
    %dma_start3A_12 = tpu.memref_slice %arg11[%add3A_11, %dma_start3A] : memref<10240x128xf32, #tpu.memory_space<vmem_shared>> -> memref<128x128xf32, #tpu.memory_space<vmem_shared>>
    %dma_start3A_13 = arith.constant 0 : i32
    %dma_start3A_14 = tpu.memref_slice %arg11[%add3A_11, %dma_start3A_13] : memref<10240x128xf32, #tpu.memory_space<vmem_shared>> -> memref<128x128xf32, #tpu.memory_space<vmem_shared>>
    tpu.enqueue_dma source(%arg9 : memref<128x128xf32, #tpu.memory_space<vmem>>) target(%dma_start3A_14 : memref<128x128xf32, #tpu.memory_space<vmem_shared>>) target_semaphore(%arg14 : memref<!tpu.dma_semaphore, #tpu.memory_space<semaphore_mem>>)
    %add3A_15 = arith.constant 128 : i32
    %add3A_16 = arith.addi %mul3A_0, %add3A_15 : i32
    %dma_start3A_17 = arith.constant 0 : i32
    %dma_start3A_18 = tpu.memref_slice %arg11[%add3A_16, %dma_start3A_17] : memref<10240x128xf32, #tpu.memory_space<vmem_shared>> -> memref<128x128xf32, #tpu.memory_space<vmem_shared>>
    %dma_start3A_19 = arith.constant 0 : i32
    %dma_start3A_20 = tpu.memref_slice %arg11[%add3A_16, %dma_start3A_19] : memref<10240x128xf32, #tpu.memory_space<vmem_shared>> -> memref<128x128xf32, #tpu.memory_space<vmem_shared>>
    tpu.enqueue_dma source(%arg9 : memref<128x128xf32, #tpu.memory_space<vmem>>) target(%dma_start3A_20 : memref<128x128xf32, #tpu.memory_space<vmem_shared>>) target_semaphore(%arg14 : memref<!tpu.dma_semaphore, #tpu.memory_space<semaphore_mem>>)
    %add3A_21 = arith.constant 256 : i32
    %add3A_22 = arith.addi %mul3A_0, %add3A_21 : i32
    %dma_start3A_23 = arith.constant 0 : i32
    %dma_start3A_24 = tpu.memref_slice %arg11[%add3A_22, %dma_start3A_23] : memref<10240x128xf32, #tpu.memory_space<vmem_shared>> -> memref<128x128xf32, #tpu.memory_space<vmem_shared>>
    %dma_start3A_25 = arith.constant 0 : i32
    %dma_start3A_26 = tpu.memref_slice %arg11[%add3A_22, %dma_start3A_25] : memref<10240x128xf32, #tpu.memory_space<vmem_shared>> -> memref<128x128xf32, #tpu.memory_space<vmem_shared>>
    tpu.enqueue_dma source(%arg9 : memref<128x128xf32, #tpu.memory_space<vmem>>) target(%dma_start3A_26 : memref<128x128xf32, #tpu.memory_space<vmem_shared>>) target_semaphore(%arg14 : memref<!tpu.dma_semaphore, #tpu.memory_space<semaphore_mem>>)
    %add3A_27 = arith.constant 384 : i32
    %add3A_28 = arith.addi %mul3A_0, %add3A_27 : i32
    %dma_start3A_29 = arith.constant 0 : i32
    %dma_start3A_30 = tpu.memref_slice %arg11[%add3A_28, %dma_start3A_29] : memref<10240x128xf32, #tpu.memory_space<vmem_shared>> -> memref<128x128xf32, #tpu.memory_space<vmem_shared>>
    %dma_start3A_31 = arith.constant 0 : i32
    %dma_start3A_32 = tpu.memref_slice %arg11[%add3A_28, %dma_start3A_31] : memref<10240x128xf32, #tpu.memory_space<vmem_shared>> -> memref<128x128xf32, #tpu.memory_space<vmem_shared>>
    tpu.enqueue_dma source(%arg9 : memref<128x128xf32, #tpu.memory_space<vmem>>) target(%dma_start3A_32 : memref<128x128xf32, #tpu.memory_space<vmem_shared>>) target_semaphore(%arg14 : memref<!tpu.dma_semaphore, #tpu.memory_space<semaphore_mem>>)
    %add3A_33 = arith.constant 512 : i32
    %add3A_34 = arith.addi %mul3A_0, %add3A_33 : i32
    %dma_start3A_35 = arith.constant 0 : i32
    %dma_start3A_36 = tpu.memref_slice %arg11[%add3A_34, %dma_start3A_35] : memref<10240x128xf32, #tpu.memory_space<vmem_shared>> -> memref<128x128xf32, #tpu.memory_space<vmem_shared>>
    %dma_start3A_37 = arith.constant 0 : i32
    %dma_start3A_38 = tpu.memref_slice %arg11[%add3A_34, %dma_start3A_37] : memref<10240x128xf32, #tpu.memory_space<vmem_shared>> -> memref<128x128xf32, #tpu.memory_space<vmem_shared>>
    tpu.enqueue_dma source(%arg9 : memref<128x128xf32, #tpu.memory_space<vmem>>) target(%dma_start3A_38 : memref<128x128xf32, #tpu.memory_space<vmem_shared>>) target_semaphore(%arg14 : memref<!tpu.dma_semaphore, #tpu.memory_space<semaphore_mem>>)
    "tpu.region"() ({
      %run_scoped3A = tpu.sem_alloc : memref<!tpu.dma_semaphore, #tpu.memory_space<semaphore_mem>>
      %dma_start3A_85 = arith.constant 0 : i32
      %dma_start3A_86 = tpu.memref_slice %arg4[%mul3A_4, %dma_start3A_85] : memref<2560x125xi32, #tpu.memory_space<hbm>> -> memref<1x125xi32, #tpu.memory_space<hbm>>
      %dma_start3A_87 = tpu.memref_squeeze %dma_start3A_86 : memref<1x125xi32, #tpu.memory_space<hbm>> -> memref<125xi32, #tpu.memory_space<hbm>>
      %dma_start3A_88 = arith.constant 0 : i32
      %dma_start3A_89 = tpu.memref_slice %arg4[%mul3A_4, %dma_start3A_88] : memref<2560x125xi32, #tpu.memory_space<hbm>> -> memref<1x125xi32, #tpu.memory_space<hbm>>
      %dma_start3A_90 = tpu.memref_squeeze %dma_start3A_89 : memref<1x125xi32, #tpu.memory_space<hbm>> -> memref<125xi32, #tpu.memory_space<hbm>>
      tpu.enqueue_dma source(%dma_start3A_90 : memref<125xi32, #tpu.memory_space<hbm>>) target(%arg7 : memref<125xi32, #tpu.memory_space<vmem>>) target_semaphore(%run_scoped3A : memref<!tpu.dma_semaphore, #tpu.memory_space<semaphore_mem>>)
      %dma_wait3A_91 = arith.constant 0 : i32
      %dma_wait3A_92 = tpu.memref_slice %arg4[%mul3A_4, %dma_wait3A_91] : memref<2560x125xi32, #tpu.memory_space<hbm>> -> memref<1x125xi32, #tpu.memory_space<hbm>>
      %dma_wait3A_93 = tpu.memref_squeeze %dma_wait3A_92 : memref<1x125xi32, #tpu.memory_space<hbm>> -> memref<125xi32, #tpu.memory_space<hbm>>
      %dma_wait3A_94 = arith.constant 0 : i32
      %dma_wait3A_95 = tpu.memref_slice %arg4[%mul3A_4, %dma_wait3A_94] : memref<2560x125xi32, #tpu.memory_space<hbm>> -> memref<1x125xi32, #tpu.memory_space<hbm>>
      %dma_wait3A_96 = tpu.memref_squeeze %dma_wait3A_95 : memref<1x125xi32, #tpu.memory_space<hbm>> -> memref<125xi32, #tpu.memory_space<hbm>>
      tpu.wait_dma2 semaphore(%run_scoped3A : memref<!tpu.dma_semaphore, #tpu.memory_space<semaphore_mem>>) src(%dma_wait3A_96 : memref<125xi32, #tpu.memory_space<hbm>>) dst(%arg7 : memref<125xi32, #tpu.memory_space<vmem>>)
      tpu.yield
    }) : () -> ()
    %dma_start3A_39 = arith.constant 0 : i32
    %dma_start3A_40 = arith.constant 0 : i32
    %dma_start3A_41 = arith.constant 0 : i32
    %dma_start3A_42 = tpu.memref_slice %arg10[%dma_start3A_40, %dma_start3A_41] : memref<128x128xf32, #tpu.memory_space<vmem>> -> memref<125x128xf32, #tpu.memory_space<vmem>>
    %dma_start3A_43 = arith.constant 0 : i32
    %dma_start3A_44 = tpu.memref_slice %arg6[%dma_start3A_39, %dma_start3A_43] : memref<80x125xi32, #tpu.memory_space<vmem>> -> memref<1x125xi32, #tpu.memory_space<vmem>>
    %dma_start3A_45 = tpu.memref_squeeze %dma_start3A_44 : memref<1x125xi32, #tpu.memory_space<vmem>> -> memref<125xi32, #tpu.memory_space<vmem>>
    %dma_start3A_46 = arith.constant 0 : i32
    %dma_start3A_47 = arith.constant 0 : i32
    %dma_start3A_48 = tpu.memref_slice %arg2[%dma_start3A_46, %dma_start3A_47] : memref<10000x128xf32, #tpu.memory_space<hbm>> -> memref<10000x128xf32, #tpu.memory_space<hbm>>
    tpu.enqueue_indirect_dma source(%dma_start3A_48 : memref<10000x128xf32, #tpu.memory_space<hbm>>) target(%dma_start3A_42 : memref<125x128xf32, #tpu.memory_space<vmem>>) offsets(%dma_start3A_45 : memref<125xi32, #tpu.memory_space<vmem>>) semaphore(%arg13 : memref<!tpu.dma_semaphore, #tpu.memory_space<semaphore_mem>>)
    %dma_wait3A = arith.constant 0 : i32
    %dma_wait3A_49 = tpu.memref_slice %arg11[%add3A_11, %dma_wait3A] : memref<10240x128xf32, #tpu.memory_space<vmem_shared>> -> memref<128x128xf32, #tpu.memory_space<vmem_shared>>
    %dma_wait3A_50 = arith.constant 0 : i32
    %dma_wait3A_51 = tpu.memref_slice %arg11[%add3A_11, %dma_wait3A_50] : memref<10240x128xf32, #tpu.memory_space<vmem_shared>> -> memref<128x128xf32, #tpu.memory_space<vmem_shared>>
    tpu.wait_dma2 semaphore(%arg14 : memref<!tpu.dma_semaphore, #tpu.memory_space<semaphore_mem>>) src(%arg9 : memref<128x128xf32, #tpu.memory_space<vmem>>) dst(%dma_wait3A_51 : memref<128x128xf32, #tpu.memory_space<vmem_shared>>)
    %dma_wait3A_52 = arith.constant 0 : i32
    %dma_wait3A_53 = tpu.memref_slice %arg11[%add3A_16, %dma_wait3A_52] : memref<10240x128xf32, #tpu.memory_space<vmem_shared>> -> memref<128x128xf32, #tpu.memory_space<vmem_shared>>
    %dma_wait3A_54 = arith.constant 0 : i32
    %dma_wait3A_55 = tpu.memref_slice %arg11[%add3A_16, %dma_wait3A_54] : memref<10240x128xf32, #tpu.memory_space<vmem_shared>> -> memref<128x128xf32, #tpu.memory_space<vmem_shared>>
    tpu.wait_dma2 semaphore(%arg14 : memref<!tpu.dma_semaphore, #tpu.memory_space<semaphore_mem>>) src(%arg9 : memref<128x128xf32, #tpu.memory_space<vmem>>) dst(%dma_wait3A_55 : memref<128x128xf32, #tpu.memory_space<vmem_shared>>)
    %dma_wait3A_56 = arith.constant 0 : i32
    %dma_wait3A_57 = tpu.memref_slice %arg11[%add3A_22, %dma_wait3A_56] : memref<10240x128xf32, #tpu.memory_space<vmem_shared>> -> memref<128x128xf32, #tpu.memory_space<vmem_shared>>
    %dma_wait3A_58 = arith.constant 0 : i32
    %dma_wait3A_59 = tpu.memref_slice %arg11[%add3A_22, %dma_wait3A_58] : memref<10240x128xf32, #tpu.memory_space<vmem_shared>> -> memref<128x128xf32, #tpu.memory_space<vmem_shared>>
    tpu.wait_dma2 semaphore(%arg14 : memref<!tpu.dma_semaphore, #tpu.memory_space<semaphore_mem>>) src(%arg9 : memref<128x128xf32, #tpu.memory_space<vmem>>) dst(%dma_wait3A_59 : memref<128x128xf32, #tpu.memory_space<vmem_shared>>)
    %dma_wait3A_60 = arith.constant 0 : i32
    %dma_wait3A_61 = tpu.memref_slice %arg11[%add3A_28, %dma_wait3A_60] : memref<10240x128xf32, #tpu.memory_space<vmem_shared>> -> memref<128x128xf32, #tpu.memory_space<vmem_shared>>
    %dma_wait3A_62 = arith.constant 0 : i32
    %dma_wait3A_63 = tpu.memref_slice %arg11[%add3A_28, %dma_wait3A_62] : memref<10240x128xf32, #tpu.memory_space<vmem_shared>> -> memref<128x128xf32, #tpu.memory_space<vmem_shared>>
    tpu.wait_dma2 semaphore(%arg14 : memref<!tpu.dma_semaphore, #tpu.memory_space<semaphore_mem>>) src(%arg9 : memref<128x128xf32, #tpu.memory_space<vmem>>) dst(%dma_wait3A_63 : memref<128x128xf32, #tpu.memory_space<vmem_shared>>)
    %dma_wait3A_64 = arith.constant 0 : i32
    %dma_wait3A_65 = tpu.memref_slice %arg11[%add3A_34, %dma_wait3A_64] : memref<10240x128xf32, #tpu.memory_space<vmem_shared>> -> memref<128x128xf32, #tpu.memory_space<vmem_shared>>
    %dma_wait3A_66 = arith.constant 0 : i32
    %dma_wait3A_67 = tpu.memref_slice %arg11[%add3A_34, %dma_wait3A_66] : memref<10240x128xf32, #tpu.memory_space<vmem_shared>> -> memref<128x128xf32, #tpu.memory_space<vmem_shared>>
    tpu.wait_dma2 semaphore(%arg14 : memref<!tpu.dma_semaphore, #tpu.memory_space<semaphore_mem>>) src(%arg9 : memref<128x128xf32, #tpu.memory_space<vmem>>) dst(%dma_wait3A_67 : memref<128x128xf32, #tpu.memory_space<vmem_shared>>)
    %barrier3A = arith.constant 0 : index
    tpu.barrier barrier_id(%barrier3A)
    %dma_wait3A_68 = arith.constant 0 : i32
    %dma_wait3A_69 = arith.constant 0 : i32
    %dma_wait3A_70 = arith.constant 0 : i32
    %dma_wait3A_71 = tpu.memref_slice %arg10[%dma_wait3A_69, %dma_wait3A_70] : memref<128x128xf32, #tpu.memory_space<vmem>> -> memref<125x128xf32, #tpu.memory_space<vmem>>
    %dma_wait3A_72 = arith.constant 0 : i32
    %dma_wait3A_73 = tpu.memref_slice %arg6[%dma_wait3A_68, %dma_wait3A_72] : memref<80x125xi32, #tpu.memory_space<vmem>> -> memref<1x125xi32, #tpu.memory_space<vmem>>
    %dma_wait3A_74 = tpu.memref_squeeze %dma_wait3A_73 : memref<1x125xi32, #tpu.memory_space<vmem>> -> memref<125xi32, #tpu.memory_space<vmem>>
    %dma_wait3A_75 = arith.constant 0 : i32
    %dma_wait3A_76 = arith.constant 0 : i32
    %dma_wait3A_77 = tpu.memref_slice %arg2[%dma_wait3A_75, %dma_wait3A_76] : memref<10000x128xf32, #tpu.memory_space<hbm>> -> memref<10000x128xf32, #tpu.memory_space<hbm>>
    tpu.wait_indirect_dma semaphore(%arg13 : memref<!tpu.dma_semaphore, #tpu.memory_space<semaphore_mem>>) src(%dma_wait3A_77 : memref<10000x128xf32, #tpu.memory_space<hbm>>) dst(%dma_wait3A_71 : memref<125x128xf32, #tpu.memory_space<vmem>>)
    %scan3A_78 = arith.constant 0 : i32
    %scan3A_79 = arith.constant 0 : i32
    %scan3A_80 = arith.constant 40 : i32
    %scan3A_81 = arith.addi %scan3A_79, %scan3A_80 : i32
    %scan3A_82 = arith.constant 1 : i32
    scf.for %scan3A_85 = %scan3A_79 to %scan3A_81 step %scan3A_82  : i32 {
      %mul3A_86 = arith.constant 2 : i32
      %mul3A_87 = arith.muli %mul3A_86, %scan3A_85 : i32
      %add3A_88 = arith.addi %mul3A_4, %mul3A_87 : i32
      %add3A_89 = arith.constant 1 : i32
      %add3A_90 = arith.addi %add3A_88, %add3A_89 : i32
      %dma_start3A_91 = arith.constant 0 : i32
      %dma_start3A_92 = tpu.memref_slice %arg4[%add3A_90, %dma_start3A_91] : memref<2560x125xi32, #tpu.memory_space<hbm>> -> memref<1x125xi32, #tpu.memory_space<hbm>>
      %dma_start3A_93 = tpu.memref_squeeze %dma_start3A_92 : memref<1x125xi32, #tpu.memory_space<hbm>> -> memref<125xi32, #tpu.memory_space<hbm>>
      %dma_start3A_94 = arith.constant 0 : i32
      %dma_start3A_95 = tpu.memref_slice %arg4[%add3A_90, %dma_start3A_94] : memref<2560x125xi32, #tpu.memory_space<hbm>> -> memref<1x125xi32, #tpu.memory_space<hbm>>
      %dma_start3A_96 = tpu.memref_squeeze %dma_start3A_95 : memref<1x125xi32, #tpu.memory_space<hbm>> -> memref<125xi32, #tpu.memory_space<hbm>>
      tpu.enqueue_dma source(%dma_start3A_96 : memref<125xi32, #tpu.memory_space<hbm>>) target(%arg8 : memref<125xi32, #tpu.memory_space<vmem>>) target_semaphore(%arg15 : memref<!tpu.dma_semaphore, #tpu.memory_space<semaphore_mem>>)
      %dma_start3A_97 = arith.constant 0 : i32
      %dma_start3A_98 = arith.constant 0 : i32
      %dma_start3A_99 = tpu.memref_slice %arg10[%dma_start3A_97, %dma_start3A_98] : memref<128x128xf32, #tpu.memory_space<vmem>> -> memref<125x128xf32, #tpu.memory_space<vmem>>
      %dma_start3A_100 = arith.constant 0 : i32
      %dma_start3A_101 = arith.constant 0 : i32
      %dma_start3A_102 = tpu.memref_slice %arg11[%dma_start3A_100, %dma_start3A_101] : memref<10240x128xf32, #tpu.memory_space<vmem_shared>> -> memref<10240x128xf32, #tpu.memory_space<vmem_shared>>
      tpu.enqueue_indirect_dma source(%dma_start3A_99 : memref<125x128xf32, #tpu.memory_space<vmem>>) target(%dma_start3A_102 : memref<10240x128xf32, #tpu.memory_space<vmem_shared>>) offsets(%arg7 : memref<125xi32, #tpu.memory_space<vmem>>) semaphore(%arg16 : memref<!tpu.dma_semaphore, #tpu.memory_space<semaphore_mem>>) {add = true}
      %add3A_103 = arith.constant 1 : i32
      %add3A_104 = arith.addi %mul3A_87, %add3A_103 : i32
      %dma_start3A_105 = arith.constant 0 : i32
      %dma_start3A_106 = arith.constant 0 : i32
      %dma_start3A_107 = tpu.memref_slice %arg9[%dma_start3A_105, %dma_start3A_106] : memref<128x128xf32, #tpu.memory_space<vmem>> -> memref<125x128xf32, #tpu.memory_space<vmem>>
      %dma_start3A_108 = arith.constant 0 : i32
      %dma_start3A_109 = tpu.memref_slice %arg6[%add3A_104, %dma_start3A_108] : memref<80x125xi32, #tpu.memory_space<vmem>> -> memref<1x125xi32, #tpu.memory_space<vmem>>
      %dma_start3A_110 = tpu.memref_squeeze %dma_start3A_109 : memref<1x125xi32, #tpu.memory_space<vmem>> -> memref<125xi32, #tpu.memory_space<vmem>>
      %dma_start3A_111 = arith.constant 0 : i32
      %dma_start3A_112 = arith.constant 0 : i32
      %dma_start3A_113 = tpu.memref_slice %arg2[%dma_start3A_111, %dma_start3A_112] : memref<10000x128xf32, #tpu.memory_space<hbm>> -> memref<10000x128xf32, #tpu.memory_space<hbm>>
      tpu.enqueue_indirect_dma source(%dma_start3A_113 : memref<10000x128xf32, #tpu.memory_space<hbm>>) target(%dma_start3A_107 : memref<125x128xf32, #tpu.memory_space<vmem>>) offsets(%dma_start3A_110 : memref<125xi32, #tpu.memory_space<vmem>>) semaphore(%arg12 : memref<!tpu.dma_semaphore, #tpu.memory_space<semaphore_mem>>)
      %dma_wait3A_114 = arith.constant 0 : i32
      %dma_wait3A_115 = tpu.memref_slice %arg4[%add3A_90, %dma_wait3A_114] : memref<2560x125xi32, #tpu.memory_space<hbm>> -> memref<1x125xi32, #tpu.memory_space<hbm>>
      %dma_wait3A_116 = tpu.memref_squeeze %dma_wait3A_115 : memref<1x125xi32, #tpu.memory_space<hbm>> -> memref<125xi32, #tpu.memory_space<hbm>>
      %dma_wait3A_117 = arith.constant 0 : i32
      %dma_wait3A_118 = tpu.memref_slice %arg4[%add3A_90, %dma_wait3A_117] : memref<2560x125xi32, #tpu.memory_space<hbm>> -> memref<1x125xi32, #tpu.memory_space<hbm>>
      %dma_wait3A_119 = tpu.memref_squeeze %dma_wait3A_118 : memref<1x125xi32, #tpu.memory_space<hbm>> -> memref<125xi32, #tpu.memory_space<hbm>>
      tpu.wait_dma2 semaphore(%arg15 : memref<!tpu.dma_semaphore, #tpu.memory_space<semaphore_mem>>) src(%dma_wait3A_119 : memref<125xi32, #tpu.memory_space<hbm>>) dst(%arg8 : memref<125xi32, #tpu.memory_space<vmem>>)
      %dma_wait3A_120 = arith.constant 0 : i32
      %dma_wait3A_121 = arith.constant 0 : i32
      %dma_wait3A_122 = tpu.memref_slice %arg9[%dma_wait3A_120, %dma_wait3A_121] : memref<128x128xf32, #tpu.memory_space<vmem>> -> memref<125x128xf32, #tpu.memory_space<vmem>>
      %dma_wait3A_123 = arith.constant 0 : i32
      %dma_wait3A_124 = tpu.memref_slice %arg6[%add3A_104, %dma_wait3A_123] : memref<80x125xi32, #tpu.memory_space<vmem>> -> memref<1x125xi32, #tpu.memory_space<vmem>>
      %dma_wait3A_125 = tpu.memref_squeeze %dma_wait3A_124 : memref<1x125xi32, #tpu.memory_space<vmem>> -> memref<125xi32, #tpu.memory_space<vmem>>
      %dma_wait3A_126 = arith.constant 0 : i32
      %dma_wait3A_127 = arith.constant 0 : i32
      %dma_wait3A_128 = tpu.memref_slice %arg2[%dma_wait3A_126, %dma_wait3A_127] : memref<10000x128xf32, #tpu.memory_space<hbm>> -> memref<10000x128xf32, #tpu.memory_space<hbm>>
      tpu.wait_indirect_dma semaphore(%arg12 : memref<!tpu.dma_semaphore, #tpu.memory_space<semaphore_mem>>) src(%dma_wait3A_128 : memref<10000x128xf32, #tpu.memory_space<hbm>>) dst(%dma_wait3A_122 : memref<125x128xf32, #tpu.memory_space<vmem>>)
      %dma_start3A_129 = arith.constant 0 : i32
      %dma_start3A_130 = arith.constant 0 : i32
      %dma_start3A_131 = tpu.memref_slice %arg9[%dma_start3A_129, %dma_start3A_130] : memref<128x128xf32, #tpu.memory_space<vmem>> -> memref<125x128xf32, #tpu.memory_space<vmem>>
      %dma_start3A_132 = arith.constant 0 : i32
      %dma_start3A_133 = arith.constant 0 : i32
      %dma_start3A_134 = tpu.memref_slice %arg11[%dma_start3A_132, %dma_start3A_133] : memref<10240x128xf32, #tpu.memory_space<vmem_shared>> -> memref<10240x128xf32, #tpu.memory_space<vmem_shared>>
      tpu.enqueue_indirect_dma source(%dma_start3A_131 : memref<125x128xf32, #tpu.memory_space<vmem>>) target(%dma_start3A_134 : memref<10240x128xf32, #tpu.memory_space<vmem_shared>>) offsets(%arg8 : memref<125xi32, #tpu.memory_space<vmem>>) semaphore(%arg17 : memref<!tpu.dma_semaphore, #tpu.memory_space<semaphore_mem>>) {add = true}
      %dma_wait3A_135 = arith.constant 0 : i32
      %dma_wait3A_136 = arith.constant 0 : i32
      %dma_wait3A_137 = tpu.memref_slice %arg10[%dma_wait3A_135, %dma_wait3A_136] : memref<128x128xf32, #tpu.memory_space<vmem>> -> memref<125x128xf32, #tpu.memory_space<vmem>>
      %dma_wait3A_138 = arith.constant 0 : i32
      %dma_wait3A_139 = arith.constant 0 : i32
      %dma_wait3A_140 = tpu.memref_slice %arg11[%dma_wait3A_138, %dma_wait3A_139] : memref<10240x128xf32, #tpu.memory_space<vmem_shared>> -> memref<10240x128xf32, #tpu.memory_space<vmem_shared>>
      tpu.wait_indirect_dma semaphore(%arg16 : memref<!tpu.dma_semaphore, #tpu.memory_space<semaphore_mem>>) src(%dma_wait3A_137 : memref<125x128xf32, #tpu.memory_space<vmem>>) dst(%dma_wait3A_140 : memref<10240x128xf32, #tpu.memory_space<vmem_shared>>)
      %lt3A = arith.constant 39 : i32
      %lt3A_141 = arith.cmpi slt, %scan3A_85, %lt3A : i32
      %convert_element_type3A = arith.extui %lt3A_141 : i1 to i32
      %cond3A = arith.constant 0 : i32
      %cond3A_142 = arith.cmpi ne, %convert_element_type3A, %cond3A : i32
      scf.if %cond3A_142 {
        %add3A_149 = arith.addi %mul3A_4, %mul3A_87 : i32
        %add3A_150 = arith.constant 2 : i32
        %add3A_151 = arith.addi %add3A_149, %add3A_150 : i32
        %dma_start3A_152 = arith.constant 0 : i32
        %dma_start3A_153 = tpu.memref_slice %arg4[%add3A_151, %dma_start3A_152] : memref<2560x125xi32, #tpu.memory_space<hbm>> -> memref<1x125xi32, #tpu.memory_space<hbm>>
        %dma_start3A_154 = tpu.memref_squeeze %dma_start3A_153 : memref<1x125xi32, #tpu.memory_space<hbm>> -> memref<125xi32, #tpu.memory_space<hbm>>
        %dma_start3A_155 = arith.constant 0 : i32
        %dma_start3A_156 = tpu.memref_slice %arg4[%add3A_151, %dma_start3A_155] : memref<2560x125xi32, #tpu.memory_space<hbm>> -> memref<1x125xi32, #tpu.memory_space<hbm>>
        %dma_start3A_157 = tpu.memref_squeeze %dma_start3A_156 : memref<1x125xi32, #tpu.memory_space<hbm>> -> memref<125xi32, #tpu.memory_space<hbm>>
        tpu.enqueue_dma source(%dma_start3A_157 : memref<125xi32, #tpu.memory_space<hbm>>) target(%arg7 : memref<125xi32, #tpu.memory_space<vmem>>) target_semaphore(%arg14 : memref<!tpu.dma_semaphore, #tpu.memory_space<semaphore_mem>>)
        %add3A_158 = arith.constant 2 : i32
        %add3A_159 = arith.addi %mul3A_87, %add3A_158 : i32
        %dma_start3A_160 = arith.constant 0 : i32
        %dma_start3A_161 = arith.constant 0 : i32
        %dma_start3A_162 = tpu.memref_slice %arg10[%dma_start3A_160, %dma_start3A_161] : memref<128x128xf32, #tpu.memory_space<vmem>> -> memref<125x128xf32, #tpu.memory_space<vmem>>
        %dma_start3A_163 = arith.constant 0 : i32
        %dma_start3A_164 = tpu.memref_slice %arg6[%add3A_159, %dma_start3A_163] : memref<80x125xi32, #tpu.memory_space<vmem>> -> memref<1x125xi32, #tpu.memory_space<vmem>>
        %dma_start3A_165 = tpu.memref_squeeze %dma_start3A_164 : memref<1x125xi32, #tpu.memory_space<vmem>> -> memref<125xi32, #tpu.memory_space<vmem>>
        %dma_start3A_166 = arith.constant 0 : i32
        %dma_start3A_167 = arith.constant 0 : i32
        %dma_start3A_168 = tpu.memref_slice %arg2[%dma_start3A_166, %dma_start3A_167] : memref<10000x128xf32, #tpu.memory_space<hbm>> -> memref<10000x128xf32, #tpu.memory_space<hbm>>
        tpu.enqueue_indirect_dma source(%dma_start3A_168 : memref<10000x128xf32, #tpu.memory_space<hbm>>) target(%dma_start3A_162 : memref<125x128xf32, #tpu.memory_space<vmem>>) offsets(%dma_start3A_165 : memref<125xi32, #tpu.memory_space<vmem>>) semaphore(%arg13 : memref<!tpu.dma_semaphore, #tpu.memory_space<semaphore_mem>>)
        %dma_wait3A_169 = arith.constant 0 : i32
        %dma_wait3A_170 = tpu.memref_slice %arg4[%add3A_151, %dma_wait3A_169] : memref<2560x125xi32, #tpu.memory_space<hbm>> -> memref<1x125xi32, #tpu.memory_space<hbm>>
        %dma_wait3A_171 = tpu.memref_squeeze %dma_wait3A_170 : memref<1x125xi32, #tpu.memory_space<hbm>> -> memref<125xi32, #tpu.memory_space<hbm>>
        %dma_wait3A_172 = arith.constant 0 : i32
        %dma_wait3A_173 = tpu.memref_slice %arg4[%add3A_151, %dma_wait3A_172] : memref<2560x125xi32, #tpu.memory_space<hbm>> -> memref<1x125xi32, #tpu.memory_space<hbm>>
        %dma_wait3A_174 = tpu.memref_squeeze %dma_wait3A_173 : memref<1x125xi32, #tpu.memory_space<hbm>> -> memref<125xi32, #tpu.memory_space<hbm>>
        tpu.wait_dma2 semaphore(%arg14 : memref<!tpu.dma_semaphore, #tpu.memory_space<semaphore_mem>>) src(%dma_wait3A_174 : memref<125xi32, #tpu.memory_space<hbm>>) dst(%arg7 : memref<125xi32, #tpu.memory_space<vmem>>)
        %dma_wait3A_175 = arith.constant 0 : i32
        %dma_wait3A_176 = arith.constant 0 : i32
        %dma_wait3A_177 = tpu.memref_slice %arg10[%dma_wait3A_175, %dma_wait3A_176] : memref<128x128xf32, #tpu.memory_space<vmem>> -> memref<125x128xf32, #tpu.memory_space<vmem>>
        %dma_wait3A_178 = arith.constant 0 : i32
        %dma_wait3A_179 = tpu.memref_slice %arg6[%add3A_159, %dma_wait3A_178] : memref<80x125xi32, #tpu.memory_space<vmem>> -> memref<1x125xi32, #tpu.memory_space<vmem>>
        %dma_wait3A_180 = tpu.memref_squeeze %dma_wait3A_179 : memref<1x125xi32, #tpu.memory_space<vmem>> -> memref<125xi32, #tpu.memory_space<vmem>>
        %dma_wait3A_181 = arith.constant 0 : i32
        %dma_wait3A_182 = arith.constant 0 : i32
        %dma_wait3A_183 = tpu.memref_slice %arg2[%dma_wait3A_181, %dma_wait3A_182] : memref<10000x128xf32, #tpu.memory_space<hbm>> -> memref<10000x128xf32, #tpu.memory_space<hbm>>
        tpu.wait_indirect_dma semaphore(%arg13 : memref<!tpu.dma_semaphore, #tpu.memory_space<semaphore_mem>>) src(%dma_wait3A_183 : memref<10000x128xf32, #tpu.memory_space<hbm>>) dst(%dma_wait3A_177 : memref<125x128xf32, #tpu.memory_space<vmem>>)
      } else {
      }
      %dma_wait3A_143 = arith.constant 0 : i32
      %dma_wait3A_144 = arith.constant 0 : i32
      %dma_wait3A_145 = tpu.memref_slice %arg9[%dma_wait3A_143, %dma_wait3A_144] : memref<128x128xf32, #tpu.memory_space<vmem>> -> memref<125x128xf32, #tpu.memory_space<vmem>>
      %dma_wait3A_146 = arith.constant 0 : i32
      %dma_wait3A_147 = arith.constant 0 : i32
      %dma_wait3A_148 = tpu.memref_slice %arg11[%dma_wait3A_146, %dma_wait3A_147] : memref<10240x128xf32, #tpu.memory_space<vmem_shared>> -> memref<10240x128xf32, #tpu.memory_space<vmem_shared>>
      tpu.wait_indirect_dma semaphore(%arg17 : memref<!tpu.dma_semaphore, #tpu.memory_space<semaphore_mem>>) src(%dma_wait3A_145 : memref<125x128xf32, #tpu.memory_space<vmem>>) dst(%dma_wait3A_148 : memref<10240x128xf32, #tpu.memory_space<vmem_shared>>)
    }
    %scan3A_83 = arith.constant 40 : i32
    %barrier3A_84 = arith.constant 0 : index
    tpu.barrier barrier_id(%barrier3A_84)
    "tpu.region"() ({
      %run_scoped3A = tpu.sem_alloc : memref<!tpu.dma_semaphore, #tpu.memory_space<semaphore_mem>>
      %dma_start3A_85 = arith.constant 0 : i32
      %dma_start3A_86 = tpu.memref_slice %arg5[%arg0, %mul3A_0, %dma_start3A_85] : memref<2x10240x128xf32, #tpu.memory_space<hbm>> -> memref<1x640x128xf32, #tpu.memory_space<hbm>>
      %dma_start3A_87 = tpu.memref_squeeze %dma_start3A_86 : memref<1x640x128xf32, #tpu.memory_space<hbm>> -> memref<640x128xf32, #tpu.memory_space<hbm>>
      %dma_start3A_88 = arith.constant 0 : i32
      %dma_start3A_89 = tpu.memref_slice %arg11[%mul3A_0, %dma_start3A_88] : memref<10240x128xf32, #tpu.memory_space<vmem_shared>> -> memref<640x128xf32, #tpu.memory_space<vmem_shared>>
      tpu.enqueue_dma source(%dma_start3A_89 : memref<640x128xf32, #tpu.memory_space<vmem_shared>>) target(%dma_start3A_87 : memref<640x128xf32, #tpu.memory_space<hbm>>) target_semaphore(%run_scoped3A : memref<!tpu.dma_semaphore, #tpu.memory_space<semaphore_mem>>)
      %dma_wait3A_90 = arith.constant 0 : i32
      %dma_wait3A_91 = tpu.memref_slice %arg5[%arg0, %mul3A_0, %dma_wait3A_90] : memref<2x10240x128xf32, #tpu.memory_space<hbm>> -> memref<1x640x128xf32, #tpu.memory_space<hbm>>
      %dma_wait3A_92 = tpu.memref_squeeze %dma_wait3A_91 : memref<1x640x128xf32, #tpu.memory_space<hbm>> -> memref<640x128xf32, #tpu.memory_space<hbm>>
      %dma_wait3A_93 = arith.constant 0 : i32
      %dma_wait3A_94 = tpu.memref_slice %arg11[%mul3A_0, %dma_wait3A_93] : memref<10240x128xf32, #tpu.memory_space<vmem_shared>> -> memref<640x128xf32, #tpu.memory_space<vmem_shared>>
      tpu.wait_dma2 semaphore(%run_scoped3A : memref<!tpu.dma_semaphore, #tpu.memory_space<semaphore_mem>>) src(%dma_wait3A_94 : memref<640x128xf32, #tpu.memory_space<vmem_shared>>) dst(%dma_wait3A_92 : memref<640x128xf32, #tpu.memory_space<hbm>>)
      tpu.yield
    }) : () -> ()
    return
  }
}

#map = affine_map<(d0, d1) -> (0, 0)>
#map1 = affine_map<(d0, d1) -> (0, 0, 0)>
module attributes {stable_mosaic.version = 14 : i64} {
  func.func @_sc_prop(%arg0: i32, %arg1: i32, %arg2: memref<10000x128xf32, #tpu.memory_space<hbm>>, %arg3: memref<2560x125xi32, #tpu.memory_space<hbm>>, %arg4: memref<2560x125xi32, #tpu.memory_space<hbm>>, %arg5: memref<2x10240x128xf32, #tpu.memory_space<hbm>>, %arg6: memref<80x125xi32, #tpu.memory_space<vmem>>, %arg7: memref<125xi32, #tpu.memory_space<vmem>>, %arg8: memref<125xi32, #tpu.memory_space<vmem>>, %arg9: memref<128x128xf32, #tpu.memory_space<vmem>>, %arg10: memref<128x128xf32, #tpu.memory_space<vmem>>, %arg11: memref<10240x128xf32, #tpu.memory_space<vmem_shared>>, %arg12: memref<!tpu.dma_semaphore, #tpu.memory_space<semaphore_mem>>, %arg13: memref<!tpu.dma_semaphore, #tpu.memory_space<semaphore_mem>>, %arg14: memref<!tpu.dma_semaphore, #tpu.memory_space<semaphore_mem>>, %arg15: memref<!tpu.dma_semaphore, #tpu.memory_space<semaphore_mem>>, %arg16: memref<!tpu.dma_semaphore, #tpu.memory_space<semaphore_mem>>, %arg17: memref<!tpu.dma_semaphore, #tpu.memory_space<semaphore_mem>>) attributes {dimension_semantics = [#tpu.dimension_semantics<core_parallel>, #tpu.dimension_semantics<subcore_parallel>], iteration_bounds = array<i64: 2, 16>, scalar_prefetch = 0 : i64, scratch_operands = 12 : i64, tpu.core_type = #tpu.core_type<sc_vector_subcore>, window_params = [{transform_indices = #map}, {transform_indices = #map}, {transform_indices = #map}, {transform_indices = #map1}]} {
    %mul3A = arith.constant 640 : i32
    %mul3A_0 = arith.muli %arg1, %mul3A : i32
    %mul3A_1 = arith.constant 2 : i32
    %mul3A_2 = arith.muli %arg1, %mul3A_1 : i32
    %add3A = arith.addi %mul3A_2, %arg0 : i32
    %mul3A_3 = arith.constant 80 : i32
    %mul3A_4 = arith.muli %add3A, %mul3A_3 : i32
    "tpu.region"() ({
      %run_scoped3A = tpu.sem_alloc : memref<!tpu.dma_semaphore, #tpu.memory_space<semaphore_mem>>
      %dma_start3A_85 = arith.constant 0 : i32
      %dma_start3A_86 = tpu.memref_slice %arg3[%mul3A_4, %dma_start3A_85] : memref<2560x125xi32, #tpu.memory_space<hbm>> -> memref<80x125xi32, #tpu.memory_space<hbm>>
      %dma_start3A_87 = arith.constant 0 : i32
      %dma_start3A_88 = tpu.memref_slice %arg3[%mul3A_4, %dma_start3A_87] : memref<2560x125xi32, #tpu.memory_space<hbm>> -> memref<80x125xi32, #tpu.memory_space<hbm>>
      tpu.enqueue_dma source(%dma_start3A_88 : memref<80x125xi32, #tpu.memory_space<hbm>>) target(%arg6 : memref<80x125xi32, #tpu.memory_space<vmem>>) target_semaphore(%run_scoped3A : memref<!tpu.dma_semaphore, #tpu.memory_space<semaphore_mem>>)
      %dma_wait3A_89 = arith.constant 0 : i32
      %dma_wait3A_90 = tpu.memref_slice %arg3[%mul3A_4, %dma_wait3A_89] : memref<2560x125xi32, #tpu.memory_space<hbm>> -> memref<80x125xi32, #tpu.memory_space<hbm>>
      %dma_wait3A_91 = arith.constant 0 : i32
      %dma_wait3A_92 = tpu.memref_slice %arg3[%mul3A_4, %dma_wait3A_91] : memref<2560x125xi32, #tpu.memory_space<hbm>> -> memref<80x125xi32, #tpu.memory_space<hbm>>
      tpu.wait_dma2 semaphore(%run_scoped3A : memref<!tpu.dma_semaphore, #tpu.memory_space<semaphore_mem>>) src(%dma_wait3A_92 : memref<80x125xi32, #tpu.memory_space<hbm>>) dst(%arg6 : memref<80x125xi32, #tpu.memory_space<vmem>>)
      tpu.yield
    }) : () -> ()
    %scan3A = arith.constant 0 : i32
    %scan3A_5 = arith.constant 0 : i32
    %scan3A_6 = arith.constant 128 : i32
    %scan3A_7 = arith.addi %scan3A_5, %scan3A_6 : i32
    %scan3A_8 = arith.constant 1 : i32
    scf.for %scan3A_85 = %scan3A_5 to %scan3A_7 step %scan3A_8  : i32 {
      %broadcast_in_dim3A = arith.constant 0.000000e+00 : f32
      %broadcast_in_dim3A_86 = vector.broadcast %broadcast_in_dim3A : f32 to vector<16xf32>
      %swap3A = arith.index_cast %scan3A_85 : i32 to index
      %swap3A_87 = arith.constant 0 : index
      %swap3A_88 = tpu.vector_load %arg9[%swap3A, %swap3A_87] {strides = array<i32>} : memref<128x128xf32, #tpu.memory_space<vmem>>, vector<1x16xf32>,
      %swap3A_89 = vector.shape_cast %swap3A_88 : vector<1x16xf32> to vector<16xf32>
      %swap3A_90 = vector.shape_cast %broadcast_in_dim3A_86 : vector<16xf32> to vector<1x16xf32>
      tpu.vector_store %arg9[%swap3A, %swap3A_87], %swap3A_90 {strides = array<i32>} : memref<128x128xf32, #tpu.memory_space<vmem>>, vector<1x16xf32>,
      %broadcast_in_dim3A_91 = arith.constant 0.000000e+00 : f32
      %broadcast_in_dim3A_92 = vector.broadcast %broadcast_in_dim3A_91 : f32 to vector<16xf32>
      %swap3A_93 = arith.index_cast %scan3A_85 : i32 to index
      %swap3A_94 = arith.constant 16 : index
      %swap3A_95 = tpu.vector_load %arg9[%swap3A_93, %swap3A_94] {strides = array<i32>} : memref<128x128xf32, #tpu.memory_space<vmem>>, vector<1x16xf32>,
      %swap3A_96 = vector.shape_cast %swap3A_95 : vector<1x16xf32> to vector<16xf32>
      %swap3A_97 = vector.shape_cast %broadcast_in_dim3A_92 : vector<16xf32> to vector<1x16xf32>
      tpu.vector_store %arg9[%swap3A_93, %swap3A_94], %swap3A_97 {strides = array<i32>} : memref<128x128xf32, #tpu.memory_space<vmem>>, vector<1x16xf32>,
      %broadcast_in_dim3A_98 = arith.constant 0.000000e+00 : f32
      %broadcast_in_dim3A_99 = vector.broadcast %broadcast_in_dim3A_98 : f32 to vector<16xf32>
      %swap3A_100 = arith.index_cast %scan3A_85 : i32 to index
      %swap3A_101 = arith.constant 32 : index
      %swap3A_102 = tpu.vector_load %arg9[%swap3A_100, %swap3A_101] {strides = array<i32>} : memref<128x128xf32, #tpu.memory_space<vmem>>, vector<1x16xf32>,
      %swap3A_103 = vector.shape_cast %swap3A_102 : vector<1x16xf32> to vector<16xf32>
      %swap3A_104 = vector.shape_cast %broadcast_in_dim3A_99 : vector<16xf32> to vector<1x16xf32>
      tpu.vector_store %arg9[%swap3A_100, %swap3A_101], %swap3A_104 {strides = array<i32>} : memref<128x128xf32, #tpu.memory_space<vmem>>, vector<1x16xf32>,
      %broadcast_in_dim3A_105 = arith.constant 0.000000e+00 : f32
      %broadcast_in_dim3A_106 = vector.broadcast %broadcast_in_dim3A_105 : f32 to vector<16xf32>
      %swap3A_107 = arith.index_cast %scan3A_85 : i32 to index
      %swap3A_108 = arith.constant 48 : index
      %swap3A_109 = tpu.vector_load %arg9[%swap3A_107, %swap3A_108] {strides = array<i32>} : memref<128x128xf32, #tpu.memory_space<vmem>>, vector<1x16xf32>,
      %swap3A_110 = vector.shape_cast %swap3A_109 : vector<1x16xf32> to vector<16xf32>
      %swap3A_111 = vector.shape_cast %broadcast_in_dim3A_106 : vector<16xf32> to vector<1x16xf32>
      tpu.vector_store %arg9[%swap3A_107, %swap3A_108], %swap3A_111 {strides = array<i32>} : memref<128x128xf32, #tpu.memory_space<vmem>>, vector<1x16xf32>,
      %broadcast_in_dim3A_112 = arith.constant 0.000000e+00 : f32
      %broadcast_in_dim3A_113 = vector.broadcast %broadcast_in_dim3A_112 : f32 to vector<16xf32>
      %swap3A_114 = arith.index_cast %scan3A_85 : i32 to index
      %swap3A_115 = arith.constant 64 : index
      %swap3A_116 = tpu.vector_load %arg9[%swap3A_114, %swap3A_115] {strides = array<i32>} : memref<128x128xf32, #tpu.memory_space<vmem>>, vector<1x16xf32>,
      %swap3A_117 = vector.shape_cast %swap3A_116 : vector<1x16xf32> to vector<16xf32>
      %swap3A_118 = vector.shape_cast %broadcast_in_dim3A_113 : vector<16xf32> to vector<1x16xf32>
      tpu.vector_store %arg9[%swap3A_114, %swap3A_115], %swap3A_118 {strides = array<i32>} : memref<128x128xf32, #tpu.memory_space<vmem>>, vector<1x16xf32>,
      %broadcast_in_dim3A_119 = arith.constant 0.000000e+00 : f32
      %broadcast_in_dim3A_120 = vector.broadcast %broadcast_in_dim3A_119 : f32 to vector<16xf32>
      %swap3A_121 = arith.index_cast %scan3A_85 : i32 to index
      %swap3A_122 = arith.constant 80 : index
      %swap3A_123 = tpu.vector_load %arg9[%swap3A_121, %swap3A_122] {strides = array<i32>} : memref<128x128xf32, #tpu.memory_space<vmem>>, vector<1x16xf32>,
      %swap3A_124 = vector.shape_cast %swap3A_123 : vector<1x16xf32> to vector<16xf32>
      %swap3A_125 = vector.shape_cast %broadcast_in_dim3A_120 : vector<16xf32> to vector<1x16xf32>
      tpu.vector_store %arg9[%swap3A_121, %swap3A_122], %swap3A_125 {strides = array<i32>} : memref<128x128xf32, #tpu.memory_space<vmem>>, vector<1x16xf32>,
      %broadcast_in_dim3A_126 = arith.constant 0.000000e+00 : f32
      %broadcast_in_dim3A_127 = vector.broadcast %broadcast_in_dim3A_126 : f32 to vector<16xf32>
      %swap3A_128 = arith.index_cast %scan3A_85 : i32 to index
      %swap3A_129 = arith.constant 96 : index
      %swap3A_130 = tpu.vector_load %arg9[%swap3A_128, %swap3A_129] {strides = array<i32>} : memref<128x128xf32, #tpu.memory_space<vmem>>, vector<1x16xf32>,
      %swap3A_131 = vector.shape_cast %swap3A_130 : vector<1x16xf32> to vector<16xf32>
      %swap3A_132 = vector.shape_cast %broadcast_in_dim3A_127 : vector<16xf32> to vector<1x16xf32>
      tpu.vector_store %arg9[%swap3A_128, %swap3A_129], %swap3A_132 {strides = array<i32>} : memref<128x128xf32, #tpu.memory_space<vmem>>, vector<1x16xf32>,
      %broadcast_in_dim3A_133 = arith.constant 0.000000e+00 : f32
      %broadcast_in_dim3A_134 = vector.broadcast %broadcast_in_dim3A_133 : f32 to vector<16xf32>
      %swap3A_135 = arith.index_cast %scan3A_85 : i32 to index
      %swap3A_136 = arith.constant 112 : index
      %swap3A_137 = tpu.vector_load %arg9[%swap3A_135, %swap3A_136] {strides = array<i32>} : memref<128x128xf32, #tpu.memory_space<vmem>>, vector<1x16xf32>,
      %swap3A_138 = vector.shape_cast %swap3A_137 : vector<1x16xf32> to vector<16xf32>
      %swap3A_139 = vector.shape_cast %broadcast_in_dim3A_134 : vector<16xf32> to vector<1x16xf32>
      tpu.vector_store %arg9[%swap3A_135, %swap3A_136], %swap3A_139 {strides = array<i32>} : memref<128x128xf32, #tpu.memory_space<vmem>>, vector<1x16xf32>,
    }
    %scan3A_9 = arith.constant 128 : i32
    %add3A_10 = arith.constant 0 : i32
    %add3A_11 = arith.addi %mul3A_0, %add3A_10 : i32
    %dma_start3A = arith.constant 0 : i32
    %dma_start3A_12 = tpu.memref_slice %arg11[%add3A_11, %dma_start3A] : memref<10240x128xf32, #tpu.memory_space<vmem_shared>> -> memref<128x128xf32, #tpu.memory_space<vmem_shared>>
    %dma_start3A_13 = arith.constant 0 : i32
    %dma_start3A_14 = tpu.memref_slice %arg11[%add3A_11, %dma_start3A_13] : memref<10240x128xf32, #tpu.memory_space<vmem_shared>> -> memref<128x128xf32, #tpu.memory_space<vmem_shared>>
    tpu.enqueue_dma source(%arg9 : memref<128x128xf32, #tpu.memory_space<vmem>>) target(%dma_start3A_14 : memref<128x128xf32, #tpu.memory_space<vmem_shared>>) target_semaphore(%arg14 : memref<!tpu.dma_semaphore, #tpu.memory_space<semaphore_mem>>)
    %add3A_15 = arith.constant 128 : i32
    %add3A_16 = arith.addi %mul3A_0, %add3A_15 : i32
    %dma_start3A_17 = arith.constant 0 : i32
    %dma_start3A_18 = tpu.memref_slice %arg11[%add3A_16, %dma_start3A_17] : memref<10240x128xf32, #tpu.memory_space<vmem_shared>> -> memref<128x128xf32, #tpu.memory_space<vmem_shared>>
    %dma_start3A_19 = arith.constant 0 : i32
    %dma_start3A_20 = tpu.memref_slice %arg11[%add3A_16, %dma_start3A_19] : memref<10240x128xf32, #tpu.memory_space<vmem_shared>> -> memref<128x128xf32, #tpu.memory_space<vmem_shared>>
    tpu.enqueue_dma source(%arg9 : memref<128x128xf32, #tpu.memory_space<vmem>>) target(%dma_start3A_20 : memref<128x128xf32, #tpu.memory_space<vmem_shared>>) target_semaphore(%arg14 : memref<!tpu.dma_semaphore, #tpu.memory_space<semaphore_mem>>)
    %add3A_21 = arith.constant 256 : i32
    %add3A_22 = arith.addi %mul3A_0, %add3A_21 : i32
    %dma_start3A_23 = arith.constant 0 : i32
    %dma_start3A_24 = tpu.memref_slice %arg11[%add3A_22, %dma_start3A_23] : memref<10240x128xf32, #tpu.memory_space<vmem_shared>> -> memref<128x128xf32, #tpu.memory_space<vmem_shared>>
    %dma_start3A_25 = arith.constant 0 : i32
    %dma_start3A_26 = tpu.memref_slice %arg11[%add3A_22, %dma_start3A_25] : memref<10240x128xf32, #tpu.memory_space<vmem_shared>> -> memref<128x128xf32, #tpu.memory_space<vmem_shared>>
    tpu.enqueue_dma source(%arg9 : memref<128x128xf32, #tpu.memory_space<vmem>>) target(%dma_start3A_26 : memref<128x128xf32, #tpu.memory_space<vmem_shared>>) target_semaphore(%arg14 : memref<!tpu.dma_semaphore, #tpu.memory_space<semaphore_mem>>)
    %add3A_27 = arith.constant 384 : i32
    %add3A_28 = arith.addi %mul3A_0, %add3A_27 : i32
    %dma_start3A_29 = arith.constant 0 : i32
    %dma_start3A_30 = tpu.memref_slice %arg11[%add3A_28, %dma_start3A_29] : memref<10240x128xf32, #tpu.memory_space<vmem_shared>> -> memref<128x128xf32, #tpu.memory_space<vmem_shared>>
    %dma_start3A_31 = arith.constant 0 : i32
    %dma_start3A_32 = tpu.memref_slice %arg11[%add3A_28, %dma_start3A_31] : memref<10240x128xf32, #tpu.memory_space<vmem_shared>> -> memref<128x128xf32, #tpu.memory_space<vmem_shared>>
    tpu.enqueue_dma source(%arg9 : memref<128x128xf32, #tpu.memory_space<vmem>>) target(%dma_start3A_32 : memref<128x128xf32, #tpu.memory_space<vmem_shared>>) target_semaphore(%arg14 : memref<!tpu.dma_semaphore, #tpu.memory_space<semaphore_mem>>)
    %add3A_33 = arith.constant 512 : i32
    %add3A_34 = arith.addi %mul3A_0, %add3A_33 : i32
    %dma_start3A_35 = arith.constant 0 : i32
    %dma_start3A_36 = tpu.memref_slice %arg11[%add3A_34, %dma_start3A_35] : memref<10240x128xf32, #tpu.memory_space<vmem_shared>> -> memref<128x128xf32, #tpu.memory_space<vmem_shared>>
    %dma_start3A_37 = arith.constant 0 : i32
    %dma_start3A_38 = tpu.memref_slice %arg11[%add3A_34, %dma_start3A_37] : memref<10240x128xf32, #tpu.memory_space<vmem_shared>> -> memref<128x128xf32, #tpu.memory_space<vmem_shared>>
    tpu.enqueue_dma source(%arg9 : memref<128x128xf32, #tpu.memory_space<vmem>>) target(%dma_start3A_38 : memref<128x128xf32, #tpu.memory_space<vmem_shared>>) target_semaphore(%arg14 : memref<!tpu.dma_semaphore, #tpu.memory_space<semaphore_mem>>)
    "tpu.region"() ({
      %run_scoped3A = tpu.sem_alloc : memref<!tpu.dma_semaphore, #tpu.memory_space<semaphore_mem>>
      %dma_start3A_85 = arith.constant 0 : i32
      %dma_start3A_86 = tpu.memref_slice %arg4[%mul3A_4, %dma_start3A_85] : memref<2560x125xi32, #tpu.memory_space<hbm>> -> memref<1x125xi32, #tpu.memory_space<hbm>>
      %dma_start3A_87 = tpu.memref_squeeze %dma_start3A_86 : memref<1x125xi32, #tpu.memory_space<hbm>> -> memref<125xi32, #tpu.memory_space<hbm>>
      %dma_start3A_88 = arith.constant 0 : i32
      %dma_start3A_89 = tpu.memref_slice %arg4[%mul3A_4, %dma_start3A_88] : memref<2560x125xi32, #tpu.memory_space<hbm>> -> memref<1x125xi32, #tpu.memory_space<hbm>>
      %dma_start3A_90 = tpu.memref_squeeze %dma_start3A_89 : memref<1x125xi32, #tpu.memory_space<hbm>> -> memref<125xi32, #tpu.memory_space<hbm>>
      tpu.enqueue_dma source(%dma_start3A_90 : memref<125xi32, #tpu.memory_space<hbm>>) target(%arg7 : memref<125xi32, #tpu.memory_space<vmem>>) target_semaphore(%run_scoped3A : memref<!tpu.dma_semaphore, #tpu.memory_space<semaphore_mem>>)
      %dma_wait3A_91 = arith.constant 0 : i32
      %dma_wait3A_92 = tpu.memref_slice %arg4[%mul3A_4, %dma_wait3A_91] : memref<2560x125xi32, #tpu.memory_space<hbm>> -> memref<1x125xi32, #tpu.memory_space<hbm>>
      %dma_wait3A_93 = tpu.memref_squeeze %dma_wait3A_92 : memref<1x125xi32, #tpu.memory_space<hbm>> -> memref<125xi32, #tpu.memory_space<hbm>>
      %dma_wait3A_94 = arith.constant 0 : i32
      %dma_wait3A_95 = tpu.memref_slice %arg4[%mul3A_4, %dma_wait3A_94] : memref<2560x125xi32, #tpu.memory_space<hbm>> -> memref<1x125xi32, #tpu.memory_space<hbm>>
      %dma_wait3A_96 = tpu.memref_squeeze %dma_wait3A_95 : memref<1x125xi32, #tpu.memory_space<hbm>> -> memref<125xi32, #tpu.memory_space<hbm>>
      tpu.wait_dma2 semaphore(%run_scoped3A : memref<!tpu.dma_semaphore, #tpu.memory_space<semaphore_mem>>) src(%dma_wait3A_96 : memref<125xi32, #tpu.memory_space<hbm>>) dst(%arg7 : memref<125xi32, #tpu.memory_space<vmem>>)
      tpu.yield
    }) : () -> ()
    %dma_start3A_39 = arith.constant 0 : i32
    %dma_start3A_40 = arith.constant 0 : i32
    %dma_start3A_41 = arith.constant 0 : i32
    %dma_start3A_42 = tpu.memref_slice %arg10[%dma_start3A_40, %dma_start3A_41] : memref<128x128xf32, #tpu.memory_space<vmem>> -> memref<125x128xf32, #tpu.memory_space<vmem>>
    %dma_start3A_43 = arith.constant 0 : i32
    %dma_start3A_44 = tpu.memref_slice %arg6[%dma_start3A_39, %dma_start3A_43] : memref<80x125xi32, #tpu.memory_space<vmem>> -> memref<1x125xi32, #tpu.memory_space<vmem>>
    %dma_start3A_45 = tpu.memref_squeeze %dma_start3A_44 : memref<1x125xi32, #tpu.memory_space<vmem>> -> memref<125xi32, #tpu.memory_space<vmem>>
    %dma_start3A_46 = arith.constant 0 : i32
    %dma_start3A_47 = arith.constant 0 : i32
    %dma_start3A_48 = tpu.memref_slice %arg2[%dma_start3A_46, %dma_start3A_47] : memref<10000x128xf32, #tpu.memory_space<hbm>> -> memref<10000x128xf32, #tpu.memory_space<hbm>>
    tpu.enqueue_indirect_dma source(%dma_start3A_48 : memref<10000x128xf32, #tpu.memory_space<hbm>>) target(%dma_start3A_42 : memref<125x128xf32, #tpu.memory_space<vmem>>) offsets(%dma_start3A_45 : memref<125xi32, #tpu.memory_space<vmem>>) semaphore(%arg13 : memref<!tpu.dma_semaphore, #tpu.memory_space<semaphore_mem>>)
    %dma_wait3A = arith.constant 0 : i32
    %dma_wait3A_49 = tpu.memref_slice %arg11[%add3A_11, %dma_wait3A] : memref<10240x128xf32, #tpu.memory_space<vmem_shared>> -> memref<128x128xf32, #tpu.memory_space<vmem_shared>>
    %dma_wait3A_50 = arith.constant 0 : i32
    %dma_wait3A_51 = tpu.memref_slice %arg11[%add3A_11, %dma_wait3A_50] : memref<10240x128xf32, #tpu.memory_space<vmem_shared>> -> memref<128x128xf32, #tpu.memory_space<vmem_shared>>
    tpu.wait_dma2 semaphore(%arg14 : memref<!tpu.dma_semaphore, #tpu.memory_space<semaphore_mem>>) src(%arg9 : memref<128x128xf32, #tpu.memory_space<vmem>>) dst(%dma_wait3A_51 : memref<128x128xf32, #tpu.memory_space<vmem_shared>>)
    %dma_wait3A_52 = arith.constant 0 : i32
    %dma_wait3A_53 = tpu.memref_slice %arg11[%add3A_16, %dma_wait3A_52] : memref<10240x128xf32, #tpu.memory_space<vmem_shared>> -> memref<128x128xf32, #tpu.memory_space<vmem_shared>>
    %dma_wait3A_54 = arith.constant 0 : i32
    %dma_wait3A_55 = tpu.memref_slice %arg11[%add3A_16, %dma_wait3A_54] : memref<10240x128xf32, #tpu.memory_space<vmem_shared>> -> memref<128x128xf32, #tpu.memory_space<vmem_shared>>
    tpu.wait_dma2 semaphore(%arg14 : memref<!tpu.dma_semaphore, #tpu.memory_space<semaphore_mem>>) src(%arg9 : memref<128x128xf32, #tpu.memory_space<vmem>>) dst(%dma_wait3A_55 : memref<128x128xf32, #tpu.memory_space<vmem_shared>>)
    %dma_wait3A_56 = arith.constant 0 : i32
    %dma_wait3A_57 = tpu.memref_slice %arg11[%add3A_22, %dma_wait3A_56] : memref<10240x128xf32, #tpu.memory_space<vmem_shared>> -> memref<128x128xf32, #tpu.memory_space<vmem_shared>>
    %dma_wait3A_58 = arith.constant 0 : i32
    %dma_wait3A_59 = tpu.memref_slice %arg11[%add3A_22, %dma_wait3A_58] : memref<10240x128xf32, #tpu.memory_space<vmem_shared>> -> memref<128x128xf32, #tpu.memory_space<vmem_shared>>
    tpu.wait_dma2 semaphore(%arg14 : memref<!tpu.dma_semaphore, #tpu.memory_space<semaphore_mem>>) src(%arg9 : memref<128x128xf32, #tpu.memory_space<vmem>>) dst(%dma_wait3A_59 : memref<128x128xf32, #tpu.memory_space<vmem_shared>>)
    %dma_wait3A_60 = arith.constant 0 : i32
    %dma_wait3A_61 = tpu.memref_slice %arg11[%add3A_28, %dma_wait3A_60] : memref<10240x128xf32, #tpu.memory_space<vmem_shared>> -> memref<128x128xf32, #tpu.memory_space<vmem_shared>>
    %dma_wait3A_62 = arith.constant 0 : i32
    %dma_wait3A_63 = tpu.memref_slice %arg11[%add3A_28, %dma_wait3A_62] : memref<10240x128xf32, #tpu.memory_space<vmem_shared>> -> memref<128x128xf32, #tpu.memory_space<vmem_shared>>
    tpu.wait_dma2 semaphore(%arg14 : memref<!tpu.dma_semaphore, #tpu.memory_space<semaphore_mem>>) src(%arg9 : memref<128x128xf32, #tpu.memory_space<vmem>>) dst(%dma_wait3A_63 : memref<128x128xf32, #tpu.memory_space<vmem_shared>>)
    %dma_wait3A_64 = arith.constant 0 : i32
    %dma_wait3A_65 = tpu.memref_slice %arg11[%add3A_34, %dma_wait3A_64] : memref<10240x128xf32, #tpu.memory_space<vmem_shared>> -> memref<128x128xf32, #tpu.memory_space<vmem_shared>>
    %dma_wait3A_66 = arith.constant 0 : i32
    %dma_wait3A_67 = tpu.memref_slice %arg11[%add3A_34, %dma_wait3A_66] : memref<10240x128xf32, #tpu.memory_space<vmem_shared>> -> memref<128x128xf32, #tpu.memory_space<vmem_shared>>
    tpu.wait_dma2 semaphore(%arg14 : memref<!tpu.dma_semaphore, #tpu.memory_space<semaphore_mem>>) src(%arg9 : memref<128x128xf32, #tpu.memory_space<vmem>>) dst(%dma_wait3A_67 : memref<128x128xf32, #tpu.memory_space<vmem_shared>>)
    %barrier3A = arith.constant 0 : index
    tpu.barrier barrier_id(%barrier3A)
    %dma_wait3A_68 = arith.constant 0 : i32
    %dma_wait3A_69 = arith.constant 0 : i32
    %dma_wait3A_70 = arith.constant 0 : i32
    %dma_wait3A_71 = tpu.memref_slice %arg10[%dma_wait3A_69, %dma_wait3A_70] : memref<128x128xf32, #tpu.memory_space<vmem>> -> memref<125x128xf32, #tpu.memory_space<vmem>>
    %dma_wait3A_72 = arith.constant 0 : i32
    %dma_wait3A_73 = tpu.memref_slice %arg6[%dma_wait3A_68, %dma_wait3A_72] : memref<80x125xi32, #tpu.memory_space<vmem>> -> memref<1x125xi32, #tpu.memory_space<vmem>>
    %dma_wait3A_74 = tpu.memref_squeeze %dma_wait3A_73 : memref<1x125xi32, #tpu.memory_space<vmem>> -> memref<125xi32, #tpu.memory_space<vmem>>
    %dma_wait3A_75 = arith.constant 0 : i32
    %dma_wait3A_76 = arith.constant 0 : i32
    %dma_wait3A_77 = tpu.memref_slice %arg2[%dma_wait3A_75, %dma_wait3A_76] : memref<10000x128xf32, #tpu.memory_space<hbm>> -> memref<10000x128xf32, #tpu.memory_space<hbm>>
    tpu.wait_indirect_dma semaphore(%arg13 : memref<!tpu.dma_semaphore, #tpu.memory_space<semaphore_mem>>) src(%dma_wait3A_77 : memref<10000x128xf32, #tpu.memory_space<hbm>>) dst(%dma_wait3A_71 : memref<125x128xf32, #tpu.memory_space<vmem>>)
    %scan3A_78 = arith.constant 0 : i32
    %scan3A_79 = arith.constant 0 : i32
    %scan3A_80 = arith.constant 40 : i32
    %scan3A_81 = arith.addi %scan3A_79, %scan3A_80 : i32
    %scan3A_82 = arith.constant 1 : i32
    scf.for %scan3A_85 = %scan3A_79 to %scan3A_81 step %scan3A_82  : i32 {
      %mul3A_86 = arith.constant 2 : i32
      %mul3A_87 = arith.muli %mul3A_86, %scan3A_85 : i32
      %add3A_88 = arith.addi %mul3A_4, %mul3A_87 : i32
      %add3A_89 = arith.constant 1 : i32
      %add3A_90 = arith.addi %add3A_88, %add3A_89 : i32
      %dma_start3A_91 = arith.constant 0 : i32
      %dma_start3A_92 = tpu.memref_slice %arg4[%add3A_90, %dma_start3A_91] : memref<2560x125xi32, #tpu.memory_space<hbm>> -> memref<1x125xi32, #tpu.memory_space<hbm>>
      %dma_start3A_93 = tpu.memref_squeeze %dma_start3A_92 : memref<1x125xi32, #tpu.memory_space<hbm>> -> memref<125xi32, #tpu.memory_space<hbm>>
      %dma_start3A_94 = arith.constant 0 : i32
      %dma_start3A_95 = tpu.memref_slice %arg4[%add3A_90, %dma_start3A_94] : memref<2560x125xi32, #tpu.memory_space<hbm>> -> memref<1x125xi32, #tpu.memory_space<hbm>>
      %dma_start3A_96 = tpu.memref_squeeze %dma_start3A_95 : memref<1x125xi32, #tpu.memory_space<hbm>> -> memref<125xi32, #tpu.memory_space<hbm>>
      tpu.enqueue_dma source(%dma_start3A_96 : memref<125xi32, #tpu.memory_space<hbm>>) target(%arg8 : memref<125xi32, #tpu.memory_space<vmem>>) target_semaphore(%arg15 : memref<!tpu.dma_semaphore, #tpu.memory_space<semaphore_mem>>)
      %dma_start3A_97 = arith.constant 0 : i32
      %dma_start3A_98 = arith.constant 0 : i32
      %dma_start3A_99 = tpu.memref_slice %arg10[%dma_start3A_97, %dma_start3A_98] : memref<128x128xf32, #tpu.memory_space<vmem>> -> memref<125x128xf32, #tpu.memory_space<vmem>>
      %dma_start3A_100 = arith.constant 0 : i32
      %dma_start3A_101 = arith.constant 0 : i32
      %dma_start3A_102 = tpu.memref_slice %arg11[%dma_start3A_100, %dma_start3A_101] : memref<10240x128xf32, #tpu.memory_space<vmem_shared>> -> memref<10240x128xf32, #tpu.memory_space<vmem_shared>>
      tpu.enqueue_indirect_dma source(%dma_start3A_99 : memref<125x128xf32, #tpu.memory_space<vmem>>) target(%dma_start3A_102 : memref<10240x128xf32, #tpu.memory_space<vmem_shared>>) offsets(%arg7 : memref<125xi32, #tpu.memory_space<vmem>>) semaphore(%arg16 : memref<!tpu.dma_semaphore, #tpu.memory_space<semaphore_mem>>) {add = true}
      %add3A_103 = arith.constant 1 : i32
      %add3A_104 = arith.addi %mul3A_87, %add3A_103 : i32
      %dma_start3A_105 = arith.constant 0 : i32
      %dma_start3A_106 = arith.constant 0 : i32
      %dma_start3A_107 = tpu.memref_slice %arg9[%dma_start3A_105, %dma_start3A_106] : memref<128x128xf32, #tpu.memory_space<vmem>> -> memref<125x128xf32, #tpu.memory_space<vmem>>
      %dma_start3A_108 = arith.constant 0 : i32
      %dma_start3A_109 = tpu.memref_slice %arg6[%add3A_104, %dma_start3A_108] : memref<80x125xi32, #tpu.memory_space<vmem>> -> memref<1x125xi32, #tpu.memory_space<vmem>>
      %dma_start3A_110 = tpu.memref_squeeze %dma_start3A_109 : memref<1x125xi32, #tpu.memory_space<vmem>> -> memref<125xi32, #tpu.memory_space<vmem>>
      %dma_start3A_111 = arith.constant 0 : i32
      %dma_start3A_112 = arith.constant 0 : i32
      %dma_start3A_113 = tpu.memref_slice %arg2[%dma_start3A_111, %dma_start3A_112] : memref<10000x128xf32, #tpu.memory_space<hbm>> -> memref<10000x128xf32, #tpu.memory_space<hbm>>
      tpu.enqueue_indirect_dma source(%dma_start3A_113 : memref<10000x128xf32, #tpu.memory_space<hbm>>) target(%dma_start3A_107 : memref<125x128xf32, #tpu.memory_space<vmem>>) offsets(%dma_start3A_110 : memref<125xi32, #tpu.memory_space<vmem>>) semaphore(%arg12 : memref<!tpu.dma_semaphore, #tpu.memory_space<semaphore_mem>>)
      %dma_wait3A_114 = arith.constant 0 : i32
      %dma_wait3A_115 = tpu.memref_slice %arg4[%add3A_90, %dma_wait3A_114] : memref<2560x125xi32, #tpu.memory_space<hbm>> -> memref<1x125xi32, #tpu.memory_space<hbm>>
      %dma_wait3A_116 = tpu.memref_squeeze %dma_wait3A_115 : memref<1x125xi32, #tpu.memory_space<hbm>> -> memref<125xi32, #tpu.memory_space<hbm>>
      %dma_wait3A_117 = arith.constant 0 : i32
      %dma_wait3A_118 = tpu.memref_slice %arg4[%add3A_90, %dma_wait3A_117] : memref<2560x125xi32, #tpu.memory_space<hbm>> -> memref<1x125xi32, #tpu.memory_space<hbm>>
      %dma_wait3A_119 = tpu.memref_squeeze %dma_wait3A_118 : memref<1x125xi32, #tpu.memory_space<hbm>> -> memref<125xi32, #tpu.memory_space<hbm>>
      tpu.wait_dma2 semaphore(%arg15 : memref<!tpu.dma_semaphore, #tpu.memory_space<semaphore_mem>>) src(%dma_wait3A_119 : memref<125xi32, #tpu.memory_space<hbm>>) dst(%arg8 : memref<125xi32, #tpu.memory_space<vmem>>)
      %dma_wait3A_120 = arith.constant 0 : i32
      %dma_wait3A_121 = arith.constant 0 : i32
      %dma_wait3A_122 = tpu.memref_slice %arg9[%dma_wait3A_120, %dma_wait3A_121] : memref<128x128xf32, #tpu.memory_space<vmem>> -> memref<125x128xf32, #tpu.memory_space<vmem>>
      %dma_wait3A_123 = arith.constant 0 : i32
      %dma_wait3A_124 = tpu.memref_slice %arg6[%add3A_104, %dma_wait3A_123] : memref<80x125xi32, #tpu.memory_space<vmem>> -> memref<1x125xi32, #tpu.memory_space<vmem>>
      %dma_wait3A_125 = tpu.memref_squeeze %dma_wait3A_124 : memref<1x125xi32, #tpu.memory_space<vmem>> -> memref<125xi32, #tpu.memory_space<vmem>>
      %dma_wait3A_126 = arith.constant 0 : i32
      %dma_wait3A_127 = arith.constant 0 : i32
      %dma_wait3A_128 = tpu.memref_slice %arg2[%dma_wait3A_126, %dma_wait3A_127] : memref<10000x128xf32, #tpu.memory_space<hbm>> -> memref<10000x128xf32, #tpu.memory_space<hbm>>
      tpu.wait_indirect_dma semaphore(%arg12 : memref<!tpu.dma_semaphore, #tpu.memory_space<semaphore_mem>>) src(%dma_wait3A_128 : memref<10000x128xf32, #tpu.memory_space<hbm>>) dst(%dma_wait3A_122 : memref<125x128xf32, #tpu.memory_space<vmem>>)
      %dma_start3A_129 = arith.constant 0 : i32
      %dma_start3A_130 = arith.constant 0 : i32
      %dma_start3A_131 = tpu.memref_slice %arg9[%dma_start3A_129, %dma_start3A_130] : memref<128x128xf32, #tpu.memory_space<vmem>> -> memref<125x128xf32, #tpu.memory_space<vmem>>
      %dma_start3A_132 = arith.constant 0 : i32
      %dma_start3A_133 = arith.constant 0 : i32
      %dma_start3A_134 = tpu.memref_slice %arg11[%dma_start3A_132, %dma_start3A_133] : memref<10240x128xf32, #tpu.memory_space<vmem_shared>> -> memref<10240x128xf32, #tpu.memory_space<vmem_shared>>
      tpu.enqueue_indirect_dma source(%dma_start3A_131 : memref<125x128xf32, #tpu.memory_space<vmem>>) target(%dma_start3A_134 : memref<10240x128xf32, #tpu.memory_space<vmem_shared>>) offsets(%arg8 : memref<125xi32, #tpu.memory_space<vmem>>) semaphore(%arg17 : memref<!tpu.dma_semaphore, #tpu.memory_space<semaphore_mem>>) {add = true}
      %dma_wait3A_135 = arith.constant 0 : i32
      %dma_wait3A_136 = arith.constant 0 : i32
      %dma_wait3A_137 = tpu.memref_slice %arg10[%dma_wait3A_135, %dma_wait3A_136] : memref<128x128xf32, #tpu.memory_space<vmem>> -> memref<125x128xf32, #tpu.memory_space<vmem>>
      %dma_wait3A_138 = arith.constant 0 : i32
      %dma_wait3A_139 = arith.constant 0 : i32
      %dma_wait3A_140 = tpu.memref_slice %arg11[%dma_wait3A_138, %dma_wait3A_139] : memref<10240x128xf32, #tpu.memory_space<vmem_shared>> -> memref<10240x128xf32, #tpu.memory_space<vmem_shared>>
      tpu.wait_indirect_dma semaphore(%arg16 : memref<!tpu.dma_semaphore, #tpu.memory_space<semaphore_mem>>) src(%dma_wait3A_137 : memref<125x128xf32, #tpu.memory_space<vmem>>) dst(%dma_wait3A_140 : memref<10240x128xf32, #tpu.memory_space<vmem_shared>>)
      %lt3A = arith.constant 39 : i32
      %lt3A_141 = arith.cmpi slt, %scan3A_85, %lt3A : i32
      %convert_element_type3A = arith.extui %lt3A_141 : i1 to i32
      %cond3A = arith.constant 0 : i32
      %cond3A_142 = arith.cmpi ne, %convert_element_type3A, %cond3A : i32
      scf.if %cond3A_142 {
        %add3A_149 = arith.addi %mul3A_4, %mul3A_87 : i32
        %add3A_150 = arith.constant 2 : i32
        %add3A_151 = arith.addi %add3A_149, %add3A_150 : i32
        %dma_start3A_152 = arith.constant 0 : i32
        %dma_start3A_153 = tpu.memref_slice %arg4[%add3A_151, %dma_start3A_152] : memref<2560x125xi32, #tpu.memory_space<hbm>> -> memref<1x125xi32, #tpu.memory_space<hbm>>
        %dma_start3A_154 = tpu.memref_squeeze %dma_start3A_153 : memref<1x125xi32, #tpu.memory_space<hbm>> -> memref<125xi32, #tpu.memory_space<hbm>>
        %dma_start3A_155 = arith.constant 0 : i32
        %dma_start3A_156 = tpu.memref_slice %arg4[%add3A_151, %dma_start3A_155] : memref<2560x125xi32, #tpu.memory_space<hbm>> -> memref<1x125xi32, #tpu.memory_space<hbm>>
        %dma_start3A_157 = tpu.memref_squeeze %dma_start3A_156 : memref<1x125xi32, #tpu.memory_space<hbm>> -> memref<125xi32, #tpu.memory_space<hbm>>
        tpu.enqueue_dma source(%dma_start3A_157 : memref<125xi32, #tpu.memory_space<hbm>>) target(%arg7 : memref<125xi32, #tpu.memory_space<vmem>>) target_semaphore(%arg14 : memref<!tpu.dma_semaphore, #tpu.memory_space<semaphore_mem>>)
        %add3A_158 = arith.constant 2 : i32
        %add3A_159 = arith.addi %mul3A_87, %add3A_158 : i32
        %dma_start3A_160 = arith.constant 0 : i32
        %dma_start3A_161 = arith.constant 0 : i32
        %dma_start3A_162 = tpu.memref_slice %arg10[%dma_start3A_160, %dma_start3A_161] : memref<128x128xf32, #tpu.memory_space<vmem>> -> memref<125x128xf32, #tpu.memory_space<vmem>>
        %dma_start3A_163 = arith.constant 0 : i32
        %dma_start3A_164 = tpu.memref_slice %arg6[%add3A_159, %dma_start3A_163] : memref<80x125xi32, #tpu.memory_space<vmem>> -> memref<1x125xi32, #tpu.memory_space<vmem>>
        %dma_start3A_165 = tpu.memref_squeeze %dma_start3A_164 : memref<1x125xi32, #tpu.memory_space<vmem>> -> memref<125xi32, #tpu.memory_space<vmem>>
        %dma_start3A_166 = arith.constant 0 : i32
        %dma_start3A_167 = arith.constant 0 : i32
        %dma_start3A_168 = tpu.memref_slice %arg2[%dma_start3A_166, %dma_start3A_167] : memref<10000x128xf32, #tpu.memory_space<hbm>> -> memref<10000x128xf32, #tpu.memory_space<hbm>>
        tpu.enqueue_indirect_dma source(%dma_start3A_168 : memref<10000x128xf32, #tpu.memory_space<hbm>>) target(%dma_start3A_162 : memref<125x128xf32, #tpu.memory_space<vmem>>) offsets(%dma_start3A_165 : memref<125xi32, #tpu.memory_space<vmem>>) semaphore(%arg13 : memref<!tpu.dma_semaphore, #tpu.memory_space<semaphore_mem>>)
        %dma_wait3A_169 = arith.constant 0 : i32
        %dma_wait3A_170 = tpu.memref_slice %arg4[%add3A_151, %dma_wait3A_169] : memref<2560x125xi32, #tpu.memory_space<hbm>> -> memref<1x125xi32, #tpu.memory_space<hbm>>
        %dma_wait3A_171 = tpu.memref_squeeze %dma_wait3A_170 : memref<1x125xi32, #tpu.memory_space<hbm>> -> memref<125xi32, #tpu.memory_space<hbm>>
        %dma_wait3A_172 = arith.constant 0 : i32
        %dma_wait3A_173 = tpu.memref_slice %arg4[%add3A_151, %dma_wait3A_172] : memref<2560x125xi32, #tpu.memory_space<hbm>> -> memref<1x125xi32, #tpu.memory_space<hbm>>
        %dma_wait3A_174 = tpu.memref_squeeze %dma_wait3A_173 : memref<1x125xi32, #tpu.memory_space<hbm>> -> memref<125xi32, #tpu.memory_space<hbm>>
        tpu.wait_dma2 semaphore(%arg14 : memref<!tpu.dma_semaphore, #tpu.memory_space<semaphore_mem>>) src(%dma_wait3A_174 : memref<125xi32, #tpu.memory_space<hbm>>) dst(%arg7 : memref<125xi32, #tpu.memory_space<vmem>>)
        %dma_wait3A_175 = arith.constant 0 : i32
        %dma_wait3A_176 = arith.constant 0 : i32
        %dma_wait3A_177 = tpu.memref_slice %arg10[%dma_wait3A_175, %dma_wait3A_176] : memref<128x128xf32, #tpu.memory_space<vmem>> -> memref<125x128xf32, #tpu.memory_space<vmem>>
        %dma_wait3A_178 = arith.constant 0 : i32
        %dma_wait3A_179 = tpu.memref_slice %arg6[%add3A_159, %dma_wait3A_178] : memref<80x125xi32, #tpu.memory_space<vmem>> -> memref<1x125xi32, #tpu.memory_space<vmem>>
        %dma_wait3A_180 = tpu.memref_squeeze %dma_wait3A_179 : memref<1x125xi32, #tpu.memory_space<vmem>> -> memref<125xi32, #tpu.memory_space<vmem>>
        %dma_wait3A_181 = arith.constant 0 : i32
        %dma_wait3A_182 = arith.constant 0 : i32
        %dma_wait3A_183 = tpu.memref_slice %arg2[%dma_wait3A_181, %dma_wait3A_182] : memref<10000x128xf32, #tpu.memory_space<hbm>> -> memref<10000x128xf32, #tpu.memory_space<hbm>>
        tpu.wait_indirect_dma semaphore(%arg13 : memref<!tpu.dma_semaphore, #tpu.memory_space<semaphore_mem>>) src(%dma_wait3A_183 : memref<10000x128xf32, #tpu.memory_space<hbm>>) dst(%dma_wait3A_177 : memref<125x128xf32, #tpu.memory_space<vmem>>)
      } else {
      }
      %dma_wait3A_143 = arith.constant 0 : i32
      %dma_wait3A_144 = arith.constant 0 : i32
      %dma_wait3A_145 = tpu.memref_slice %arg9[%dma_wait3A_143, %dma_wait3A_144] : memref<128x128xf32, #tpu.memory_space<vmem>> -> memref<125x128xf32, #tpu.memory_space<vmem>>
      %dma_wait3A_146 = arith.constant 0 : i32
      %dma_wait3A_147 = arith.constant 0 : i32
      %dma_wait3A_148 = tpu.memref_slice %arg11[%dma_wait3A_146, %dma_wait3A_147] : memref<10240x128xf32, #tpu.memory_space<vmem_shared>> -> memref<10240x128xf32, #tpu.memory_space<vmem_shared>>
      tpu.wait_indirect_dma semaphore(%arg17 : memref<!tpu.dma_semaphore, #tpu.memory_space<semaphore_mem>>) src(%dma_wait3A_145 : memref<125x128xf32, #tpu.memory_space<vmem>>) dst(%dma_wait3A_148 : memref<10240x128xf32, #tpu.memory_space<vmem_shared>>)
    }
    %scan3A_83 = arith.constant 40 : i32
    %barrier3A_84 = arith.constant 0 : index
    tpu.barrier barrier_id(%barrier3A_84)
    "tpu.region"() ({
      %run_scoped3A = tpu.sem_alloc : memref<!tpu.dma_semaphore, #tpu.memory_space<semaphore_mem>>
      %dma_start3A_85 = arith.constant 0 : i32
      %dma_start3A_86 = tpu.memref_slice %arg5[%arg0, %mul3A_0, %dma_start3A_85] : memref<2x10240x128xf32, #tpu.memory_space<hbm>> -> memref<1x640x128xf32, #tpu.memory_space<hbm>>
      %dma_start3A_87 = tpu.memref_squeeze %dma_start3A_86 : memref<1x640x128xf32, #tpu.memory_space<hbm>> -> memref<640x128xf32, #tpu.memory_space<hbm>>
      %dma_start3A_88 = arith.constant 0 : i32
      %dma_start3A_89 = tpu.memref_slice %arg11[%mul3A_0, %dma_start3A_88] : memref<10240x128xf32, #tpu.memory_space<vmem_shared>> -> memref<640x128xf32, #tpu.memory_space<vmem_shared>>
      tpu.enqueue_dma source(%dma_start3A_89 : memref<640x128xf32, #tpu.memory_space<vmem_shared>>) target(%dma_start3A_87 : memref<640x128xf32, #tpu.memory_space<hbm>>) target_semaphore(%run_scoped3A : memref<!tpu.dma_semaphore, #tpu.memory_space<semaphore_mem>>)
      %dma_wait3A_90 = arith.constant 0 : i32
      %dma_wait3A_91 = tpu.memref_slice %arg5[%arg0, %mul3A_0, %dma_wait3A_90] : memref<2x10240x128xf32, #tpu.memory_space<hbm>> -> memref<1x640x128xf32, #tpu.memory_space<hbm>>
      %dma_wait3A_92 = tpu.memref_squeeze %dma_wait3A_91 : memref<1x640x128xf32, #tpu.memory_space<hbm>> -> memref<640x128xf32, #tpu.memory_space<hbm>>
      %dma_wait3A_93 = arith.constant 0 : i32
      %dma_wait3A_94 = tpu.memref_slice %arg11[%mul3A_0, %dma_wait3A_93] : memref<10240x128xf32, #tpu.memory_space<vmem_shared>> -> memref<640x128xf32, #tpu.memory_space<vmem_shared>>
      tpu.wait_dma2 semaphore(%run_scoped3A : memref<!tpu.dma_semaphore, #tpu.memory_space<semaphore_mem>>) src(%dma_wait3A_94 : memref<640x128xf32, #tpu.memory_space<vmem_shared>>) dst(%dma_wait3A_92 : memref<640x128xf32, #tpu.memory_space<hbm>>)
      tpu.yield
    }) : () -> ()
    return
  }
}

#map = affine_map<(d0, d1) -> (0, 0)>
#map1 = affine_map<(d0, d1) -> (0, 0, 0)>
module attributes {stable_mosaic.version = 14 : i64} {
  func.func @_sc_prop(%arg0: i32, %arg1: i32, %arg2: memref<10000x128xf32, #tpu.memory_space<hbm>>, %arg3: memref<2560x125xi32, #tpu.memory_space<hbm>>, %arg4: memref<2560x125xi32, #tpu.memory_space<hbm>>, %arg5: memref<2x10240x128xf32, #tpu.memory_space<hbm>>, %arg6: memref<80x125xi32, #tpu.memory_space<vmem>>, %arg7: memref<125xi32, #tpu.memory_space<vmem>>, %arg8: memref<125xi32, #tpu.memory_space<vmem>>, %arg9: memref<128x128xf32, #tpu.memory_space<vmem>>, %arg10: memref<128x128xf32, #tpu.memory_space<vmem>>, %arg11: memref<10240x128xf32, #tpu.memory_space<vmem_shared>>, %arg12: memref<!tpu.dma_semaphore, #tpu.memory_space<semaphore_mem>>, %arg13: memref<!tpu.dma_semaphore, #tpu.memory_space<semaphore_mem>>, %arg14: memref<!tpu.dma_semaphore, #tpu.memory_space<semaphore_mem>>, %arg15: memref<!tpu.dma_semaphore, #tpu.memory_space<semaphore_mem>>, %arg16: memref<!tpu.dma_semaphore, #tpu.memory_space<semaphore_mem>>, %arg17: memref<!tpu.dma_semaphore, #tpu.memory_space<semaphore_mem>>) attributes {dimension_semantics = [#tpu.dimension_semantics<core_parallel>, #tpu.dimension_semantics<subcore_parallel>], iteration_bounds = array<i64: 2, 16>, scalar_prefetch = 0 : i64, scratch_operands = 12 : i64, tpu.core_type = #tpu.core_type<sc_vector_subcore>, window_params = [{transform_indices = #map}, {transform_indices = #map}, {transform_indices = #map}, {transform_indices = #map1}]} {
    %mul3A = arith.constant 640 : i32
    %mul3A_0 = arith.muli %arg1, %mul3A : i32
    %mul3A_1 = arith.constant 2 : i32
    %mul3A_2 = arith.muli %arg1, %mul3A_1 : i32
    %add3A = arith.addi %mul3A_2, %arg0 : i32
    %mul3A_3 = arith.constant 80 : i32
    %mul3A_4 = arith.muli %add3A, %mul3A_3 : i32
    "tpu.region"() ({
      %run_scoped3A = tpu.sem_alloc : memref<!tpu.dma_semaphore, #tpu.memory_space<semaphore_mem>>
      %dma_start3A_85 = arith.constant 0 : i32
      %dma_start3A_86 = tpu.memref_slice %arg3[%mul3A_4, %dma_start3A_85] : memref<2560x125xi32, #tpu.memory_space<hbm>> -> memref<80x125xi32, #tpu.memory_space<hbm>>
      %dma_start3A_87 = arith.constant 0 : i32
      %dma_start3A_88 = tpu.memref_slice %arg3[%mul3A_4, %dma_start3A_87] : memref<2560x125xi32, #tpu.memory_space<hbm>> -> memref<80x125xi32, #tpu.memory_space<hbm>>
      tpu.enqueue_dma source(%dma_start3A_88 : memref<80x125xi32, #tpu.memory_space<hbm>>) target(%arg6 : memref<80x125xi32, #tpu.memory_space<vmem>>) target_semaphore(%run_scoped3A : memref<!tpu.dma_semaphore, #tpu.memory_space<semaphore_mem>>)
      %dma_wait3A_89 = arith.constant 0 : i32
      %dma_wait3A_90 = tpu.memref_slice %arg3[%mul3A_4, %dma_wait3A_89] : memref<2560x125xi32, #tpu.memory_space<hbm>> -> memref<80x125xi32, #tpu.memory_space<hbm>>
      %dma_wait3A_91 = arith.constant 0 : i32
      %dma_wait3A_92 = tpu.memref_slice %arg3[%mul3A_4, %dma_wait3A_91] : memref<2560x125xi32, #tpu.memory_space<hbm>> -> memref<80x125xi32, #tpu.memory_space<hbm>>
      tpu.wait_dma2 semaphore(%run_scoped3A : memref<!tpu.dma_semaphore, #tpu.memory_space<semaphore_mem>>) src(%dma_wait3A_92 : memref<80x125xi32, #tpu.memory_space<hbm>>) dst(%arg6 : memref<80x125xi32, #tpu.memory_space<vmem>>)
      tpu.yield
    }) : () -> ()
    %scan3A = arith.constant 0 : i32
    %scan3A_5 = arith.constant 0 : i32
    %scan3A_6 = arith.constant 128 : i32
    %scan3A_7 = arith.addi %scan3A_5, %scan3A_6 : i32
    %scan3A_8 = arith.constant 1 : i32
    scf.for %scan3A_85 = %scan3A_5 to %scan3A_7 step %scan3A_8  : i32 {
      %broadcast_in_dim3A = arith.constant 0.000000e+00 : f32
      %broadcast_in_dim3A_86 = vector.broadcast %broadcast_in_dim3A : f32 to vector<16xf32>
      %swap3A = arith.index_cast %scan3A_85 : i32 to index
      %swap3A_87 = arith.constant 0 : index
      %swap3A_88 = tpu.vector_load %arg9[%swap3A, %swap3A_87] {strides = array<i32>} : memref<128x128xf32, #tpu.memory_space<vmem>>, vector<1x16xf32>,
      %swap3A_89 = vector.shape_cast %swap3A_88 : vector<1x16xf32> to vector<16xf32>
      %swap3A_90 = vector.shape_cast %broadcast_in_dim3A_86 : vector<16xf32> to vector<1x16xf32>
      tpu.vector_store %arg9[%swap3A, %swap3A_87], %swap3A_90 {strides = array<i32>} : memref<128x128xf32, #tpu.memory_space<vmem>>, vector<1x16xf32>,
      %broadcast_in_dim3A_91 = arith.constant 0.000000e+00 : f32
      %broadcast_in_dim3A_92 = vector.broadcast %broadcast_in_dim3A_91 : f32 to vector<16xf32>
      %swap3A_93 = arith.index_cast %scan3A_85 : i32 to index
      %swap3A_94 = arith.constant 16 : index
      %swap3A_95 = tpu.vector_load %arg9[%swap3A_93, %swap3A_94] {strides = array<i32>} : memref<128x128xf32, #tpu.memory_space<vmem>>, vector<1x16xf32>,
      %swap3A_96 = vector.shape_cast %swap3A_95 : vector<1x16xf32> to vector<16xf32>
      %swap3A_97 = vector.shape_cast %broadcast_in_dim3A_92 : vector<16xf32> to vector<1x16xf32>
      tpu.vector_store %arg9[%swap3A_93, %swap3A_94], %swap3A_97 {strides = array<i32>} : memref<128x128xf32, #tpu.memory_space<vmem>>, vector<1x16xf32>,
      %broadcast_in_dim3A_98 = arith.constant 0.000000e+00 : f32
      %broadcast_in_dim3A_99 = vector.broadcast %broadcast_in_dim3A_98 : f32 to vector<16xf32>
      %swap3A_100 = arith.index_cast %scan3A_85 : i32 to index
      %swap3A_101 = arith.constant 32 : index
      %swap3A_102 = tpu.vector_load %arg9[%swap3A_100, %swap3A_101] {strides = array<i32>} : memref<128x128xf32, #tpu.memory_space<vmem>>, vector<1x16xf32>,
      %swap3A_103 = vector.shape_cast %swap3A_102 : vector<1x16xf32> to vector<16xf32>
      %swap3A_104 = vector.shape_cast %broadcast_in_dim3A_99 : vector<16xf32> to vector<1x16xf32>
      tpu.vector_store %arg9[%swap3A_100, %swap3A_101], %swap3A_104 {strides = array<i32>} : memref<128x128xf32, #tpu.memory_space<vmem>>, vector<1x16xf32>,
      %broadcast_in_dim3A_105 = arith.constant 0.000000e+00 : f32
      %broadcast_in_dim3A_106 = vector.broadcast %broadcast_in_dim3A_105 : f32 to vector<16xf32>
      %swap3A_107 = arith.index_cast %scan3A_85 : i32 to index
      %swap3A_108 = arith.constant 48 : index
      %swap3A_109 = tpu.vector_load %arg9[%swap3A_107, %swap3A_108] {strides = array<i32>} : memref<128x128xf32, #tpu.memory_space<vmem>>, vector<1x16xf32>,
      %swap3A_110 = vector.shape_cast %swap3A_109 : vector<1x16xf32> to vector<16xf32>
      %swap3A_111 = vector.shape_cast %broadcast_in_dim3A_106 : vector<16xf32> to vector<1x16xf32>
      tpu.vector_store %arg9[%swap3A_107, %swap3A_108], %swap3A_111 {strides = array<i32>} : memref<128x128xf32, #tpu.memory_space<vmem>>, vector<1x16xf32>,
      %broadcast_in_dim3A_112 = arith.constant 0.000000e+00 : f32
      %broadcast_in_dim3A_113 = vector.broadcast %broadcast_in_dim3A_112 : f32 to vector<16xf32>
      %swap3A_114 = arith.index_cast %scan3A_85 : i32 to index
      %swap3A_115 = arith.constant 64 : index
      %swap3A_116 = tpu.vector_load %arg9[%swap3A_114, %swap3A_115] {strides = array<i32>} : memref<128x128xf32, #tpu.memory_space<vmem>>, vector<1x16xf32>,
      %swap3A_117 = vector.shape_cast %swap3A_116 : vector<1x16xf32> to vector<16xf32>
      %swap3A_118 = vector.shape_cast %broadcast_in_dim3A_113 : vector<16xf32> to vector<1x16xf32>
      tpu.vector_store %arg9[%swap3A_114, %swap3A_115], %swap3A_118 {strides = array<i32>} : memref<128x128xf32, #tpu.memory_space<vmem>>, vector<1x16xf32>,
      %broadcast_in_dim3A_119 = arith.constant 0.000000e+00 : f32
      %broadcast_in_dim3A_120 = vector.broadcast %broadcast_in_dim3A_119 : f32 to vector<16xf32>
      %swap3A_121 = arith.index_cast %scan3A_85 : i32 to index
      %swap3A_122 = arith.constant 80 : index
      %swap3A_123 = tpu.vector_load %arg9[%swap3A_121, %swap3A_122] {strides = array<i32>} : memref<128x128xf32, #tpu.memory_space<vmem>>, vector<1x16xf32>,
      %swap3A_124 = vector.shape_cast %swap3A_123 : vector<1x16xf32> to vector<16xf32>
      %swap3A_125 = vector.shape_cast %broadcast_in_dim3A_120 : vector<16xf32> to vector<1x16xf32>
      tpu.vector_store %arg9[%swap3A_121, %swap3A_122], %swap3A_125 {strides = array<i32>} : memref<128x128xf32, #tpu.memory_space<vmem>>, vector<1x16xf32>,
      %broadcast_in_dim3A_126 = arith.constant 0.000000e+00 : f32
      %broadcast_in_dim3A_127 = vector.broadcast %broadcast_in_dim3A_126 : f32 to vector<16xf32>
      %swap3A_128 = arith.index_cast %scan3A_85 : i32 to index
      %swap3A_129 = arith.constant 96 : index
      %swap3A_130 = tpu.vector_load %arg9[%swap3A_128, %swap3A_129] {strides = array<i32>} : memref<128x128xf32, #tpu.memory_space<vmem>>, vector<1x16xf32>,
      %swap3A_131 = vector.shape_cast %swap3A_130 : vector<1x16xf32> to vector<16xf32>
      %swap3A_132 = vector.shape_cast %broadcast_in_dim3A_127 : vector<16xf32> to vector<1x16xf32>
      tpu.vector_store %arg9[%swap3A_128, %swap3A_129], %swap3A_132 {strides = array<i32>} : memref<128x128xf32, #tpu.memory_space<vmem>>, vector<1x16xf32>,
      %broadcast_in_dim3A_133 = arith.constant 0.000000e+00 : f32
      %broadcast_in_dim3A_134 = vector.broadcast %broadcast_in_dim3A_133 : f32 to vector<16xf32>
      %swap3A_135 = arith.index_cast %scan3A_85 : i32 to index
      %swap3A_136 = arith.constant 112 : index
      %swap3A_137 = tpu.vector_load %arg9[%swap3A_135, %swap3A_136] {strides = array<i32>} : memref<128x128xf32, #tpu.memory_space<vmem>>, vector<1x16xf32>,
      %swap3A_138 = vector.shape_cast %swap3A_137 : vector<1x16xf32> to vector<16xf32>
      %swap3A_139 = vector.shape_cast %broadcast_in_dim3A_134 : vector<16xf32> to vector<1x16xf32>
      tpu.vector_store %arg9[%swap3A_135, %swap3A_136], %swap3A_139 {strides = array<i32>} : memref<128x128xf32, #tpu.memory_space<vmem>>, vector<1x16xf32>,
    }
    %scan3A_9 = arith.constant 128 : i32
    %add3A_10 = arith.constant 0 : i32
    %add3A_11 = arith.addi %mul3A_0, %add3A_10 : i32
    %dma_start3A = arith.constant 0 : i32
    %dma_start3A_12 = tpu.memref_slice %arg11[%add3A_11, %dma_start3A] : memref<10240x128xf32, #tpu.memory_space<vmem_shared>> -> memref<128x128xf32, #tpu.memory_space<vmem_shared>>
    %dma_start3A_13 = arith.constant 0 : i32
    %dma_start3A_14 = tpu.memref_slice %arg11[%add3A_11, %dma_start3A_13] : memref<10240x128xf32, #tpu.memory_space<vmem_shared>> -> memref<128x128xf32, #tpu.memory_space<vmem_shared>>
    tpu.enqueue_dma source(%arg9 : memref<128x128xf32, #tpu.memory_space<vmem>>) target(%dma_start3A_14 : memref<128x128xf32, #tpu.memory_space<vmem_shared>>) target_semaphore(%arg14 : memref<!tpu.dma_semaphore, #tpu.memory_space<semaphore_mem>>)
    %add3A_15 = arith.constant 128 : i32
    %add3A_16 = arith.addi %mul3A_0, %add3A_15 : i32
    %dma_start3A_17 = arith.constant 0 : i32
    %dma_start3A_18 = tpu.memref_slice %arg11[%add3A_16, %dma_start3A_17] : memref<10240x128xf32, #tpu.memory_space<vmem_shared>> -> memref<128x128xf32, #tpu.memory_space<vmem_shared>>
    %dma_start3A_19 = arith.constant 0 : i32
    %dma_start3A_20 = tpu.memref_slice %arg11[%add3A_16, %dma_start3A_19] : memref<10240x128xf32, #tpu.memory_space<vmem_shared>> -> memref<128x128xf32, #tpu.memory_space<vmem_shared>>
    tpu.enqueue_dma source(%arg9 : memref<128x128xf32, #tpu.memory_space<vmem>>) target(%dma_start3A_20 : memref<128x128xf32, #tpu.memory_space<vmem_shared>>) target_semaphore(%arg14 : memref<!tpu.dma_semaphore, #tpu.memory_space<semaphore_mem>>)
    %add3A_21 = arith.constant 256 : i32
    %add3A_22 = arith.addi %mul3A_0, %add3A_21 : i32
    %dma_start3A_23 = arith.constant 0 : i32
    %dma_start3A_24 = tpu.memref_slice %arg11[%add3A_22, %dma_start3A_23] : memref<10240x128xf32, #tpu.memory_space<vmem_shared>> -> memref<128x128xf32, #tpu.memory_space<vmem_shared>>
    %dma_start3A_25 = arith.constant 0 : i32
    %dma_start3A_26 = tpu.memref_slice %arg11[%add3A_22, %dma_start3A_25] : memref<10240x128xf32, #tpu.memory_space<vmem_shared>> -> memref<128x128xf32, #tpu.memory_space<vmem_shared>>
    tpu.enqueue_dma source(%arg9 : memref<128x128xf32, #tpu.memory_space<vmem>>) target(%dma_start3A_26 : memref<128x128xf32, #tpu.memory_space<vmem_shared>>) target_semaphore(%arg14 : memref<!tpu.dma_semaphore, #tpu.memory_space<semaphore_mem>>)
    %add3A_27 = arith.constant 384 : i32
    %add3A_28 = arith.addi %mul3A_0, %add3A_27 : i32
    %dma_start3A_29 = arith.constant 0 : i32
    %dma_start3A_30 = tpu.memref_slice %arg11[%add3A_28, %dma_start3A_29] : memref<10240x128xf32, #tpu.memory_space<vmem_shared>> -> memref<128x128xf32, #tpu.memory_space<vmem_shared>>
    %dma_start3A_31 = arith.constant 0 : i32
    %dma_start3A_32 = tpu.memref_slice %arg11[%add3A_28, %dma_start3A_31] : memref<10240x128xf32, #tpu.memory_space<vmem_shared>> -> memref<128x128xf32, #tpu.memory_space<vmem_shared>>
    tpu.enqueue_dma source(%arg9 : memref<128x128xf32, #tpu.memory_space<vmem>>) target(%dma_start3A_32 : memref<128x128xf32, #tpu.memory_space<vmem_shared>>) target_semaphore(%arg14 : memref<!tpu.dma_semaphore, #tpu.memory_space<semaphore_mem>>)
    %add3A_33 = arith.constant 512 : i32
    %add3A_34 = arith.addi %mul3A_0, %add3A_33 : i32
    %dma_start3A_35 = arith.constant 0 : i32
    %dma_start3A_36 = tpu.memref_slice %arg11[%add3A_34, %dma_start3A_35] : memref<10240x128xf32, #tpu.memory_space<vmem_shared>> -> memref<128x128xf32, #tpu.memory_space<vmem_shared>>
    %dma_start3A_37 = arith.constant 0 : i32
    %dma_start3A_38 = tpu.memref_slice %arg11[%add3A_34, %dma_start3A_37] : memref<10240x128xf32, #tpu.memory_space<vmem_shared>> -> memref<128x128xf32, #tpu.memory_space<vmem_shared>>
    tpu.enqueue_dma source(%arg9 : memref<128x128xf32, #tpu.memory_space<vmem>>) target(%dma_start3A_38 : memref<128x128xf32, #tpu.memory_space<vmem_shared>>) target_semaphore(%arg14 : memref<!tpu.dma_semaphore, #tpu.memory_space<semaphore_mem>>)
    "tpu.region"() ({
      %run_scoped3A = tpu.sem_alloc : memref<!tpu.dma_semaphore, #tpu.memory_space<semaphore_mem>>
      %dma_start3A_85 = arith.constant 0 : i32
      %dma_start3A_86 = tpu.memref_slice %arg4[%mul3A_4, %dma_start3A_85] : memref<2560x125xi32, #tpu.memory_space<hbm>> -> memref<1x125xi32, #tpu.memory_space<hbm>>
      %dma_start3A_87 = tpu.memref_squeeze %dma_start3A_86 : memref<1x125xi32, #tpu.memory_space<hbm>> -> memref<125xi32, #tpu.memory_space<hbm>>
      %dma_start3A_88 = arith.constant 0 : i32
      %dma_start3A_89 = tpu.memref_slice %arg4[%mul3A_4, %dma_start3A_88] : memref<2560x125xi32, #tpu.memory_space<hbm>> -> memref<1x125xi32, #tpu.memory_space<hbm>>
      %dma_start3A_90 = tpu.memref_squeeze %dma_start3A_89 : memref<1x125xi32, #tpu.memory_space<hbm>> -> memref<125xi32, #tpu.memory_space<hbm>>
      tpu.enqueue_dma source(%dma_start3A_90 : memref<125xi32, #tpu.memory_space<hbm>>) target(%arg7 : memref<125xi32, #tpu.memory_space<vmem>>) target_semaphore(%run_scoped3A : memref<!tpu.dma_semaphore, #tpu.memory_space<semaphore_mem>>)
      %dma_wait3A_91 = arith.constant 0 : i32
      %dma_wait3A_92 = tpu.memref_slice %arg4[%mul3A_4, %dma_wait3A_91] : memref<2560x125xi32, #tpu.memory_space<hbm>> -> memref<1x125xi32, #tpu.memory_space<hbm>>
      %dma_wait3A_93 = tpu.memref_squeeze %dma_wait3A_92 : memref<1x125xi32, #tpu.memory_space<hbm>> -> memref<125xi32, #tpu.memory_space<hbm>>
      %dma_wait3A_94 = arith.constant 0 : i32
      %dma_wait3A_95 = tpu.memref_slice %arg4[%mul3A_4, %dma_wait3A_94] : memref<2560x125xi32, #tpu.memory_space<hbm>> -> memref<1x125xi32, #tpu.memory_space<hbm>>
      %dma_wait3A_96 = tpu.memref_squeeze %dma_wait3A_95 : memref<1x125xi32, #tpu.memory_space<hbm>> -> memref<125xi32, #tpu.memory_space<hbm>>
      tpu.wait_dma2 semaphore(%run_scoped3A : memref<!tpu.dma_semaphore, #tpu.memory_space<semaphore_mem>>) src(%dma_wait3A_96 : memref<125xi32, #tpu.memory_space<hbm>>) dst(%arg7 : memref<125xi32, #tpu.memory_space<vmem>>)
      tpu.yield
    }) : () -> ()
    %dma_start3A_39 = arith.constant 0 : i32
    %dma_start3A_40 = arith.constant 0 : i32
    %dma_start3A_41 = arith.constant 0 : i32
    %dma_start3A_42 = tpu.memref_slice %arg10[%dma_start3A_40, %dma_start3A_41] : memref<128x128xf32, #tpu.memory_space<vmem>> -> memref<125x128xf32, #tpu.memory_space<vmem>>
    %dma_start3A_43 = arith.constant 0 : i32
    %dma_start3A_44 = tpu.memref_slice %arg6[%dma_start3A_39, %dma_start3A_43] : memref<80x125xi32, #tpu.memory_space<vmem>> -> memref<1x125xi32, #tpu.memory_space<vmem>>
    %dma_start3A_45 = tpu.memref_squeeze %dma_start3A_44 : memref<1x125xi32, #tpu.memory_space<vmem>> -> memref<125xi32, #tpu.memory_space<vmem>>
    %dma_start3A_46 = arith.constant 0 : i32
    %dma_start3A_47 = arith.constant 0 : i32
    %dma_start3A_48 = tpu.memref_slice %arg2[%dma_start3A_46, %dma_start3A_47] : memref<10000x128xf32, #tpu.memory_space<hbm>> -> memref<10000x128xf32, #tpu.memory_space<hbm>>
    tpu.enqueue_indirect_dma source(%dma_start3A_48 : memref<10000x128xf32, #tpu.memory_space<hbm>>) target(%dma_start3A_42 : memref<125x128xf32, #tpu.memory_space<vmem>>) offsets(%dma_start3A_45 : memref<125xi32, #tpu.memory_space<vmem>>) semaphore(%arg13 : memref<!tpu.dma_semaphore, #tpu.memory_space<semaphore_mem>>)
    %dma_wait3A = arith.constant 0 : i32
    %dma_wait3A_49 = tpu.memref_slice %arg11[%add3A_11, %dma_wait3A] : memref<10240x128xf32, #tpu.memory_space<vmem_shared>> -> memref<128x128xf32, #tpu.memory_space<vmem_shared>>
    %dma_wait3A_50 = arith.constant 0 : i32
    %dma_wait3A_51 = tpu.memref_slice %arg11[%add3A_11, %dma_wait3A_50] : memref<10240x128xf32, #tpu.memory_space<vmem_shared>> -> memref<128x128xf32, #tpu.memory_space<vmem_shared>>
    tpu.wait_dma2 semaphore(%arg14 : memref<!tpu.dma_semaphore, #tpu.memory_space<semaphore_mem>>) src(%arg9 : memref<128x128xf32, #tpu.memory_space<vmem>>) dst(%dma_wait3A_51 : memref<128x128xf32, #tpu.memory_space<vmem_shared>>)
    %dma_wait3A_52 = arith.constant 0 : i32
    %dma_wait3A_53 = tpu.memref_slice %arg11[%add3A_16, %dma_wait3A_52] : memref<10240x128xf32, #tpu.memory_space<vmem_shared>> -> memref<128x128xf32, #tpu.memory_space<vmem_shared>>
    %dma_wait3A_54 = arith.constant 0 : i32
    %dma_wait3A_55 = tpu.memref_slice %arg11[%add3A_16, %dma_wait3A_54] : memref<10240x128xf32, #tpu.memory_space<vmem_shared>> -> memref<128x128xf32, #tpu.memory_space<vmem_shared>>
    tpu.wait_dma2 semaphore(%arg14 : memref<!tpu.dma_semaphore, #tpu.memory_space<semaphore_mem>>) src(%arg9 : memref<128x128xf32, #tpu.memory_space<vmem>>) dst(%dma_wait3A_55 : memref<128x128xf32, #tpu.memory_space<vmem_shared>>)
    %dma_wait3A_56 = arith.constant 0 : i32
    %dma_wait3A_57 = tpu.memref_slice %arg11[%add3A_22, %dma_wait3A_56] : memref<10240x128xf32, #tpu.memory_space<vmem_shared>> -> memref<128x128xf32, #tpu.memory_space<vmem_shared>>
    %dma_wait3A_58 = arith.constant 0 : i32
    %dma_wait3A_59 = tpu.memref_slice %arg11[%add3A_22, %dma_wait3A_58] : memref<10240x128xf32, #tpu.memory_space<vmem_shared>> -> memref<128x128xf32, #tpu.memory_space<vmem_shared>>
    tpu.wait_dma2 semaphore(%arg14 : memref<!tpu.dma_semaphore, #tpu.memory_space<semaphore_mem>>) src(%arg9 : memref<128x128xf32, #tpu.memory_space<vmem>>) dst(%dma_wait3A_59 : memref<128x128xf32, #tpu.memory_space<vmem_shared>>)
    %dma_wait3A_60 = arith.constant 0 : i32
    %dma_wait3A_61 = tpu.memref_slice %arg11[%add3A_28, %dma_wait3A_60] : memref<10240x128xf32, #tpu.memory_space<vmem_shared>> -> memref<128x128xf32, #tpu.memory_space<vmem_shared>>
    %dma_wait3A_62 = arith.constant 0 : i32
    %dma_wait3A_63 = tpu.memref_slice %arg11[%add3A_28, %dma_wait3A_62] : memref<10240x128xf32, #tpu.memory_space<vmem_shared>> -> memref<128x128xf32, #tpu.memory_space<vmem_shared>>
    tpu.wait_dma2 semaphore(%arg14 : memref<!tpu.dma_semaphore, #tpu.memory_space<semaphore_mem>>) src(%arg9 : memref<128x128xf32, #tpu.memory_space<vmem>>) dst(%dma_wait3A_63 : memref<128x128xf32, #tpu.memory_space<vmem_shared>>)
    %dma_wait3A_64 = arith.constant 0 : i32
    %dma_wait3A_65 = tpu.memref_slice %arg11[%add3A_34, %dma_wait3A_64] : memref<10240x128xf32, #tpu.memory_space<vmem_shared>> -> memref<128x128xf32, #tpu.memory_space<vmem_shared>>
    %dma_wait3A_66 = arith.constant 0 : i32
    %dma_wait3A_67 = tpu.memref_slice %arg11[%add3A_34, %dma_wait3A_66] : memref<10240x128xf32, #tpu.memory_space<vmem_shared>> -> memref<128x128xf32, #tpu.memory_space<vmem_shared>>
    tpu.wait_dma2 semaphore(%arg14 : memref<!tpu.dma_semaphore, #tpu.memory_space<semaphore_mem>>) src(%arg9 : memref<128x128xf32, #tpu.memory_space<vmem>>) dst(%dma_wait3A_67 : memref<128x128xf32, #tpu.memory_space<vmem_shared>>)
    %barrier3A = arith.constant 0 : index
    tpu.barrier barrier_id(%barrier3A)
    %dma_wait3A_68 = arith.constant 0 : i32
    %dma_wait3A_69 = arith.constant 0 : i32
    %dma_wait3A_70 = arith.constant 0 : i32
    %dma_wait3A_71 = tpu.memref_slice %arg10[%dma_wait3A_69, %dma_wait3A_70] : memref<128x128xf32, #tpu.memory_space<vmem>> -> memref<125x128xf32, #tpu.memory_space<vmem>>
    %dma_wait3A_72 = arith.constant 0 : i32
    %dma_wait3A_73 = tpu.memref_slice %arg6[%dma_wait3A_68, %dma_wait3A_72] : memref<80x125xi32, #tpu.memory_space<vmem>> -> memref<1x125xi32, #tpu.memory_space<vmem>>
    %dma_wait3A_74 = tpu.memref_squeeze %dma_wait3A_73 : memref<1x125xi32, #tpu.memory_space<vmem>> -> memref<125xi32, #tpu.memory_space<vmem>>
    %dma_wait3A_75 = arith.constant 0 : i32
    %dma_wait3A_76 = arith.constant 0 : i32
    %dma_wait3A_77 = tpu.memref_slice %arg2[%dma_wait3A_75, %dma_wait3A_76] : memref<10000x128xf32, #tpu.memory_space<hbm>> -> memref<10000x128xf32, #tpu.memory_space<hbm>>
    tpu.wait_indirect_dma semaphore(%arg13 : memref<!tpu.dma_semaphore, #tpu.memory_space<semaphore_mem>>) src(%dma_wait3A_77 : memref<10000x128xf32, #tpu.memory_space<hbm>>) dst(%dma_wait3A_71 : memref<125x128xf32, #tpu.memory_space<vmem>>)
    %scan3A_78 = arith.constant 0 : i32
    %scan3A_79 = arith.constant 0 : i32
    %scan3A_80 = arith.constant 40 : i32
    %scan3A_81 = arith.addi %scan3A_79, %scan3A_80 : i32
    %scan3A_82 = arith.constant 1 : i32
    scf.for %scan3A_85 = %scan3A_79 to %scan3A_81 step %scan3A_82  : i32 {
      %mul3A_86 = arith.constant 2 : i32
      %mul3A_87 = arith.muli %mul3A_86, %scan3A_85 : i32
      %add3A_88 = arith.addi %mul3A_4, %mul3A_87 : i32
      %add3A_89 = arith.constant 1 : i32
      %add3A_90 = arith.addi %add3A_88, %add3A_89 : i32
      %dma_start3A_91 = arith.constant 0 : i32
      %dma_start3A_92 = tpu.memref_slice %arg4[%add3A_90, %dma_start3A_91] : memref<2560x125xi32, #tpu.memory_space<hbm>> -> memref<1x125xi32, #tpu.memory_space<hbm>>
      %dma_start3A_93 = tpu.memref_squeeze %dma_start3A_92 : memref<1x125xi32, #tpu.memory_space<hbm>> -> memref<125xi32, #tpu.memory_space<hbm>>
      %dma_start3A_94 = arith.constant 0 : i32
      %dma_start3A_95 = tpu.memref_slice %arg4[%add3A_90, %dma_start3A_94] : memref<2560x125xi32, #tpu.memory_space<hbm>> -> memref<1x125xi32, #tpu.memory_space<hbm>>
      %dma_start3A_96 = tpu.memref_squeeze %dma_start3A_95 : memref<1x125xi32, #tpu.memory_space<hbm>> -> memref<125xi32, #tpu.memory_space<hbm>>
      tpu.enqueue_dma source(%dma_start3A_96 : memref<125xi32, #tpu.memory_space<hbm>>) target(%arg8 : memref<125xi32, #tpu.memory_space<vmem>>) target_semaphore(%arg15 : memref<!tpu.dma_semaphore, #tpu.memory_space<semaphore_mem>>)
      %dma_start3A_97 = arith.constant 0 : i32
      %dma_start3A_98 = arith.constant 0 : i32
      %dma_start3A_99 = tpu.memref_slice %arg10[%dma_start3A_97, %dma_start3A_98] : memref<128x128xf32, #tpu.memory_space<vmem>> -> memref<125x128xf32, #tpu.memory_space<vmem>>
      %dma_start3A_100 = arith.constant 0 : i32
      %dma_start3A_101 = arith.constant 0 : i32
      %dma_start3A_102 = tpu.memref_slice %arg11[%dma_start3A_100, %dma_start3A_101] : memref<10240x128xf32, #tpu.memory_space<vmem_shared>> -> memref<10240x128xf32, #tpu.memory_space<vmem_shared>>
      tpu.enqueue_indirect_dma source(%dma_start3A_99 : memref<125x128xf32, #tpu.memory_space<vmem>>) target(%dma_start3A_102 : memref<10240x128xf32, #tpu.memory_space<vmem_shared>>) offsets(%arg7 : memref<125xi32, #tpu.memory_space<vmem>>) semaphore(%arg16 : memref<!tpu.dma_semaphore, #tpu.memory_space<semaphore_mem>>) {add = true}
      %add3A_103 = arith.constant 1 : i32
      %add3A_104 = arith.addi %mul3A_87, %add3A_103 : i32
      %dma_start3A_105 = arith.constant 0 : i32
      %dma_start3A_106 = arith.constant 0 : i32
      %dma_start3A_107 = tpu.memref_slice %arg9[%dma_start3A_105, %dma_start3A_106] : memref<128x128xf32, #tpu.memory_space<vmem>> -> memref<125x128xf32, #tpu.memory_space<vmem>>
      %dma_start3A_108 = arith.constant 0 : i32
      %dma_start3A_109 = tpu.memref_slice %arg6[%add3A_104, %dma_start3A_108] : memref<80x125xi32, #tpu.memory_space<vmem>> -> memref<1x125xi32, #tpu.memory_space<vmem>>
      %dma_start3A_110 = tpu.memref_squeeze %dma_start3A_109 : memref<1x125xi32, #tpu.memory_space<vmem>> -> memref<125xi32, #tpu.memory_space<vmem>>
      %dma_start3A_111 = arith.constant 0 : i32
      %dma_start3A_112 = arith.constant 0 : i32
      %dma_start3A_113 = tpu.memref_slice %arg2[%dma_start3A_111, %dma_start3A_112] : memref<10000x128xf32, #tpu.memory_space<hbm>> -> memref<10000x128xf32, #tpu.memory_space<hbm>>
      tpu.enqueue_indirect_dma source(%dma_start3A_113 : memref<10000x128xf32, #tpu.memory_space<hbm>>) target(%dma_start3A_107 : memref<125x128xf32, #tpu.memory_space<vmem>>) offsets(%dma_start3A_110 : memref<125xi32, #tpu.memory_space<vmem>>) semaphore(%arg12 : memref<!tpu.dma_semaphore, #tpu.memory_space<semaphore_mem>>)
      %dma_wait3A_114 = arith.constant 0 : i32
      %dma_wait3A_115 = tpu.memref_slice %arg4[%add3A_90, %dma_wait3A_114] : memref<2560x125xi32, #tpu.memory_space<hbm>> -> memref<1x125xi32, #tpu.memory_space<hbm>>
      %dma_wait3A_116 = tpu.memref_squeeze %dma_wait3A_115 : memref<1x125xi32, #tpu.memory_space<hbm>> -> memref<125xi32, #tpu.memory_space<hbm>>
      %dma_wait3A_117 = arith.constant 0 : i32
      %dma_wait3A_118 = tpu.memref_slice %arg4[%add3A_90, %dma_wait3A_117] : memref<2560x125xi32, #tpu.memory_space<hbm>> -> memref<1x125xi32, #tpu.memory_space<hbm>>
      %dma_wait3A_119 = tpu.memref_squeeze %dma_wait3A_118 : memref<1x125xi32, #tpu.memory_space<hbm>> -> memref<125xi32, #tpu.memory_space<hbm>>
      tpu.wait_dma2 semaphore(%arg15 : memref<!tpu.dma_semaphore, #tpu.memory_space<semaphore_mem>>) src(%dma_wait3A_119 : memref<125xi32, #tpu.memory_space<hbm>>) dst(%arg8 : memref<125xi32, #tpu.memory_space<vmem>>)
      %dma_wait3A_120 = arith.constant 0 : i32
      %dma_wait3A_121 = arith.constant 0 : i32
      %dma_wait3A_122 = tpu.memref_slice %arg9[%dma_wait3A_120, %dma_wait3A_121] : memref<128x128xf32, #tpu.memory_space<vmem>> -> memref<125x128xf32, #tpu.memory_space<vmem>>
      %dma_wait3A_123 = arith.constant 0 : i32
      %dma_wait3A_124 = tpu.memref_slice %arg6[%add3A_104, %dma_wait3A_123] : memref<80x125xi32, #tpu.memory_space<vmem>> -> memref<1x125xi32, #tpu.memory_space<vmem>>
      %dma_wait3A_125 = tpu.memref_squeeze %dma_wait3A_124 : memref<1x125xi32, #tpu.memory_space<vmem>> -> memref<125xi32, #tpu.memory_space<vmem>>
      %dma_wait3A_126 = arith.constant 0 : i32
      %dma_wait3A_127 = arith.constant 0 : i32
      %dma_wait3A_128 = tpu.memref_slice %arg2[%dma_wait3A_126, %dma_wait3A_127] : memref<10000x128xf32, #tpu.memory_space<hbm>> -> memref<10000x128xf32, #tpu.memory_space<hbm>>
      tpu.wait_indirect_dma semaphore(%arg12 : memref<!tpu.dma_semaphore, #tpu.memory_space<semaphore_mem>>) src(%dma_wait3A_128 : memref<10000x128xf32, #tpu.memory_space<hbm>>) dst(%dma_wait3A_122 : memref<125x128xf32, #tpu.memory_space<vmem>>)
      %dma_start3A_129 = arith.constant 0 : i32
      %dma_start3A_130 = arith.constant 0 : i32
      %dma_start3A_131 = tpu.memref_slice %arg9[%dma_start3A_129, %dma_start3A_130] : memref<128x128xf32, #tpu.memory_space<vmem>> -> memref<125x128xf32, #tpu.memory_space<vmem>>
      %dma_start3A_132 = arith.constant 0 : i32
      %dma_start3A_133 = arith.constant 0 : i32
      %dma_start3A_134 = tpu.memref_slice %arg11[%dma_start3A_132, %dma_start3A_133] : memref<10240x128xf32, #tpu.memory_space<vmem_shared>> -> memref<10240x128xf32, #tpu.memory_space<vmem_shared>>
      tpu.enqueue_indirect_dma source(%dma_start3A_131 : memref<125x128xf32, #tpu.memory_space<vmem>>) target(%dma_start3A_134 : memref<10240x128xf32, #tpu.memory_space<vmem_shared>>) offsets(%arg8 : memref<125xi32, #tpu.memory_space<vmem>>) semaphore(%arg17 : memref<!tpu.dma_semaphore, #tpu.memory_space<semaphore_mem>>) {add = true}
      %dma_wait3A_135 = arith.constant 0 : i32
      %dma_wait3A_136 = arith.constant 0 : i32
      %dma_wait3A_137 = tpu.memref_slice %arg10[%dma_wait3A_135, %dma_wait3A_136] : memref<128x128xf32, #tpu.memory_space<vmem>> -> memref<125x128xf32, #tpu.memory_space<vmem>>
      %dma_wait3A_138 = arith.constant 0 : i32
      %dma_wait3A_139 = arith.constant 0 : i32
      %dma_wait3A_140 = tpu.memref_slice %arg11[%dma_wait3A_138, %dma_wait3A_139] : memref<10240x128xf32, #tpu.memory_space<vmem_shared>> -> memref<10240x128xf32, #tpu.memory_space<vmem_shared>>
      tpu.wait_indirect_dma semaphore(%arg16 : memref<!tpu.dma_semaphore, #tpu.memory_space<semaphore_mem>>) src(%dma_wait3A_137 : memref<125x128xf32, #tpu.memory_space<vmem>>) dst(%dma_wait3A_140 : memref<10240x128xf32, #tpu.memory_space<vmem_shared>>)
      %lt3A = arith.constant 39 : i32
      %lt3A_141 = arith.cmpi slt, %scan3A_85, %lt3A : i32
      %convert_element_type3A = arith.extui %lt3A_141 : i1 to i32
      %cond3A = arith.constant 0 : i32
      %cond3A_142 = arith.cmpi ne, %convert_element_type3A, %cond3A : i32
      scf.if %cond3A_142 {
        %add3A_149 = arith.addi %mul3A_4, %mul3A_87 : i32
        %add3A_150 = arith.constant 2 : i32
        %add3A_151 = arith.addi %add3A_149, %add3A_150 : i32
        %dma_start3A_152 = arith.constant 0 : i32
        %dma_start3A_153 = tpu.memref_slice %arg4[%add3A_151, %dma_start3A_152] : memref<2560x125xi32, #tpu.memory_space<hbm>> -> memref<1x125xi32, #tpu.memory_space<hbm>>
        %dma_start3A_154 = tpu.memref_squeeze %dma_start3A_153 : memref<1x125xi32, #tpu.memory_space<hbm>> -> memref<125xi32, #tpu.memory_space<hbm>>
        %dma_start3A_155 = arith.constant 0 : i32
        %dma_start3A_156 = tpu.memref_slice %arg4[%add3A_151, %dma_start3A_155] : memref<2560x125xi32, #tpu.memory_space<hbm>> -> memref<1x125xi32, #tpu.memory_space<hbm>>
        %dma_start3A_157 = tpu.memref_squeeze %dma_start3A_156 : memref<1x125xi32, #tpu.memory_space<hbm>> -> memref<125xi32, #tpu.memory_space<hbm>>
        tpu.enqueue_dma source(%dma_start3A_157 : memref<125xi32, #tpu.memory_space<hbm>>) target(%arg7 : memref<125xi32, #tpu.memory_space<vmem>>) target_semaphore(%arg14 : memref<!tpu.dma_semaphore, #tpu.memory_space<semaphore_mem>>)
        %add3A_158 = arith.constant 2 : i32
        %add3A_159 = arith.addi %mul3A_87, %add3A_158 : i32
        %dma_start3A_160 = arith.constant 0 : i32
        %dma_start3A_161 = arith.constant 0 : i32
        %dma_start3A_162 = tpu.memref_slice %arg10[%dma_start3A_160, %dma_start3A_161] : memref<128x128xf32, #tpu.memory_space<vmem>> -> memref<125x128xf32, #tpu.memory_space<vmem>>
        %dma_start3A_163 = arith.constant 0 : i32
        %dma_start3A_164 = tpu.memref_slice %arg6[%add3A_159, %dma_start3A_163] : memref<80x125xi32, #tpu.memory_space<vmem>> -> memref<1x125xi32, #tpu.memory_space<vmem>>
        %dma_start3A_165 = tpu.memref_squeeze %dma_start3A_164 : memref<1x125xi32, #tpu.memory_space<vmem>> -> memref<125xi32, #tpu.memory_space<vmem>>
        %dma_start3A_166 = arith.constant 0 : i32
        %dma_start3A_167 = arith.constant 0 : i32
        %dma_start3A_168 = tpu.memref_slice %arg2[%dma_start3A_166, %dma_start3A_167] : memref<10000x128xf32, #tpu.memory_space<hbm>> -> memref<10000x128xf32, #tpu.memory_space<hbm>>
        tpu.enqueue_indirect_dma source(%dma_start3A_168 : memref<10000x128xf32, #tpu.memory_space<hbm>>) target(%dma_start3A_162 : memref<125x128xf32, #tpu.memory_space<vmem>>) offsets(%dma_start3A_165 : memref<125xi32, #tpu.memory_space<vmem>>) semaphore(%arg13 : memref<!tpu.dma_semaphore, #tpu.memory_space<semaphore_mem>>)
        %dma_wait3A_169 = arith.constant 0 : i32
        %dma_wait3A_170 = tpu.memref_slice %arg4[%add3A_151, %dma_wait3A_169] : memref<2560x125xi32, #tpu.memory_space<hbm>> -> memref<1x125xi32, #tpu.memory_space<hbm>>
        %dma_wait3A_171 = tpu.memref_squeeze %dma_wait3A_170 : memref<1x125xi32, #tpu.memory_space<hbm>> -> memref<125xi32, #tpu.memory_space<hbm>>
        %dma_wait3A_172 = arith.constant 0 : i32
        %dma_wait3A_173 = tpu.memref_slice %arg4[%add3A_151, %dma_wait3A_172] : memref<2560x125xi32, #tpu.memory_space<hbm>> -> memref<1x125xi32, #tpu.memory_space<hbm>>
        %dma_wait3A_174 = tpu.memref_squeeze %dma_wait3A_173 : memref<1x125xi32, #tpu.memory_space<hbm>> -> memref<125xi32, #tpu.memory_space<hbm>>
        tpu.wait_dma2 semaphore(%arg14 : memref<!tpu.dma_semaphore, #tpu.memory_space<semaphore_mem>>) src(%dma_wait3A_174 : memref<125xi32, #tpu.memory_space<hbm>>) dst(%arg7 : memref<125xi32, #tpu.memory_space<vmem>>)
        %dma_wait3A_175 = arith.constant 0 : i32
        %dma_wait3A_176 = arith.constant 0 : i32
        %dma_wait3A_177 = tpu.memref_slice %arg10[%dma_wait3A_175, %dma_wait3A_176] : memref<128x128xf32, #tpu.memory_space<vmem>> -> memref<125x128xf32, #tpu.memory_space<vmem>>
        %dma_wait3A_178 = arith.constant 0 : i32
        %dma_wait3A_179 = tpu.memref_slice %arg6[%add3A_159, %dma_wait3A_178] : memref<80x125xi32, #tpu.memory_space<vmem>> -> memref<1x125xi32, #tpu.memory_space<vmem>>
        %dma_wait3A_180 = tpu.memref_squeeze %dma_wait3A_179 : memref<1x125xi32, #tpu.memory_space<vmem>> -> memref<125xi32, #tpu.memory_space<vmem>>
        %dma_wait3A_181 = arith.constant 0 : i32
        %dma_wait3A_182 = arith.constant 0 : i32
        %dma_wait3A_183 = tpu.memref_slice %arg2[%dma_wait3A_181, %dma_wait3A_182] : memref<10000x128xf32, #tpu.memory_space<hbm>> -> memref<10000x128xf32, #tpu.memory_space<hbm>>
        tpu.wait_indirect_dma semaphore(%arg13 : memref<!tpu.dma_semaphore, #tpu.memory_space<semaphore_mem>>) src(%dma_wait3A_183 : memref<10000x128xf32, #tpu.memory_space<hbm>>) dst(%dma_wait3A_177 : memref<125x128xf32, #tpu.memory_space<vmem>>)
      } else {
      }
      %dma_wait3A_143 = arith.constant 0 : i32
      %dma_wait3A_144 = arith.constant 0 : i32
      %dma_wait3A_145 = tpu.memref_slice %arg9[%dma_wait3A_143, %dma_wait3A_144] : memref<128x128xf32, #tpu.memory_space<vmem>> -> memref<125x128xf32, #tpu.memory_space<vmem>>
      %dma_wait3A_146 = arith.constant 0 : i32
      %dma_wait3A_147 = arith.constant 0 : i32
      %dma_wait3A_148 = tpu.memref_slice %arg11[%dma_wait3A_146, %dma_wait3A_147] : memref<10240x128xf32, #tpu.memory_space<vmem_shared>> -> memref<10240x128xf32, #tpu.memory_space<vmem_shared>>
      tpu.wait_indirect_dma semaphore(%arg17 : memref<!tpu.dma_semaphore, #tpu.memory_space<semaphore_mem>>) src(%dma_wait3A_145 : memref<125x128xf32, #tpu.memory_space<vmem>>) dst(%dma_wait3A_148 : memref<10240x128xf32, #tpu.memory_space<vmem_shared>>)
    }
    %scan3A_83 = arith.constant 40 : i32
    %barrier3A_84 = arith.constant 0 : index
    tpu.barrier barrier_id(%barrier3A_84)
    "tpu.region"() ({
      %run_scoped3A = tpu.sem_alloc : memref<!tpu.dma_semaphore, #tpu.memory_space<semaphore_mem>>
      %dma_start3A_85 = arith.constant 0 : i32
      %dma_start3A_86 = tpu.memref_slice %arg5[%arg0, %mul3A_0, %dma_start3A_85] : memref<2x10240x128xf32, #tpu.memory_space<hbm>> -> memref<1x640x128xf32, #tpu.memory_space<hbm>>
      %dma_start3A_87 = tpu.memref_squeeze %dma_start3A_86 : memref<1x640x128xf32, #tpu.memory_space<hbm>> -> memref<640x128xf32, #tpu.memory_space<hbm>>
      %dma_start3A_88 = arith.constant 0 : i32
      %dma_start3A_89 = tpu.memref_slice %arg11[%mul3A_0, %dma_start3A_88] : memref<10240x128xf32, #tpu.memory_space<vmem_shared>> -> memref<640x128xf32, #tpu.memory_space<vmem_shared>>
      tpu.enqueue_dma source(%dma_start3A_89 : memref<640x128xf32, #tpu.memory_space<vmem_shared>>) target(%dma_start3A_87 : memref<640x128xf32, #tpu.memory_space<hbm>>) target_semaphore(%run_scoped3A : memref<!tpu.dma_semaphore, #tpu.memory_space<semaphore_mem>>)
      %dma_wait3A_90 = arith.constant 0 : i32
      %dma_wait3A_91 = tpu.memref_slice %arg5[%arg0, %mul3A_0, %dma_wait3A_90] : memref<2x10240x128xf32, #tpu.memory_space<hbm>> -> memref<1x640x128xf32, #tpu.memory_space<hbm>>
      %dma_wait3A_92 = tpu.memref_squeeze %dma_wait3A_91 : memref<1x640x128xf32, #tpu.memory_space<hbm>> -> memref<640x128xf32, #tpu.memory_space<hbm>>
      %dma_wait3A_93 = arith.constant 0 : i32
      %dma_wait3A_94 = tpu.memref_slice %arg11[%mul3A_0, %dma_wait3A_93] : memref<10240x128xf32, #tpu.memory_space<vmem_shared>> -> memref<640x128xf32, #tpu.memory_space<vmem_shared>>
      tpu.wait_dma2 semaphore(%run_scoped3A : memref<!tpu.dma_semaphore, #tpu.memory_space<semaphore_mem>>) src(%dma_wait3A_94 : memref<640x128xf32, #tpu.memory_space<vmem_shared>>) dst(%dma_wait3A_92 : memref<640x128xf32, #tpu.memory_space<hbm>>)
      tpu.yield
    }) : () -> ()
    return
  }
}

module attributes {stable_mosaic.version = 14 : i64} {
  func.func @_s1_body(%arg0: i32, %arg1: memref<2x2000x128xf32, #tpu.memory_space<vmem>>, %arg2: memref<2000x128xf32, #tpu.memory_space<vmem>>, %arg3: memref<2000x1xf32, #tpu.memory_space<vmem>>, %arg4: memref<128x128xf32, #tpu.memory_space<vmem>>, %arg5: memref<1x128xf32, #tpu.memory_space<vmem>>, %arg6: memref<2000x128xf32, #tpu.memory_space<vmem>>) attributes {dimension_semantics = [#tpu.dimension_semantics<arbitrary>], iteration_bounds = array<i64: 5>, scalar_prefetch = 0 : i64, scratch_operands = 0 : i64, tpu.core_type = #tpu.core_type<tc>, window_params = [{transform_indices = @transform_0, window_bounds = array<i64: 2, 2000, 128>}, {transform_indices = @transform_1, window_bounds = array<i64: 2000, 128>}, {transform_indices = @transform_2, window_bounds = array<i64: 2000, 1>}, {pipeline_mode = #tpu.pipeline_mode<synchronous>, transform_indices = @transform_3, window_bounds = array<i64: 128, 128>}, {pipeline_mode = #tpu.pipeline_mode<synchronous>, transform_indices = @transform_4, window_bounds = array<i64: 1, 128>}, {transform_indices = @transform_5, window_bounds = array<i64: 2000, 128>}]} {
    %get3A = arith.constant 0 : index
    %get3A_0 = arith.constant 0 : index
    %get3A_1 = vector.load %arg3[%get3A, %get3A_0] : memref<2000x1xf32, #tpu.memory_space<vmem>>, vector<2000x1xf32>
    %get3A_2 = arith.constant 0 : index
    %get3A_3 = arith.constant 0 : index
    %get3A_4 = arith.constant 0 : index
    %get3A_5 = vector.load %arg1[%get3A_2, %get3A_3, %get3A_4] : memref<2x2000x128xf32, #tpu.memory_space<vmem>>, vector<2x2000x128xf32>
    %slice3A = vector.extract_strided_slice %get3A_5 {offsets = [0, 0, 0], sizes = [1, 2000, 128], strides = [1, 1, 1]} : vector<2x2000x128xf32> to vector<1x2000x128xf32>
    %squeeze3A = vector.shape_cast %slice3A : vector<1x2000x128xf32> to vector<2000x128xf32>
    %slice3A_6 = vector.extract_strided_slice %get3A_5 {offsets = [1, 0, 0], sizes = [1, 2000, 128], strides = [1, 1, 1]} : vector<2x2000x128xf32> to vector<1x2000x128xf32>
    %squeeze3A_7 = vector.shape_cast %slice3A_6 : vector<1x2000x128xf32> to vector<2000x128xf32>
    %add3A = arith.addf %squeeze3A, %squeeze3A_7 : vector<2000x128xf32>
    %get3A_8 = arith.constant 0 : index
    %get3A_9 = arith.constant 0 : index
    %get3A_10 = vector.load %arg2[%get3A_8, %get3A_9] : memref<2000x128xf32, #tpu.memory_space<vmem>>, vector<2000x128xf32>
    %add3A_11 = arith.addf %add3A, %get3A_10 : vector<2000x128xf32>
    %mul3A = vector.broadcast %get3A_1 : vector<2000x1xf32> to vector<2000x128xf32>
    %mul3A_12 = arith.mulf %add3A_11, %mul3A : vector<2000x128xf32>
    %get3A_13 = arith.constant 0 : index
    %get3A_14 = arith.constant 0 : index
    %get3A_15 = vector.load %arg4[%get3A_13, %get3A_14] : memref<128x128xf32, #tpu.memory_space<vmem>>, vector<128x128xf32>
    %dot_general3A = arith.constant dense<0.000000e+00> : vector<2000x128xf32>
    %dot_general3A_16 = tpu.matmul %mul3A_12, %get3A_15, %dot_general3A {dimension_numbers = #tpu.dot_dimension_numbers<[1], [0], [0], [1], [0, 0, 1, 1], [], []>, transpose_lhs_hint = false} : vector<2000x128xf32>, vector<128x128xf32>, vector<2000x128xf32> -> vector<2000x128xf32>
    %get3A_17 = arith.constant 0 : index
    %get3A_18 = arith.constant 0 : index
    %get3A_19 = vector.load %arg5[%get3A_17, %get3A_18] : memref<1x128xf32, #tpu.memory_space<vmem>>, vector<1x128xf32>
    %add3A_20 = vector.broadcast %get3A_19 : vector<1x128xf32> to vector<2000x128xf32>
    %add3A_21 = arith.addf %dot_general3A_16, %add3A_20 : vector<2000x128xf32>
    %max3A = arith.constant 0.000000e+00 : f32
    %max3A_22 = vector.broadcast %max3A : f32 to vector<2000x128xf32>
    %max3A_23 = arith.maximumf %add3A_21, %max3A_22 : vector<2000x128xf32>
    %mul3A_24 = vector.broadcast %get3A_1 : vector<2000x1xf32> to vector<2000x128xf32>
    %mul3A_25 = arith.mulf %max3A_23, %mul3A_24 : vector<2000x128xf32>
    %swap3A = arith.constant 0 : index
    %swap3A_26 = arith.constant 0 : index
    %swap3A_27 = vector.load %arg6[%swap3A, %swap3A_26] : memref<2000x128xf32, #tpu.memory_space<vmem>>, vector<2000x128xf32>
    tpu.vector_store %arg6[%swap3A, %swap3A_26], %mul3A_25 {strides = array<i32>} : memref<2000x128xf32, #tpu.memory_space<vmem>>, vector<2000x128xf32>,
    return
  }
  func.func @transform_0(%arg0: i32) -> (i32, i32, i32) {
    %c0_i32 = arith.constant 0 : i32
    %c0_i32_0 = arith.constant 0 : i32
    %c0_i32_1 = arith.constant 0 : i32
    return %c0_i32, %arg0, %c0_i32_0 : i32, i32, i32
  }
  func.func @transform_1(%arg0: i32) -> (i32, i32) {
    %c0_i32 = arith.constant 0 : i32
    %c0_i32_0 = arith.constant 0 : i32
    return %arg0, %c0_i32 : i32, i32
  }
  func.func @transform_2(%arg0: i32) -> (i32, i32) {
    %c0_i32 = arith.constant 0 : i32
    %c0_i32_0 = arith.constant 0 : i32
    return %arg0, %c0_i32 : i32, i32
  }
  func.func @transform_3(%arg0: i32) -> (i32, i32) {
    %c0_i32 = arith.constant 0 : i32
    %c0_i32_0 = arith.constant 0 : i32
    %c0_i32_1 = arith.constant 0 : i32
    return %c0_i32, %c0_i32_0 : i32, i32
  }
  func.func @transform_4(%arg0: i32) -> (i32, i32) {
    %c0_i32 = arith.constant 0 : i32
    %c0_i32_0 = arith.constant 0 : i32
    %c0_i32_1 = arith.constant 0 : i32
    return %c0_i32, %c0_i32_0 : i32, i32
  }
  func.func @transform_5(%arg0: i32) -> (i32, i32) {
    %c0_i32 = arith.constant 0 : i32
    %c0_i32_0 = arith.constant 0 : i32
    return %arg0, %c0_i32 : i32, i32
  }
}

module attributes {stable_mosaic.version = 14 : i64} {
  func.func @_pre_body(%arg0: memref<1x10240xf32, #tpu.memory_space<vmem>>, %arg1: memref<1x10240xf32, #tpu.memory_space<vmem>>, %arg2: memref<10000x128xf32, #tpu.memory_space<vmem>>, %arg3: memref<10240x1xf32, #tpu.memory_space<vmem>>, %arg4: memref<10000x128xf32, #tpu.memory_space<vmem>>) attributes {dimension_semantics = [], scalar_prefetch = 0 : i64, scratch_operands = 0 : i64, tpu.core_type = #tpu.core_type<tc>} {
    %get3A = arith.constant 0 : index
    %get3A_0 = arith.constant 0 : index
    %get3A_1 = vector.load %arg0[%get3A, %get3A_0] : memref<1x10240xf32, #tpu.memory_space<vmem>>, vector<1x10240xf32>
    %get3A_2 = arith.constant 0 : index
    %get3A_3 = arith.constant 0 : index
    %get3A_4 = vector.load %arg1[%get3A_2, %get3A_3] : memref<1x10240xf32, #tpu.memory_space<vmem>>, vector<1x10240xf32>
    %add3A = arith.addf %get3A_1, %get3A_4 : vector<1x10240xf32>
    %add3A_5 = arith.constant 1.000000e+00 : f32
    %add3A_6 = vector.broadcast %add3A_5 : f32 to vector<1x10240xf32>
    %add3A_7 = arith.addf %add3A, %add3A_6 : vector<1x10240xf32>
    %max3A = arith.constant 1.000000e+00 : f32
    %max3A_8 = vector.broadcast %max3A : f32 to vector<1x10240xf32>
    %max3A_9 = arith.maximumf %add3A_7, %max3A_8 : vector<1x10240xf32>
    %rsqrt3A = math.rsqrt %max3A_9 : vector<1x10240xf32>
    %transpose3A = tpu.transpose %rsqrt3A, [1, 0] : vector<1x10240xf32> -> vector<10240x1xf32>
    %swap3A = arith.constant 0 : index
    %swap3A_10 = arith.constant 0 : index
    %swap3A_11 = vector.load %arg3[%swap3A, %swap3A_10] : memref<10240x1xf32, #tpu.memory_space<vmem>>, vector<10240x1xf32>
    tpu.vector_store %arg3[%swap3A, %swap3A_10], %transpose3A {strides = array<i32>} : memref<10240x1xf32, #tpu.memory_space<vmem>>, vector<10240x1xf32>,
    %get3A_12 = arith.constant 0 : index
    %get3A_13 = arith.constant 0 : index
    %get3A_14 = vector.load %arg2[%get3A_12, %get3A_13] : memref<10000x128xf32, #tpu.memory_space<vmem>>, vector<10000x128xf32>
    %slice3A = vector.extract_strided_slice %transpose3A {offsets = [0, 0], sizes = [10000, 1], strides = [1, 1]} : vector<10240x1xf32> to vector<10000x1xf32>
    %mul3A = vector.broadcast %slice3A : vector<10000x1xf32> to vector<10000x128xf32>
    %mul3A_15 = arith.mulf %get3A_14, %mul3A : vector<10000x128xf32>
    %swap3A_16 = arith.constant 0 : index
    %swap3A_17 = arith.constant 0 : index
    %swap3A_18 = vector.load %arg4[%swap3A_16, %swap3A_17] : memref<10000x128xf32, #tpu.memory_space<vmem>>, vector<10000x128xf32>
    tpu.vector_store %arg4[%swap3A_16, %swap3A_17], %mul3A_15 {strides = array<i32>} : memref<10000x128xf32, #tpu.memory_space<vmem>>, vector<10000x128xf32>,
    return
  }
}

module attributes {stable_mosaic.version = 14 : i64} {
  func.func @_s2_body(%arg0: i32, %arg1: memref<2x2000x128xf32, #tpu.memory_space<vmem>>, %arg2: memref<2000x128xf32, #tpu.memory_space<vmem>>, %arg3: memref<2000x1xf32, #tpu.memory_space<vmem>>, %arg4: memref<2000x128xf32, #tpu.memory_space<vmem>>, %arg5: memref<128x128xf32, #tpu.memory_space<vmem>>, %arg6: memref<1x128xf32, #tpu.memory_space<vmem>>, %arg7: memref<128x32xf32, #tpu.memory_space<vmem>>, %arg8: memref<1x32xf32, #tpu.memory_space<vmem>>, %arg9: memref<128x128xf32, #tpu.memory_space<vmem>>, %arg10: memref<32x128xf32, #tpu.memory_space<vmem>>, %arg11: memref<1x128xf32, #tpu.memory_space<vmem>>, %arg12: memref<128x128xf32, #tpu.memory_space<vmem>>, %arg13: memref<2000x128xf32, #tpu.memory_space<vmem>>) attributes {dimension_semantics = [#tpu.dimension_semantics<arbitrary>], iteration_bounds = array<i64: 5>, scalar_prefetch = 0 : i64, scratch_operands = 0 : i64, tpu.core_type = #tpu.core_type<tc>, window_params = [{transform_indices = @transform_0, window_bounds = array<i64: 2, 2000, 128>}, {transform_indices = @transform_1, window_bounds = array<i64: 2000, 128>}, {transform_indices = @transform_2, window_bounds = array<i64: 2000, 1>}, {transform_indices = @transform_3, window_bounds = array<i64: 2000, 128>}, {pipeline_mode = #tpu.pipeline_mode<synchronous>, transform_indices = @transform_4, window_bounds = array<i64: 128, 128>}, {pipeline_mode = #tpu.pipeline_mode<synchronous>, transform_indices = @transform_5, window_bounds = array<i64: 1, 128>}, {pipeline_mode = #tpu.pipeline_mode<synchronous>, transform_indices = @transform_6, window_bounds = array<i64: 128, 32>}, {pipeline_mode = #tpu.pipeline_mode<synchronous>, transform_indices = @transform_7, window_bounds = array<i64: 1, 32>}, {pipeline_mode = #tpu.pipeline_mode<synchronous>, transform_indices = @transform_8, window_bounds = array<i64: 128, 128>}, {pipeline_mode = #tpu.pipeline_mode<synchronous>, transform_indices = @transform_9, window_bounds = array<i64: 32, 128>}, {pipeline_mode = #tpu.pipeline_mode<synchronous>, transform_indices = @transform_10, window_bounds = array<i64: 1, 128>}, {pipeline_mode = #tpu.pipeline_mode<synchronous>, transform_indices = @transform_11, window_bounds = array<i64: 128, 128>}, {transform_indices = @transform_12, window_bounds = array<i64: 2000, 128>}]} {
    %get3A = arith.constant 0 : index
    %get3A_0 = arith.constant 0 : index
    %get3A_1 = vector.load %arg3[%get3A, %get3A_0] : memref<2000x1xf32, #tpu.memory_space<vmem>>, vector<2000x1xf32>
    %get3A_2 = arith.constant 0 : index
    %get3A_3 = arith.constant 0 : index
    %get3A_4 = arith.constant 0 : index
    %get3A_5 = vector.load %arg1[%get3A_2, %get3A_3, %get3A_4] : memref<2x2000x128xf32, #tpu.memory_space<vmem>>, vector<2x2000x128xf32>
    %slice3A = vector.extract_strided_slice %get3A_5 {offsets = [0, 0, 0], sizes = [1, 2000, 128], strides = [1, 1, 1]} : vector<2x2000x128xf32> to vector<1x2000x128xf32>
    %squeeze3A = vector.shape_cast %slice3A : vector<1x2000x128xf32> to vector<2000x128xf32>
    %slice3A_6 = vector.extract_strided_slice %get3A_5 {offsets = [1, 0, 0], sizes = [1, 2000, 128], strides = [1, 1, 1]} : vector<2x2000x128xf32> to vector<1x2000x128xf32>
    %squeeze3A_7 = vector.shape_cast %slice3A_6 : vector<1x2000x128xf32> to vector<2000x128xf32>
    %add3A = arith.addf %squeeze3A, %squeeze3A_7 : vector<2000x128xf32>
    %get3A_8 = arith.constant 0 : index
    %get3A_9 = arith.constant 0 : index
    %get3A_10 = vector.load %arg2[%get3A_8, %get3A_9] : memref<2000x128xf32, #tpu.memory_space<vmem>>, vector<2000x128xf32>
    %add3A_11 = arith.addf %add3A, %get3A_10 : vector<2000x128xf32>
    %mul3A = vector.broadcast %get3A_1 : vector<2000x1xf32> to vector<2000x128xf32>
    %mul3A_12 = arith.mulf %add3A_11, %mul3A : vector<2000x128xf32>
    %get3A_13 = arith.constant 0 : index
    %get3A_14 = arith.constant 0 : index
    %get3A_15 = vector.load %arg5[%get3A_13, %get3A_14] : memref<128x128xf32, #tpu.memory_space<vmem>>, vector<128x128xf32>
    %dot_general3A = arith.constant dense<0.000000e+00> : vector<2000x128xf32>
    %dot_general3A_16 = tpu.matmul %mul3A_12, %get3A_15, %dot_general3A {dimension_numbers = #tpu.dot_dimension_numbers<[1], [0], [0], [1], [0, 0, 1, 1], [], []>, transpose_lhs_hint = false} : vector<2000x128xf32>, vector<128x128xf32>, vector<2000x128xf32> -> vector<2000x128xf32>
    %get3A_17 = arith.constant 0 : index
    %get3A_18 = arith.constant 0 : index
    %get3A_19 = vector.load %arg6[%get3A_17, %get3A_18] : memref<1x128xf32, #tpu.memory_space<vmem>>, vector<1x128xf32>
    %add3A_20 = vector.broadcast %get3A_19 : vector<1x128xf32> to vector<2000x128xf32>
    %add3A_21 = arith.addf %dot_general3A_16, %add3A_20 : vector<2000x128xf32>
    %max3A = arith.constant 0.000000e+00 : f32
    %max3A_22 = vector.broadcast %max3A : f32 to vector<2000x128xf32>
    %max3A_23 = arith.maximumf %add3A_21, %max3A_22 : vector<2000x128xf32>
    %get3A_24 = arith.constant 0 : index
    %get3A_25 = arith.constant 0 : index
    %get3A_26 = vector.load %arg7[%get3A_24, %get3A_25] : memref<128x32xf32, #tpu.memory_space<vmem>>, vector<128x32xf32>
    %dot_general3A_27 = arith.constant dense<0.000000e+00> : vector<2000x32xf32>
    %dot_general3A_28 = tpu.matmul %max3A_23, %get3A_26, %dot_general3A_27 {dimension_numbers = #tpu.dot_dimension_numbers<[1], [0], [0], [1], [0, 0, 1, 1], [], []>, transpose_lhs_hint = false} : vector<2000x128xf32>, vector<128x32xf32>, vector<2000x32xf32> -> vector<2000x32xf32>
    %get3A_29 = arith.constant 0 : index
    %get3A_30 = arith.constant 0 : index
    %get3A_31 = vector.load %arg8[%get3A_29, %get3A_30] : memref<1x32xf32, #tpu.memory_space<vmem>>, vector<1x32xf32>
    %add3A_32 = vector.broadcast %get3A_31 : vector<1x32xf32> to vector<2000x32xf32>
    %add3A_33 = arith.addf %dot_general3A_28, %add3A_32 : vector<2000x32xf32>
    %get3A_34 = arith.constant 0 : index
    %get3A_35 = arith.constant 0 : index
    %get3A_36 = vector.load %arg4[%get3A_34, %get3A_35] : memref<2000x128xf32, #tpu.memory_space<vmem>>, vector<2000x128xf32>
    %get3A_37 = arith.constant 0 : index
    %get3A_38 = arith.constant 0 : index
    %get3A_39 = vector.load %arg9[%get3A_37, %get3A_38] : memref<128x128xf32, #tpu.memory_space<vmem>>, vector<128x128xf32>
    %dot_general3A_40 = arith.constant dense<0.000000e+00> : vector<2000x128xf32>
    %dot_general3A_41 = tpu.matmul %get3A_36, %get3A_39, %dot_general3A_40 {dimension_numbers = #tpu.dot_dimension_numbers<[1], [0], [0], [1], [0, 0, 1, 1], [], []>, transpose_lhs_hint = false} : vector<2000x128xf32>, vector<128x128xf32>, vector<2000x128xf32> -> vector<2000x128xf32>
    %get3A_42 = arith.constant 0 : index
    %get3A_43 = arith.constant 0 : index
    %get3A_44 = vector.load %arg10[%get3A_42, %get3A_43] : memref<32x128xf32, #tpu.memory_space<vmem>>, vector<32x128xf32>
    %dot_general3A_45 = arith.constant dense<0.000000e+00> : vector<2000x128xf32>
    %dot_general3A_46 = tpu.matmul %add3A_33, %get3A_44, %dot_general3A_45 {dimension_numbers = #tpu.dot_dimension_numbers<[1], [0], [0], [1], [0, 0, 1, 1], [], []>, transpose_lhs_hint = false} : vector<2000x32xf32>, vector<32x128xf32>, vector<2000x128xf32> -> vector<2000x128xf32>
    %add3A_47 = arith.addf %dot_general3A_41, %dot_general3A_46 : vector<2000x128xf32>
    %get3A_48 = arith.constant 0 : index
    %get3A_49 = arith.constant 0 : index
    %get3A_50 = vector.load %arg11[%get3A_48, %get3A_49] : memref<1x128xf32, #tpu.memory_space<vmem>>, vector<1x128xf32>
    %add3A_51 = vector.broadcast %get3A_50 : vector<1x128xf32> to vector<2000x128xf32>
    %add3A_52 = arith.addf %add3A_47, %add3A_51 : vector<2000x128xf32>
    %max3A_53 = arith.constant 0.000000e+00 : f32
    %max3A_54 = vector.broadcast %max3A_53 : f32 to vector<2000x128xf32>
    %max3A_55 = arith.maximumf %add3A_52, %max3A_54 : vector<2000x128xf32>
    %get3A_56 = arith.constant 0 : index
    %get3A_57 = arith.constant 0 : index
    %get3A_58 = vector.load %arg12[%get3A_56, %get3A_57] : memref<128x128xf32, #tpu.memory_space<vmem>>, vector<128x128xf32>
    %dot_general3A_59 = arith.constant dense<0.000000e+00> : vector<2000x128xf32>
    %dot_general3A_60 = tpu.matmul %max3A_55, %get3A_58, %dot_general3A_59 {dimension_numbers = #tpu.dot_dimension_numbers<[1], [0], [0], [1], [0, 0, 1, 1], [], []>, transpose_lhs_hint = false} : vector<2000x128xf32>, vector<128x128xf32>, vector<2000x128xf32> -> vector<2000x128xf32>
    %mul3A_61 = vector.broadcast %get3A_1 : vector<2000x1xf32> to vector<2000x128xf32>
    %mul3A_62 = arith.mulf %dot_general3A_60, %mul3A_61 : vector<2000x128xf32>
    %swap3A = arith.constant 0 : index
    %swap3A_63 = arith.constant 0 : index
    %swap3A_64 = vector.load %arg13[%swap3A, %swap3A_63] : memref<2000x128xf32, #tpu.memory_space<vmem>>, vector<2000x128xf32>
    tpu.vector_store %arg13[%swap3A, %swap3A_63], %mul3A_62 {strides = array<i32>} : memref<2000x128xf32, #tpu.memory_space<vmem>>, vector<2000x128xf32>,
    return
  }
  func.func @transform_0(%arg0: i32) -> (i32, i32, i32) {
    %c0_i32 = arith.constant 0 : i32
    %c0_i32_0 = arith.constant 0 : i32
    %c0_i32_1 = arith.constant 0 : i32
    return %c0_i32, %arg0, %c0_i32_0 : i32, i32, i32
  }
  func.func @transform_1(%arg0: i32) -> (i32, i32) {
    %c0_i32 = arith.constant 0 : i32
    %c0_i32_0 = arith.constant 0 : i32
    return %arg0, %c0_i32 : i32, i32
  }
  func.func @transform_2(%arg0: i32) -> (i32, i32) {
    %c0_i32 = arith.constant 0 : i32
    %c0_i32_0 = arith.constant 0 : i32
    return %arg0, %c0_i32 : i32, i32
  }
  func.func @transform_3(%arg0: i32) -> (i32, i32) {
    %c0_i32 = arith.constant 0 : i32
    %c0_i32_0 = arith.constant 0 : i32
    return %arg0, %c0_i32 : i32, i32
  }
  func.func @transform_4(%arg0: i32) -> (i32, i32) {
    %c0_i32 = arith.constant 0 : i32
    %c0_i32_0 = arith.constant 0 : i32
    %c0_i32_1 = arith.constant 0 : i32
    return %c0_i32, %c0_i32_0 : i32, i32
  }
  func.func @transform_5(%arg0: i32) -> (i32, i32) {
    %c0_i32 = arith.constant 0 : i32
    %c0_i32_0 = arith.constant 0 : i32
    %c0_i32_1 = arith.constant 0 : i32
    return %c0_i32, %c0_i32_0 : i32, i32
  }
  func.func @transform_6(%arg0: i32) -> (i32, i32) {
    %c0_i32 = arith.constant 0 : i32
    %c0_i32_0 = arith.constant 0 : i32
    %c0_i32_1 = arith.constant 0 : i32
    return %c0_i32, %c0_i32_0 : i32, i32
  }
  func.func @transform_7(%arg0: i32) -> (i32, i32) {
    %c0_i32 = arith.constant 0 : i32
    %c0_i32_0 = arith.constant 0 : i32
    %c0_i32_1 = arith.constant 0 : i32
    return %c0_i32, %c0_i32_0 : i32, i32
  }
  func.func @transform_8(%arg0: i32) -> (i32, i32) {
    %c0_i32 = arith.constant 0 : i32
    %c0_i32_0 = arith.constant 0 : i32
    %c0_i32_1 = arith.constant 0 : i32
    return %c0_i32, %c0_i32_0 : i32, i32
  }
  func.func @transform_9(%arg0: i32) -> (i32, i32) {
    %c0_i32 = arith.constant 0 : i32
    %c0_i32_0 = arith.constant 0 : i32
    %c0_i32_1 = arith.constant 0 : i32
    return %c0_i32, %c0_i32_0 : i32, i32
  }
  func.func @transform_10(%arg0: i32) -> (i32, i32) {
    %c0_i32 = arith.constant 0 : i32
    %c0_i32_0 = arith.constant 0 : i32
    %c0_i32_1 = arith.constant 0 : i32
    return %c0_i32, %c0_i32_0 : i32, i32
  }
  func.func @transform_11(%arg0: i32) -> (i32, i32) {
    %c0_i32 = arith.constant 0 : i32
    %c0_i32_0 = arith.constant 0 : i32
    %c0_i32_1 = arith.constant 0 : i32
    return %c0_i32, %c0_i32_0 : i32, i32
  }
  func.func @transform_12(%arg0: i32) -> (i32, i32) {
    %c0_i32 = arith.constant 0 : i32
    %c0_i32_0 = arith.constant 0 : i32
    return %arg0, %c0_i32 : i32, i32
  }
}

module attributes {stable_mosaic.version = 14 : i64} {
  func.func @_mid_body(%arg0: i32, %arg1: memref<2x2000x128xf32, #tpu.memory_space<vmem>>, %arg2: memref<2000x128xf32, #tpu.memory_space<vmem>>, %arg3: memref<2000x1xf32, #tpu.memory_space<vmem>>, %arg4: memref<1x128xf32, #tpu.memory_space<vmem>>, %arg5: memref<1x128xf32, #tpu.memory_space<vmem>>, %arg6: memref<1x128xf32, #tpu.memory_space<vmem>>, %arg7: memref<128x128xf32, #tpu.memory_space<vmem>>, %arg8: memref<2000x128xf32, #tpu.memory_space<vmem>>, %arg9: memref<2000x128xf32, #tpu.memory_space<vmem>>) attributes {dimension_semantics = [#tpu.dimension_semantics<arbitrary>], iteration_bounds = array<i64: 5>, scalar_prefetch = 0 : i64, scratch_operands = 0 : i64, tpu.core_type = #tpu.core_type<tc>, window_params = [{transform_indices = @transform_0, window_bounds = array<i64: 2, 2000, 128>}, {transform_indices = @transform_1, window_bounds = array<i64: 2000, 128>}, {transform_indices = @transform_2, window_bounds = array<i64: 2000, 1>}, {pipeline_mode = #tpu.pipeline_mode<synchronous>, transform_indices = @transform_3, window_bounds = array<i64: 1, 128>}, {pipeline_mode = #tpu.pipeline_mode<synchronous>, transform_indices = @transform_4, window_bounds = array<i64: 1, 128>}, {pipeline_mode = #tpu.pipeline_mode<synchronous>, transform_indices = @transform_5, window_bounds = array<i64: 1, 128>}, {pipeline_mode = #tpu.pipeline_mode<synchronous>, transform_indices = @transform_6, window_bounds = array<i64: 128, 128>}, {transform_indices = @transform_7, window_bounds = array<i64: 2000, 128>}, {transform_indices = @transform_8, window_bounds = array<i64: 2000, 128>}]} {
    %get3A = arith.constant 0 : index
    %get3A_0 = arith.constant 0 : index
    %get3A_1 = vector.load %arg3[%get3A, %get3A_0] : memref<2000x1xf32, #tpu.memory_space<vmem>>, vector<2000x1xf32>
    %get3A_2 = arith.constant 0 : index
    %get3A_3 = arith.constant 0 : index
    %get3A_4 = arith.constant 0 : index
    %get3A_5 = vector.load %arg1[%get3A_2, %get3A_3, %get3A_4] : memref<2x2000x128xf32, #tpu.memory_space<vmem>>, vector<2x2000x128xf32>
    %slice3A = vector.extract_strided_slice %get3A_5 {offsets = [0, 0, 0], sizes = [1, 2000, 128], strides = [1, 1, 1]} : vector<2x2000x128xf32> to vector<1x2000x128xf32>
    %squeeze3A = vector.shape_cast %slice3A : vector<1x2000x128xf32> to vector<2000x128xf32>
    %slice3A_6 = vector.extract_strided_slice %get3A_5 {offsets = [1, 0, 0], sizes = [1, 2000, 128], strides = [1, 1, 1]} : vector<2x2000x128xf32> to vector<1x2000x128xf32>
    %squeeze3A_7 = vector.shape_cast %slice3A_6 : vector<1x2000x128xf32> to vector<2000x128xf32>
    %add3A = arith.addf %squeeze3A, %squeeze3A_7 : vector<2000x128xf32>
    %get3A_8 = arith.constant 0 : index
    %get3A_9 = arith.constant 0 : index
    %get3A_10 = vector.load %arg2[%get3A_8, %get3A_9] : memref<2000x128xf32, #tpu.memory_space<vmem>>, vector<2000x128xf32>
    %add3A_11 = arith.addf %add3A, %get3A_10 : vector<2000x128xf32>
    %mul3A = vector.broadcast %get3A_1 : vector<2000x1xf32> to vector<2000x128xf32>
    %mul3A_12 = arith.mulf %add3A_11, %mul3A : vector<2000x128xf32>
    %get3A_13 = arith.constant 0 : index
    %get3A_14 = arith.constant 0 : index
    %get3A_15 = vector.load %arg4[%get3A_13, %get3A_14] : memref<1x128xf32, #tpu.memory_space<vmem>>, vector<1x128xf32>
    %add3A_16 = vector.broadcast %get3A_15 : vector<1x128xf32> to vector<2000x128xf32>
    %add3A_17 = arith.addf %mul3A_12, %add3A_16 : vector<2000x128xf32>
    %get3A_18 = arith.constant 0 : index
    %get3A_19 = arith.constant 0 : index
    %get3A_20 = vector.load %arg5[%get3A_18, %get3A_19] : memref<1x128xf32, #tpu.memory_space<vmem>>, vector<1x128xf32>
    %mul3A_21 = arith.constant 0.999994993 : f32
    %mul3A_22 = vector.broadcast %mul3A_21 : f32 to vector<1x128xf32>
    %mul3A_23 = arith.mulf %get3A_20, %mul3A_22 : vector<1x128xf32>
    %mul3A_24 = vector.broadcast %mul3A_23 : vector<1x128xf32> to vector<2000x128xf32>
    %mul3A_25 = arith.mulf %add3A_17, %mul3A_24 : vector<2000x128xf32>
    %get3A_26 = arith.constant 0 : index
    %get3A_27 = arith.constant 0 : index
    %get3A_28 = vector.load %arg6[%get3A_26, %get3A_27] : memref<1x128xf32, #tpu.memory_space<vmem>>, vector<1x128xf32>
    %add3A_29 = vector.broadcast %get3A_28 : vector<1x128xf32> to vector<2000x128xf32>
    %add3A_30 = arith.addf %mul3A_25, %add3A_29 : vector<2000x128xf32>
    %max3A = arith.constant 0.000000e+00 : f32
    %max3A_31 = vector.broadcast %max3A : f32 to vector<2000x128xf32>
    %max3A_32 = arith.maximumf %add3A_30, %max3A_31 : vector<2000x128xf32>
    %swap3A = arith.constant 0 : index
    %swap3A_33 = arith.constant 0 : index
    %swap3A_34 = vector.load %arg9[%swap3A, %swap3A_33] : memref<2000x128xf32, #tpu.memory_space<vmem>>, vector<2000x128xf32>
    tpu.vector_store %arg9[%swap3A, %swap3A_33], %max3A_32 {strides = array<i32>} : memref<2000x128xf32, #tpu.memory_space<vmem>>, vector<2000x128xf32>,
    %get3A_35 = arith.constant 0 : index
    %get3A_36 = arith.constant 0 : index
    %get3A_37 = vector.load %arg7[%get3A_35, %get3A_36] : memref<128x128xf32, #tpu.memory_space<vmem>>, vector<128x128xf32>
    %dot_general3A = arith.constant dense<0.000000e+00> : vector<2000x128xf32>
    %dot_general3A_38 = tpu.matmul %max3A_32, %get3A_37, %dot_general3A {dimension_numbers = #tpu.dot_dimension_numbers<[1], [0], [0], [1], [0, 0, 1, 1], [], []>, transpose_lhs_hint = false} : vector<2000x128xf32>, vector<128x128xf32>, vector<2000x128xf32> -> vector<2000x128xf32>
    %mul3A_39 = vector.broadcast %get3A_1 : vector<2000x1xf32> to vector<2000x128xf32>
    %mul3A_40 = arith.mulf %dot_general3A_38, %mul3A_39 : vector<2000x128xf32>
    %swap3A_41 = arith.constant 0 : index
    %swap3A_42 = arith.constant 0 : index
    %swap3A_43 = vector.load %arg8[%swap3A_41, %swap3A_42] : memref<2000x128xf32, #tpu.memory_space<vmem>>, vector<2000x128xf32>
    tpu.vector_store %arg8[%swap3A_41, %swap3A_42], %mul3A_40 {strides = array<i32>} : memref<2000x128xf32, #tpu.memory_space<vmem>>, vector<2000x128xf32>,
    return
  }
  func.func @transform_0(%arg0: i32) -> (i32, i32, i32) {
    %c0_i32 = arith.constant 0 : i32
    %c0_i32_0 = arith.constant 0 : i32
    %c0_i32_1 = arith.constant 0 : i32
    return %c0_i32, %arg0, %c0_i32_0 : i32, i32, i32
  }
  func.func @transform_1(%arg0: i32) -> (i32, i32) {
    %c0_i32 = arith.constant 0 : i32
    %c0_i32_0 = arith.constant 0 : i32
    return %arg0, %c0_i32 : i32, i32
  }
  func.func @transform_2(%arg0: i32) -> (i32, i32) {
    %c0_i32 = arith.constant 0 : i32
    %c0_i32_0 = arith.constant 0 : i32
    return %arg0, %c0_i32 : i32, i32
  }
  func.func @transform_3(%arg0: i32) -> (i32, i32) {
    %c0_i32 = arith.constant 0 : i32
    %c0_i32_0 = arith.constant 0 : i32
    %c0_i32_1 = arith.constant 0 : i32
    return %c0_i32, %c0_i32_0 : i32, i32
  }
  func.func @transform_4(%arg0: i32) -> (i32, i32) {
    %c0_i32 = arith.constant 0 : i32
    %c0_i32_0 = arith.constant 0 : i32
    %c0_i32_1 = arith.constant 0 : i32
    return %c0_i32, %c0_i32_0 : i32, i32
  }
  func.func @transform_5(%arg0: i32) -> (i32, i32) {
    %c0_i32 = arith.constant 0 : i32
    %c0_i32_0 = arith.constant 0 : i32
    %c0_i32_1 = arith.constant 0 : i32
    return %c0_i32, %c0_i32_0 : i32, i32
  }
  func.func @transform_6(%arg0: i32) -> (i32, i32) {
    %c0_i32 = arith.constant 0 : i32
    %c0_i32_0 = arith.constant 0 : i32
    %c0_i32_1 = arith.constant 0 : i32
    return %c0_i32, %c0_i32_0 : i32, i32
  }
  func.func @transform_7(%arg0: i32) -> (i32, i32) {
    %c0_i32 = arith.constant 0 : i32
    %c0_i32_0 = arith.constant 0 : i32
    return %arg0, %c0_i32 : i32, i32
  }
  func.func @transform_8(%arg0: i32) -> (i32, i32) {
    %c0_i32 = arith.constant 0 : i32
    %c0_i32_0 = arith.constant 0 : i32
    return %arg0, %c0_i32 : i32, i32
  }
}

module attributes {stable_mosaic.version = 14 : i64} {
  func.func @_mid_body(%arg0: i32, %arg1: memref<2x2000x128xf32, #tpu.memory_space<vmem>>, %arg2: memref<2000x128xf32, #tpu.memory_space<vmem>>, %arg3: memref<2000x1xf32, #tpu.memory_space<vmem>>, %arg4: memref<1x128xf32, #tpu.memory_space<vmem>>, %arg5: memref<1x128xf32, #tpu.memory_space<vmem>>, %arg6: memref<1x128xf32, #tpu.memory_space<vmem>>, %arg7: memref<128x128xf32, #tpu.memory_space<vmem>>, %arg8: memref<2000x128xf32, #tpu.memory_space<vmem>>, %arg9: memref<2000x128xf32, #tpu.memory_space<vmem>>, %arg10: memref<2000x128xf32, #tpu.memory_space<vmem>>) attributes {dimension_semantics = [#tpu.dimension_semantics<arbitrary>], iteration_bounds = array<i64: 5>, scalar_prefetch = 0 : i64, scratch_operands = 0 : i64, tpu.core_type = #tpu.core_type<tc>, window_params = [{transform_indices = @transform_0, window_bounds = array<i64: 2, 2000, 128>}, {transform_indices = @transform_1, window_bounds = array<i64: 2000, 128>}, {transform_indices = @transform_2, window_bounds = array<i64: 2000, 1>}, {pipeline_mode = #tpu.pipeline_mode<synchronous>, transform_indices = @transform_3, window_bounds = array<i64: 1, 128>}, {pipeline_mode = #tpu.pipeline_mode<synchronous>, transform_indices = @transform_4, window_bounds = array<i64: 1, 128>}, {pipeline_mode = #tpu.pipeline_mode<synchronous>, transform_indices = @transform_5, window_bounds = array<i64: 1, 128>}, {pipeline_mode = #tpu.pipeline_mode<synchronous>, transform_indices = @transform_6, window_bounds = array<i64: 128, 128>}, {transform_indices = @transform_7, window_bounds = array<i64: 2000, 128>}, {transform_indices = @transform_8, window_bounds = array<i64: 2000, 128>}, {transform_indices = @transform_9, window_bounds = array<i64: 2000, 128>}]} {
    %get3A = arith.constant 0 : index
    %get3A_0 = arith.constant 0 : index
    %get3A_1 = vector.load %arg3[%get3A, %get3A_0] : memref<2000x1xf32, #tpu.memory_space<vmem>>, vector<2000x1xf32>
    %get3A_2 = arith.constant 0 : index
    %get3A_3 = arith.constant 0 : index
    %get3A_4 = arith.constant 0 : index
    %get3A_5 = vector.load %arg1[%get3A_2, %get3A_3, %get3A_4] : memref<2x2000x128xf32, #tpu.memory_space<vmem>>, vector<2x2000x128xf32>
    %slice3A = vector.extract_strided_slice %get3A_5 {offsets = [0, 0, 0], sizes = [1, 2000, 128], strides = [1, 1, 1]} : vector<2x2000x128xf32> to vector<1x2000x128xf32>
    %squeeze3A = vector.shape_cast %slice3A : vector<1x2000x128xf32> to vector<2000x128xf32>
    %slice3A_6 = vector.extract_strided_slice %get3A_5 {offsets = [1, 0, 0], sizes = [1, 2000, 128], strides = [1, 1, 1]} : vector<2x2000x128xf32> to vector<1x2000x128xf32>
    %squeeze3A_7 = vector.shape_cast %slice3A_6 : vector<1x2000x128xf32> to vector<2000x128xf32>
    %add3A = arith.addf %squeeze3A, %squeeze3A_7 : vector<2000x128xf32>
    %get3A_8 = arith.constant 0 : index
    %get3A_9 = arith.constant 0 : index
    %get3A_10 = vector.load %arg2[%get3A_8, %get3A_9] : memref<2000x128xf32, #tpu.memory_space<vmem>>, vector<2000x128xf32>
    %add3A_11 = arith.addf %add3A, %get3A_10 : vector<2000x128xf32>
    %mul3A = vector.broadcast %get3A_1 : vector<2000x1xf32> to vector<2000x128xf32>
    %mul3A_12 = arith.mulf %add3A_11, %mul3A : vector<2000x128xf32>
    %get3A_13 = arith.constant 0 : index
    %get3A_14 = arith.constant 0 : index
    %get3A_15 = vector.load %arg4[%get3A_13, %get3A_14] : memref<1x128xf32, #tpu.memory_space<vmem>>, vector<1x128xf32>
    %add3A_16 = vector.broadcast %get3A_15 : vector<1x128xf32> to vector<2000x128xf32>
    %add3A_17 = arith.addf %mul3A_12, %add3A_16 : vector<2000x128xf32>
    %get3A_18 = arith.constant 0 : index
    %get3A_19 = arith.constant 0 : index
    %get3A_20 = vector.load %arg5[%get3A_18, %get3A_19] : memref<1x128xf32, #tpu.memory_space<vmem>>, vector<1x128xf32>
    %mul3A_21 = arith.constant 0.999994993 : f32
    %mul3A_22 = vector.broadcast %mul3A_21 : f32 to vector<1x128xf32>
    %mul3A_23 = arith.mulf %get3A_20, %mul3A_22 : vector<1x128xf32>
    %mul3A_24 = vector.broadcast %mul3A_23 : vector<1x128xf32> to vector<2000x128xf32>
    %mul3A_25 = arith.mulf %add3A_17, %mul3A_24 : vector<2000x128xf32>
    %get3A_26 = arith.constant 0 : index
    %get3A_27 = arith.constant 0 : index
    %get3A_28 = vector.load %arg6[%get3A_26, %get3A_27] : memref<1x128xf32, #tpu.memory_space<vmem>>, vector<1x128xf32>
    %add3A_29 = vector.broadcast %get3A_28 : vector<1x128xf32> to vector<2000x128xf32>
    %add3A_30 = arith.addf %mul3A_25, %add3A_29 : vector<2000x128xf32>
    %max3A = arith.constant 0.000000e+00 : f32
    %max3A_31 = vector.broadcast %max3A : f32 to vector<2000x128xf32>
    %max3A_32 = arith.maximumf %add3A_30, %max3A_31 : vector<2000x128xf32>
    %get3A_33 = arith.constant 0 : index
    %get3A_34 = arith.constant 0 : index
    %get3A_35 = vector.load %arg8[%get3A_33, %get3A_34] : memref<2000x128xf32, #tpu.memory_space<vmem>>, vector<2000x128xf32>
    %add3A_36 = arith.addf %max3A_32, %get3A_35 : vector<2000x128xf32>
    %swap3A = arith.constant 0 : index
    %swap3A_37 = arith.constant 0 : index
    %swap3A_38 = vector.load %arg10[%swap3A, %swap3A_37] : memref<2000x128xf32, #tpu.memory_space<vmem>>, vector<2000x128xf32>
    tpu.vector_store %arg10[%swap3A, %swap3A_37], %add3A_36 {strides = array<i32>} : memref<2000x128xf32, #tpu.memory_space<vmem>>, vector<2000x128xf32>,
    %get3A_39 = arith.constant 0 : index
    %get3A_40 = arith.constant 0 : index
    %get3A_41 = vector.load %arg7[%get3A_39, %get3A_40] : memref<128x128xf32, #tpu.memory_space<vmem>>, vector<128x128xf32>
    %dot_general3A = arith.constant dense<0.000000e+00> : vector<2000x128xf32>
    %dot_general3A_42 = tpu.matmul %add3A_36, %get3A_41, %dot_general3A {dimension_numbers = #tpu.dot_dimension_numbers<[1], [0], [0], [1], [0, 0, 1, 1], [], []>, transpose_lhs_hint = false} : vector<2000x128xf32>, vector<128x128xf32>, vector<2000x128xf32> -> vector<2000x128xf32>
    %mul3A_43 = vector.broadcast %get3A_1 : vector<2000x1xf32> to vector<2000x128xf32>
    %mul3A_44 = arith.mulf %dot_general3A_42, %mul3A_43 : vector<2000x128xf32>
    %swap3A_45 = arith.constant 0 : index
    %swap3A_46 = arith.constant 0 : index
    %swap3A_47 = vector.load %arg9[%swap3A_45, %swap3A_46] : memref<2000x128xf32, #tpu.memory_space<vmem>>, vector<2000x128xf32>
    tpu.vector_store %arg9[%swap3A_45, %swap3A_46], %mul3A_44 {strides = array<i32>} : memref<2000x128xf32, #tpu.memory_space<vmem>>, vector<2000x128xf32>,
    return
  }
  func.func @transform_0(%arg0: i32) -> (i32, i32, i32) {
    %c0_i32 = arith.constant 0 : i32
    %c0_i32_0 = arith.constant 0 : i32
    %c0_i32_1 = arith.constant 0 : i32
    return %c0_i32, %arg0, %c0_i32_0 : i32, i32, i32
  }
  func.func @transform_1(%arg0: i32) -> (i32, i32) {
    %c0_i32 = arith.constant 0 : i32
    %c0_i32_0 = arith.constant 0 : i32
    return %arg0, %c0_i32 : i32, i32
  }
  func.func @transform_2(%arg0: i32) -> (i32, i32) {
    %c0_i32 = arith.constant 0 : i32
    %c0_i32_0 = arith.constant 0 : i32
    return %arg0, %c0_i32 : i32, i32
  }
  func.func @transform_3(%arg0: i32) -> (i32, i32) {
    %c0_i32 = arith.constant 0 : i32
    %c0_i32_0 = arith.constant 0 : i32
    %c0_i32_1 = arith.constant 0 : i32
    return %c0_i32, %c0_i32_0 : i32, i32
  }
  func.func @transform_4(%arg0: i32) -> (i32, i32) {
    %c0_i32 = arith.constant 0 : i32
    %c0_i32_0 = arith.constant 0 : i32
    %c0_i32_1 = arith.constant 0 : i32
    return %c0_i32, %c0_i32_0 : i32, i32
  }
  func.func @transform_5(%arg0: i32) -> (i32, i32) {
    %c0_i32 = arith.constant 0 : i32
    %c0_i32_0 = arith.constant 0 : i32
    %c0_i32_1 = arith.constant 0 : i32
    return %c0_i32, %c0_i32_0 : i32, i32
  }
  func.func @transform_6(%arg0: i32) -> (i32, i32) {
    %c0_i32 = arith.constant 0 : i32
    %c0_i32_0 = arith.constant 0 : i32
    %c0_i32_1 = arith.constant 0 : i32
    return %c0_i32, %c0_i32_0 : i32, i32
  }
  func.func @transform_7(%arg0: i32) -> (i32, i32) {
    %c0_i32 = arith.constant 0 : i32
    %c0_i32_0 = arith.constant 0 : i32
    return %arg0, %c0_i32 : i32, i32
  }
  func.func @transform_8(%arg0: i32) -> (i32, i32) {
    %c0_i32 = arith.constant 0 : i32
    %c0_i32_0 = arith.constant 0 : i32
    return %arg0, %c0_i32 : i32, i32
  }
  func.func @transform_9(%arg0: i32) -> (i32, i32) {
    %c0_i32 = arith.constant 0 : i32
    %c0_i32_0 = arith.constant 0 : i32
    return %arg0, %c0_i32 : i32, i32
  }
}

module attributes {stable_mosaic.version = 14 : i64} {
  func.func @_s5_body(%arg0: i32, %arg1: memref<2x2000x128xf32, #tpu.memory_space<vmem>>, %arg2: memref<2000x128xf32, #tpu.memory_space<vmem>>, %arg3: memref<2000x1xf32, #tpu.memory_space<vmem>>, %arg4: memref<1x128xf32, #tpu.memory_space<vmem>>, %arg5: memref<1x128xf32, #tpu.memory_space<vmem>>, %arg6: memref<1x128xf32, #tpu.memory_space<vmem>>, %arg7: memref<2000x128xf32, #tpu.memory_space<vmem>>, %arg8: memref<128x10xf32, #tpu.memory_space<vmem>>, %arg9: memref<1x10xf32, #tpu.memory_space<vmem>>, %arg10: memref<1x10xf32, #tpu.memory_space<vmem>>, %arg11: memref<1x128xf32, #tpu.memory_space<vmem>>) attributes {dimension_semantics = [#tpu.dimension_semantics<arbitrary>], iteration_bounds = array<i64: 5>, scalar_prefetch = 0 : i64, scratch_operands = 1 : i64, tpu.core_type = #tpu.core_type<tc>, window_params = [{transform_indices = @transform_0, window_bounds = array<i64: 2, 2000, 128>}, {transform_indices = @transform_1, window_bounds = array<i64: 2000, 128>}, {transform_indices = @transform_2, window_bounds = array<i64: 2000, 1>}, {pipeline_mode = #tpu.pipeline_mode<synchronous>, transform_indices = @transform_3, window_bounds = array<i64: 1, 128>}, {pipeline_mode = #tpu.pipeline_mode<synchronous>, transform_indices = @transform_4, window_bounds = array<i64: 1, 128>}, {pipeline_mode = #tpu.pipeline_mode<synchronous>, transform_indices = @transform_5, window_bounds = array<i64: 1, 128>}, {transform_indices = @transform_6, window_bounds = array<i64: 2000, 128>}, {pipeline_mode = #tpu.pipeline_mode<synchronous>, transform_indices = @transform_7, window_bounds = array<i64: 128, 10>}, {pipeline_mode = #tpu.pipeline_mode<synchronous>, transform_indices = @transform_8, window_bounds = array<i64: 1, 10>}, {pipeline_mode = #tpu.pipeline_mode<synchronous>, transform_indices = @transform_9, window_bounds = array<i64: 1, 10>}]} {
    %get3A = arith.constant 0 : index
    %get3A_0 = arith.constant 0 : index
    %get3A_1 = vector.load %arg3[%get3A, %get3A_0] : memref<2000x1xf32, #tpu.memory_space<vmem>>, vector<2000x1xf32>
    %get3A_2 = arith.constant 0 : index
    %get3A_3 = arith.constant 0 : index
    %get3A_4 = arith.constant 0 : index
    %get3A_5 = vector.load %arg1[%get3A_2, %get3A_3, %get3A_4] : memref<2x2000x128xf32, #tpu.memory_space<vmem>>, vector<2x2000x128xf32>
    %slice3A = vector.extract_strided_slice %get3A_5 {offsets = [0, 0, 0], sizes = [1, 2000, 128], strides = [1, 1, 1]} : vector<2x2000x128xf32> to vector<1x2000x128xf32>
    %squeeze3A = vector.shape_cast %slice3A : vector<1x2000x128xf32> to vector<2000x128xf32>
    %slice3A_6 = vector.extract_strided_slice %get3A_5 {offsets = [1, 0, 0], sizes = [1, 2000, 128], strides = [1, 1, 1]} : vector<2x2000x128xf32> to vector<1x2000x128xf32>
    %squeeze3A_7 = vector.shape_cast %slice3A_6 : vector<1x2000x128xf32> to vector<2000x128xf32>
    %add3A = arith.addf %squeeze3A, %squeeze3A_7 : vector<2000x128xf32>
    %get3A_8 = arith.constant 0 : index
    %get3A_9 = arith.constant 0 : index
    %get3A_10 = vector.load %arg2[%get3A_8, %get3A_9] : memref<2000x128xf32, #tpu.memory_space<vmem>>, vector<2000x128xf32>
    %add3A_11 = arith.addf %add3A, %get3A_10 : vector<2000x128xf32>
    %mul3A = vector.broadcast %get3A_1 : vector<2000x1xf32> to vector<2000x128xf32>
    %mul3A_12 = arith.mulf %add3A_11, %mul3A : vector<2000x128xf32>
    %get3A_13 = arith.constant 0 : index
    %get3A_14 = arith.constant 0 : index
    %get3A_15 = vector.load %arg4[%get3A_13, %get3A_14] : memref<1x128xf32, #tpu.memory_space<vmem>>, vector<1x128xf32>
    %add3A_16 = vector.broadcast %get3A_15 : vector<1x128xf32> to vector<2000x128xf32>
    %add3A_17 = arith.addf %mul3A_12, %add3A_16 : vector<2000x128xf32>
    %get3A_18 = arith.constant 0 : index
    %get3A_19 = arith.constant 0 : index
    %get3A_20 = vector.load %arg5[%get3A_18, %get3A_19] : memref<1x128xf32, #tpu.memory_space<vmem>>, vector<1x128xf32>
    %mul3A_21 = arith.constant 0.999994993 : f32
    %mul3A_22 = vector.broadcast %mul3A_21 : f32 to vector<1x128xf32>
    %mul3A_23 = arith.mulf %get3A_20, %mul3A_22 : vector<1x128xf32>
    %mul3A_24 = vector.broadcast %mul3A_23 : vector<1x128xf32> to vector<2000x128xf32>
    %mul3A_25 = arith.mulf %add3A_17, %mul3A_24 : vector<2000x128xf32>
    %get3A_26 = arith.constant 0 : index
    %get3A_27 = arith.constant 0 : index
    %get3A_28 = vector.load %arg6[%get3A_26, %get3A_27] : memref<1x128xf32, #tpu.memory_space<vmem>>, vector<1x128xf32>
    %add3A_29 = vector.broadcast %get3A_28 : vector<1x128xf32> to vector<2000x128xf32>
    %add3A_30 = arith.addf %mul3A_25, %add3A_29 : vector<2000x128xf32>
    %max3A = arith.constant 0.000000e+00 : f32
    %max3A_31 = vector.broadcast %max3A : f32 to vector<2000x128xf32>
    %max3A_32 = arith.maximumf %add3A_30, %max3A_31 : vector<2000x128xf32>
    %get3A_33 = arith.constant 0 : index
    %get3A_34 = arith.constant 0 : index
    %get3A_35 = vector.load %arg7[%get3A_33, %get3A_34] : memref<2000x128xf32, #tpu.memory_space<vmem>>, vector<2000x128xf32>
    %add3A_36 = arith.addf %max3A_32, %get3A_35 : vector<2000x128xf32>
    %reduce_sum3A = arith.constant dense<0.000000e+00> : vector<128xf32>
    %reduce_sum3A_37 = vector.multi_reduction <add>, %add3A_36, %reduce_sum3A [0] : vector<2000x128xf32> to vector<128xf32>
    %broadcast_in_dim3A = vector.shape_cast %reduce_sum3A_37 : vector<128xf32> to vector<1x128xf32>
    %eq3A = arith.constant 0 : i32
    %eq3A_38 = arith.cmpi eq, %arg0, %eq3A : i32
    %convert_element_type3A = arith.extui %eq3A_38 : i1 to i32
    %cond3A = arith.constant 0 : i32
    %cond3A_39 = arith.cmpi ne, %convert_element_type3A, %cond3A : i32
    scf.if %cond3A_39 {
      %swap3A = arith.constant 0 : index
      %swap3A_49 = arith.constant 0 : index
      %swap3A_50 = vector.load %arg11[%swap3A, %swap3A_49] : memref<1x128xf32, #tpu.memory_space<vmem>>, vector<1x128xf32>
      tpu.vector_store %arg11[%swap3A, %swap3A_49], %broadcast_in_dim3A {strides = array<i32>} : memref<1x128xf32, #tpu.memory_space<vmem>>, vector<1x128xf32>,
    } else {
    }
    %gt3A = arith.constant 0 : i32
    %gt3A_40 = arith.cmpi sgt, %arg0, %gt3A : i32
    %convert_element_type3A_41 = arith.extui %gt3A_40 : i1 to i32
    %cond3A_42 = arith.constant 0 : i32
    %cond3A_43 = arith.cmpi ne, %convert_element_type3A_41, %cond3A_42 : i32
    scf.if %cond3A_43 {
      %get3A_49 = arith.constant 0 : index
      %get3A_50 = arith.constant 0 : index
      %get3A_51 = vector.load %arg11[%get3A_49, %get3A_50] : memref<1x128xf32, #tpu.memory_space<vmem>>, vector<1x128xf32>
      %add3A_52 = arith.addf %get3A_51, %broadcast_in_dim3A : vector<1x128xf32>
      %swap3A = arith.constant 0 : index
      %swap3A_53 = arith.constant 0 : index
      %swap3A_54 = vector.load %arg11[%swap3A, %swap3A_53] : memref<1x128xf32, #tpu.memory_space<vmem>>, vector<1x128xf32>
      tpu.vector_store %arg11[%swap3A, %swap3A_53], %add3A_52 {strides = array<i32>} : memref<1x128xf32, #tpu.memory_space<vmem>>, vector<1x128xf32>,
    } else {
    }
    %eq3A_44 = arith.constant 4 : i32
    %eq3A_45 = arith.cmpi eq, %arg0, %eq3A_44 : i32
    %convert_element_type3A_46 = arith.extui %eq3A_45 : i1 to i32
    %cond3A_47 = arith.constant 0 : i32
    %cond3A_48 = arith.cmpi ne, %convert_element_type3A_46, %cond3A_47 : i32
    scf.if %cond3A_48 {
      %get3A_49 = arith.constant 0 : index
      %get3A_50 = arith.constant 0 : index
      %get3A_51 = vector.load %arg11[%get3A_49, %get3A_50] : memref<1x128xf32, #tpu.memory_space<vmem>>, vector<1x128xf32>
      %mul3A_52 = arith.constant 9.99999974E-5 : f32
      %mul3A_53 = vector.broadcast %mul3A_52 : f32 to vector<1x128xf32>
      %mul3A_54 = arith.mulf %get3A_51, %mul3A_53 : vector<1x128xf32>
      %get3A_55 = arith.constant 0 : index
      %get3A_56 = arith.constant 0 : index
      %get3A_57 = vector.load %arg8[%get3A_55, %get3A_56] : memref<128x10xf32, #tpu.memory_space<vmem>>, vector<128x10xf32>
      %dot_general3A = arith.constant dense<0.000000e+00> : vector<1x10xf32>
      %dot_general3A_58 = tpu.matmul %mul3A_54, %get3A_57, %dot_general3A {dimension_numbers = #tpu.dot_dimension_numbers<[1], [0], [0], [1], [0, 0, 1, 1], [], []>, transpose_lhs_hint = false} : vector<1x128xf32>, vector<128x10xf32>, vector<1x10xf32> -> vector<1x10xf32>
      %get3A_59 = arith.constant 0 : index
      %get3A_60 = arith.constant 0 : index
      %get3A_61 = vector.load %arg9[%get3A_59, %get3A_60] : memref<1x10xf32, #tpu.memory_space<vmem>>, vector<1x10xf32>
      %add3A_62 = arith.addf %dot_general3A_58, %get3A_61 : vector<1x10xf32>
      %swap3A = arith.constant 0 : index
      %swap3A_63 = arith.constant 0 : index
      %swap3A_64 = vector.load %arg10[%swap3A, %swap3A_63] : memref<1x10xf32, #tpu.memory_space<vmem>>, vector<1x10xf32>
      tpu.vector_store %arg10[%swap3A, %swap3A_63], %add3A_62 {strides = array<i32>} : memref<1x10xf32, #tpu.memory_space<vmem>>, vector<1x10xf32>,
    } else {
    }
    return
  }
  func.func @transform_0(%arg0: i32) -> (i32, i32, i32) {
    %c0_i32 = arith.constant 0 : i32
    %c0_i32_0 = arith.constant 0 : i32
    %c0_i32_1 = arith.constant 0 : i32
    return %c0_i32, %arg0, %c0_i32_0 : i32, i32, i32
  }
  func.func @transform_1(%arg0: i32) -> (i32, i32) {
    %c0_i32 = arith.constant 0 : i32
    %c0_i32_0 = arith.constant 0 : i32
    return %arg0, %c0_i32 : i32, i32
  }
  func.func @transform_2(%arg0: i32) -> (i32, i32) {
    %c0_i32 = arith.constant 0 : i32
    %c0_i32_0 = arith.constant 0 : i32
    return %arg0, %c0_i32 : i32, i32
  }
  func.func @transform_3(%arg0: i32) -> (i32, i32) {
    %c0_i32 = arith.constant 0 : i32
    %c0_i32_0 = arith.constant 0 : i32
    %c0_i32_1 = arith.constant 0 : i32
    return %c0_i32, %c0_i32_0 : i32, i32
  }
  func.func @transform_4(%arg0: i32) -> (i32, i32) {
    %c0_i32 = arith.constant 0 : i32
    %c0_i32_0 = arith.constant 0 : i32
    %c0_i32_1 = arith.constant 0 : i32
    return %c0_i32, %c0_i32_0 : i32, i32
  }
  func.func @transform_5(%arg0: i32) -> (i32, i32) {
    %c0_i32 = arith.constant 0 : i32
    %c0_i32_0 = arith.constant 0 : i32
    %c0_i32_1 = arith.constant 0 : i32
    return %c0_i32, %c0_i32_0 : i32, i32
  }
  func.func @transform_6(%arg0: i32) -> (i32, i32) {
    %c0_i32 = arith.constant 0 : i32
    %c0_i32_0 = arith.constant 0 : i32
    return %arg0, %c0_i32 : i32, i32
  }
  func.func @transform_7(%arg0: i32) -> (i32, i32) {
    %c0_i32 = arith.constant 0 : i32
    %c0_i32_0 = arith.constant 0 : i32
    %c0_i32_1 = arith.constant 0 : i32
    return %c0_i32, %c0_i32_0 : i32, i32
  }
  func.func @transform_8(%arg0: i32) -> (i32, i32) {
    %c0_i32 = arith.constant 0 : i32
    %c0_i32_0 = arith.constant 0 : i32
    %c0_i32_1 = arith.constant 0 : i32
    return %c0_i32, %c0_i32_0 : i32, i32
  }
  func.func @transform_9(%arg0: i32) -> (i32, i32) {
    %c0_i32 = arith.constant 0 : i32
    %c0_i32_0 = arith.constant 0 : i32
    %c0_i32_1 = arith.constant 0 : i32
    return %c0_i32, %c0_i32_0 : i32, i32
  }
}

</mosaic_0001>

<sc_bundles>
// kernel: kernel.14.cloned.1.call-start
scs
__scs_entry_jumppad:
0x0: {  	(pc) =	sbr.rel $0x88, $3  }
0x1: {  	(tag) =	ssettag $0x0;
	lr =	simm.s32 $0x1  }
0x2: {  	[smem:$0x3F88] =	sst lr;
	_ =	strace $0xD0000000  }
0x3: {  	_ = 	snop  }
0x4: {  	_ = 	snop  }
0x5: {  	_ = 	snop  }
0x6: {  	_ = 	snop  }
0x7: {  	_ = 	snop  }
__scs_overlays_trampoline_lowered:
0x8: {  	[smem:$0x3F97] =	sst s0  }
0x9: {  	[smem:$0x3F98] =	sst s1  }
0xa: {  	[smem:$0x3F99] =	sst s2  }
0xb: {  	[smem:$0x3F9A] =	sst s3  }
0xc: {  	[smem:$0x3F9B] =	sst s4  }
0xd: {  	[smem:$0x3F9C] =	sst s5  }
0xe: {  	[smem:$0x3F9D] =	sst s6  }
0xf: {  	[smem:$0x3F9E] =	sst s7  }
0x10: {  	[smem:$0x3F9F] =	sst s8  }
0x11: {  	[smem:$0x3FA0] =	sst s9;
	s0 =	simm.s32 @!p0 $0x0  }
0x12: {  	s1 =	sld [smem:$0x3F86];
	s0 =	simm.s32 @p0 $0x1  }
0x13: {  	[smem:$0x3FA1] =	sst s0;
	s0 =	simm.s32 @!p1 $0x0  }
0x14: {  	s2 =	sld [smem:$0x3F85];
	s0 =	simm.s32 @p1 $0x1  }
0x15: {  	[smem:$0x3FA2] =	sst s0;
	s0 =	simm.s32 @!p2 $0x0  }
0x16: {  	s3 =	sld [smem:$0x3FDB];
	s0 =	simm.s32 @p2 $0x1  }
0x17: {  	s4 =	simm.s32 $0x1BF5;
	[smem:$0x3FA4] =	sst s0  }
0x18: {  	s0 =	sld [smem:$0x3F87];
	_ =	swait.ge [sflag:s4], $0x0  }
0x19: {  	s7 =	sld [smem:$0x3F88]  }
0x1a: {  	s8 =	sadd.s32 $0xFFFFE003, lr  }
0x1b: {  	s9 =	sadd.s32 $0xFFFFFEF7, lr;
	s5 =	simm.s32 $0xFFFFFFFF;
	p2 =	slt.u32 s8, $0xFFFFF086  }
0x1c: {  	p1 =	slt.u32 s9, $0xF7A;
	s5 =	simm.s32 @!p2 $0x0  }
0x1d: {  	s5 =	simm.s32 @p1 $0x1;
	p0 =	seq.s32 s7, s2  }
0x1e: {  	s7 =	smul.u32 @!p0 $0xF7A, s2;
	p2 =	seq.s32 @!p0 s5, $0x0  }
0x1f: {  	s9 =	smul.u32 $0xF7A, s1;
	s8 =	simm.s32 @!p0 $0x1BF5;
	p2 =	por !p2, p0  }
0x20: {  	[sflag:s8] =	ssyncset.s32 @!p0 $0xFFFFF086;
	s6 =	sadd.s32 @!p0 s3, s7;
	s7 =	simm.s32 @!p0 $0x108  }
0x21: {  	s3 =	sadd.s32 s3, s9;
	s6 =	sadd.s32 @!p0 $0x88, s6;
	s7 =	simm.s32 @p2 $0x1082  }
0x22: {  	[simem:s7], [sflag:s8] =	dma.local @!p0 [hbm:s6], $0xF7A  }
0x23: {  	s9 =	sor.u32 $0xD0000000, s2;
	s6 =	simm.s32 $0x108;
	_ =	swait.ge @!p0 [sflag:s8], $0x0  }
0x24: {  	s3 =	sadd.s32 $0x88, s3;
	s6 =	simm.s32 @!p1 $0x1082;
	[sflag:s4] =	ssyncset.s32 $0xFFFFF086  }
0x25: {  	[simem:s6], [sflag:s4] =	dma.local [hbm:s3], $0xF7A  }
0x26: {  	[smem:$0x3F88] =	sst s1;
	(tag) =	ssettag s2;
	_ =	strace s9  }
0x27: {  	s1 =	sld [smem:$0x3F98]  }
0x28: {  	s2 =	sld [smem:$0x3F99]  }
0x29: {  	s4 =	sld [smem:$0x3F9B]  }
0x2a: {  	p0 =	seq.s32 s5, $0x0;
	s5 =	sld [smem:$0x3F9C]  }
0x2b: {  	s6 =	sld [smem:$0x3F9D]  }
0x2c: {  	s7 =	sld [smem:$0x3F9E]  }
0x2d: {  	s3 =	simm.s32 $0x108;
	s8 =	sld [smem:$0x3F9F]  }
0x2e: {  	s3 =	simm.s32 @!p0 $0x1082;
	s9 =	sld [smem:$0x3FA0]  }
0x2f: {  	lr =	sadd.s32 s0, s3;
	s0 =	sld [smem:$0x3F97]  }
0x30: {  	s3 =	sld [smem:$0x3F9A]  }
0x31: {  	[smem:$0x3FA3] =	sst s10  }
0x32: {  	s10 =	sld [smem:$0x3FA1];
	_ =	sdelay $0x3  }
0x33: {  	p0 =	seq.s32 s10, $0x1;
	s10 =	sld [smem:$0x3FA3];
	_ =	sdelay $0x3  }
0x34: {  	[smem:$0x3FA3] =	sst s10  }
0x35: {  	s10 =	sld [smem:$0x3FA2];
	_ =	sdelay $0x3  }
0x36: {  	p1 =	seq.s32 s10, $0x1;
	s10 =	sld [smem:$0x3FA3];
	_ =	sdelay $0x3  }
0x37: {  	[smem:$0x3FA3] =	sst s10  }
0x38: {  	s10 =	sld [smem:$0x3FA4]  }
0x39: {  	_ = 	snop;
	(pc) =	sbr.ind lr, $3  }
0x3a: {  	_ = 	snop  }
0x3b: {  	_ = 	snop  }
0x3c: {  	p2 =	seq.s32 s10, $0x1;
	s10 =	sld [smem:$0x3FA3]  }
0x3d: {  	_ =	shalt  }
0x3e: {  	_ =	shalt  }
0x3f: {  	_ =	shalt  }
0x40: {  	_ =	shalt  }
0x41: {  	_ =	shalt  }
0x42: {  	_ =	shalt  }
0x43: {  	_ =	shalt  }
0x44: {  	_ =	shalt  }
0x45: {  	_ =	shalt  }
0x46: {  	_ =	shalt  }
0x47: {  	_ =	shalt  }
0x48: {  	_ =	shalt  }
0x49: {  	_ =	shalt  }
0x4a: {  	_ =	shalt  }
0x4b: {  	_ =	shalt  }
0x4c: {  	_ =	shalt  }
0x4d: {  	_ =	shalt  }
0x4e: {  	_ =	shalt  }
0x4f: {  	_ =	shalt  }
0x50: {  	_ =	shalt  }
0x51: {  	_ =	shalt  }
0x52: {  	_ =	shalt  }
0x53: {  	_ =	shalt  }
0x54: {  	_ =	shalt  }
0x55: {  	_ =	shalt  }
0x56: {  	_ =	shalt  }
0x57: {  	_ =	shalt  }
0x58: {  	_ =	shalt  }
0x59: {  	_ =	shalt  }
0x5a: {  	_ =	shalt  }
0x5b: {  	_ =	shalt  }
0x5c: {  	_ =	shalt  }
0x5d: {  	_ =	shalt  }
0x5e: {  	_ =	shalt  }
0x5f: {  	_ =	shalt  }
0x60: {  	_ =	shalt  }
0x61: {  	_ =	shalt  }
0x62: {  	_ =	shalt  }
0x63: {  	_ =	shalt  }
0x64: {  	_ =	shalt  }
0x65: {  	_ =	shalt  }
0x66: {  	_ =	shalt  }
0x67: {  	_ =	shalt  }
0x68: {  	_ =	shalt  }
0x69: {  	_ =	shalt  }
0x6a: {  	_ =	shalt  }
0x6b: {  	_ =	shalt  }
0x6c: {  	_ =	shalt  }
0x6d: {  	_ =	shalt  }
0x6e: {  	_ =	shalt  }
0x6f: {  	_ =	shalt  }
0x70: {  	_ =	shalt  }
0x71: {  	_ =	shalt  }
0x72: {  	_ =	shalt  }
0x73: {  	_ =	shalt  }
0x74: {  	_ =	shalt  }
0x75: {  	_ =	shalt  }
0x76: {  	_ =	shalt  }
0x77: {  	_ =	shalt  }
0x78: {  	_ =	shalt  }
0x79: {  	_ =	shalt  }
0x7a: {  	_ =	shalt  }
0x7b: {  	_ =	shalt  }
0x7c: {  	_ =	shalt  }
0x7d: {  	_ =	shalt  }
0x7e: {  	_ =	shalt  }
0x7f: {  	_ =	shalt  }
0x80: {  	_ =	shalt  }
0x81: {  	_ =	shalt  }
0x82: {  	_ =	shalt  }
0x83: {  	_ =	shalt  }
0x84: {  	_ =	shalt  }
0x85: {  	_ =	shalt  }
0x86: {  	_ =	shalt  }
0x87: {  	_ =	shalt  }
.Lfunc_end0:
.L_simem_size_0:
called_computation_lowered:
.L_overlay_start_0:
0x88: {  	s2 =	sld [smem:$0x3FD9]  }
0x89: {  	s3 =	sld [smem:$0x3FFE];
	_ =	sdelay $0x1  }
0x8a: {  	s1 =	srdreg.scid  }
0x8b: {  	s0 =	sand.u32 $0x1, s1  }
0x8c: {  	s16 =	sshll.u32 s0, $0xA;
	s2 =	sadd.s32 s3, s2  }
0x8d: {  	s2 =	sadd.s32 s2, s16  }
0x8e: {  	[smem:$0x3FAF] =	sst s2  }
0x8f: {  	_ = 	snop  }
0x90: {  	(tm) =	ssettm $0x1  }
0x91: {  	s17 =	sld [smem:$0x3FFB];
	_ =	sdelay $0x3  }
0x92: {  	_ =	strace s17  }
0x93: {  	s2 =	sld [smem:$0x3FFC];
	_ =	sdelay $0x3  }
0x94: {  	_ =	strace s2  }
0x95: {  	s2 =	sld [smem:$0x3FFD];
	_ =	sdelay $0x3  }
0x96: {  	_ =	strace s2  }
0x97: {  	_ =	strace $0x8FFFFFFF  }
0x98: {  	s18 =	sld [smem:$0x3FDB];
	_ =	sdelay $0x1  }
0x99: {  	s19 =	simm.s32 $_scs_section_size  }
0x9a: {  	s4 =	simm.s32 $_size__tile_overlayer_lowered;
	s5 =	simm.s32 $_tile_overlayer_lowered  }
0x9b: {  	s22 =	simm.s32 $0x1BFF;
	s21 =	sshll.u32 s5, $0x1;
	s2 =	sadd.s32 s19, s18  }
0x9c: {  	s6 =	simm.s32 $0x0;
	s20 =	sshll.u32 s4, $0x1;
	s4 =	sadd.s32 s21, s2  }
0x9d: {  	[timem:s6], [sflag:s22] =	dma.local [hbm:s4], s20  }
0x9e: {  	_ =	swait.ge [sflag:s22], s20  }
0x9f: {  	s3 =	ssub.s32 $0x0, s20;
	[sflag:s22] =	ssyncset.done $0x0  }
0xa0: {  	[sflag:s22] =	ssyncadd.s32 s3;
	_ =	sdelay $0x1  }
0xa1: {  	s23 =	simm.s32 $0x1B8B  }
0xa2: {  	_ =	swait.ge [sflag:s23], $0x1  }
0xa3: {  	[sflag:s23] =	ssyncset.done $0x0  }
0xa4: {  	s25 =	simm.s32 $0x1B8E;
	s24 =	sld [smem:$0x3FFE];
	[sflag:s23] =	ssyncadd.s32 $0xFFFFFFFF  }
0xa5: {  	s26 =	simm.s32 $execute0_lowered;
	[smem:$0x3FD2] =	sst s25  }
0xa6: {  	s4 =	sshll.u32 s26, $0x1;
	_ =	strace $0x80000046;
	[dreg:$0x1] =	wrdreg $0xFFFFFFFF  }
0xa7: {  	s28 =	simm.s32 $_size_execute0_lowered;
	s2 =	sadd.s32 s2, s4;
	[dreg:$0x0] =	wrdreg $0x0  }
0xa8: {  	s4 =	sshll.u32 s28, $0x1;
	[dreg:$0x2] =	wrdreg s2  }
0xa9: {  	[dreg:$0x3] =	wrdreg s4  }
0xaa: {  	[dreg:$0x4] =	wrdreg $0xC0  }
0xab: {  	_ =	task [dreg:s6], $0x5FFFF  }
0xac: {  	[dreg:$0x1] =	wrdreg $0xFFFFFFFF  }
0xad: {  	[dreg:$0x0] =	wrdreg $0x60  }
0xae: {  	[dreg:$0x2] =	wrdreg s24  }
0xaf: {  	[dreg:$0x3] =	wrdreg $0x3000  }
0xb0: {  	[dreg:$0x4] =	wrdreg $0x9  }
0xb1: {  	_ =	task.clear_ibuf [dreg:s6], $0x5FFFF;
	_ =	strace $0x90000046  }
0xb2: {  	s29 =	simm.s32 $0x9;
	_ =	strace $0x80000048  }
0xb3: {  	_ =	swait.ge [sflag:s29], $0x1  }
0xb4: {  	[sflag:s29] =	ssyncadd.s32 $0xFFFFFFFF  }
0xb5: {  	_ =	strace $0x90000048  }
0xb6: {  	_ =	sfence  }
0xb7: {  	s30 =	sld [smem:$0x0];
	_ =	sdelay $0x2  }
0xb8: {  	s31 =	sshll.u32 s1, $0xD;
	s1 =	sshrl.u32 s1, $0x2  }
0xb9: {  	s3 =	sand.u32 $0x4000, s31;
	s1 =	sadd.s32 s1, s30  }
0xba: {  	s0 =	sor.u32 s3, s0;
	s1 =	sshll.u32 s1, $0x11  }
0xbb: {  	s0 =	sor.u32 s1, s0  }
0xbc: {  	s0 =	sadd.s32 $0x8F2B, s0  }
0xbd: {  	[sflag:s0] =	ssyncadd.remote.s32 $0x1  }
0xbe: {  	_ =	sfence.sel $0xFFFF  }
0xbf: {  	[dreg:$0x0] =	wrdreg $0xFFFFFFFF;
	(pc) =	sbr.abs _section_cstart, $3  }
0xc0: {  	[dreg:$0x1] =	wrdreg $0xFFFFFFFF  }
0xc1: {  	_ =	task.clear_ibuf [dreg:s6], $0x2FFFF;
	_ =	strace $0x9FFFFFFF  }
0xc2: {  	(tm) =	ssettm $0x7FFFFFFF  }
0xc3: {  	_ =	shalt  }
tec
execute0_lowered:
.L_overlay_start_1:
0x0: {  	(tag) =	ssettag $0x1  }
0x1: {  	s10 =	rddreg [dreg:$0x0]  }
0x2: {  	s2 =	rddreg [dreg:$0x1]  }
0x3: {  	s0 =	rddreg [dreg:$0x2]  }
0x4: {  	s4 =	srdreg.scid;
	s3 =	simm.s32 $0x0;
	s1 =	stileid.u32  }
0x5: {  	s18 =	simm.s32 $0x11E00;
	s21 =	simm.s32 $0x200;
	s22 =	simm.s32 $0x80  }
0x6: {  	s23 =	simm.s32 $0x100;
	s24 =	simm.s32 $0x180;
	s25 =	simm.s32 $0x2  }
0x7: {  	s26 =	simm.s32 $0x0;
	s12 =	sand.u32 $0x1, s4;
	s11 =	smul.u32 $0x280, s1  }
0x8: {  	[smem:$0x7FF] =	sst s3;
	s4 =	sadd.s32 $0x7800, s10;
	s19 =	smul.u32 $0xA00, s1  }
0x9: {  	s5 =	ssub.s32 $0x2, s12;
	_ =	strace $0x80000047;
	p0 =	seq.s32 s12, $0x1  }
0xa: {  	s20 =	smul.u32 $0x500, s12;
	s6 =	sshrl.u32 s5, $0x1;
	s14 =	sadd.s32 $0x80, s11  }
0xb: {  	s15 =	sadd.s32 $0x100, s11;
	s16 =	sadd.s32 $0x180, s11;
	s17 =	sadd.s32 $0x200, s11  }
0xc: {  	s18 =	simm.s32 @!p0 $0x11800;
	s13 =	ssub.s32 s5, s6;
	s5 =	sadd.s32 s11, s2  }
0xd: {  	s6 =	sadd.s32 s14, s2;
	s7 =	sadd.s32 s15, s2;
	s8 =	sadd.s32 s16, s2  }
0xe: {  	s9 =	sadd.s32 s17, s2;
	s11 =	sshrl.u32 s11, $0x3;
	s14 =	sshrl.u32 s14, $0x3  }
0xf: {  	s15 =	sshrl.u32 s15, $0x3;
	s16 =	sshrl.u32 s16, $0x3;
	s18 =	sadd.s32 s18, s10  }
0x10: {  	s17 =	sshrl.u32 s17, $0x3;
	s10 =	smax.u32 s13, $0x1;
	s11 =	sadd.s32 s18, s11  }
0x11: {  	s12 =	sadd.s32 s18, s14;
	s13 =	sadd.s32 s18, s15;
	s14 =	sadd.s32 s18, s16  }
0x12: {  	s15 =	sadd.s32 s18, s17;
	s16 =	sadd.s32 s20, s19;
	s17 =	simm.s32 $0x280  }
0x13: {  	v0 =	vimm.f32 $1.000000000e+00;
	v1 =	vimm.f32 $0.0e+00;
	s18 =	simm.s32 $0x1;
	s19 =	simm.s32 $0x3;
	s20 =	simm.s32 $0x7D  }
.LBB2_1:
0x14: {  	[tilespmem:$0x200] =	vst v0  }
0x15: {  	[tilespmem:$0x210] =	vst v0  }
0x16: {  	[tilespmem:$0x220] =	vst v0  }
0x17: {  	[tilespmem:$0x230] =	vst v0  }
0x18: {  	[tilespmem:$0x240] =	vst v0  }
0x19: {  	[tilespmem:$0x250] =	vst v0  }
0x1a: {  	[tilespmem:$0x260] =	vst v0  }
0x1b: {  	[tilespmem:$0x270] =	vst v0  }
0x1c: {  	[tilespmem:$0x280] =	vst v1  }
0x1d: {  	[tilespmem:$0x290] =	vst v1  }
0x1e: {  	[tilespmem:$0x2A0] =	vst v1  }
0x1f: {  	[tilespmem:$0x2B0] =	vst v1  }
0x20: {  	[tilespmem:$0x2C0] =	vst v1  }
0x21: {  	[tilespmem:$0x2D0] =	vst v1  }
0x22: {  	[tilespmem:$0x2E0] =	vst v1  }
0x23: {  	[tilespmem:$0x2F0] =	vst v1  }
0x24: {  	[spmem:s5] =	stream.linear.scatter [tilespmem:s17], [sflag:$0x1], $0x80, $0x38;
	[tilespmem:$0x580] =	vst v63  }
0x25: {  	_ = 	snop  }
0x26: {  	[spmem:s6] =	stream.linear.scatter [tilespmem:s17], [sflag:$0x1], $0x80, $0x38;
	[tilespmem:$0x580] =	vst v63  }
0x27: {  	_ = 	snop  }
0x28: {  	[spmem:s7] =	stream.linear.scatter [tilespmem:s17], [sflag:$0x1], $0x80, $0x38;
	[tilespmem:$0x580] =	vst v63  }
0x29: {  	_ = 	snop  }
0x2a: {  	[spmem:s8] =	stream.linear.scatter [tilespmem:s17], [sflag:$0x1], $0x80, $0x38;
	[tilespmem:$0x580] =	vst v63  }
0x2b: {  	_ = 	snop  }
0x2c: {  	[spmem:s9] =	stream.linear.scatter [tilespmem:s17], [sflag:$0x1], $0x80, $0x38;
	[tilespmem:$0x580] =	vst v63  }
0x2d: {  	_ =	swait.ge [sflag:s18], $0x80  }
0x2e: {  	[sflag:s18] =	ssyncset.done $0x0  }
0x2f: {  	[sflag:s18] =	ssyncadd.s32 $0xFFFFFF80  }
0x30: {  	_ =	swait.ge [sflag:s18], $0x80  }
0x31: {  	[sflag:s18] =	ssyncset.done $0x0  }
0x32: {  	[sflag:s18] =	ssyncadd.s32 $0xFFFFFF80  }
0x33: {  	_ =	swait.ge [sflag:s18], $0x80  }
0x34: {  	[sflag:s18] =	ssyncset.done $0x0  }
0x35: {  	[sflag:s18] =	ssyncadd.s32 $0xFFFFFF80  }
0x36: {  	_ =	swait.ge [sflag:s18], $0x80  }
0x37: {  	[sflag:s18] =	ssyncset.done $0x0  }
0x38: {  	[sflag:s18] =	ssyncadd.s32 $0xFFFFFF80  }
0x39: {  	_ =	swait.ge [sflag:s18], $0x80  }
0x3a: {  	s28 =	sadd.s32 $0x0, s16;
	s29 =	sand.u32 $0x40, s3;
	[sflag:s18] =	ssyncset.done $0x0  }
0x3b: {  	s28 =	sand.u32 $0x1FF80, s28;
	s29 =	sadd.s32 s4, s29;
	[sflag:s18] =	ssyncadd.s32 $0xFFFFFF80  }
0x3c: {  	s28 =	sadd.s32 s28, s29;
	[bflag:$0x0] =	sbarrier.arrive $0xFFFF  }
0x3d: {  	[tilespmem:s3], [sflag:$0x3] =	stream.linear.gather [hbm4b:s28+s3], $0x80, $0x38;
	[tilespmem:$0x580] =	vst v63  }
0x3e: {  	_ =	swait.ge [sflag:s19], $0x80  }
0x3f: {  	[sflag:s19] =	ssyncset.done $0x0  }
0x40: {  	[sflag:s19] =	ssyncadd.s32 $0xFFFFFF80  }
0x41: {  	[spmem:s2] =	stream.indirect.scatter.add.f32 [tilespmem:s21], [sflag:$0x2], $0x1, s3, s20, $0xb8;
	[tilespmem:$0x580] =	vst v63  }
0x42: {  	s29 =	sadd.s32 $0x10, s28  }
0x43: {  	[tilespmem:s22], [sflag:$0x3] =	stream.linear.gather [hbm4b:s29+s3], $0x80, $0x38;
	[tilespmem:$0x580] =	vst v63  }
0x44: {  	_ =	swait.ge [sflag:s19], $0x80  }
0x45: {  	[sflag:s19] =	ssyncset.done $0x0  }
0x46: {  	[sflag:s19] =	ssyncadd.s32 $0xFFFFFF80  }
0x47: {  	[spmem:s2] =	stream.indirect.scatter.add.f32 [tilespmem:s21], [sflag:$0x2], $0x1, s22, s20, $0xb8;
	[tilespmem:$0x580] =	vst v63  }
0x48: {  	s29 =	sadd.s32 $0x20, s28  }
0x49: {  	[tilespmem:s23], [sflag:$0x3] =	stream.linear.gather [hbm4b:s29+s3], $0x80, $0x38;
	[tilespmem:$0x580] =	vst v63  }
0x4a: {  	_ =	swait.ge [sflag:s19], $0x80  }
0x4b: {  	[sflag:s19] =	ssyncset.done $0x0  }
0x4c: {  	[sflag:s19] =	ssyncadd.s32 $0xFFFFFF80  }
0x4d: {  	[spmem:s2] =	stream.indirect.scatter.add.f32 [tilespmem:s21], [sflag:$0x2], $0x1, s23, s20, $0xb8;
	[tilespmem:$0x580] =	vst v63  }
0x4e: {  	s28 =	sadd.s32 $0x30, s28  }
0x4f: {  	[tilespmem:s24], [sflag:$0x3] =	stream.linear.gather [hbm4b:s28+s3], $0x80, $0x38;
	[tilespmem:$0x580] =	vst v63  }
0x50: {  	_ =	swait.ge [sflag:s19], $0x80  }
0x51: {  	[sflag:s19] =	ssyncset.done $0x0  }
0x52: {  	[sflag:s19] =	ssyncadd.s32 $0xFFFFFF80  }
0x53: {  	[spmem:s2] =	stream.indirect.scatter.add.f32 [tilespmem:s21], [sflag:$0x2], $0x1, s24, s20, $0xb8;
	[tilespmem:$0x580] =	vst v63  }
0x54: {  	_ =	swait.ge [sflag:s25], $0x7D  }
0x55: {  	[sflag:s25] =	ssyncset.done $0x0  }
0x56: {  	[sflag:s25] =	ssyncadd.s32 $0xFFFFFF83  }
0x57: {  	_ =	swait.ge [sflag:s25], $0x7D  }
0x58: {  	[sflag:s25] =	ssyncset.done $0x0  }
0x59: {  	[sflag:s25] =	ssyncadd.s32 $0xFFFFFF83  }
0x5a: {  	_ =	swait.ge [sflag:s25], $0x7D  }
0x5b: {  	[sflag:s25] =	ssyncset.done $0x0  }
0x5c: {  	s30 =	simm.s32 $0x80;
	s28 =	simm.s32 $0x40;
	[sflag:s25] =	ssyncadd.s32 $0xFFFFFF83  }
0x5d: {  	s29 =	sadd.s32 $0x40, s16;
	s28 =	sand.u32 $0x40, s28;
	_ =	swait.ge [sflag:s25], $0x7D  }
0x5e: {  	s29 =	sand.u32 $0x1FF80, s29;
	s31 =	sadd.s32 s4, s28;
	[sflag:s25] =	ssyncset.done $0x0  }
.LBB2_2:
0x5f: {  	s31 =	sadd.s32 s29, s31  }
0x60: {  	[sflag:s25] =	ssyncadd.s32 $0xFFFFFF83;
	s29 =	smov.u32 s30;
	s28 =	sadd.s32 $0x40, s30  }
0x61: {  	[tilespmem:s3], [sflag:$0x3] =	stream.linear.gather [hbm4b:s31+s3], $0x80, $0x38;
	[tilespmem:$0x580] =	vst v63  }
0x62: {  	p0 =	sne.s32 s30, $0x4C0;
	_ =	swait.ge [sflag:s19], $0x80  }
0x63: {  	[sflag:s19] =	ssyncset.done $0x0  }
0x64: {  	[sflag:s19] =	ssyncadd.s32 $0xFFFFFF80  }
0x65: {  	[spmem:s2] =	stream.indirect.scatter.add.f32 [tilespmem:s21], [sflag:$0x2], $0x1, s3, s20, $0xb8;
	[tilespmem:$0x580] =	vst v63  }
0x66: {  	s30 =	sadd.s32 $0x10, s31  }
0x67: {  	[tilespmem:s22], [sflag:$0x3] =	stream.linear.gather [hbm4b:s30+s3], $0x80, $0x38;
	[tilespmem:$0x580] =	vst v63  }
0x68: {  	_ =	swait.ge [sflag:s19], $0x80  }
0x69: {  	[sflag:s19] =	ssyncset.done $0x0  }
0x6a: {  	[sflag:s19] =	ssyncadd.s32 $0xFFFFFF80  }
0x6b: {  	[spmem:s2] =	stream.indirect.scatter.add.f32 [tilespmem:s21], [sflag:$0x2], $0x1, s22, s20, $0xb8;
	[tilespmem:$0x580] =	vst v63  }
0x6c: {  	s30 =	sadd.s32 $0x20, s31  }
0x6d: {  	[tilespmem:s23], [sflag:$0x3] =	stream.linear.gather [hbm4b:s30+s3], $0x80, $0x38;
	[tilespmem:$0x580] =	vst v63  }
0x6e: {  	_ =	swait.ge [sflag:s19], $0x80  }
0x6f: {  	[sflag:s19] =	ssyncset.done $0x0  }
0x70: {  	[sflag:s19] =	ssyncadd.s32 $0xFFFFFF80  }
0x71: {  	[spmem:s2] =	stream.indirect.scatter.add.f32 [tilespmem:s21], [sflag:$0x2], $0x1, s23, s20, $0xb8;
	[tilespmem:$0x580] =	vst v63  }
0x72: {  	s30 =	sadd.s32 $0x30, s31  }
0x73: {  	[tilespmem:s24], [sflag:$0x3] =	stream.linear.gather [hbm4b:s30+s3], $0x80, $0x38;
	[tilespmem:$0x580] =	vst v63  }
0x74: {  	_ =	swait.ge [sflag:s19], $0x80  }
0x75: {  	[sflag:s19] =	ssyncset.done $0x0  }
0x76: {  	[sflag:s19] =	ssyncadd.s32 $0xFFFFFF80  }
0x77: {  	[spmem:s2] =	stream.indirect.scatter.add.f32 [tilespmem:s21], [sflag:$0x2], $0x1, s24, s20, $0xb8;
	[tilespmem:$0x580] =	vst v63  }
0x78: {  	_ =	swait.ge [sflag:s25], $0x7D  }
0x79: {  	[sflag:s25] =	ssyncset.done $0x0  }
0x7a: {  	[sflag:s25] =	ssyncadd.s32 $0xFFFFFF83  }
0x7b: {  	_ =	swait.ge [sflag:s25], $0x7D  }
0x7c: {  	[sflag:s25] =	ssyncset.done $0x0  }
0x7d: {  	[sflag:s25] =	ssyncadd.s32 $0xFFFFFF83  }
.Ltmp0:
0x7e: {  	_ =	swait.ge [sflag:s25], $0x7D;
	(pc) =	sbr.rel @p0 .LBB2_2-.Ltmp0, $4  }
0x7f: {  	[sflag:s25] =	ssyncset.done $0x0  }
0x80: {  	s31 =	sand.u32 $0x40, s29;
	[sflag:s25] =	ssyncadd.s32 $0xFFFFFF83  }
0x81: {  	s31 =	sadd.s32 s4, s31;
	s30 =	sadd.s32 s29, s16;
	_ =	swait.ge [sflag:s25], $0x7D  }
0x82: {  	s29 =	sand.u32 $0x1FF80, s30;
	s30 =	smov.u32 s28;
	[sflag:s25] =	ssyncset.done $0x0  }
0x83: {  	s28 =	sadd.s32 s29, s31;
	[sflag:s25] =	ssyncadd.s32 $0xFFFFFF83  }
0x84: {  	[tilespmem:s3], [sflag:$0x3] =	stream.linear.gather [hbm4b:s28+s3], $0x80, $0x38;
	[tilespmem:$0x580] =	vst v63  }
0x85: {  	_ =	swait.ge [sflag:s19], $0x80  }
0x86: {  	[sflag:s19] =	ssyncset.done $0x0  }
0x87: {  	[sflag:s19] =	ssyncadd.s32 $0xFFFFFF80  }
0x88: {  	[spmem:s2] =	stream.indirect.scatter.add.f32 [tilespmem:s21], [sflag:$0x2], $0x1, s3, s20, $0xb8;
	[tilespmem:$0x580] =	vst v63  }
0x89: {  	s29 =	sadd.s32 $0x10, s28  }
0x8a: {  	[tilespmem:s22], [sflag:$0x3] =	stream.linear.gather [hbm4b:s29+s3], $0x80, $0x38;
	[tilespmem:$0x580] =	vst v63  }
0x8b: {  	_ =	swait.ge [sflag:s19], $0x80  }
0x8c: {  	[sflag:s19] =	ssyncset.done $0x0  }
0x8d: {  	[sflag:s19] =	ssyncadd.s32 $0xFFFFFF80  }
0x8e: {  	[spmem:s2] =	stream.indirect.scatter.add.f32 [tilespmem:s21], [sflag:$0x2], $0x1, s22, s20, $0xb8;
	[tilespmem:$0x580] =	vst v63  }
0x8f: {  	s31 =	sadd.s32 $0x20, s28  }
0x90: {  	[tilespmem:s23], [sflag:$0x3] =	stream.linear.gather [hbm4b:s31+s3], $0x80, $0x38;
	[tilespmem:$0x580] =	vst v63  }
0x91: {  	_ =	swait.ge [sflag:s19], $0x80  }
0x92: {  	[sflag:s19] =	ssyncset.done $0x0  }
0x93: {  	[sflag:s19] =	ssyncadd.s32 $0xFFFFFF80  }
0x94: {  	[spmem:s2] =	stream.indirect.scatter.add.f32 [tilespmem:s21], [sflag:$0x2], $0x1, s23, s20, $0xb8;
	[tilespmem:$0x580] =	vst v63  }
0x95: {  	s28 =	sadd.s32 $0x30, s28  }
0x96: {  	[tilespmem:s24], [sflag:$0x3] =	stream.linear.gather [hbm4b:s28+s3], $0x80, $0x38;
	[tilespmem:$0x580] =	vst v63  }
0x97: {  	_ =	swait.ge [sflag:s19], $0x80  }
0x98: {  	[sflag:s19] =	ssyncset.done $0x0  }
0x99: {  	[sflag:s19] =	ssyncadd.s32 $0xFFFFFF80  }
0x9a: {  	[spmem:s2] =	stream.indirect.scatter.add.f32 [tilespmem:s21], [sflag:$0x2], $0x1, s24, s20, $0xb8;
	[tilespmem:$0x580] =	vst v63  }
0x9b: {  	_ =	swait.ge [sflag:s25], $0x7D  }
0x9c: {  	[sflag:s25] =	ssyncset.done $0x0  }
0x9d: {  	[sflag:s25] =	ssyncadd.s32 $0xFFFFFF83  }
0x9e: {  	_ =	swait.ge [sflag:s25], $0x7D  }
0x9f: {  	[sflag:s25] =	ssyncset.done $0x0  }
0xa0: {  	[sflag:s25] =	ssyncadd.s32 $0xFFFFFF83  }
0xa1: {  	_ =	swait.ge [sflag:s25], $0x7D  }
0xa2: {  	[sflag:s25] =	ssyncset.done $0x0  }
0xa3: {  	[sflag:s25] =	ssyncadd.s32 $0xFFFFFF83  }
0xa4: {  	_ =	swait.ge [sflag:s25], $0x7D  }
0xa5: {  	[sflag:s25] =	ssyncset.done $0x0  }
0xa6: {  	[sflag:s25] =	ssyncadd.s32 $0xFFFFFF83  }
0xa7: {  	[bflag:$0x0] =	sbarrier.arrive $0xFFFF  }
0xa8: {  	[tilespmem:s17], [sflag:$0x3] =	stream.linear.gather [spmem:s5], $0x80, $0x38;
	[tilespmem:$0x580] =	vst v63  }
0xa9: {  	_ =	swait.ge [sflag:s19], $0x80  }
0xaa: {  	[sflag:s19] =	ssyncset.done $0x0  }
0xab: {  	[sflag:s19] =	ssyncadd.s32 $0xFFFFFF80  }
0xac: {  	[hbm4b:s11+s3] =	stream.linear.scatter [tilespmem:s17], [sflag:$0x3], $0x80, $0x38;
	[tilespmem:$0x580] =	vst v63  }
0xad: {  	_ =	swait.ge [sflag:s19], $0x80  }
0xae: {  	[sflag:s19] =	ssyncset.done $0x0  }
0xaf: {  	[sflag:s19] =	ssyncadd.s32 $0xFFFFFF80  }
0xb0: {  	[tilespmem:s17], [sflag:$0x3] =	stream.linear.gather [spmem:s6], $0x80, $0x38;
	[tilespmem:$0x580] =	vst v63  }
0xb1: {  	_ =	swait.ge [sflag:s19], $0x80  }
0xb2: {  	[sflag:s19] =	ssyncset.done $0x0  }
0xb3: {  	[sflag:s19] =	ssyncadd.s32 $0xFFFFFF80  }
0xb4: {  	[hbm4b:s12+s3] =	stream.linear.scatter [tilespmem:s17], [sflag:$0x3], $0x80, $0x38;
	[tilespmem:$0x580] =	vst v63  }
0xb5: {  	_ =	swait.ge [sflag:s19], $0x80  }
0xb6: {  	[sflag:s19] =	ssyncset.done $0x0  }
0xb7: {  	[sflag:s19] =	ssyncadd.s32 $0xFFFFFF80  }
0xb8: {  	[tilespmem:s17], [sflag:$0x3] =	stream.linear.gather [spmem:s7], $0x80, $0x38;
	[tilespmem:$0x580] =	vst v63  }
0xb9: {  	_ =	swait.ge [sflag:s19], $0x80  }
0xba: {  	[sflag:s19] =	ssyncset.done $0x0  }
0xbb: {  	[sflag:s19] =	ssyncadd.s32 $0xFFFFFF80  }
0xbc: {  	[hbm4b:s13+s3] =	stream.linear.scatter [tilespmem:s17], [sflag:$0x3], $0x80, $0x38;
	[tilespmem:$0x580] =	vst v63  }
0xbd: {  	_ =	swait.ge [sflag:s19], $0x80  }
0xbe: {  	[sflag:s19] =	ssyncset.done $0x0  }
0xbf: {  	[sflag:s19] =	ssyncadd.s32 $0xFFFFFF80  }
0xc0: {  	[tilespmem:s17], [sflag:$0x3] =	stream.linear.gather [spmem:s8], $0x80, $0x38;
	[tilespmem:$0x580] =	vst v63  }
0xc1: {  	_ =	swait.ge [sflag:s19], $0x80  }
0xc2: {  	[sflag:s19] =	ssyncset.done $0x0  }
0xc3: {  	[sflag:s19] =	ssyncadd.s32 $0xFFFFFF80  }
0xc4: {  	[hbm4b:s14+s3] =	stream.linear.scatter [tilespmem:s17], [sflag:$0x3], $0x80, $0x38;
	[tilespmem:$0x580] =	vst v63  }
0xc5: {  	_ =	swait.ge [sflag:s19], $0x80  }
0xc6: {  	[sflag:s19] =	ssyncset.done $0x0  }
0xc7: {  	[sflag:s19] =	ssyncadd.s32 $0xFFFFFF80  }
0xc8: {  	[tilespmem:s17], [sflag:$0x3] =	stream.linear.gather [spmem:s9], $0x80, $0x38;
	[tilespmem:$0x580] =	vst v63  }
0xc9: {  	s26 =	sadd.s32 $0x1, s26;
	_ =	swait.ge [sflag:s19], $0x80  }
0xca: {  	p0 =	sne.s32 s26, s10;
	[sflag:s19] =	ssyncset.done $0x0  }
.Ltmp1:
0xcb: {  	[sflag:s19] =	ssyncadd.s32 $0xFFFFFF80;
	(pc) =	sbr.rel @p0 .LBB2_1-.Ltmp1, $4  }
0xcc: {  	[hbm4b:s15+s3] =	stream.linear.scatter [tilespmem:s17], [sflag:$0x3], $0x80, $0x38;
	[tilespmem:$0x580] =	vst v63  }
0xcd: {  	_ =	swait.ge [sflag:s19], $0x80  }
0xce: {  	[sflag:s19] =	ssyncset.done $0x0  }
0xcf: {  	[sflag:s19] =	ssyncadd.s32 $0xFFFFFF80  }
0xd0: {  	_ =	sfence.sel $0x180000  }
0xd1: {  	[bflag:$0x0] =	sbarrier.arrive $0xFFFF  }
0xd2: {  	p0 =	sne.s32 s1, $0x0;
	_ =	strace $0x90000047  }
0xd3: {  	s0 =	sadd.s32 @!p0 $0x100000, s0;
	[bflag:$0x2] =	sbarrier.arrive $0xFFFF  }
0xd4: {  	[sflag:s0] =	ssyncadd.tile.s32 @!p0 $0x1;
	_ =	shalt  }
.Lfunc_end2:
_tile_overlayer_lowered:
.L_overlay_start_2:
0xd5: {  	(tag) =	ssettag $0x2  }
0xd6: {  	s0 =	rddreg [dreg:$0x0];
	s2 =	stileid.u32  }
0xd7: {  	s1 =	rddreg [dreg:$0x1];
	p0 =	sne.s32 s2, $0x0  }
0xd8: {  	s3 =	rddreg [dreg:$0x2];
	[bflag:$0x3] =	sbarrier.arrive $0xFFFF;
	s2 =	simm.s32 @!p0 $0x1C03  }
0xd9: {  	[timem:s3], [sflag:s2] =	dma.local @!p0 [hbm:s0], s1  }
0xda: {  	s0 =	simm.s32 @!p0 $0x3  }
0xdb: {  	_ =	swait.ge @!p0 [sflag:s0], s1  }
0xdc: {  	s1 =	ssub.s32 @!p0 $0x0, s1;
	[sflag:s0] =	ssyncset.done @!p0 $0x0  }
0xdd: {  	[sflag:s0] =	ssyncadd.s32 @!p0 s1  }
0xde: {  	[bflag:$0x3] =	sbarrier.arrive $0xFFFF  }
0xdf: {  	_ =	shalt  }

// kernel: kernel.17.cloned.1.call-start
scs
__scs_entry_jumppad:
0x0: {  	(pc) =	sbr.rel $0x88, $3  }
0x1: {  	(tag) =	ssettag $0x0;
	lr =	simm.s32 $0x1  }
0x2: {  	[smem:$0x3F88] =	sst lr;
	_ =	strace $0xD0000000  }
0x3: {  	_ = 	snop  }
0x4: {  	_ = 	snop  }
0x5: {  	_ = 	snop  }
0x6: {  	_ = 	snop  }
0x7: {  	_ = 	snop  }
__scs_overlays_trampoline_lowered:
0x8: {  	[smem:$0x3F97] =	sst s0  }
0x9: {  	[smem:$0x3F98] =	sst s1  }
0xa: {  	[smem:$0x3F99] =	sst s2  }
0xb: {  	[smem:$0x3F9A] =	sst s3  }
0xc: {  	[smem:$0x3F9B] =	sst s4  }
0xd: {  	[smem:$0x3F9C] =	sst s5  }
0xe: {  	[smem:$0x3F9D] =	sst s6  }
0xf: {  	[smem:$0x3F9E] =	sst s7  }
0x10: {  	[smem:$0x3F9F] =	sst s8  }
0x11: {  	[smem:$0x3FA0] =	sst s9;
	s0 =	simm.s32 @!p0 $0x0  }
0x12: {  	s1 =	sld [smem:$0x3F86];
	s0 =	simm.s32 @p0 $0x1  }
0x13: {  	[smem:$0x3FA1] =	sst s0;
	s0 =	simm.s32 @!p1 $0x0  }
0x14: {  	s2 =	sld [smem:$0x3F85];
	s0 =	simm.s32 @p1 $0x1  }
0x15: {  	[smem:$0x3FA2] =	sst s0;
	s0 =	simm.s32 @!p2 $0x0  }
0x16: {  	s3 =	sld [smem:$0x3FDB];
	s0 =	simm.s32 @p2 $0x1  }
0x17: {  	s4 =	simm.s32 $0x1BF5;
	[smem:$0x3FA4] =	sst s0  }
0x18: {  	s0 =	sld [smem:$0x3F87];
	_ =	swait.ge [sflag:s4], $0x0  }
0x19: {  	s7 =	sld [smem:$0x3F88]  }
0x1a: {  	s8 =	sadd.s32 $0xFFFFE003, lr  }
0x1b: {  	s9 =	sadd.s32 $0xFFFFFEF7, lr;
	s5 =	simm.s32 $0xFFFFFFFF;
	p2 =	slt.u32 s8, $0xFFFFF086  }
0x1c: {  	p1 =	slt.u32 s9, $0xF7A;
	s5 =	simm.s32 @!p2 $0x0  }
0x1d: {  	s5 =	simm.s32 @p1 $0x1;
	p0 =	seq.s32 s7, s2  }
0x1e: {  	s7 =	smul.u32 @!p0 $0xF7A, s2;
	p2 =	seq.s32 @!p0 s5, $0x0  }
0x1f: {  	s9 =	smul.u32 $0xF7A, s1;
	s8 =	simm.s32 @!p0 $0x1BF5;
	p2 =	por !p2, p0  }
0x20: {  	[sflag:s8] =	ssyncset.s32 @!p0 $0xFFFFF086;
	s6 =	sadd.s32 @!p0 s3, s7;
	s7 =	simm.s32 @!p0 $0x108  }
0x21: {  	s3 =	sadd.s32 s3, s9;
	s6 =	sadd.s32 @!p0 $0x88, s6;
	s7 =	simm.s32 @p2 $0x1082  }
0x22: {  	[simem:s7], [sflag:s8] =	dma.local @!p0 [hbm:s6], $0xF7A  }
0x23: {  	s9 =	sor.u32 $0xD0000000, s2;
	s6 =	simm.s32 $0x108;
	_ =	swait.ge @!p0 [sflag:s8], $0x0  }
0x24: {  	s3 =	sadd.s32 $0x88, s3;
	s6 =	simm.s32 @!p1 $0x1082;
	[sflag:s4] =	ssyncset.s32 $0xFFFFF086  }
0x25: {  	[simem:s6], [sflag:s4] =	dma.local [hbm:s3], $0xF7A  }
0x26: {  	[smem:$0x3F88] =	sst s1;
	(tag) =	ssettag s2;
	_ =	strace s9  }
0x27: {  	s1 =	sld [smem:$0x3F98]  }
0x28: {  	s2 =	sld [smem:$0x3F99]  }
0x29: {  	s4 =	sld [smem:$0x3F9B]  }
0x2a: {  	p0 =	seq.s32 s5, $0x0;
	s5 =	sld [smem:$0x3F9C]  }
0x2b: {  	s6 =	sld [smem:$0x3F9D]  }
0x2c: {  	s7 =	sld [smem:$0x3F9E]  }
0x2d: {  	s3 =	simm.s32 $0x108;
	s8 =	sld [smem:$0x3F9F]  }
0x2e: {  	s3 =	simm.s32 @!p0 $0x1082;
	s9 =	sld [smem:$0x3FA0]  }
0x2f: {  	lr =	sadd.s32 s0, s3;
	s0 =	sld [smem:$0x3F97]  }
0x30: {  	s3 =	sld [smem:$0x3F9A]  }
0x31: {  	[smem:$0x3FA3] =	sst s10  }
0x32: {  	s10 =	sld [smem:$0x3FA1];
	_ =	sdelay $0x3  }
0x33: {  	p0 =	seq.s32 s10, $0x1;
	s10 =	sld [smem:$0x3FA3];
	_ =	sdelay $0x3  }
0x34: {  	[smem:$0x3FA3] =	sst s10  }
0x35: {  	s10 =	sld [smem:$0x3FA2];
	_ =	sdelay $0x3  }
0x36: {  	p1 =	seq.s32 s10, $0x1;
	s10 =	sld [smem:$0x3FA3];
	_ =	sdelay $0x3  }
0x37: {  	[smem:$0x3FA3] =	sst s10  }
0x38: {  	s10 =	sld [smem:$0x3FA4]  }
0x39: {  	_ = 	snop;
	(pc) =	sbr.ind lr, $3  }
0x3a: {  	_ = 	snop  }
0x3b: {  	_ = 	snop  }
0x3c: {  	p2 =	seq.s32 s10, $0x1;
	s10 =	sld [smem:$0x3FA3]  }
0x3d: {  	_ =	shalt  }
0x3e: {  	_ =	shalt  }
0x3f: {  	_ =	shalt  }
0x40: {  	_ =	shalt  }
0x41: {  	_ =	shalt  }
0x42: {  	_ =	shalt  }
0x43: {  	_ =	shalt  }
0x44: {  	_ =	shalt  }
0x45: {  	_ =	shalt  }
0x46: {  	_ =	shalt  }
0x47: {  	_ =	shalt  }
0x48: {  	_ =	shalt  }
0x49: {  	_ =	shalt  }
0x4a: {  	_ =	shalt  }
0x4b: {  	_ =	shalt  }
0x4c: {  	_ =	shalt  }
0x4d: {  	_ =	shalt  }
0x4e: {  	_ =	shalt  }
0x4f: {  	_ =	shalt  }
0x50: {  	_ =	shalt  }
0x51: {  	_ =	shalt  }
0x52: {  	_ =	shalt  }
0x53: {  	_ =	shalt  }
0x54: {  	_ =	shalt  }
0x55: {  	_ =	shalt  }
0x56: {  	_ =	shalt  }
0x57: {  	_ =	shalt  }
0x58: {  	_ =	shalt  }
0x59: {  	_ =	shalt  }
0x5a: {  	_ =	shalt  }
0x5b: {  	_ =	shalt  }
0x5c: {  	_ =	shalt  }
0x5d: {  	_ =	shalt  }
0x5e: {  	_ =	shalt  }
0x5f: {  	_ =	shalt  }
0x60: {  	_ =	shalt  }
0x61: {  	_ =	shalt  }
0x62: {  	_ =	shalt  }
0x63: {  	_ =	shalt  }
0x64: {  	_ =	shalt  }
0x65: {  	_ =	shalt  }
0x66: {  	_ =	shalt  }
0x67: {  	_ =	shalt  }
0x68: {  	_ =	shalt  }
0x69: {  	_ =	shalt  }
0x6a: {  	_ =	shalt  }
0x6b: {  	_ =	shalt  }
0x6c: {  	_ =	shalt  }
0x6d: {  	_ =	shalt  }
0x6e: {  	_ =	shalt  }
0x6f: {  	_ =	shalt  }
0x70: {  	_ =	shalt  }
0x71: {  	_ =	shalt  }
0x72: {  	_ =	shalt  }
0x73: {  	_ =	shalt  }
0x74: {  	_ =	shalt  }
0x75: {  	_ =	shalt  }
0x76: {  	_ =	shalt  }
0x77: {  	_ =	shalt  }
0x78: {  	_ =	shalt  }
0x79: {  	_ =	shalt  }
0x7a: {  	_ =	shalt  }
0x7b: {  	_ =	shalt  }
0x7c: {  	_ =	shalt  }
0x7d: {  	_ =	shalt  }
0x7e: {  	_ =	shalt  }
0x7f: {  	_ =	shalt  }
0x80: {  	_ =	shalt  }
0x81: {  	_ =	shalt  }
0x82: {  	_ =	shalt  }
0x83: {  	_ =	shalt  }
0x84: {  	_ =	shalt  }
0x85: {  	_ =	shalt  }
0x86: {  	_ =	shalt  }
0x87: {  	_ =	shalt  }
.Lfunc_end0:
.L_simem_size_0:
called_computation.1_lowered:
.L_overlay_start_0:
0x88: {  	s2 =	sld [smem:$0x3FD9]  }
0x89: {  	s3 =	sld [smem:$0x3FFE];
	_ =	sdelay $0x1  }
0x8a: {  	s1 =	srdreg.scid  }
0x8b: {  	s0 =	sand.u32 $0x1, s1  }
0x8c: {  	s16 =	sshll.u32 s0, $0xA;
	s2 =	sadd.s32 s3, s2  }
0x8d: {  	s2 =	sadd.s32 s2, s16  }
0x8e: {  	[smem:$0x3FAF] =	sst s2  }
0x8f: {  	_ = 	snop  }
0x90: {  	(tm) =	ssettm $0x1  }
0x91: {  	s17 =	sld [smem:$0x3FFB];
	_ =	sdelay $0x3  }
0x92: {  	_ =	strace s17  }
0x93: {  	s2 =	sld [smem:$0x3FFC];
	_ =	sdelay $0x3  }
0x94: {  	_ =	strace s2  }
0x95: {  	s2 =	sld [smem:$0x3FFD];
	_ =	sdelay $0x3  }
0x96: {  	_ =	strace s2  }
0x97: {  	_ =	strace $0x8FFFFFFF  }
0x98: {  	s18 =	sld [smem:$0x3FDB];
	_ =	sdelay $0x1  }
0x99: {  	s19 =	simm.s32 $_scs_section_size  }
0x9a: {  	s4 =	simm.s32 $_size__tile_overlayer_lowered;
	s5 =	simm.s32 $_tile_overlayer_lowered  }
0x9b: {  	s22 =	simm.s32 $0x1BFF;
	s21 =	sshll.u32 s5, $0x1;
	s2 =	sadd.s32 s19, s18  }
0x9c: {  	s6 =	simm.s32 $0x0;
	s20 =	sshll.u32 s4, $0x1;
	s4 =	sadd.s32 s21, s2  }
0x9d: {  	[timem:s6], [sflag:s22] =	dma.local [hbm:s4], s20  }
0x9e: {  	_ =	swait.ge [sflag:s22], s20  }
0x9f: {  	s3 =	ssub.s32 $0x0, s20;
	[sflag:s22] =	ssyncset.done $0x0  }
0xa0: {  	[sflag:s22] =	ssyncadd.s32 s3;
	_ =	sdelay $0x1  }
0xa1: {  	s23 =	simm.s32 $0x1B8B  }
0xa2: {  	_ =	swait.ge [sflag:s23], $0x1  }
0xa3: {  	[sflag:s23] =	ssyncset.done $0x0  }
0xa4: {  	s25 =	simm.s32 $0x1B8E;
	s24 =	sld [smem:$0x3FFE];
	[sflag:s23] =	ssyncadd.s32 $0xFFFFFFFF  }
0xa5: {  	s26 =	simm.s32 $execute0_lowered;
	[smem:$0x3FD2] =	sst s25  }
0xa6: {  	s4 =	sshll.u32 s26, $0x1;
	_ =	strace $0x80000049;
	[dreg:$0x1] =	wrdreg $0xFFFFFFFF  }
0xa7: {  	s28 =	simm.s32 $_size_execute0_lowered;
	s2 =	sadd.s32 s2, s4;
	[dreg:$0x0] =	wrdreg $0x0  }
0xa8: {  	s4 =	sshll.u32 s28, $0x1;
	[dreg:$0x2] =	wrdreg s2  }
0xa9: {  	[dreg:$0x3] =	wrdreg s4  }
0xaa: {  	[dreg:$0x4] =	wrdreg $0xC0  }
0xab: {  	_ =	task [dreg:s6], $0x5FFFF  }
0xac: {  	[dreg:$0x1] =	wrdreg $0xFFFFFFFF  }
0xad: {  	[dreg:$0x0] =	wrdreg $0x60  }
0xae: {  	[dreg:$0x2] =	wrdreg s24  }
0xaf: {  	[dreg:$0x3] =	wrdreg $0xA9000  }
0xb0: {  	[dreg:$0x4] =	wrdreg $0x9  }
0xb1: {  	_ =	task.clear_ibuf [dreg:s6], $0x5FFFF;
	_ =	strace $0x90000049  }
0xb2: {  	s29 =	simm.s32 $0x9;
	_ =	strace $0x8000004B  }
0xb3: {  	_ =	swait.ge [sflag:s29], $0x1  }
0xb4: {  	[sflag:s29] =	ssyncadd.s32 $0xFFFFFFFF  }
0xb5: {  	_ =	strace $0x9000004B  }
0xb6: {  	_ =	sfence  }
0xb7: {  	s30 =	sld [smem:$0x0];
	_ =	sdelay $0x2  }
0xb8: {  	s31 =	sshll.u32 s1, $0xD;
	s1 =	sshrl.u32 s1, $0x2  }
0xb9: {  	s3 =	sand.u32 $0x4000, s31;
	s1 =	sadd.s32 s1, s30  }
0xba: {  	s0 =	sor.u32 s3, s0;
	s1 =	sshll.u32 s1, $0x11  }
0xbb: {  	s0 =	sor.u32 s1, s0  }
0xbc: {  	s0 =	sadd.s32 $0x8F2B, s0  }
0xbd: {  	[sflag:s0] =	ssyncadd.remote.s32 $0x1  }
0xbe: {  	_ =	sfence.sel $0xFFFF  }
0xbf: {  	[dreg:$0x0] =	wrdreg $0xFFFFFFFF;
	(pc) =	sbr.abs _section_cstart, $3  }
0xc0: {  	[dreg:$0x1] =	wrdreg $0xFFFFFFFF  }
0xc1: {  	_ =	task.clear_ibuf [dreg:s6], $0x2FFFF;
	_ =	strace $0x9FFFFFFF  }
0xc2: {  	(tm) =	ssettm $0x7FFFFFFF  }
0xc3: {  	_ =	shalt  }
tec
execute0_lowered:
.L_overlay_start_1:
0x0: {  	(tag) =	ssettag $0x1  }
0x1: {  	s0 =	srdreg.scid;
	s6 =	rddreg [dreg:$0x0]  }
0x2: {  	s11 =	stileid.u32;
	s2 =	rddreg [dreg:$0x1];
	s3 =	simm.s32 $0x0  }
0x3: {  	s18 =	simm.s32 $0x7;
	s19 =	simm.s32 $0x2900;
	s20 =	simm.s32 $0x2800  }
0x4: {  	s21 =	simm.s32 $0x7D;
	s22 =	simm.s32 $0x6900;
	s23 =	simm.s32 $0x3  }
0x5: {  	s28 =	simm.s32 $0x1;
	s29 =	simm.s32 $0x5;
	s7 =	smul.u32 $0x14000, s11  }
0x6: {  	s30 =	simm.s32 $0x6;
	s0 =	sand.u32 $0x1, s0;
	s9 =	smul.u32 $0x50000, s11  }
0x7: {  	s1 =	sshll.u32 s11, $0x1;
	[smem:$0x7FF] =	sst s3;
	s14 =	smul.u32 $0xA00, s11  }
0x8: {  	s4 =	sadd.s32 $0x1C400, s6;
	s1 =	sor.u32 s0, s1;
	s5 =	smul.u32 $0x140000, s0  }
0x9: {  	_ =	strace $0x8000004A;
	s10 =	ssub.s32 $0x2, s0;
	s0 =	smul.u32 $0x500, s0  }
0xa: {  	s1 =	smul.u32 $0x500, s1;
	s24 =	sshrl.u32 s10, $0x1;
	s9 =	sshrl.u32 s9, $0x2  }
0xb: {  	s7 =	sadd.s32 s7, s5;
	s5 =	sadd.s32 $0x7800, s6;
	s15 =	ssub.s32 s10, s24  }
0xc: {  	s14 =	sadd.s32 s0, s14;
	s24 =	simm.s32 $0x2;
	s8 =	sadd.s32 s1, s6  }
0xd: {  	s7 =	sshrl.u32 s7, $0x3;
	s12 =	sadd.s32 s5, s1;
	s15 =	smax.u32 s15, $0x1  }
0xe: {  	s0 =	sadd.s32 s5, s14;
	s1 =	simm.s32 $0x0;
	s7 =	sadd.s32 s7, s6  }
0xf: {  	s6 =	sadd.s32 s9, s2;
	s8 =	sadd.s32 $0x12400, s8;
	s16 =	sadd.s32 $0x4F0, s12  }
0x10: {  	s17 =	sadd.s32 $0x20, s0;
	[dreg:$0x3] =	wrdreg s8;
	s25 =	sadd.s32 $0x4000, s6  }
0x11: {  	s26 =	sadd.s32 $0x8000, s6;
	s31 =	sadd.s32 $0xC000, s6;
	[dreg:$0x4] =	wrdreg s25  }
0x12: {  	s11 =	sadd.s32 $0x10000, s6;
	s13 =	sadd.s32 $0x6B600, s7;
	[dreg:$0x5] =	wrdreg s26  }
0x13: {  	v0 =	vimm.f32 $0.0e+00;
	[dreg:$0x6] =	wrdreg s31;
	s25 =	simm.s32 $0x2880;
	s26 =	simm.s32 $0x4  }
.LBB2_1:
0x14: {  	s0 =	rddreg [dreg:$0x3]  }
0x15: {  	[tilespmem:s3], [sflag:$0x7] =	stream.linear.gather [hbm4b:s0+s3], $0x2800, $0x38;
	[tilespmem:$0x1E900] =	vst v63  }
0x16: {  	_ =	swait.ge [sflag:s18], $0x2800  }
0x17: {  	[sflag:s18] =	ssyncset.done $0x0  }
0x18: {  	s31 =	simm.s32 $0x200;
	s0 =	simm.s32 $0x0;
	[sflag:s18] =	ssyncadd.s32 $0xFFFFD800  }
.LBB2_2:
0x19: {  	p0 =	sne.s32 s31, $0xFE00;
	[tilespmem:s0+$0x2970] =	vst v0  }
0x1a: {  	[tilespmem:s0+$0x2900] =	vst v0  }
0x1b: {  	[tilespmem:s0+$0x2910] =	vst v0  }
.Ltmp0:
0x1c: {  	[tilespmem:s0+$0x2920] =	vst v0;
	(pc) =	sbr.rel @p0 .LBB2_2-.Ltmp0, $4  }
0x1d: {  	[tilespmem:s0+$0x2930] =	vst v0  }
0x1e: {  	[tilespmem:s0+$0x2940] =	vst v0  }
0x1f: {  	[tilespmem:s0+$0x2950] =	vst v0  }
0x20: {  	[tilespmem:s0+$0x2960] =	vst v0;
	s0 =	sshra.s32 s31, $0x2;
	s31 =	sadd.s32 $0x200, s31  }
0x21: {  	[tilespmem:s0+$0x2970] =	vst v0  }
0x22: {  	[tilespmem:s0+$0x2900] =	vst v0  }
0x23: {  	[tilespmem:s0+$0x2910] =	vst v0  }
0x24: {  	[tilespmem:s0+$0x2920] =	vst v0  }
0x25: {  	[tilespmem:s0+$0x2930] =	vst v0  }
0x26: {  	[tilespmem:s0+$0x2940] =	vst v0  }
0x27: {  	[tilespmem:s0+$0x2950] =	vst v0  }
0x28: {  	[tilespmem:s0+$0x2960] =	vst v0  }
0x29: {  	[spmem:s6] =	stream.linear.scatter [tilespmem:s19], [sflag:$0x3], $0x4000, $0x38;
	[tilespmem:$0x1E900] =	vst v63  }
0x2a: {  	s7 =	rddreg [dreg:$0x4]  }
0x2b: {  	[spmem:s7] =	stream.linear.scatter [tilespmem:s19], [sflag:$0x3], $0x4000, $0x38;
	[tilespmem:$0x1E900] =	vst v63  }
0x2c: {  	s8 =	rddreg [dreg:$0x5]  }
0x2d: {  	[spmem:s8] =	stream.linear.scatter [tilespmem:s19], [sflag:$0x3], $0x4000, $0x38;
	[tilespmem:$0x1E900] =	vst v63  }
0x2e: {  	s9 =	rddreg [dreg:$0x6]  }
0x2f: {  	[spmem:s9] =	stream.linear.scatter [tilespmem:s19], [sflag:$0x3], $0x4000, $0x38;
	[tilespmem:$0x1E900] =	vst v63  }
0x30: {  	_ = 	snop  }
0x31: {  	[spmem:s11] =	stream.linear.scatter [tilespmem:s19], [sflag:$0x3], $0x4000, $0x38;
	[tilespmem:$0x1E900] =	vst v63  }
0x32: {  	s10 =	simm.s32 $0x0  }
0x33: {  	[tilespmem:s20], [sflag:$0x7] =	stream.linear.gather [hbm4b:s12+s10], $0x80, $0x38;
	[tilespmem:$0x1E900] =	vst v63  }
0x34: {  	_ =	swait.ge [sflag:s18], $0x80  }
0x35: {  	[sflag:s18] =	ssyncset.done $0x0  }
0x36: {  	[sflag:s18] =	ssyncadd.s32 $0xFFFFFF80  }
0x37: {  	[tilespmem:s22], [sflag:$0x2] =	stream.indirect.gather [hbm4b:s4+s21], $0x80, s10, s21, $0xb8;
	[tilespmem:$0x1E900] =	vst v63  }
0x38: {  	_ =	swait.ge [sflag:s23], $0x4000  }
0x39: {  	[sflag:s23] =	ssyncset.done $0x0  }
0x3a: {  	[sflag:s23] =	ssyncadd.s32 $0xFFFFC000  }
0x3b: {  	_ =	swait.ge [sflag:s23], $0x4000  }
0x3c: {  	[sflag:s23] =	ssyncset.done $0x0  }
0x3d: {  	[sflag:s23] =	ssyncadd.s32 $0xFFFFC000  }
0x3e: {  	_ =	swait.ge [sflag:s23], $0x4000  }
0x3f: {  	[sflag:s23] =	ssyncset.done $0x0  }
0x40: {  	[sflag:s23] =	ssyncadd.s32 $0xFFFFC000  }
0x41: {  	_ =	swait.ge [sflag:s23], $0x4000  }
0x42: {  	[sflag:s23] =	ssyncset.done $0x0  }
0x43: {  	[sflag:s23] =	ssyncadd.s32 $0xFFFFC000  }
0x44: {  	_ =	swait.ge [sflag:s23], $0x4000  }
0x45: {  	[sflag:s23] =	ssyncset.done $0x0  }
0x46: {  	[sflag:s23] =	ssyncadd.s32 $0xFFFFC000  }
0x47: {  	s0 =	sand.u32 $0x60, s10;
	s7 =	sadd.s32 $0x0, s14;
	[bflag:$0x0] =	sbarrier.arrive $0xFFFF  }
0x48: {  	s0 =	sadd.s32 s0, s5;
	s7 =	sand.u32 $0xFFFFF80, s7;
	_ =	swait.ge [sflag:s24], $0x3E80  }
0x49: {  	s0 =	sadd.s32 s7, s0;
	[sflag:s24] =	ssyncset.done $0x0  }
0x4a: {  	s0 =	sadd.s32 $0x10, s0;
	[sflag:s24] =	ssyncadd.s32 $0xFFFFC180  }
0x4b: {  	[tilespmem:s25], [sflag:$0x4] =	stream.linear.gather [hbm4b:s0+s3], $0x80, $0x38;
	[tilespmem:$0x1E900] =	vst v63  }
0x4c: {  	_ = 	snop  }
0x4d: {  	[spmem:s2] =	stream.indirect.scatter.add.f32 [tilespmem:s22], [sflag:$0x5], $0x80, s20, s21, $0xb8;
	[tilespmem:$0x1E900] =	vst v63  }
0x4e: {  	s8 =	simm.s32 $0x80  }
0x4f: {  	[tilespmem:s19], [sflag:$0x1] =	stream.indirect.gather [hbm4b:s4+s21], $0x80, s8, s21, $0xb8;
	[tilespmem:$0x1E900] =	vst v63  }
0x50: {  	_ =	swait.ge [sflag:s26], $0x80  }
0x51: {  	[sflag:s26] =	ssyncset.done $0x0  }
0x52: {  	[sflag:s26] =	ssyncadd.s32 $0xFFFFFF80  }
0x53: {  	_ =	swait.ge [sflag:s28], $0x3E80  }
0x54: {  	[sflag:s28] =	ssyncset.done $0x0  }
0x55: {  	[sflag:s28] =	ssyncadd.s32 $0xFFFFC180  }
0x56: {  	[spmem:s2] =	stream.indirect.scatter.add.f32 [tilespmem:s19], [sflag:$0x6], $0x80, s25, s21, $0xb8;
	[tilespmem:$0x1E900] =	vst v63  }
0x57: {  	_ =	swait.ge [sflag:s29], $0x3E80  }
0x58: {  	[sflag:s29] =	ssyncset.done $0x0  }
0x59: {  	s9 =	sadd.s32 $0x0, s17;
	[sflag:s29] =	ssyncadd.s32 $0xFFFFC180  }
0x5a: {  	[tilespmem:s20], [sflag:$0x3] =	stream.linear.gather [hbm4b:s9+s3], $0x80, $0x38;
	[tilespmem:$0x1E900] =	vst v63  }
0x5b: {  	s10 =	simm.s32 $0x100  }
0x5c: {  	[tilespmem:s22], [sflag:$0x2] =	stream.indirect.gather [hbm4b:s4+s21], $0x80, s10, s21, $0xb8;
	[tilespmem:$0x1E900] =	vst v63  }
0x5d: {  	_ =	swait.ge [sflag:s23], $0x80  }
0x5e: {  	[sflag:s23] =	ssyncset.done $0x0  }
0x5f: {  	[sflag:s23] =	ssyncadd.s32 $0xFFFFFF80  }
0x60: {  	_ =	swait.ge [sflag:s24], $0x3E80  }
0x61: {  	s7 =	simm.s32 $0x40;
	s0 =	simm.s32 $0x20;
	[sflag:s24] =	ssyncset.done $0x0  }
0x62: {  	s31 =	sand.u32 $0x60, s0;
	s8 =	sadd.s32 $0x20, s14;
	[sflag:s24] =	ssyncadd.s32 $0xFFFFC180  }
0x63: {  	s31 =	sadd.s32 s31, s5;
	s8 =	sand.u32 $0xFFFFF80, s8;
	_ =	swait.ge [sflag:s30], $0x3E80  }
0x64: {  	s8 =	sadd.s32 s8, s31;
	s31 =	simm.s32 $0x200;
	[sflag:s30] =	ssyncset.done $0x0  }
.LBB2_4:
0x65: {  	s8 =	sadd.s32 $0x10, s8  }
0x66: {  	[sflag:s30] =	ssyncadd.s32 $0xFFFFC180;
	s9 =	smov.u32 s7;
	s10 =	sadd.s32 $0x20, s7  }
0x67: {  	[tilespmem:s25], [sflag:$0x4] =	stream.linear.gather [hbm4b:s8+s3], $0x80, $0x38;
	[tilespmem:$0x1E900] =	vst v63  }
0x68: {  	p0 =	sne.s32 s7, $0x4C0  }
0x69: {  	[spmem:s2] =	stream.indirect.scatter.add.f32 [tilespmem:s22], [sflag:$0x5], $0x80, s20, s21, $0xb8;
	[tilespmem:$0x1E900] =	vst v63  }
0x6a: {  	s7 =	sadd.s32 $0xFFFFFF80, s31  }
0x6b: {  	[tilespmem:s19], [sflag:$0x1] =	stream.indirect.gather [hbm4b:s4+s21], $0x80, s7, s21, $0xb8;
	[tilespmem:$0x1E900] =	vst v63  }
0x6c: {  	_ =	swait.ge [sflag:s26], $0x80  }
0x6d: {  	[sflag:s26] =	ssyncset.done $0x0  }
0x6e: {  	[sflag:s26] =	ssyncadd.s32 $0xFFFFFF80  }
0x6f: {  	_ =	swait.ge [sflag:s28], $0x3E80  }
0x70: {  	[sflag:s28] =	ssyncset.done $0x0  }
0x71: {  	[sflag:s28] =	ssyncadd.s32 $0xFFFFC180  }
0x72: {  	[spmem:s2] =	stream.indirect.scatter.add.f32 [tilespmem:s19], [sflag:$0x6], $0x80, s25, s21, $0xb8;
	[tilespmem:$0x1E900] =	vst v63  }
0x73: {  	_ =	swait.ge [sflag:s29], $0x3E80  }
0x74: {  	[sflag:s29] =	ssyncset.done $0x0  }
0x75: {  	s7 =	sadd.s32 s0, s17;
	s0 =	smov.u32 s9;
	[sflag:s29] =	ssyncadd.s32 $0xFFFFC180  }
0x76: {  	[tilespmem:s20], [sflag:$0x3] =	stream.linear.gather [hbm4b:s7+s3], $0x80, $0x38;
	[tilespmem:$0x1E900] =	vst v63  }
0x77: {  	_ = 	snop  }
0x78: {  	[tilespmem:s22], [sflag:$0x2] =	stream.indirect.gather [hbm4b:s4+s21], $0x80, s31, s21, $0xb8;
	[tilespmem:$0x1E900] =	vst v63  }
0x79: {  	_ =	swait.ge [sflag:s23], $0x80  }
0x7a: {  	[sflag:s23] =	ssyncset.done $0x0  }
0x7b: {  	[sflag:s23] =	ssyncadd.s32 $0xFFFFFF80  }
.Ltmp1:
0x7c: {  	_ =	swait.ge [sflag:s24], $0x3E80;
	(pc) =	sbr.rel @p0 .LBB2_4-.Ltmp1, $4  }
0x7d: {  	s8 =	sand.u32 $0x60, s0;
	s7 =	sadd.s32 s0, s14;
	[sflag:s24] =	ssyncset.done $0x0  }
0x7e: {  	s8 =	sadd.s32 s8, s5;
	s7 =	sand.u32 $0xFFFFF80, s7;
	[sflag:s24] =	ssyncadd.s32 $0xFFFFC180  }
0x7f: {  	s8 =	sadd.s32 s7, s8;
	_ =	swait.ge [sflag:s30], $0x3E80  }
0x80: {  	s31 =	sadd.s32 $0x100, s31;
	s7 =	smov.u32 s10;
	[sflag:s30] =	ssyncset.done $0x0  }
0x81: {  	s7 =	sadd.s32 $0x10, s8;
	[sflag:s30] =	ssyncadd.s32 $0xFFFFC180  }
0x82: {  	[tilespmem:s25], [sflag:$0x4] =	stream.linear.gather [hbm4b:s7+s3], $0x80, $0x38;
	[tilespmem:$0x1E900] =	vst v63  }
0x83: {  	_ = 	snop  }
0x84: {  	[spmem:s2] =	stream.indirect.scatter.add.f32 [tilespmem:s22], [sflag:$0x5], $0x80, s20, s21, $0xb8;
	[tilespmem:$0x1E900] =	vst v63  }
0x85: {  	s8 =	sadd.s32 $0xFFFFFF80, s31  }
0x86: {  	[tilespmem:s19], [sflag:$0x1] =	stream.indirect.gather [hbm4b:s4+s21], $0x80, s8, s21, $0xb8;
	[tilespmem:$0x1E900] =	vst v63  }
0x87: {  	_ =	swait.ge [sflag:s26], $0x80  }
0x88: {  	[sflag:s26] =	ssyncset.done $0x0  }
0x89: {  	[sflag:s26] =	ssyncadd.s32 $0xFFFFFF80  }
0x8a: {  	_ =	swait.ge [sflag:s28], $0x3E80  }
0x8b: {  	[sflag:s28] =	ssyncset.done $0x0  }
0x8c: {  	[sflag:s28] =	ssyncadd.s32 $0xFFFFC180  }
0x8d: {  	[spmem:s2] =	stream.indirect.scatter.add.f32 [tilespmem:s19], [sflag:$0x6], $0x80, s25, s21, $0xb8;
	[tilespmem:$0x1E900] =	vst v63  }
0x8e: {  	_ =	swait.ge [sflag:s29], $0x3E80  }
0x8f: {  	[sflag:s29] =	ssyncset.done $0x0  }
0x90: {  	s0 =	sadd.s32 s0, s17;
	[sflag:s29] =	ssyncadd.s32 $0xFFFFC180  }
0x91: {  	[tilespmem:s20], [sflag:$0x3] =	stream.linear.gather [hbm4b:s0+s3], $0x80, $0x38;
	[tilespmem:$0x1E900] =	vst v63  }
0x92: {  	_ = 	snop  }
0x93: {  	[tilespmem:s22], [sflag:$0x2] =	stream.indirect.gather [hbm4b:s4+s21], $0x80, s31, s21, $0xb8;
	[tilespmem:$0x1E900] =	vst v63  }
0x94: {  	_ =	swait.ge [sflag:s23], $0x80  }
0x95: {  	[sflag:s23] =	ssyncset.done $0x0  }
0x96: {  	[sflag:s23] =	ssyncadd.s32 $0xFFFFFF80  }
0x97: {  	_ =	swait.ge [sflag:s24], $0x3E80  }
0x98: {  	[sflag:s24] =	ssyncset.done $0x0  }
0x99: {  	[sflag:s24] =	ssyncadd.s32 $0xFFFFC180  }
0x9a: {  	_ =	swait.ge [sflag:s30], $0x3E80  }
0x9b: {  	[sflag:s30] =	ssyncset.done $0x0  }
0x9c: {  	[sflag:s30] =	ssyncadd.s32 $0xFFFFC180  }
0x9d: {  	[tilespmem:s25], [sflag:$0x4] =	stream.linear.gather [hbm4b:s16+s3], $0x80, $0x38;
	[tilespmem:$0x1E900] =	vst v63  }
0x9e: {  	_ = 	snop  }
0x9f: {  	[spmem:s2] =	stream.indirect.scatter.add.f32 [tilespmem:s22], [sflag:$0x5], $0x80, s20, s21, $0xb8;
	[tilespmem:$0x1E900] =	vst v63  }
0xa0: {  	s9 =	simm.s32 $0x2780  }
0xa1: {  	[tilespmem:s19], [sflag:$0x1] =	stream.indirect.gather [hbm4b:s4+s21], $0x80, s9, s21, $0xb8;
	[tilespmem:$0x1E900] =	vst v63  }
0xa2: {  	_ =	swait.ge [sflag:s26], $0x80  }
0xa3: {  	[sflag:s26] =	ssyncset.done $0x0  }
0xa4: {  	[sflag:s26] =	ssyncadd.s32 $0xFFFFFF80  }
0xa5: {  	_ =	swait.ge [sflag:s28], $0x3E80  }
0xa6: {  	[sflag:s28] =	ssyncset.done $0x0  }
0xa7: {  	[sflag:s28] =	ssyncadd.s32 $0xFFFFC180  }
0xa8: {  	[spmem:s2] =	stream.indirect.scatter.add.f32 [tilespmem:s19], [sflag:$0x6], $0x80, s25, s21, $0xb8;
	[tilespmem:$0x1E900] =	vst v63  }
0xa9: {  	_ =	swait.ge [sflag:s29], $0x3E80  }
0xaa: {  	[sflag:s29] =	ssyncset.done $0x0  }
0xab: {  	[sflag:s29] =	ssyncadd.s32 $0xFFFFC180  }
0xac: {  	s10 =	stileid.u32;
	_ =	swait.ge [sflag:s30], $0x3E80  }
0xad: {  	s1 =	sadd.s32 $0x1, s1;
	s0 =	sshll.u32 s10, $0x6;
	[sflag:s30] =	ssyncset.done $0x0  }
0xae: {  	p0 =	sne.s32 s1, s15;
	s0 =	sor.u32 $0x1C07, s0;
	[sflag:s30] =	ssyncadd.s32 $0xFFFFC180  }
.Ltmp2:
0xaf: {  	s31 =	sshrl.u32 s6, $0x3;
	[bflag:$0x0] =	sbarrier.arrive $0xFFFF;
	(pc) =	sbr.rel @p0 .LBB2_1-.Ltmp2, $4  }
0xb0: {  	[hbm:s13], [sflag:s0] =	dma.local [spmem:s31], $0x2800  }
0xb1: {  	_ =	swait.ge [sflag:s18], $0x2800  }
0xb2: {  	[sflag:s18] =	ssyncset.done $0x0  }
0xb3: {  	[sflag:s18] =	ssyncadd.s32 $0xFFFFD800  }
0xb4: {  	_ =	sfence.sel $0x180000  }
0xb5: {  	[bflag:$0x0] =	sbarrier.arrive $0xFFFF  }
0xb6: {  	_ =	strace $0x9000004A  }
0xb7: {  	s0 =	stileid.u32;
	[bflag:$0x2] =	sbarrier.arrive $0xFFFF  }
0xb8: {  	p0 =	sne.s32 s0, $0x0;
	s0 =	rddreg [dreg:$0x2]  }
0xb9: {  	s0 =	sadd.s32 @!p0 $0x100000, s0  }
0xba: {  	[sflag:s0] =	ssyncadd.tile.s32 @!p0 $0x1;
	_ =	shalt  }
.Lfunc_end2:
_tile_overlayer_lowered:
.L_overlay_start_2:
0xbb: {  	(tag) =	ssettag $0x2  }
0xbc: {  	s0 =	rddreg [dreg:$0x0];
	s2 =	stileid.u32  }
0xbd: {  	s1 =	rddreg [dreg:$0x1];
	p0 =	sne.s32 s2, $0x0  }
0xbe: {  	s3 =	rddreg [dreg:$0x2];
	[bflag:$0x3] =	sbarrier.arrive $0xFFFF;
	s2 =	simm.s32 @!p0 $0x1C07  }
0xbf: {  	[timem:s3], [sflag:s2] =	dma.local @!p0 [hbm:s0], s1  }
0xc0: {  	s0 =	simm.s32 @!p0 $0x7  }
0xc1: {  	_ =	swait.ge @!p0 [sflag:s0], s1  }
0xc2: {  	s1 =	ssub.s32 @!p0 $0x0, s1;
	[sflag:s0] =	ssyncset.done @!p0 $0x0  }
0xc3: {  	[sflag:s0] =	ssyncadd.s32 @!p0 s1  }
0xc4: {  	[bflag:$0x3] =	sbarrier.arrive $0xFFFF  }
0xc5: {  	_ =	shalt  }

// kernel: kernel.20.cloned.1.call-start
scs
__scs_entry_jumppad:
0x0: {  	(pc) =	sbr.rel $0x88, $3  }
0x1: {  	(tag) =	ssettag $0x0;
	lr =	simm.s32 $0x1  }
0x2: {  	[smem:$0x3F88] =	sst lr;
	_ =	strace $0xD0000000  }
0x3: {  	_ = 	snop  }
0x4: {  	_ = 	snop  }
0x5: {  	_ = 	snop  }
0x6: {  	_ = 	snop  }
0x7: {  	_ = 	snop  }
__scs_overlays_trampoline_lowered:
0x8: {  	[smem:$0x3F97] =	sst s0  }
0x9: {  	[smem:$0x3F98] =	sst s1  }
0xa: {  	[smem:$0x3F99] =	sst s2  }
0xb: {  	[smem:$0x3F9A] =	sst s3  }
0xc: {  	[smem:$0x3F9B] =	sst s4  }
0xd: {  	[smem:$0x3F9C] =	sst s5  }
0xe: {  	[smem:$0x3F9D] =	sst s6  }
0xf: {  	[smem:$0x3F9E] =	sst s7  }
0x10: {  	[smem:$0x3F9F] =	sst s8  }
0x11: {  	[smem:$0x3FA0] =	sst s9;
	s0 =	simm.s32 @!p0 $0x0  }
0x12: {  	s1 =	sld [smem:$0x3F86];
	s0 =	simm.s32 @p0 $0x1  }
0x13: {  	[smem:$0x3FA1] =	sst s0;
	s0 =	simm.s32 @!p1 $0x0  }
0x14: {  	s2 =	sld [smem:$0x3F85];
	s0 =	simm.s32 @p1 $0x1  }
0x15: {  	[smem:$0x3FA2] =	sst s0;
	s0 =	simm.s32 @!p2 $0x0  }
0x16: {  	s3 =	sld [smem:$0x3FDB];
	s0 =	simm.s32 @p2 $0x1  }
0x17: {  	s4 =	simm.s32 $0x1BF5;
	[smem:$0x3FA4] =	sst s0  }
0x18: {  	s0 =	sld [smem:$0x3F87];
	_ =	swait.ge [sflag:s4], $0x0  }
0x19: {  	s7 =	sld [smem:$0x3F88]  }
0x1a: {  	s8 =	sadd.s32 $0xFFFFE003, lr  }
0x1b: {  	s9 =	sadd.s32 $0xFFFFFEF7, lr;
	s5 =	simm.s32 $0xFFFFFFFF;
	p2 =	slt.u32 s8, $0xFFFFF086  }
0x1c: {  	p1 =	slt.u32 s9, $0xF7A;
	s5 =	simm.s32 @!p2 $0x0  }
0x1d: {  	s5 =	simm.s32 @p1 $0x1;
	p0 =	seq.s32 s7, s2  }
0x1e: {  	s7 =	smul.u32 @!p0 $0xF7A, s2;
	p2 =	seq.s32 @!p0 s5, $0x0  }
0x1f: {  	s9 =	smul.u32 $0xF7A, s1;
	s8 =	simm.s32 @!p0 $0x1BF5;
	p2 =	por !p2, p0  }
0x20: {  	[sflag:s8] =	ssyncset.s32 @!p0 $0xFFFFF086;
	s6 =	sadd.s32 @!p0 s3, s7;
	s7 =	simm.s32 @!p0 $0x108  }
0x21: {  	s3 =	sadd.s32 s3, s9;
	s6 =	sadd.s32 @!p0 $0x88, s6;
	s7 =	simm.s32 @p2 $0x1082  }
0x22: {  	[simem:s7], [sflag:s8] =	dma.local @!p0 [hbm:s6], $0xF7A  }
0x23: {  	s9 =	sor.u32 $0xD0000000, s2;
	s6 =	simm.s32 $0x108;
	_ =	swait.ge @!p0 [sflag:s8], $0x0  }
0x24: {  	s3 =	sadd.s32 $0x88, s3;
	s6 =	simm.s32 @!p1 $0x1082;
	[sflag:s4] =	ssyncset.s32 $0xFFFFF086  }
0x25: {  	[simem:s6], [sflag:s4] =	dma.local [hbm:s3], $0xF7A  }
0x26: {  	[smem:$0x3F88] =	sst s1;
	(tag) =	ssettag s2;
	_ =	strace s9  }
0x27: {  	s1 =	sld [smem:$0x3F98]  }
0x28: {  	s2 =	sld [smem:$0x3F99]  }
0x29: {  	s4 =	sld [smem:$0x3F9B]  }
0x2a: {  	p0 =	seq.s32 s5, $0x0;
	s5 =	sld [smem:$0x3F9C]  }
0x2b: {  	s6 =	sld [smem:$0x3F9D]  }
0x2c: {  	s7 =	sld [smem:$0x3F9E]  }
0x2d: {  	s3 =	simm.s32 $0x108;
	s8 =	sld [smem:$0x3F9F]  }
0x2e: {  	s3 =	simm.s32 @!p0 $0x1082;
	s9 =	sld [smem:$0x3FA0]  }
0x2f: {  	lr =	sadd.s32 s0, s3;
	s0 =	sld [smem:$0x3F97]  }
0x30: {  	s3 =	sld [smem:$0x3F9A]  }
0x31: {  	[smem:$0x3FA3] =	sst s10  }
0x32: {  	s10 =	sld [smem:$0x3FA1];
	_ =	sdelay $0x3  }
0x33: {  	p0 =	seq.s32 s10, $0x1;
	s10 =	sld [smem:$0x3FA3];
	_ =	sdelay $0x3  }
0x34: {  	[smem:$0x3FA3] =	sst s10  }
0x35: {  	s10 =	sld [smem:$0x3FA2];
	_ =	sdelay $0x3  }
0x36: {  	p1 =	seq.s32 s10, $0x1;
	s10 =	sld [smem:$0x3FA3];
	_ =	sdelay $0x3  }
0x37: {  	[smem:$0x3FA3] =	sst s10  }
0x38: {  	s10 =	sld [smem:$0x3FA4]  }
0x39: {  	_ = 	snop;
	(pc) =	sbr.ind lr, $3  }
0x3a: {  	_ = 	snop  }
0x3b: {  	_ = 	snop  }
0x3c: {  	p2 =	seq.s32 s10, $0x1;
	s10 =	sld [smem:$0x3FA3]  }
0x3d: {  	_ =	shalt  }
0x3e: {  	_ =	shalt  }
0x3f: {  	_ =	shalt  }
0x40: {  	_ =	shalt  }
0x41: {  	_ =	shalt  }
0x42: {  	_ =	shalt  }
0x43: {  	_ =	shalt  }
0x44: {  	_ =	shalt  }
0x45: {  	_ =	shalt  }
0x46: {  	_ =	shalt  }
0x47: {  	_ =	shalt  }
0x48: {  	_ =	shalt  }
0x49: {  	_ =	shalt  }
0x4a: {  	_ =	shalt  }
0x4b: {  	_ =	shalt  }
0x4c: {  	_ =	shalt  }
0x4d: {  	_ =	shalt  }
0x4e: {  	_ =	shalt  }
0x4f: {  	_ =	shalt  }
0x50: {  	_ =	shalt  }
0x51: {  	_ =	shalt  }
0x52: {  	_ =	shalt  }
0x53: {  	_ =	shalt  }
0x54: {  	_ =	shalt  }
0x55: {  	_ =	shalt  }
0x56: {  	_ =	shalt  }
0x57: {  	_ =	shalt  }
0x58: {  	_ =	shalt  }
0x59: {  	_ =	shalt  }
0x5a: {  	_ =	shalt  }
0x5b: {  	_ =	shalt  }
0x5c: {  	_ =	shalt  }
0x5d: {  	_ =	shalt  }
0x5e: {  	_ =	shalt  }
0x5f: {  	_ =	shalt  }
0x60: {  	_ =	shalt  }
0x61: {  	_ =	shalt  }
0x62: {  	_ =	shalt  }
0x63: {  	_ =	shalt  }
0x64: {  	_ =	shalt  }
0x65: {  	_ =	shalt  }
0x66: {  	_ =	shalt  }
0x67: {  	_ =	shalt  }
0x68: {  	_ =	shalt  }
0x69: {  	_ =	shalt  }
0x6a: {  	_ =	shalt  }
0x6b: {  	_ =	shalt  }
0x6c: {  	_ =	shalt  }
0x6d: {  	_ =	shalt  }
0x6e: {  	_ =	shalt  }
0x6f: {  	_ =	shalt  }
0x70: {  	_ =	shalt  }
0x71: {  	_ =	shalt  }
0x72: {  	_ =	shalt  }
0x73: {  	_ =	shalt  }
0x74: {  	_ =	shalt  }
0x75: {  	_ =	shalt  }
0x76: {  	_ =	shalt  }
0x77: {  	_ =	shalt  }
0x78: {  	_ =	shalt  }
0x79: {  	_ =	shalt  }
0x7a: {  	_ =	shalt  }
0x7b: {  	_ =	shalt  }
0x7c: {  	_ =	shalt  }
0x7d: {  	_ =	shalt  }
0x7e: {  	_ =	shalt  }
0x7f: {  	_ =	shalt  }
0x80: {  	_ =	shalt  }
0x81: {  	_ =	shalt  }
0x82: {  	_ =	shalt  }
0x83: {  	_ =	shalt  }
0x84: {  	_ =	shalt  }
0x85: {  	_ =	shalt  }
0x86: {  	_ =	shalt  }
0x87: {  	_ =	shalt  }
.Lfunc_end0:
.L_simem_size_0:
called_computation.2_lowered:
.L_overlay_start_0:
0x88: {  	s2 =	sld [smem:$0x3FD9]  }
0x89: {  	s3 =	sld [smem:$0x3FFE];
	_ =	sdelay $0x1  }
0x8a: {  	s1 =	srdreg.scid  }
0x8b: {  	s0 =	sand.u32 $0x1, s1  }
0x8c: {  	s16 =	sshll.u32 s0, $0xA;
	s2 =	sadd.s32 s3, s2  }
0x8d: {  	s2 =	sadd.s32 s2, s16  }
0x8e: {  	[smem:$0x3FAF] =	sst s2  }
0x8f: {  	_ = 	snop  }
0x90: {  	(tm) =	ssettm $0x1  }
0x91: {  	s17 =	sld [smem:$0x3FFB];
	_ =	sdelay $0x3  }
0x92: {  	_ =	strace s17  }
0x93: {  	s2 =	sld [smem:$0x3FFC];
	_ =	sdelay $0x3  }
0x94: {  	_ =	strace s2  }
0x95: {  	s2 =	sld [smem:$0x3FFD];
	_ =	sdelay $0x3  }
0x96: {  	_ =	strace s2  }
0x97: {  	_ =	strace $0x8FFFFFFF  }
0x98: {  	s18 =	sld [smem:$0x3FDB];
	_ =	sdelay $0x1  }
0x99: {  	s19 =	simm.s32 $_scs_section_size  }
0x9a: {  	s4 =	simm.s32 $_size__tile_overlayer_lowered;
	s5 =	simm.s32 $_tile_overlayer_lowered  }
0x9b: {  	s22 =	simm.s32 $0x1BFF;
	s21 =	sshll.u32 s5, $0x1;
	s2 =	sadd.s32 s19, s18  }
0x9c: {  	s6 =	simm.s32 $0x0;
	s20 =	sshll.u32 s4, $0x1;
	s4 =	sadd.s32 s21, s2  }
0x9d: {  	[timem:s6], [sflag:s22] =	dma.local [hbm:s4], s20  }
0x9e: {  	_ =	swait.ge [sflag:s22], s20  }
0x9f: {  	s3 =	ssub.s32 $0x0, s20;
	[sflag:s22] =	ssyncset.done $0x0  }
0xa0: {  	[sflag:s22] =	ssyncadd.s32 s3;
	_ =	sdelay $0x1  }
0xa1: {  	s23 =	simm.s32 $0x1B8B  }
0xa2: {  	_ =	swait.ge [sflag:s23], $0x1  }
0xa3: {  	[sflag:s23] =	ssyncset.done $0x0  }
0xa4: {  	s25 =	simm.s32 $0x1B8E;
	s24 =	sld [smem:$0x3FFE];
	[sflag:s23] =	ssyncadd.s32 $0xFFFFFFFF  }
0xa5: {  	s26 =	simm.s32 $execute0_lowered;
	[smem:$0x3FD2] =	sst s25  }
0xa6: {  	s4 =	sshll.u32 s26, $0x1;
	_ =	strace $0x8000004C;
	[dreg:$0x1] =	wrdreg $0xFFFFFFFF  }
0xa7: {  	s28 =	simm.s32 $_size_execute0_lowered;
	s2 =	sadd.s32 s2, s4;
	[dreg:$0x0] =	wrdreg $0x0  }
0xa8: {  	s4 =	sshll.u32 s28, $0x1;
	[dreg:$0x2] =	wrdreg s2  }
0xa9: {  	[dreg:$0x3] =	wrdreg s4  }
0xaa: {  	[dreg:$0x4] =	wrdreg $0xC0  }
0xab: {  	_ =	task [dreg:s6], $0x5FFFF  }
0xac: {  	[dreg:$0x1] =	wrdreg $0xFFFFFFFF  }
0xad: {  	[dreg:$0x0] =	wrdreg $0x60  }
0xae: {  	[dreg:$0x2] =	wrdreg s24  }
0xaf: {  	[dreg:$0x3] =	wrdreg $0xA9000  }
0xb0: {  	[dreg:$0x4] =	wrdreg $0x9  }
0xb1: {  	_ =	task.clear_ibuf [dreg:s6], $0x5FFFF;
	_ =	strace $0x9000004C  }
0xb2: {  	s29 =	simm.s32 $0x9;
	_ =	strace $0x8000004E  }
0xb3: {  	_ =	swait.ge [sflag:s29], $0x1  }
0xb4: {  	[sflag:s29] =	ssyncadd.s32 $0xFFFFFFFF  }
0xb5: {  	_ =	strace $0x9000004E  }
0xb6: {  	_ =	sfence  }
0xb7: {  	s30 =	sld [smem:$0x0];
	_ =	sdelay $0x2  }
0xb8: {  	s31 =	sshll.u32 s1, $0xD;
	s1 =	sshrl.u32 s1, $0x2  }
0xb9: {  	s3 =	sand.u32 $0x4000, s31;
	s1 =	sadd.s32 s1, s30  }
0xba: {  	s0 =	sor.u32 s3, s0;
	s1 =	sshll.u32 s1, $0x11  }
0xbb: {  	s0 =	sor.u32 s1, s0  }
0xbc: {  	s0 =	sadd.s32 $0x8F2B, s0  }
0xbd: {  	[sflag:s0] =	ssyncadd.remote.s32 $0x1  }
0xbe: {  	_ =	sfence.sel $0xFFFF  }
0xbf: {  	[dreg:$0x0] =	wrdreg $0xFFFFFFFF;
	(pc) =	sbr.abs _section_cstart, $3  }
0xc0: {  	[dreg:$0x1] =	wrdreg $0xFFFFFFFF  }
0xc1: {  	_ =	task.clear_ibuf [dreg:s6], $0x2FFFF;
	_ =	strace $0x9FFFFFFF  }
0xc2: {  	(tm) =	ssettm $0x7FFFFFFF  }
0xc3: {  	_ =	shalt  }
tec
execute0_lowered:
.L_overlay_start_1:
0x0: {  	(tag) =	ssettag $0x1  }
0x1: {  	s0 =	srdreg.scid;
	s6 =	rddreg [dreg:$0x0]  }
0x2: {  	s11 =	stileid.u32;
	s2 =	rddreg [dreg:$0x1];
	s3 =	simm.s32 $0x0  }
0x3: {  	s18 =	simm.s32 $0x7;
	s19 =	simm.s32 $0x2900;
	s20 =	simm.s32 $0x2800  }
0x4: {  	s21 =	simm.s32 $0x7D;
	s22 =	simm.s32 $0x6900;
	s23 =	simm.s32 $0x3  }
0x5: {  	s28 =	simm.s32 $0x1;
	s29 =	simm.s32 $0x5;
	s7 =	smul.u32 $0x14000, s11  }
0x6: {  	s30 =	simm.s32 $0x6;
	s0 =	sand.u32 $0x1, s0;
	s9 =	smul.u32 $0x50000, s11  }
0x7: {  	s1 =	sshll.u32 s11, $0x1;
	[smem:$0x7FF] =	sst s3;
	s14 =	smul.u32 $0xA00, s11  }
0x8: {  	s4 =	sadd.s32 $0x1C400, s6;
	s1 =	sor.u32 s0, s1;
	s5 =	smul.u32 $0x140000, s0  }
0x9: {  	_ =	strace $0x8000004D;
	s10 =	ssub.s32 $0x2, s0;
	s0 =	smul.u32 $0x500, s0  }
0xa: {  	s1 =	smul.u32 $0x500, s1;
	s24 =	sshrl.u32 s10, $0x1;
	s9 =	sshrl.u32 s9, $0x2  }
0xb: {  	s7 =	sadd.s32 s7, s5;
	s5 =	sadd.s32 $0x7800, s6;
	s15 =	ssub.s32 s10, s24  }
0xc: {  	s14 =	sadd.s32 s0, s14;
	s24 =	simm.s32 $0x2;
	s8 =	sadd.s32 s1, s6  }
0xd: {  	s7 =	sshrl.u32 s7, $0x3;
	s12 =	sadd.s32 s5, s1;
	s15 =	smax.u32 s15, $0x1  }
0xe: {  	s0 =	sadd.s32 s5, s14;
	s1 =	simm.s32 $0x0;
	s7 =	sadd.s32 s7, s6  }
0xf: {  	s6 =	sadd.s32 s9, s2;
	s8 =	sadd.s32 $0x12400, s8;
	s16 =	sadd.s32 $0x4F0, s12  }
0x10: {  	s17 =	sadd.s32 $0x20, s0;
	[dreg:$0x3] =	wrdreg s8;
	s25 =	sadd.s32 $0x4000, s6  }
0x11: {  	s26 =	sadd.s32 $0x8000, s6;
	s31 =	sadd.s32 $0xC000, s6;
	[dreg:$0x4] =	wrdreg s25  }
0x12: {  	s11 =	sadd.s32 $0x10000, s6;
	s13 =	sadd.s32 $0x6B600, s7;
	[dreg:$0x5] =	wrdreg s26  }
0x13: {  	v0 =	vimm.f32 $0.0e+00;
	[dreg:$0x6] =	wrdreg s31;
	s25 =	simm.s32 $0x2880;
	s26 =	simm.s32 $0x4  }
.LBB2_1:
0x14: {  	s0 =	rddreg [dreg:$0x3]  }
0x15: {  	[tilespmem:s3], [sflag:$0x7] =	stream.linear.gather [hbm4b:s0+s3], $0x2800, $0x38;
	[tilespmem:$0x1E900] =	vst v63  }
0x16: {  	_ =	swait.ge [sflag:s18], $0x2800  }
0x17: {  	[sflag:s18] =	ssyncset.done $0x0  }
0x18: {  	s31 =	simm.s32 $0x200;
	s0 =	simm.s32 $0x0;
	[sflag:s18] =	ssyncadd.s32 $0xFFFFD800  }
.LBB2_2:
0x19: {  	p0 =	sne.s32 s31, $0xFE00;
	[tilespmem:s0+$0x2970] =	vst v0  }
0x1a: {  	[tilespmem:s0+$0x2900] =	vst v0  }
0x1b: {  	[tilespmem:s0+$0x2910] =	vst v0  }
.Ltmp0:
0x1c: {  	[tilespmem:s0+$0x2920] =	vst v0;
	(pc) =	sbr.rel @p0 .LBB2_2-.Ltmp0, $4  }
0x1d: {  	[tilespmem:s0+$0x2930] =	vst v0  }
0x1e: {  	[tilespmem:s0+$0x2940] =	vst v0  }
0x1f: {  	[tilespmem:s0+$0x2950] =	vst v0  }
0x20: {  	[tilespmem:s0+$0x2960] =	vst v0;
	s0 =	sshra.s32 s31, $0x2;
	s31 =	sadd.s32 $0x200, s31  }
0x21: {  	[tilespmem:s0+$0x2970] =	vst v0  }
0x22: {  	[tilespmem:s0+$0x2900] =	vst v0  }
0x23: {  	[tilespmem:s0+$0x2910] =	vst v0  }
0x24: {  	[tilespmem:s0+$0x2920] =	vst v0  }
0x25: {  	[tilespmem:s0+$0x2930] =	vst v0  }
0x26: {  	[tilespmem:s0+$0x2940] =	vst v0  }
0x27: {  	[tilespmem:s0+$0x2950] =	vst v0  }
0x28: {  	[tilespmem:s0+$0x2960] =	vst v0  }
0x29: {  	[spmem:s6] =	stream.linear.scatter [tilespmem:s19], [sflag:$0x3], $0x4000, $0x38;
	[tilespmem:$0x1E900] =	vst v63  }
0x2a: {  	s7 =	rddreg [dreg:$0x4]  }
0x2b: {  	[spmem:s7] =	stream.linear.scatter [tilespmem:s19], [sflag:$0x3], $0x4000, $0x38;
	[tilespmem:$0x1E900] =	vst v63  }
0x2c: {  	s8 =	rddreg [dreg:$0x5]  }
0x2d: {  	[spmem:s8] =	stream.linear.scatter [tilespmem:s19], [sflag:$0x3], $0x4000, $0x38;
	[tilespmem:$0x1E900] =	vst v63  }
0x2e: {  	s9 =	rddreg [dreg:$0x6]  }
0x2f: {  	[spmem:s9] =	stream.linear.scatter [tilespmem:s19], [sflag:$0x3], $0x4000, $0x38;
	[tilespmem:$0x1E900] =	vst v63  }
0x30: {  	_ = 	snop  }
0x31: {  	[spmem:s11] =	stream.linear.scatter [tilespmem:s19], [sflag:$0x3], $0x4000, $0x38;
	[tilespmem:$0x1E900] =	vst v63  }
0x32: {  	s10 =	simm.s32 $0x0  }
0x33: {  	[tilespmem:s20], [sflag:$0x7] =	stream.linear.gather [hbm4b:s12+s10], $0x80, $0x38;
	[tilespmem:$0x1E900] =	vst v63  }
0x34: {  	_ =	swait.ge [sflag:s18], $0x80  }
0x35: {  	[sflag:s18] =	ssyncset.done $0x0  }
0x36: {  	[sflag:s18] =	ssyncadd.s32 $0xFFFFFF80  }
0x37: {  	[tilespmem:s22], [sflag:$0x2] =	stream.indirect.gather [hbm4b:s4+s21], $0x80, s10, s21, $0xb8;
	[tilespmem:$0x1E900] =	vst v63  }
0x38: {  	_ =	swait.ge [sflag:s23], $0x4000  }
0x39: {  	[sflag:s23] =	ssyncset.done $0x0  }
0x3a: {  	[sflag:s23] =	ssyncadd.s32 $0xFFFFC000  }
0x3b: {  	_ =	swait.ge [sflag:s23], $0x4000  }
0x3c: {  	[sflag:s23] =	ssyncset.done $0x0  }
0x3d: {  	[sflag:s23] =	ssyncadd.s32 $0xFFFFC000  }
0x3e: {  	_ =	swait.ge [sflag:s23], $0x4000  }
0x3f: {  	[sflag:s23] =	ssyncset.done $0x0  }
0x40: {  	[sflag:s23] =	ssyncadd.s32 $0xFFFFC000  }
0x41: {  	_ =	swait.ge [sflag:s23], $0x4000  }
0x42: {  	[sflag:s23] =	ssyncset.done $0x0  }
0x43: {  	[sflag:s23] =	ssyncadd.s32 $0xFFFFC000  }
0x44: {  	_ =	swait.ge [sflag:s23], $0x4000  }
0x45: {  	[sflag:s23] =	ssyncset.done $0x0  }
0x46: {  	[sflag:s23] =	ssyncadd.s32 $0xFFFFC000  }
0x47: {  	s0 =	sand.u32 $0x60, s10;
	s7 =	sadd.s32 $0x0, s14;
	[bflag:$0x0] =	sbarrier.arrive $0xFFFF  }
0x48: {  	s0 =	sadd.s32 s0, s5;
	s7 =	sand.u32 $0xFFFFF80, s7;
	_ =	swait.ge [sflag:s24], $0x3E80  }
0x49: {  	s0 =	sadd.s32 s7, s0;
	[sflag:s24] =	ssyncset.done $0x0  }
0x4a: {  	s0 =	sadd.s32 $0x10, s0;
	[sflag:s24] =	ssyncadd.s32 $0xFFFFC180  }
0x4b: {  	[tilespmem:s25], [sflag:$0x4] =	stream.linear.gather [hbm4b:s0+s3], $0x80, $0x38;
	[tilespmem:$0x1E900] =	vst v63  }
0x4c: {  	_ = 	snop  }
0x4d: {  	[spmem:s2] =	stream.indirect.scatter.add.f32 [tilespmem:s22], [sflag:$0x5], $0x80, s20, s21, $0xb8;
	[tilespmem:$0x1E900] =	vst v63  }
0x4e: {  	s8 =	simm.s32 $0x80  }
0x4f: {  	[tilespmem:s19], [sflag:$0x1] =	stream.indirect.gather [hbm4b:s4+s21], $0x80, s8, s21, $0xb8;
	[tilespmem:$0x1E900] =	vst v63  }
0x50: {  	_ =	swait.ge [sflag:s26], $0x80  }
0x51: {  	[sflag:s26] =	ssyncset.done $0x0  }
0x52: {  	[sflag:s26] =	ssyncadd.s32 $0xFFFFFF80  }
0x53: {  	_ =	swait.ge [sflag:s28], $0x3E80  }
0x54: {  	[sflag:s28] =	ssyncset.done $0x0  }
0x55: {  	[sflag:s28] =	ssyncadd.s32 $0xFFFFC180  }
0x56: {  	[spmem:s2] =	stream.indirect.scatter.add.f32 [tilespmem:s19], [sflag:$0x6], $0x80, s25, s21, $0xb8;
	[tilespmem:$0x1E900] =	vst v63  }
0x57: {  	_ =	swait.ge [sflag:s29], $0x3E80  }
0x58: {  	[sflag:s29] =	ssyncset.done $0x0  }
0x59: {  	s9 =	sadd.s32 $0x0, s17;
	[sflag:s29] =	ssyncadd.s32 $0xFFFFC180  }
0x5a: {  	[tilespmem:s20], [sflag:$0x3] =	stream.linear.gather [hbm4b:s9+s3], $0x80, $0x38;
	[tilespmem:$0x1E900] =	vst v63  }
0x5b: {  	s10 =	simm.s32 $0x100  }
0x5c: {  	[tilespmem:s22], [sflag:$0x2] =	stream.indirect.gather [hbm4b:s4+s21], $0x80, s10, s21, $0xb8;
	[tilespmem:$0x1E900] =	vst v63  }
0x5d: {  	_ =	swait.ge [sflag:s23], $0x80  }
0x5e: {  	[sflag:s23] =	ssyncset.done $0x0  }
0x5f: {  	[sflag:s23] =	ssyncadd.s32 $0xFFFFFF80  }
0x60: {  	_ =	swait.ge [sflag:s24], $0x3E80  }
0x61: {  	s7 =	simm.s32 $0x40;
	s0 =	simm.s32 $0x20;
	[sflag:s24] =	ssyncset.done $0x0  }
0x62: {  	s31 =	sand.u32 $0x60, s0;
	s8 =	sadd.s32 $0x20, s14;
	[sflag:s24] =	ssyncadd.s32 $0xFFFFC180  }
0x63: {  	s31 =	sadd.s32 s31, s5;
	s8 =	sand.u32 $0xFFFFF80, s8;
	_ =	swait.ge [sflag:s30], $0x3E80  }
0x64: {  	s8 =	sadd.s32 s8, s31;
	s31 =	simm.s32 $0x200;
	[sflag:s30] =	ssyncset.done $0x0  }
.LBB2_4:
0x65: {  	s8 =	sadd.s32 $0x10, s8  }
0x66: {  	[sflag:s30] =	ssyncadd.s32 $0xFFFFC180;
	s9 =	smov.u32 s7;
	s10 =	sadd.s32 $0x20, s7  }
0x67: {  	[tilespmem:s25], [sflag:$0x4] =	stream.linear.gather [hbm4b:s8+s3], $0x80, $0x38;
	[tilespmem:$0x1E900] =	vst v63  }
0x68: {  	p0 =	sne.s32 s7, $0x4C0  }
0x69: {  	[spmem:s2] =	stream.indirect.scatter.add.f32 [tilespmem:s22], [sflag:$0x5], $0x80, s20, s21, $0xb8;
	[tilespmem:$0x1E900] =	vst v63  }
0x6a: {  	s7 =	sadd.s32 $0xFFFFFF80, s31  }
0x6b: {  	[tilespmem:s19], [sflag:$0x1] =	stream.indirect.gather [hbm4b:s4+s21], $0x80, s7, s21, $0xb8;
	[tilespmem:$0x1E900] =	vst v63  }
0x6c: {  	_ =	swait.ge [sflag:s26], $0x80  }
0x6d: {  	[sflag:s26] =	ssyncset.done $0x0  }
0x6e: {  	[sflag:s26] =	ssyncadd.s32 $0xFFFFFF80  }
0x6f: {  	_ =	swait.ge [sflag:s28], $0x3E80  }
0x70: {  	[sflag:s28] =	ssyncset.done $0x0  }
0x71: {  	[sflag:s28] =	ssyncadd.s32 $0xFFFFC180  }
0x72: {  	[spmem:s2] =	stream.indirect.scatter.add.f32 [tilespmem:s19], [sflag:$0x6], $0x80, s25, s21, $0xb8;
	[tilespmem:$0x1E900] =	vst v63  }
0x73: {  	_ =	swait.ge [sflag:s29], $0x3E80  }
0x74: {  	[sflag:s29] =	ssyncset.done $0x0  }
0x75: {  	s7 =	sadd.s32 s0, s17;
	s0 =	smov.u32 s9;
	[sflag:s29] =	ssyncadd.s32 $0xFFFFC180  }
0x76: {  	[tilespmem:s20], [sflag:$0x3] =	stream.linear.gather [hbm4b:s7+s3], $0x80, $0x38;
	[tilespmem:$0x1E900] =	vst v63  }
0x77: {  	_ = 	snop  }
0x78: {  	[tilespmem:s22], [sflag:$0x2] =	stream.indirect.gather [hbm4b:s4+s21], $0x80, s31, s21, $0xb8;
	[tilespmem:$0x1E900] =	vst v63  }
0x79: {  	_ =	swait.ge [sflag:s23], $0x80  }
0x7a: {  	[sflag:s23] =	ssyncset.done $0x0  }
0x7b: {  	[sflag:s23] =	ssyncadd.s32 $0xFFFFFF80  }
.Ltmp1:
0x7c: {  	_ =	swait.ge [sflag:s24], $0x3E80;
	(pc) =	sbr.rel @p0 .LBB2_4-.Ltmp1, $4  }
0x7d: {  	s8 =	sand.u32 $0x60, s0;
	s7 =	sadd.s32 s0, s14;
	[sflag:s24] =	ssyncset.done $0x0  }
0x7e: {  	s8 =	sadd.s32 s8, s5;
	s7 =	sand.u32 $0xFFFFF80, s7;
	[sflag:s24] =	ssyncadd.s32 $0xFFFFC180  }
0x7f: {  	s8 =	sadd.s32 s7, s8;
	_ =	swait.ge [sflag:s30], $0x3E80  }
0x80: {  	s31 =	sadd.s32 $0x100, s31;
	s7 =	smov.u32 s10;
	[sflag:s30] =	ssyncset.done $0x0  }
0x81: {  	s7 =	sadd.s32 $0x10, s8;
	[sflag:s30] =	ssyncadd.s32 $0xFFFFC180  }
0x82: {  	[tilespmem:s25], [sflag:$0x4] =	stream.linear.gather [hbm4b:s7+s3], $0x80, $0x38;
	[tilespmem:$0x1E900] =	vst v63  }
0x83: {  	_ = 	snop  }
0x84: {  	[spmem:s2] =	stream.indirect.scatter.add.f32 [tilespmem:s22], [sflag:$0x5], $0x80, s20, s21, $0xb8;
	[tilespmem:$0x1E900] =	vst v63  }
0x85: {  	s8 =	sadd.s32 $0xFFFFFF80, s31  }
0x86: {  	[tilespmem:s19], [sflag:$0x1] =	stream.indirect.gather [hbm4b:s4+s21], $0x80, s8, s21, $0xb8;
	[tilespmem:$0x1E900] =	vst v63  }
0x87: {  	_ =	swait.ge [sflag:s26], $0x80  }
0x88: {  	[sflag:s26] =	ssyncset.done $0x0  }
0x89: {  	[sflag:s26] =	ssyncadd.s32 $0xFFFFFF80  }
0x8a: {  	_ =	swait.ge [sflag:s28], $0x3E80  }
0x8b: {  	[sflag:s28] =	ssyncset.done $0x0  }
0x8c: {  	[sflag:s28] =	ssyncadd.s32 $0xFFFFC180  }
0x8d: {  	[spmem:s2] =	stream.indirect.scatter.add.f32 [tilespmem:s19], [sflag:$0x6], $0x80, s25, s21, $0xb8;
	[tilespmem:$0x1E900] =	vst v63  }
0x8e: {  	_ =	swait.ge [sflag:s29], $0x3E80  }
0x8f: {  	[sflag:s29] =	ssyncset.done $0x0  }
0x90: {  	s0 =	sadd.s32 s0, s17;
	[sflag:s29] =	ssyncadd.s32 $0xFFFFC180  }
0x91: {  	[tilespmem:s20], [sflag:$0x3] =	stream.linear.gather [hbm4b:s0+s3], $0x80, $0x38;
	[tilespmem:$0x1E900] =	vst v63  }
0x92: {  	_ = 	snop  }
0x93: {  	[tilespmem:s22], [sflag:$0x2] =	stream.indirect.gather [hbm4b:s4+s21], $0x80, s31, s21, $0xb8;
	[tilespmem:$0x1E900] =	vst v63  }
0x94: {  	_ =	swait.ge [sflag:s23], $0x80  }
0x95: {  	[sflag:s23] =	ssyncset.done $0x0  }
0x96: {  	[sflag:s23] =	ssyncadd.s32 $0xFFFFFF80  }
0x97: {  	_ =	swait.ge [sflag:s24], $0x3E80  }
0x98: {  	[sflag:s24] =	ssyncset.done $0x0  }
0x99: {  	[sflag:s24] =	ssyncadd.s32 $0xFFFFC180  }
0x9a: {  	_ =	swait.ge [sflag:s30], $0x3E80  }
0x9b: {  	[sflag:s30] =	ssyncset.done $0x0  }
0x9c: {  	[sflag:s30] =	ssyncadd.s32 $0xFFFFC180  }
0x9d: {  	[tilespmem:s25], [sflag:$0x4] =	stream.linear.gather [hbm4b:s16+s3], $0x80, $0x38;
	[tilespmem:$0x1E900] =	vst v63  }
0x9e: {  	_ = 	snop  }
0x9f: {  	[spmem:s2] =	stream.indirect.scatter.add.f32 [tilespmem:s22], [sflag:$0x5], $0x80, s20, s21, $0xb8;
	[tilespmem:$0x1E900] =	vst v63  }
0xa0: {  	s9 =	simm.s32 $0x2780  }
0xa1: {  	[tilespmem:s19], [sflag:$0x1] =	stream.indirect.gather [hbm4b:s4+s21], $0x80, s9, s21, $0xb8;
	[tilespmem:$0x1E900] =	vst v63  }
0xa2: {  	_ =	swait.ge [sflag:s26], $0x80  }
0xa3: {  	[sflag:s26] =	ssyncset.done $0x0  }
0xa4: {  	[sflag:s26] =	ssyncadd.s32 $0xFFFFFF80  }
0xa5: {  	_ =	swait.ge [sflag:s28], $0x3E80  }
0xa6: {  	[sflag:s28] =	ssyncset.done $0x0  }
0xa7: {  	[sflag:s28] =	ssyncadd.s32 $0xFFFFC180  }
0xa8: {  	[spmem:s2] =	stream.indirect.scatter.add.f32 [tilespmem:s19], [sflag:$0x6], $0x80, s25, s21, $0xb8;
	[tilespmem:$0x1E900] =	vst v63  }
0xa9: {  	_ =	swait.ge [sflag:s29], $0x3E80  }
0xaa: {  	[sflag:s29] =	ssyncset.done $0x0  }
0xab: {  	[sflag:s29] =	ssyncadd.s32 $0xFFFFC180  }
0xac: {  	s10 =	stileid.u32;
	_ =	swait.ge [sflag:s30], $0x3E80  }
0xad: {  	s1 =	sadd.s32 $0x1, s1;
	s0 =	sshll.u32 s10, $0x6;
	[sflag:s30] =	ssyncset.done $0x0  }
0xae: {  	p0 =	sne.s32 s1, s15;
	s0 =	sor.u32 $0x1C07, s0;
	[sflag:s30] =	ssyncadd.s32 $0xFFFFC180  }
.Ltmp2:
0xaf: {  	s31 =	sshrl.u32 s6, $0x3;
	[bflag:$0x0] =	sbarrier.arrive $0xFFFF;
	(pc) =	sbr.rel @p0 .LBB2_1-.Ltmp2, $4  }
0xb0: {  	[hbm:s13], [sflag:s0] =	dma.local [spmem:s31], $0x2800  }
0xb1: {  	_ =	swait.ge [sflag:s18], $0x2800  }
0xb2: {  	[sflag:s18] =	ssyncset.done $0x0  }
0xb3: {  	[sflag:s18] =	ssyncadd.s32 $0xFFFFD800  }
0xb4: {  	_ =	sfence.sel $0x180000  }
0xb5: {  	[bflag:$0x0] =	sbarrier.arrive $0xFFFF  }
0xb6: {  	_ =	strace $0x9000004D  }
0xb7: {  	s0 =	stileid.u32;
	[bflag:$0x2] =	sbarrier.arrive $0xFFFF  }
0xb8: {  	p0 =	sne.s32 s0, $0x0;
	s0 =	rddreg [dreg:$0x2]  }
0xb9: {  	s0 =	sadd.s32 @!p0 $0x100000, s0  }
0xba: {  	[sflag:s0] =	ssyncadd.tile.s32 @!p0 $0x1;
	_ =	shalt  }
.Lfunc_end2:
_tile_overlayer_lowered:
.L_overlay_start_2:
0xbb: {  	(tag) =	ssettag $0x2  }
0xbc: {  	s0 =	rddreg [dreg:$0x0];
	s2 =	stileid.u32  }
0xbd: {  	s1 =	rddreg [dreg:$0x1];
	p0 =	sne.s32 s2, $0x0  }
0xbe: {  	s3 =	rddreg [dreg:$0x2];
	[bflag:$0x3] =	sbarrier.arrive $0xFFFF;
	s2 =	simm.s32 @!p0 $0x1C07  }
0xbf: {  	[timem:s3], [sflag:s2] =	dma.local @!p0 [hbm:s0], s1  }
0xc0: {  	s0 =	simm.s32 @!p0 $0x7  }
0xc1: {  	_ =	swait.ge @!p0 [sflag:s0], s1  }
0xc2: {  	s1 =	ssub.s32 @!p0 $0x0, s1;
	[sflag:s0] =	ssyncset.done @!p0 $0x0  }
0xc3: {  	[sflag:s0] =	ssyncadd.s32 @!p0 s1  }
0xc4: {  	[bflag:$0x3] =	sbarrier.arrive $0xFFFF  }
0xc5: {  	_ =	shalt  }

// kernel: kernel.23.cloned.1.call-start
scs
__scs_entry_jumppad:
0x0: {  	(pc) =	sbr.rel $0x88, $3  }
0x1: {  	(tag) =	ssettag $0x0;
	lr =	simm.s32 $0x1  }
0x2: {  	[smem:$0x3F88] =	sst lr;
	_ =	strace $0xD0000000  }
0x3: {  	_ = 	snop  }
0x4: {  	_ = 	snop  }
0x5: {  	_ = 	snop  }
0x6: {  	_ = 	snop  }
0x7: {  	_ = 	snop  }
__scs_overlays_trampoline_lowered:
0x8: {  	[smem:$0x3F97] =	sst s0  }
0x9: {  	[smem:$0x3F98] =	sst s1  }
0xa: {  	[smem:$0x3F99] =	sst s2  }
0xb: {  	[smem:$0x3F9A] =	sst s3  }
0xc: {  	[smem:$0x3F9B] =	sst s4  }
0xd: {  	[smem:$0x3F9C] =	sst s5  }
0xe: {  	[smem:$0x3F9D] =	sst s6  }
0xf: {  	[smem:$0x3F9E] =	sst s7  }
0x10: {  	[smem:$0x3F9F] =	sst s8  }
0x11: {  	[smem:$0x3FA0] =	sst s9;
	s0 =	simm.s32 @!p0 $0x0  }
0x12: {  	s1 =	sld [smem:$0x3F86];
	s0 =	simm.s32 @p0 $0x1  }
0x13: {  	[smem:$0x3FA1] =	sst s0;
	s0 =	simm.s32 @!p1 $0x0  }
0x14: {  	s2 =	sld [smem:$0x3F85];
	s0 =	simm.s32 @p1 $0x1  }
0x15: {  	[smem:$0x3FA2] =	sst s0;
	s0 =	simm.s32 @!p2 $0x0  }
0x16: {  	s3 =	sld [smem:$0x3FDB];
	s0 =	simm.s32 @p2 $0x1  }
0x17: {  	s4 =	simm.s32 $0x1BF5;
	[smem:$0x3FA4] =	sst s0  }
0x18: {  	s0 =	sld [smem:$0x3F87];
	_ =	swait.ge [sflag:s4], $0x0  }
0x19: {  	s7 =	sld [smem:$0x3F88]  }
0x1a: {  	s8 =	sadd.s32 $0xFFFFE003, lr  }
0x1b: {  	s9 =	sadd.s32 $0xFFFFFEF7, lr;
	s5 =	simm.s32 $0xFFFFFFFF;
	p2 =	slt.u32 s8, $0xFFFFF086  }
0x1c: {  	p1 =	slt.u32 s9, $0xF7A;
	s5 =	simm.s32 @!p2 $0x0  }
0x1d: {  	s5 =	simm.s32 @p1 $0x1;
	p0 =	seq.s32 s7, s2  }
0x1e: {  	s7 =	smul.u32 @!p0 $0xF7A, s2;
	p2 =	seq.s32 @!p0 s5, $0x0  }
0x1f: {  	s9 =	smul.u32 $0xF7A, s1;
	s8 =	simm.s32 @!p0 $0x1BF5;
	p2 =	por !p2, p0  }
0x20: {  	[sflag:s8] =	ssyncset.s32 @!p0 $0xFFFFF086;
	s6 =	sadd.s32 @!p0 s3, s7;
	s7 =	simm.s32 @!p0 $0x108  }
0x21: {  	s3 =	sadd.s32 s3, s9;
	s6 =	sadd.s32 @!p0 $0x88, s6;
	s7 =	simm.s32 @p2 $0x1082  }
0x22: {  	[simem:s7], [sflag:s8] =	dma.local @!p0 [hbm:s6], $0xF7A  }
0x23: {  	s9 =	sor.u32 $0xD0000000, s2;
	s6 =	simm.s32 $0x108;
	_ =	swait.ge @!p0 [sflag:s8], $0x0  }
0x24: {  	s3 =	sadd.s32 $0x88, s3;
	s6 =	simm.s32 @!p1 $0x1082;
	[sflag:s4] =	ssyncset.s32 $0xFFFFF086  }
0x25: {  	[simem:s6], [sflag:s4] =	dma.local [hbm:s3], $0xF7A  }
0x26: {  	[smem:$0x3F88] =	sst s1;
	(tag) =	ssettag s2;
	_ =	strace s9  }
0x27: {  	s1 =	sld [smem:$0x3F98]  }
0x28: {  	s2 =	sld [smem:$0x3F99]  }
0x29: {  	s4 =	sld [smem:$0x3F9B]  }
0x2a: {  	p0 =	seq.s32 s5, $0x0;
	s5 =	sld [smem:$0x3F9C]  }
0x2b: {  	s6 =	sld [smem:$0x3F9D]  }
0x2c: {  	s7 =	sld [smem:$0x3F9E]  }
0x2d: {  	s3 =	simm.s32 $0x108;
	s8 =	sld [smem:$0x3F9F]  }
0x2e: {  	s3 =	simm.s32 @!p0 $0x1082;
	s9 =	sld [smem:$0x3FA0]  }
0x2f: {  	lr =	sadd.s32 s0, s3;
	s0 =	sld [smem:$0x3F97]  }
0x30: {  	s3 =	sld [smem:$0x3F9A]  }
0x31: {  	[smem:$0x3FA3] =	sst s10  }
0x32: {  	s10 =	sld [smem:$0x3FA1];
	_ =	sdelay $0x3  }
0x33: {  	p0 =	seq.s32 s10, $0x1;
	s10 =	sld [smem:$0x3FA3];
	_ =	sdelay $0x3  }
0x34: {  	[smem:$0x3FA3] =	sst s10  }
0x35: {  	s10 =	sld [smem:$0x3FA2];
	_ =	sdelay $0x3  }
0x36: {  	p1 =	seq.s32 s10, $0x1;
	s10 =	sld [smem:$0x3FA3];
	_ =	sdelay $0x3  }
0x37: {  	[smem:$0x3FA3] =	sst s10  }
0x38: {  	s10 =	sld [smem:$0x3FA4]  }
0x39: {  	_ = 	snop;
	(pc) =	sbr.ind lr, $3  }
0x3a: {  	_ = 	snop  }
0x3b: {  	_ = 	snop  }
0x3c: {  	p2 =	seq.s32 s10, $0x1;
	s10 =	sld [smem:$0x3FA3]  }
0x3d: {  	_ =	shalt  }
0x3e: {  	_ =	shalt  }
0x3f: {  	_ =	shalt  }
0x40: {  	_ =	shalt  }
0x41: {  	_ =	shalt  }
0x42: {  	_ =	shalt  }
0x43: {  	_ =	shalt  }
0x44: {  	_ =	shalt  }
0x45: {  	_ =	shalt  }
0x46: {  	_ =	shalt  }
0x47: {  	_ =	shalt  }
0x48: {  	_ =	shalt  }
0x49: {  	_ =	shalt  }
0x4a: {  	_ =	shalt  }
0x4b: {  	_ =	shalt  }
0x4c: {  	_ =	shalt  }
0x4d: {  	_ =	shalt  }
0x4e: {  	_ =	shalt  }
0x4f: {  	_ =	shalt  }
0x50: {  	_ =	shalt  }
0x51: {  	_ =	shalt  }
0x52: {  	_ =	shalt  }
0x53: {  	_ =	shalt  }
0x54: {  	_ =	shalt  }
0x55: {  	_ =	shalt  }
0x56: {  	_ =	shalt  }
0x57: {  	_ =	shalt  }
0x58: {  	_ =	shalt  }
0x59: {  	_ =	shalt  }
0x5a: {  	_ =	shalt  }
0x5b: {  	_ =	shalt  }
0x5c: {  	_ =	shalt  }
0x5d: {  	_ =	shalt  }
0x5e: {  	_ =	shalt  }
0x5f: {  	_ =	shalt  }
0x60: {  	_ =	shalt  }
0x61: {  	_ =	shalt  }
0x62: {  	_ =	shalt  }
0x63: {  	_ =	shalt  }
0x64: {  	_ =	shalt  }
0x65: {  	_ =	shalt  }
0x66: {  	_ =	shalt  }
0x67: {  	_ =	shalt  }
0x68: {  	_ =	shalt  }
0x69: {  	_ =	shalt  }
0x6a: {  	_ =	shalt  }
0x6b: {  	_ =	shalt  }
0x6c: {  	_ =	shalt  }
0x6d: {  	_ =	shalt  }
0x6e: {  	_ =	shalt  }
0x6f: {  	_ =	shalt  }
0x70: {  	_ =	shalt  }
0x71: {  	_ =	shalt  }
0x72: {  	_ =	shalt  }
0x73: {  	_ =	shalt  }
0x74: {  	_ =	shalt  }
0x75: {  	_ =	shalt  }
0x76: {  	_ =	shalt  }
0x77: {  	_ =	shalt  }
0x78: {  	_ =	shalt  }
0x79: {  	_ =	shalt  }
0x7a: {  	_ =	shalt  }
0x7b: {  	_ =	shalt  }
0x7c: {  	_ =	shalt  }
0x7d: {  	_ =	shalt  }
0x7e: {  	_ =	shalt  }
0x7f: {  	_ =	shalt  }
0x80: {  	_ =	shalt  }
0x81: {  	_ =	shalt  }
0x82: {  	_ =	shalt  }
0x83: {  	_ =	shalt  }
0x84: {  	_ =	shalt  }
0x85: {  	_ =	shalt  }
0x86: {  	_ =	shalt  }
0x87: {  	_ =	shalt  }
.Lfunc_end0:
.L_simem_size_0:
called_computation.3_lowered:
.L_overlay_start_0:
0x88: {  	s2 =	sld [smem:$0x3FD9]  }
0x89: {  	s3 =	sld [smem:$0x3FFE];
	_ =	sdelay $0x1  }
0x8a: {  	s1 =	srdreg.scid  }
0x8b: {  	s0 =	sand.u32 $0x1, s1  }
0x8c: {  	s16 =	sshll.u32 s0, $0xA;
	s2 =	sadd.s32 s3, s2  }
0x8d: {  	s2 =	sadd.s32 s2, s16  }
0x8e: {  	[smem:$0x3FAF] =	sst s2  }
0x8f: {  	_ = 	snop  }
0x90: {  	(tm) =	ssettm $0x1  }
0x91: {  	s17 =	sld [smem:$0x3FFB];
	_ =	sdelay $0x3  }
0x92: {  	_ =	strace s17  }
0x93: {  	s2 =	sld [smem:$0x3FFC];
	_ =	sdelay $0x3  }
0x94: {  	_ =	strace s2  }
0x95: {  	s2 =	sld [smem:$0x3FFD];
	_ =	sdelay $0x3  }
0x96: {  	_ =	strace s2  }
0x97: {  	_ =	strace $0x8FFFFFFF  }
0x98: {  	s18 =	sld [smem:$0x3FDB];
	_ =	sdelay $0x1  }
0x99: {  	s19 =	simm.s32 $_scs_section_size  }
0x9a: {  	s4 =	simm.s32 $_size__tile_overlayer_lowered;
	s5 =	simm.s32 $_tile_overlayer_lowered  }
0x9b: {  	s22 =	simm.s32 $0x1BFF;
	s21 =	sshll.u32 s5, $0x1;
	s2 =	sadd.s32 s19, s18  }
0x9c: {  	s6 =	simm.s32 $0x0;
	s20 =	sshll.u32 s4, $0x1;
	s4 =	sadd.s32 s21, s2  }
0x9d: {  	[timem:s6], [sflag:s22] =	dma.local [hbm:s4], s20  }
0x9e: {  	_ =	swait.ge [sflag:s22], s20  }
0x9f: {  	s3 =	ssub.s32 $0x0, s20;
	[sflag:s22] =	ssyncset.done $0x0  }
0xa0: {  	[sflag:s22] =	ssyncadd.s32 s3;
	_ =	sdelay $0x1  }
0xa1: {  	s23 =	simm.s32 $0x1B8B  }
0xa2: {  	_ =	swait.ge [sflag:s23], $0x1  }
0xa3: {  	[sflag:s23] =	ssyncset.done $0x0  }
0xa4: {  	s25 =	simm.s32 $0x1B8E;
	s24 =	sld [smem:$0x3FFE];
	[sflag:s23] =	ssyncadd.s32 $0xFFFFFFFF  }
0xa5: {  	s26 =	simm.s32 $execute0_lowered;
	[smem:$0x3FD2] =	sst s25  }
0xa6: {  	s4 =	sshll.u32 s26, $0x1;
	_ =	strace $0x8000004F;
	[dreg:$0x1] =	wrdreg $0xFFFFFFFF  }
0xa7: {  	s28 =	simm.s32 $_size_execute0_lowered;
	s2 =	sadd.s32 s2, s4;
	[dreg:$0x0] =	wrdreg $0x0  }
0xa8: {  	s4 =	sshll.u32 s28, $0x1;
	[dreg:$0x2] =	wrdreg s2  }
0xa9: {  	[dreg:$0x3] =	wrdreg s4  }
0xaa: {  	[dreg:$0x4] =	wrdreg $0xC0  }
0xab: {  	_ =	task [dreg:s6], $0x5FFFF  }
0xac: {  	[dreg:$0x1] =	wrdreg $0xFFFFFFFF  }
0xad: {  	[dreg:$0x0] =	wrdreg $0x60  }
0xae: {  	[dreg:$0x2] =	wrdreg s24  }
0xaf: {  	[dreg:$0x3] =	wrdreg $0xA9000  }
0xb0: {  	[dreg:$0x4] =	wrdreg $0x9  }
0xb1: {  	_ =	task.clear_ibuf [dreg:s6], $0x5FFFF;
	_ =	strace $0x9000004F  }
0xb2: {  	s29 =	simm.s32 $0x9;
	_ =	strace $0x80000051  }
0xb3: {  	_ =	swait.ge [sflag:s29], $0x1  }
0xb4: {  	[sflag:s29] =	ssyncadd.s32 $0xFFFFFFFF  }
0xb5: {  	_ =	strace $0x90000051  }
0xb6: {  	_ =	sfence  }
0xb7: {  	s30 =	sld [smem:$0x0];
	_ =	sdelay $0x2  }
0xb8: {  	s31 =	sshll.u32 s1, $0xD;
	s1 =	sshrl.u32 s1, $0x2  }
0xb9: {  	s3 =	sand.u32 $0x4000, s31;
	s1 =	sadd.s32 s1, s30  }
0xba: {  	s0 =	sor.u32 s3, s0;
	s1 =	sshll.u32 s1, $0x11  }
0xbb: {  	s0 =	sor.u32 s1, s0  }
0xbc: {  	s0 =	sadd.s32 $0x8F2B, s0  }
0xbd: {  	[sflag:s0] =	ssyncadd.remote.s32 $0x1  }
0xbe: {  	_ =	sfence.sel $0xFFFF  }
0xbf: {  	[dreg:$0x0] =	wrdreg $0xFFFFFFFF;
	(pc) =	sbr.abs _section_cstart, $3  }
0xc0: {  	[dreg:$0x1] =	wrdreg $0xFFFFFFFF  }
0xc1: {  	_ =	task.clear_ibuf [dreg:s6], $0x2FFFF;
	_ =	strace $0x9FFFFFFF  }
0xc2: {  	(tm) =	ssettm $0x7FFFFFFF  }
0xc3: {  	_ =	shalt  }
tec
execute0_lowered:
.L_overlay_start_1:
0x0: {  	(tag) =	ssettag $0x1  }
0x1: {  	s0 =	srdreg.scid;
	s6 =	rddreg [dreg:$0x0]  }
0x2: {  	s11 =	stileid.u32;
	s2 =	rddreg [dreg:$0x1];
	s3 =	simm.s32 $0x0  }
0x3: {  	s18 =	simm.s32 $0x7;
	s19 =	simm.s32 $0x2900;
	s20 =	simm.s32 $0x2800  }
0x4: {  	s21 =	simm.s32 $0x7D;
	s22 =	simm.s32 $0x6900;
	s23 =	simm.s32 $0x3  }
0x5: {  	s28 =	simm.s32 $0x1;
	s29 =	simm.s32 $0x5;
	s7 =	smul.u32 $0x14000, s11  }
0x6: {  	s30 =	simm.s32 $0x6;
	s0 =	sand.u32 $0x1, s0;
	s9 =	smul.u32 $0x50000, s11  }
0x7: {  	s1 =	sshll.u32 s11, $0x1;
	[smem:$0x7FF] =	sst s3;
	s14 =	smul.u32 $0xA00, s11  }
0x8: {  	s4 =	sadd.s32 $0x1C400, s6;
	s1 =	sor.u32 s0, s1;
	s5 =	smul.u32 $0x140000, s0  }
0x9: {  	_ =	strace $0x80000050;
	s10 =	ssub.s32 $0x2, s0;
	s0 =	smul.u32 $0x500, s0  }
0xa: {  	s1 =	smul.u32 $0x500, s1;
	s24 =	sshrl.u32 s10, $0x1;
	s9 =	sshrl.u32 s9, $0x2  }
0xb: {  	s7 =	sadd.s32 s7, s5;
	s5 =	sadd.s32 $0x7800, s6;
	s15 =	ssub.s32 s10, s24  }
0xc: {  	s14 =	sadd.s32 s0, s14;
	s24 =	simm.s32 $0x2;
	s8 =	sadd.s32 s1, s6  }
0xd: {  	s7 =	sshrl.u32 s7, $0x3;
	s12 =	sadd.s32 s5, s1;
	s15 =	smax.u32 s15, $0x1  }
0xe: {  	s0 =	sadd.s32 s5, s14;
	s1 =	simm.s32 $0x0;
	s7 =	sadd.s32 s7, s6  }
0xf: {  	s6 =	sadd.s32 s9, s2;
	s8 =	sadd.s32 $0x12400, s8;
	s16 =	sadd.s32 $0x4F0, s12  }
0x10: {  	s17 =	sadd.s32 $0x20, s0;
	[dreg:$0x3] =	wrdreg s8;
	s25 =	sadd.s32 $0x4000, s6  }
0x11: {  	s26 =	sadd.s32 $0x8000, s6;
	s31 =	sadd.s32 $0xC000, s6;
	[dreg:$0x4] =	wrdreg s25  }
0x12: {  	s11 =	sadd.s32 $0x10000, s6;
	s13 =	sadd.s32 $0x6B600, s7;
	[dreg:$0x5] =	wrdreg s26  }
0x13: {  	v0 =	vimm.f32 $0.0e+00;
	[dreg:$0x6] =	wrdreg s31;
	s25 =	simm.s32 $0x2880;
	s26 =	simm.s32 $0x4  }
.LBB2_1:
0x14: {  	s0 =	rddreg [dreg:$0x3]  }
0x15: {  	[tilespmem:s3], [sflag:$0x7] =	stream.linear.gather [hbm4b:s0+s3], $0x2800, $0x38;
	[tilespmem:$0x1E900] =	vst v63  }
0x16: {  	_ =	swait.ge [sflag:s18], $0x2800  }
0x17: {  	[sflag:s18] =	ssyncset.done $0x0  }
0x18: {  	s31 =	simm.s32 $0x200;
	s0 =	simm.s32 $0x0;
	[sflag:s18] =	ssyncadd.s32 $0xFFFFD800  }
.LBB2_2:
0x19: {  	p0 =	sne.s32 s31, $0xFE00;
	[tilespmem:s0+$0x2970] =	vst v0  }
0x1a: {  	[tilespmem:s0+$0x2900] =	vst v0  }
0x1b: {  	[tilespmem:s0+$0x2910] =	vst v0  }
.Ltmp0:
0x1c: {  	[tilespmem:s0+$0x2920] =	vst v0;
	(pc) =	sbr.rel @p0 .LBB2_2-.Ltmp0, $4  }
0x1d: {  	[tilespmem:s0+$0x2930] =	vst v0  }
0x1e: {  	[tilespmem:s0+$0x2940] =	vst v0  }
0x1f: {  	[tilespmem:s0+$0x2950] =	vst v0  }
0x20: {  	[tilespmem:s0+$0x2960] =	vst v0;
	s0 =	sshra.s32 s31, $0x2;
	s31 =	sadd.s32 $0x200, s31  }
0x21: {  	[tilespmem:s0+$0x2970] =	vst v0  }
0x22: {  	[tilespmem:s0+$0x2900] =	vst v0  }
0x23: {  	[tilespmem:s0+$0x2910] =	vst v0  }
0x24: {  	[tilespmem:s0+$0x2920] =	vst v0  }
0x25: {  	[tilespmem:s0+$0x2930] =	vst v0  }
0x26: {  	[tilespmem:s0+$0x2940] =	vst v0  }
0x27: {  	[tilespmem:s0+$0x2950] =	vst v0  }
0x28: {  	[tilespmem:s0+$0x2960] =	vst v0  }
0x29: {  	[spmem:s6] =	stream.linear.scatter [tilespmem:s19], [sflag:$0x3], $0x4000, $0x38;
	[tilespmem:$0x1E900] =	vst v63  }
0x2a: {  	s7 =	rddreg [dreg:$0x4]  }
0x2b: {  	[spmem:s7] =	stream.linear.scatter [tilespmem:s19], [sflag:$0x3], $0x4000, $0x38;
	[tilespmem:$0x1E900] =	vst v63  }
0x2c: {  	s8 =	rddreg [dreg:$0x5]  }
0x2d: {  	[spmem:s8] =	stream.linear.scatter [tilespmem:s19], [sflag:$0x3], $0x4000, $0x38;
	[tilespmem:$0x1E900] =	vst v63  }
0x2e: {  	s9 =	rddreg [dreg:$0x6]  }
0x2f: {  	[spmem:s9] =	stream.linear.scatter [tilespmem:s19], [sflag:$0x3], $0x4000, $0x38;
	[tilespmem:$0x1E900] =	vst v63  }
0x30: {  	_ = 	snop  }
0x31: {  	[spmem:s11] =	stream.linear.scatter [tilespmem:s19], [sflag:$0x3], $0x4000, $0x38;
	[tilespmem:$0x1E900] =	vst v63  }
0x32: {  	s10 =	simm.s32 $0x0  }
0x33: {  	[tilespmem:s20], [sflag:$0x7] =	stream.linear.gather [hbm4b:s12+s10], $0x80, $0x38;
	[tilespmem:$0x1E900] =	vst v63  }
0x34: {  	_ =	swait.ge [sflag:s18], $0x80  }
0x35: {  	[sflag:s18] =	ssyncset.done $0x0  }
0x36: {  	[sflag:s18] =	ssyncadd.s32 $0xFFFFFF80  }
0x37: {  	[tilespmem:s22], [sflag:$0x2] =	stream.indirect.gather [hbm4b:s4+s21], $0x80, s10, s21, $0xb8;
	[tilespmem:$0x1E900] =	vst v63  }
0x38: {  	_ =	swait.ge [sflag:s23], $0x4000  }
0x39: {  	[sflag:s23] =	ssyncset.done $0x0  }
0x3a: {  	[sflag:s23] =	ssyncadd.s32 $0xFFFFC000  }
0x3b: {  	_ =	swait.ge [sflag:s23], $0x4000  }
0x3c: {  	[sflag:s23] =	ssyncset.done $0x0  }
0x3d: {  	[sflag:s23] =	ssyncadd.s32 $0xFFFFC000  }
0x3e: {  	_ =	swait.ge [sflag:s23], $0x4000  }
0x3f: {  	[sflag:s23] =	ssyncset.done $0x0  }
0x40: {  	[sflag:s23] =	ssyncadd.s32 $0xFFFFC000  }
0x41: {  	_ =	swait.ge [sflag:s23], $0x4000  }
0x42: {  	[sflag:s23] =	ssyncset.done $0x0  }
0x43: {  	[sflag:s23] =	ssyncadd.s32 $0xFFFFC000  }
0x44: {  	_ =	swait.ge [sflag:s23], $0x4000  }
0x45: {  	[sflag:s23] =	ssyncset.done $0x0  }
0x46: {  	[sflag:s23] =	ssyncadd.s32 $0xFFFFC000  }
0x47: {  	s0 =	sand.u32 $0x60, s10;
	s7 =	sadd.s32 $0x0, s14;
	[bflag:$0x0] =	sbarrier.arrive $0xFFFF  }
0x48: {  	s0 =	sadd.s32 s0, s5;
	s7 =	sand.u32 $0xFFFFF80, s7;
	_ =	swait.ge [sflag:s24], $0x3E80  }
0x49: {  	s0 =	sadd.s32 s7, s0;
	[sflag:s24] =	ssyncset.done $0x0  }
0x4a: {  	s0 =	sadd.s32 $0x10, s0;
	[sflag:s24] =	ssyncadd.s32 $0xFFFFC180  }
0x4b: {  	[tilespmem:s25], [sflag:$0x4] =	stream.linear.gather [hbm4b:s0+s3], $0x80, $0x38;
	[tilespmem:$0x1E900] =	vst v63  }
0x4c: {  	_ = 	snop  }
0x4d: {  	[spmem:s2] =	stream.indirect.scatter.add.f32 [tilespmem:s22], [sflag:$0x5], $0x80, s20, s21, $0xb8;
	[tilespmem:$0x1E900] =	vst v63  }
0x4e: {  	s8 =	simm.s32 $0x80  }
0x4f: {  	[tilespmem:s19], [sflag:$0x1] =	stream.indirect.gather [hbm4b:s4+s21], $0x80, s8, s21, $0xb8;
	[tilespmem:$0x1E900] =	vst v63  }
0x50: {  	_ =	swait.ge [sflag:s26], $0x80  }
0x51: {  	[sflag:s26] =	ssyncset.done $0x0  }
0x52: {  	[sflag:s26] =	ssyncadd.s32 $0xFFFFFF80  }
0x53: {  	_ =	swait.ge [sflag:s28], $0x3E80  }
0x54: {  	[sflag:s28] =	ssyncset.done $0x0  }
0x55: {  	[sflag:s28] =	ssyncadd.s32 $0xFFFFC180  }
0x56: {  	[spmem:s2] =	stream.indirect.scatter.add.f32 [tilespmem:s19], [sflag:$0x6], $0x80, s25, s21, $0xb8;
	[tilespmem:$0x1E900] =	vst v63  }
0x57: {  	_ =	swait.ge [sflag:s29], $0x3E80  }
0x58: {  	[sflag:s29] =	ssyncset.done $0x0  }
0x59: {  	s9 =	sadd.s32 $0x0, s17;
	[sflag:s29] =	ssyncadd.s32 $0xFFFFC180  }
0x5a: {  	[tilespmem:s20], [sflag:$0x3] =	stream.linear.gather [hbm4b:s9+s3], $0x80, $0x38;
	[tilespmem:$0x1E900] =	vst v63  }
0x5b: {  	s10 =	simm.s32 $0x100  }
0x5c: {  	[tilespmem:s22], [sflag:$0x2] =	stream.indirect.gather [hbm4b:s4+s21], $0x80, s10, s21, $0xb8;
	[tilespmem:$0x1E900] =	vst v63  }
0x5d: {  	_ =	swait.ge [sflag:s23], $0x80  }
0x5e: {  	[sflag:s23] =	ssyncset.done $0x0  }
0x5f: {  	[sflag:s23] =	ssyncadd.s32 $0xFFFFFF80  }
0x60: {  	_ =	swait.ge [sflag:s24], $0x3E80  }
0x61: {  	s7 =	simm.s32 $0x40;
	s0 =	simm.s32 $0x20;
	[sflag:s24] =	ssyncset.done $0x0  }
0x62: {  	s31 =	sand.u32 $0x60, s0;
	s8 =	sadd.s32 $0x20, s14;
	[sflag:s24] =	ssyncadd.s32 $0xFFFFC180  }
0x63: {  	s31 =	sadd.s32 s31, s5;
	s8 =	sand.u32 $0xFFFFF80, s8;
	_ =	swait.ge [sflag:s30], $0x3E80  }
0x64: {  	s8 =	sadd.s32 s8, s31;
	s31 =	simm.s32 $0x200;
	[sflag:s30] =	ssyncset.done $0x0  }
.LBB2_4:
0x65: {  	s8 =	sadd.s32 $0x10, s8  }
0x66: {  	[sflag:s30] =	ssyncadd.s32 $0xFFFFC180;
	s9 =	smov.u32 s7;
	s10 =	sadd.s32 $0x20, s7  }
0x67: {  	[tilespmem:s25], [sflag:$0x4] =	stream.linear.gather [hbm4b:s8+s3], $0x80, $0x38;
	[tilespmem:$0x1E900] =	vst v63  }
0x68: {  	p0 =	sne.s32 s7, $0x4C0  }
0x69: {  	[spmem:s2] =	stream.indirect.scatter.add.f32 [tilespmem:s22], [sflag:$0x5], $0x80, s20, s21, $0xb8;
	[tilespmem:$0x1E900] =	vst v63  }
0x6a: {  	s7 =	sadd.s32 $0xFFFFFF80, s31  }
0x6b: {  	[tilespmem:s19], [sflag:$0x1] =	stream.indirect.gather [hbm4b:s4+s21], $0x80, s7, s21, $0xb8;
	[tilespmem:$0x1E900] =	vst v63  }
0x6c: {  	_ =	swait.ge [sflag:s26], $0x80  }
0x6d: {  	[sflag:s26] =	ssyncset.done $0x0  }
0x6e: {  	[sflag:s26] =	ssyncadd.s32 $0xFFFFFF80  }
0x6f: {  	_ =	swait.ge [sflag:s28], $0x3E80  }
0x70: {  	[sflag:s28] =	ssyncset.done $0x0  }
0x71: {  	[sflag:s28] =	ssyncadd.s32 $0xFFFFC180  }
0x72: {  	[spmem:s2] =	stream.indirect.scatter.add.f32 [tilespmem:s19], [sflag:$0x6], $0x80, s25, s21, $0xb8;
	[tilespmem:$0x1E900] =	vst v63  }
0x73: {  	_ =	swait.ge [sflag:s29], $0x3E80  }
0x74: {  	[sflag:s29] =	ssyncset.done $0x0  }
0x75: {  	s7 =	sadd.s32 s0, s17;
	s0 =	smov.u32 s9;
	[sflag:s29] =	ssyncadd.s32 $0xFFFFC180  }
0x76: {  	[tilespmem:s20], [sflag:$0x3] =	stream.linear.gather [hbm4b:s7+s3], $0x80, $0x38;
	[tilespmem:$0x1E900] =	vst v63  }
0x77: {  	_ = 	snop  }
0x78: {  	[tilespmem:s22], [sflag:$0x2] =	stream.indirect.gather [hbm4b:s4+s21], $0x80, s31, s21, $0xb8;
	[tilespmem:$0x1E900] =	vst v63  }
0x79: {  	_ =	swait.ge [sflag:s23], $0x80  }
0x7a: {  	[sflag:s23] =	ssyncset.done $0x0  }
0x7b: {  	[sflag:s23] =	ssyncadd.s32 $0xFFFFFF80  }
.Ltmp1:
0x7c: {  	_ =	swait.ge [sflag:s24], $0x3E80;
	(pc) =	sbr.rel @p0 .LBB2_4-.Ltmp1, $4  }
0x7d: {  	s8 =	sand.u32 $0x60, s0;
	s7 =	sadd.s32 s0, s14;
	[sflag:s24] =	ssyncset.done $0x0  }
0x7e: {  	s8 =	sadd.s32 s8, s5;
	s7 =	sand.u32 $0xFFFFF80, s7;
	[sflag:s24] =	ssyncadd.s32 $0xFFFFC180  }
0x7f: {  	s8 =	sadd.s32 s7, s8;
	_ =	swait.ge [sflag:s30], $0x3E80  }
0x80: {  	s31 =	sadd.s32 $0x100, s31;
	s7 =	smov.u32 s10;
	[sflag:s30] =	ssyncset.done $0x0  }
0x81: {  	s7 =	sadd.s32 $0x10, s8;
	[sflag:s30] =	ssyncadd.s32 $0xFFFFC180  }
0x82: {  	[tilespmem:s25], [sflag:$0x4] =	stream.linear.gather [hbm4b:s7+s3], $0x80, $0x38;
	[tilespmem:$0x1E900] =	vst v63  }
0x83: {  	_ = 	snop  }
0x84: {  	[spmem:s2] =	stream.indirect.scatter.add.f32 [tilespmem:s22], [sflag:$0x5], $0x80, s20, s21, $0xb8;
	[tilespmem:$0x1E900] =	vst v63  }
0x85: {  	s8 =	sadd.s32 $0xFFFFFF80, s31  }
0x86: {  	[tilespmem:s19], [sflag:$0x1] =	stream.indirect.gather [hbm4b:s4+s21], $0x80, s8, s21, $0xb8;
	[tilespmem:$0x1E900] =	vst v63  }
0x87: {  	_ =	swait.ge [sflag:s26], $0x80  }
0x88: {  	[sflag:s26] =	ssyncset.done $0x0  }
0x89: {  	[sflag:s26] =	ssyncadd.s32 $0xFFFFFF80  }
0x8a: {  	_ =	swait.ge [sflag:s28], $0x3E80  }
0x8b: {  	[sflag:s28] =	ssyncset.done $0x0  }
0x8c: {  	[sflag:s28] =	ssyncadd.s32 $0xFFFFC180  }
0x8d: {  	[spmem:s2] =	stream.indirect.scatter.add.f32 [tilespmem:s19], [sflag:$0x6], $0x80, s25, s21, $0xb8;
	[tilespmem:$0x1E900] =	vst v63  }
0x8e: {  	_ =	swait.ge [sflag:s29], $0x3E80  }
0x8f: {  	[sflag:s29] =	ssyncset.done $0x0  }
0x90: {  	s0 =	sadd.s32 s0, s17;
	[sflag:s29] =	ssyncadd.s32 $0xFFFFC180  }
0x91: {  	[tilespmem:s20], [sflag:$0x3] =	stream.linear.gather [hbm4b:s0+s3], $0x80, $0x38;
	[tilespmem:$0x1E900] =	vst v63  }
0x92: {  	_ = 	snop  }
0x93: {  	[tilespmem:s22], [sflag:$0x2] =	stream.indirect.gather [hbm4b:s4+s21], $0x80, s31, s21, $0xb8;
	[tilespmem:$0x1E900] =	vst v63  }
0x94: {  	_ =	swait.ge [sflag:s23], $0x80  }
0x95: {  	[sflag:s23] =	ssyncset.done $0x0  }
0x96: {  	[sflag:s23] =	ssyncadd.s32 $0xFFFFFF80  }
0x97: {  	_ =	swait.ge [sflag:s24], $0x3E80  }
0x98: {  	[sflag:s24] =	ssyncset.done $0x0  }
0x99: {  	[sflag:s24] =	ssyncadd.s32 $0xFFFFC180  }
0x9a: {  	_ =	swait.ge [sflag:s30], $0x3E80  }
0x9b: {  	[sflag:s30] =	ssyncset.done $0x0  }
0x9c: {  	[sflag:s30] =	ssyncadd.s32 $0xFFFFC180  }
0x9d: {  	[tilespmem:s25], [sflag:$0x4] =	stream.linear.gather [hbm4b:s16+s3], $0x80, $0x38;
	[tilespmem:$0x1E900] =	vst v63  }
0x9e: {  	_ = 	snop  }
0x9f: {  	[spmem:s2] =	stream.indirect.scatter.add.f32 [tilespmem:s22], [sflag:$0x5], $0x80, s20, s21, $0xb8;
	[tilespmem:$0x1E900] =	vst v63  }
0xa0: {  	s9 =	simm.s32 $0x2780  }
0xa1: {  	[tilespmem:s19], [sflag:$0x1] =	stream.indirect.gather [hbm4b:s4+s21], $0x80, s9, s21, $0xb8;
	[tilespmem:$0x1E900] =	vst v63  }
0xa2: {  	_ =	swait.ge [sflag:s26], $0x80  }
0xa3: {  	[sflag:s26] =	ssyncset.done $0x0  }
0xa4: {  	[sflag:s26] =	ssyncadd.s32 $0xFFFFFF80  }
0xa5: {  	_ =	swait.ge [sflag:s28], $0x3E80  }
0xa6: {  	[sflag:s28] =	ssyncset.done $0x0  }
0xa7: {  	[sflag:s28] =	ssyncadd.s32 $0xFFFFC180  }
0xa8: {  	[spmem:s2] =	stream.indirect.scatter.add.f32 [tilespmem:s19], [sflag:$0x6], $0x80, s25, s21, $0xb8;
	[tilespmem:$0x1E900] =	vst v63  }
0xa9: {  	_ =	swait.ge [sflag:s29], $0x3E80  }
0xaa: {  	[sflag:s29] =	ssyncset.done $0x0  }
0xab: {  	[sflag:s29] =	ssyncadd.s32 $0xFFFFC180  }
0xac: {  	s10 =	stileid.u32;
	_ =	swait.ge [sflag:s30], $0x3E80  }
0xad: {  	s1 =	sadd.s32 $0x1, s1;
	s0 =	sshll.u32 s10, $0x6;
	[sflag:s30] =	ssyncset.done $0x0  }
0xae: {  	p0 =	sne.s32 s1, s15;
	s0 =	sor.u32 $0x1C07, s0;
	[sflag:s30] =	ssyncadd.s32 $0xFFFFC180  }
.Ltmp2:
0xaf: {  	s31 =	sshrl.u32 s6, $0x3;
	[bflag:$0x0] =	sbarrier.arrive $0xFFFF;
	(pc) =	sbr.rel @p0 .LBB2_1-.Ltmp2, $4  }
0xb0: {  	[hbm:s13], [sflag:s0] =	dma.local [spmem:s31], $0x2800  }
0xb1: {  	_ =	swait.ge [sflag:s18], $0x2800  }
0xb2: {  	[sflag:s18] =	ssyncset.done $0x0  }
0xb3: {  	[sflag:s18] =	ssyncadd.s32 $0xFFFFD800  }
0xb4: {  	_ =	sfence.sel $0x180000  }
0xb5: {  	[bflag:$0x0] =	sbarrier.arrive $0xFFFF  }
0xb6: {  	_ =	strace $0x90000050  }
0xb7: {  	s0 =	stileid.u32;
	[bflag:$0x2] =	sbarrier.arrive $0xFFFF  }
0xb8: {  	p0 =	sne.s32 s0, $0x0;
	s0 =	rddreg [dreg:$0x2]  }
0xb9: {  	s0 =	sadd.s32 @!p0 $0x100000, s0  }
0xba: {  	[sflag:s0] =	ssyncadd.tile.s32 @!p0 $0x1;
	_ =	shalt  }
.Lfunc_end2:
_tile_overlayer_lowered:
.L_overlay_start_2:
0xbb: {  	(tag) =	ssettag $0x2  }
0xbc: {  	s0 =	rddreg [dreg:$0x0];
	s2 =	stileid.u32  }
0xbd: {  	s1 =	rddreg [dreg:$0x1];
	p0 =	sne.s32 s2, $0x0  }
0xbe: {  	s3 =	rddreg [dreg:$0x2];
	[bflag:$0x3] =	sbarrier.arrive $0xFFFF;
	s2 =	simm.s32 @!p0 $0x1C07  }
0xbf: {  	[timem:s3], [sflag:s2] =	dma.local @!p0 [hbm:s0], s1  }
0xc0: {  	s0 =	simm.s32 @!p0 $0x7  }
0xc1: {  	_ =	swait.ge @!p0 [sflag:s0], s1  }
0xc2: {  	s1 =	ssub.s32 @!p0 $0x0, s1;
	[sflag:s0] =	ssyncset.done @!p0 $0x0  }
0xc3: {  	[sflag:s0] =	ssyncadd.s32 @!p0 s1  }
0xc4: {  	[bflag:$0x3] =	sbarrier.arrive $0xFFFF  }
0xc5: {  	_ =	shalt  }

// kernel: kernel.26.cloned.1.call-start
scs
__scs_entry_jumppad:
0x0: {  	(pc) =	sbr.rel $0x88, $3  }
0x1: {  	(tag) =	ssettag $0x0;
	lr =	simm.s32 $0x1  }
0x2: {  	[smem:$0x3F88] =	sst lr;
	_ =	strace $0xD0000000  }
0x3: {  	_ = 	snop  }
0x4: {  	_ = 	snop  }
0x5: {  	_ = 	snop  }
0x6: {  	_ = 	snop  }
0x7: {  	_ = 	snop  }
__scs_overlays_trampoline_lowered:
0x8: {  	[smem:$0x3F97] =	sst s0  }
0x9: {  	[smem:$0x3F98] =	sst s1  }
0xa: {  	[smem:$0x3F99] =	sst s2  }
0xb: {  	[smem:$0x3F9A] =	sst s3  }
0xc: {  	[smem:$0x3F9B] =	sst s4  }
0xd: {  	[smem:$0x3F9C] =	sst s5  }
0xe: {  	[smem:$0x3F9D] =	sst s6  }
0xf: {  	[smem:$0x3F9E] =	sst s7  }
0x10: {  	[smem:$0x3F9F] =	sst s8  }
0x11: {  	[smem:$0x3FA0] =	sst s9;
	s0 =	simm.s32 @!p0 $0x0  }
0x12: {  	s1 =	sld [smem:$0x3F86];
	s0 =	simm.s32 @p0 $0x1  }
0x13: {  	[smem:$0x3FA1] =	sst s0;
	s0 =	simm.s32 @!p1 $0x0  }
0x14: {  	s2 =	sld [smem:$0x3F85];
	s0 =	simm.s32 @p1 $0x1  }
0x15: {  	[smem:$0x3FA2] =	sst s0;
	s0 =	simm.s32 @!p2 $0x0  }
0x16: {  	s3 =	sld [smem:$0x3FDB];
	s0 =	simm.s32 @p2 $0x1  }
0x17: {  	s4 =	simm.s32 $0x1BF5;
	[smem:$0x3FA4] =	sst s0  }
0x18: {  	s0 =	sld [smem:$0x3F87];
	_ =	swait.ge [sflag:s4], $0x0  }
0x19: {  	s7 =	sld [smem:$0x3F88]  }
0x1a: {  	s8 =	sadd.s32 $0xFFFFE003, lr  }
0x1b: {  	s9 =	sadd.s32 $0xFFFFFEF7, lr;
	s5 =	simm.s32 $0xFFFFFFFF;
	p2 =	slt.u32 s8, $0xFFFFF086  }
0x1c: {  	p1 =	slt.u32 s9, $0xF7A;
	s5 =	simm.s32 @!p2 $0x0  }
0x1d: {  	s5 =	simm.s32 @p1 $0x1;
	p0 =	seq.s32 s7, s2  }
0x1e: {  	s7 =	smul.u32 @!p0 $0xF7A, s2;
	p2 =	seq.s32 @!p0 s5, $0x0  }
0x1f: {  	s9 =	smul.u32 $0xF7A, s1;
	s8 =	simm.s32 @!p0 $0x1BF5;
	p2 =	por !p2, p0  }
0x20: {  	[sflag:s8] =	ssyncset.s32 @!p0 $0xFFFFF086;
	s6 =	sadd.s32 @!p0 s3, s7;
	s7 =	simm.s32 @!p0 $0x108  }
0x21: {  	s3 =	sadd.s32 s3, s9;
	s6 =	sadd.s32 @!p0 $0x88, s6;
	s7 =	simm.s32 @p2 $0x1082  }
0x22: {  	[simem:s7], [sflag:s8] =	dma.local @!p0 [hbm:s6], $0xF7A  }
0x23: {  	s9 =	sor.u32 $0xD0000000, s2;
	s6 =	simm.s32 $0x108;
	_ =	swait.ge @!p0 [sflag:s8], $0x0  }
0x24: {  	s3 =	sadd.s32 $0x88, s3;
	s6 =	simm.s32 @!p1 $0x1082;
	[sflag:s4] =	ssyncset.s32 $0xFFFFF086  }
0x25: {  	[simem:s6], [sflag:s4] =	dma.local [hbm:s3], $0xF7A  }
0x26: {  	[smem:$0x3F88] =	sst s1;
	(tag) =	ssettag s2;
	_ =	strace s9  }
0x27: {  	s1 =	sld [smem:$0x3F98]  }
0x28: {  	s2 =	sld [smem:$0x3F99]  }
0x29: {  	s4 =	sld [smem:$0x3F9B]  }
0x2a: {  	p0 =	seq.s32 s5, $0x0;
	s5 =	sld [smem:$0x3F9C]  }
0x2b: {  	s6 =	sld [smem:$0x3F9D]  }
0x2c: {  	s7 =	sld [smem:$0x3F9E]  }
0x2d: {  	s3 =	simm.s32 $0x108;
	s8 =	sld [smem:$0x3F9F]  }
0x2e: {  	s3 =	simm.s32 @!p0 $0x1082;
	s9 =	sld [smem:$0x3FA0]  }
0x2f: {  	lr =	sadd.s32 s0, s3;
	s0 =	sld [smem:$0x3F97]  }
0x30: {  	s3 =	sld [smem:$0x3F9A]  }
0x31: {  	[smem:$0x3FA3] =	sst s10  }
0x32: {  	s10 =	sld [smem:$0x3FA1];
	_ =	sdelay $0x3  }
0x33: {  	p0 =	seq.s32 s10, $0x1;
	s10 =	sld [smem:$0x3FA3];
	_ =	sdelay $0x3  }
0x34: {  	[smem:$0x3FA3] =	sst s10  }
0x35: {  	s10 =	sld [smem:$0x3FA2];
	_ =	sdelay $0x3  }
0x36: {  	p1 =	seq.s32 s10, $0x1;
	s10 =	sld [smem:$0x3FA3];
	_ =	sdelay $0x3  }
0x37: {  	[smem:$0x3FA3] =	sst s10  }
0x38: {  	s10 =	sld [smem:$0x3FA4]  }
0x39: {  	_ = 	snop;
	(pc) =	sbr.ind lr, $3  }
0x3a: {  	_ = 	snop  }
0x3b: {  	_ = 	snop  }
0x3c: {  	p2 =	seq.s32 s10, $0x1;
	s10 =	sld [smem:$0x3FA3]  }
0x3d: {  	_ =	shalt  }
0x3e: {  	_ =	shalt  }
0x3f: {  	_ =	shalt  }
0x40: {  	_ =	shalt  }
0x41: {  	_ =	shalt  }
0x42: {  	_ =	shalt  }
0x43: {  	_ =	shalt  }
0x44: {  	_ =	shalt  }
0x45: {  	_ =	shalt  }
0x46: {  	_ =	shalt  }
0x47: {  	_ =	shalt  }
0x48: {  	_ =	shalt  }
0x49: {  	_ =	shalt  }
0x4a: {  	_ =	shalt  }
0x4b: {  	_ =	shalt  }
0x4c: {  	_ =	shalt  }
0x4d: {  	_ =	shalt  }
0x4e: {  	_ =	shalt  }
0x4f: {  	_ =	shalt  }
0x50: {  	_ =	shalt  }
0x51: {  	_ =	shalt  }
0x52: {  	_ =	shalt  }
0x53: {  	_ =	shalt  }
0x54: {  	_ =	shalt  }
0x55: {  	_ =	shalt  }
0x56: {  	_ =	shalt  }
0x57: {  	_ =	shalt  }
0x58: {  	_ =	shalt  }
0x59: {  	_ =	shalt  }
0x5a: {  	_ =	shalt  }
0x5b: {  	_ =	shalt  }
0x5c: {  	_ =	shalt  }
0x5d: {  	_ =	shalt  }
0x5e: {  	_ =	shalt  }
0x5f: {  	_ =	shalt  }
0x60: {  	_ =	shalt  }
0x61: {  	_ =	shalt  }
0x62: {  	_ =	shalt  }
0x63: {  	_ =	shalt  }
0x64: {  	_ =	shalt  }
0x65: {  	_ =	shalt  }
0x66: {  	_ =	shalt  }
0x67: {  	_ =	shalt  }
0x68: {  	_ =	shalt  }
0x69: {  	_ =	shalt  }
0x6a: {  	_ =	shalt  }
0x6b: {  	_ =	shalt  }
0x6c: {  	_ =	shalt  }
0x6d: {  	_ =	shalt  }
0x6e: {  	_ =	shalt  }
0x6f: {  	_ =	shalt  }
0x70: {  	_ =	shalt  }
0x71: {  	_ =	shalt  }
0x72: {  	_ =	shalt  }
0x73: {  	_ =	shalt  }
0x74: {  	_ =	shalt  }
0x75: {  	_ =	shalt  }
0x76: {  	_ =	shalt  }
0x77: {  	_ =	shalt  }
0x78: {  	_ =	shalt  }
0x79: {  	_ =	shalt  }
0x7a: {  	_ =	shalt  }
0x7b: {  	_ =	shalt  }
0x7c: {  	_ =	shalt  }
0x7d: {  	_ =	shalt  }
0x7e: {  	_ =	shalt  }
0x7f: {  	_ =	shalt  }
0x80: {  	_ =	shalt  }
0x81: {  	_ =	shalt  }
0x82: {  	_ =	shalt  }
0x83: {  	_ =	shalt  }
0x84: {  	_ =	shalt  }
0x85: {  	_ =	shalt  }
0x86: {  	_ =	shalt  }
0x87: {  	_ =	shalt  }
.Lfunc_end0:
.L_simem_size_0:
called_computation.4_lowered:
.L_overlay_start_0:
0x88: {  	s2 =	sld [smem:$0x3FD9]  }
0x89: {  	s3 =	sld [smem:$0x3FFE];
	_ =	sdelay $0x1  }
0x8a: {  	s1 =	srdreg.scid  }
0x8b: {  	s0 =	sand.u32 $0x1, s1  }
0x8c: {  	s16 =	sshll.u32 s0, $0xA;
	s2 =	sadd.s32 s3, s2  }
0x8d: {  	s2 =	sadd.s32 s2, s16  }
0x8e: {  	[smem:$0x3FAF] =	sst s2  }
0x8f: {  	_ = 	snop  }
0x90: {  	(tm) =	ssettm $0x1  }
0x91: {  	s17 =	sld [smem:$0x3FFB];
	_ =	sdelay $0x3  }
0x92: {  	_ =	strace s17  }
0x93: {  	s2 =	sld [smem:$0x3FFC];
	_ =	sdelay $0x3  }
0x94: {  	_ =	strace s2  }
0x95: {  	s2 =	sld [smem:$0x3FFD];
	_ =	sdelay $0x3  }
0x96: {  	_ =	strace s2  }
0x97: {  	_ =	strace $0x8FFFFFFF  }
0x98: {  	s18 =	sld [smem:$0x3FDB];
	_ =	sdelay $0x1  }
0x99: {  	s19 =	simm.s32 $_scs_section_size  }
0x9a: {  	s4 =	simm.s32 $_size__tile_overlayer_lowered;
	s5 =	simm.s32 $_tile_overlayer_lowered  }
0x9b: {  	s22 =	simm.s32 $0x1BFF;
	s21 =	sshll.u32 s5, $0x1;
	s2 =	sadd.s32 s19, s18  }
0x9c: {  	s6 =	simm.s32 $0x0;
	s20 =	sshll.u32 s4, $0x1;
	s4 =	sadd.s32 s21, s2  }
0x9d: {  	[timem:s6], [sflag:s22] =	dma.local [hbm:s4], s20  }
0x9e: {  	_ =	swait.ge [sflag:s22], s20  }
0x9f: {  	s3 =	ssub.s32 $0x0, s20;
	[sflag:s22] =	ssyncset.done $0x0  }
0xa0: {  	[sflag:s22] =	ssyncadd.s32 s3;
	_ =	sdelay $0x1  }
0xa1: {  	s23 =	simm.s32 $0x1B8B  }
0xa2: {  	_ =	swait.ge [sflag:s23], $0x1  }
0xa3: {  	[sflag:s23] =	ssyncset.done $0x0  }
0xa4: {  	s25 =	simm.s32 $0x1B8E;
	s24 =	sld [smem:$0x3FFE];
	[sflag:s23] =	ssyncadd.s32 $0xFFFFFFFF  }
0xa5: {  	s26 =	simm.s32 $execute0_lowered;
	[smem:$0x3FD2] =	sst s25  }
0xa6: {  	s4 =	sshll.u32 s26, $0x1;
	_ =	strace $0x80000052;
	[dreg:$0x1] =	wrdreg $0xFFFFFFFF  }
0xa7: {  	s28 =	simm.s32 $_size_execute0_lowered;
	s2 =	sadd.s32 s2, s4;
	[dreg:$0x0] =	wrdreg $0x0  }
0xa8: {  	s4 =	sshll.u32 s28, $0x1;
	[dreg:$0x2] =	wrdreg s2  }
0xa9: {  	[dreg:$0x3] =	wrdreg s4  }
0xaa: {  	[dreg:$0x4] =	wrdreg $0xC0  }
0xab: {  	_ =	task [dreg:s6], $0x5FFFF  }
0xac: {  	[dreg:$0x1] =	wrdreg $0xFFFFFFFF  }
0xad: {  	[dreg:$0x0] =	wrdreg $0x60  }
0xae: {  	[dreg:$0x2] =	wrdreg s24  }
0xaf: {  	[dreg:$0x3] =	wrdreg $0xA9000  }
0xb0: {  	[dreg:$0x4] =	wrdreg $0x9  }
0xb1: {  	_ =	task.clear_ibuf [dreg:s6], $0x5FFFF;
	_ =	strace $0x90000052  }
0xb2: {  	s29 =	simm.s32 $0x9;
	_ =	strace $0x80000054  }
0xb3: {  	_ =	swait.ge [sflag:s29], $0x1  }
0xb4: {  	[sflag:s29] =	ssyncadd.s32 $0xFFFFFFFF  }
0xb5: {  	_ =	strace $0x90000054  }
0xb6: {  	_ =	sfence  }
0xb7: {  	s30 =	sld [smem:$0x0];
	_ =	sdelay $0x2  }
0xb8: {  	s31 =	sshll.u32 s1, $0xD;
	s1 =	sshrl.u32 s1, $0x2  }
0xb9: {  	s3 =	sand.u32 $0x4000, s31;
	s1 =	sadd.s32 s1, s30  }
0xba: {  	s0 =	sor.u32 s3, s0;
	s1 =	sshll.u32 s1, $0x11  }
0xbb: {  	s0 =	sor.u32 s1, s0  }
0xbc: {  	s0 =	sadd.s32 $0x8F2B, s0  }
0xbd: {  	[sflag:s0] =	ssyncadd.remote.s32 $0x1  }
0xbe: {  	_ =	sfence.sel $0xFFFF  }
0xbf: {  	[dreg:$0x0] =	wrdreg $0xFFFFFFFF;
	(pc) =	sbr.abs _section_cstart, $3  }
0xc0: {  	[dreg:$0x1] =	wrdreg $0xFFFFFFFF  }
0xc1: {  	_ =	task.clear_ibuf [dreg:s6], $0x2FFFF;
	_ =	strace $0x9FFFFFFF  }
0xc2: {  	(tm) =	ssettm $0x7FFFFFFF  }
0xc3: {  	_ =	shalt  }
tec
execute0_lowered:
.L_overlay_start_1:
0x0: {  	(tag) =	ssettag $0x1  }
0x1: {  	s0 =	srdreg.scid;
	s6 =	rddreg [dreg:$0x0]  }
0x2: {  	s11 =	stileid.u32;
	s2 =	rddreg [dreg:$0x1];
	s3 =	simm.s32 $0x0  }
0x3: {  	s18 =	simm.s32 $0x7;
	s19 =	simm.s32 $0x2900;
	s20 =	simm.s32 $0x2800  }
0x4: {  	s21 =	simm.s32 $0x7D;
	s22 =	simm.s32 $0x6900;
	s23 =	simm.s32 $0x3  }
0x5: {  	s28 =	simm.s32 $0x1;
	s29 =	simm.s32 $0x5;
	s7 =	smul.u32 $0x14000, s11  }
0x6: {  	s30 =	simm.s32 $0x6;
	s0 =	sand.u32 $0x1, s0;
	s9 =	smul.u32 $0x50000, s11  }
0x7: {  	s1 =	sshll.u32 s11, $0x1;
	[smem:$0x7FF] =	sst s3;
	s14 =	smul.u32 $0xA00, s11  }
0x8: {  	s4 =	sadd.s32 $0x1C400, s6;
	s1 =	sor.u32 s0, s1;
	s5 =	smul.u32 $0x140000, s0  }
0x9: {  	_ =	strace $0x80000053;
	s10 =	ssub.s32 $0x2, s0;
	s0 =	smul.u32 $0x500, s0  }
0xa: {  	s1 =	smul.u32 $0x500, s1;
	s24 =	sshrl.u32 s10, $0x1;
	s9 =	sshrl.u32 s9, $0x2  }
0xb: {  	s7 =	sadd.s32 s7, s5;
	s5 =	sadd.s32 $0x7800, s6;
	s15 =	ssub.s32 s10, s24  }
0xc: {  	s14 =	sadd.s32 s0, s14;
	s24 =	simm.s32 $0x2;
	s8 =	sadd.s32 s1, s6  }
0xd: {  	s7 =	sshrl.u32 s7, $0x3;
	s12 =	sadd.s32 s5, s1;
	s15 =	smax.u32 s15, $0x1  }
0xe: {  	s0 =	sadd.s32 s5, s14;
	s1 =	simm.s32 $0x0;
	s7 =	sadd.s32 s7, s6  }
0xf: {  	s6 =	sadd.s32 s9, s2;
	s8 =	sadd.s32 $0x12400, s8;
	s16 =	sadd.s32 $0x4F0, s12  }
0x10: {  	s17 =	sadd.s32 $0x20, s0;
	[dreg:$0x3] =	wrdreg s8;
	s25 =	sadd.s32 $0x4000, s6  }
0x11: {  	s26 =	sadd.s32 $0x8000, s6;
	s31 =	sadd.s32 $0xC000, s6;
	[dreg:$0x4] =	wrdreg s25  }
0x12: {  	s11 =	sadd.s32 $0x10000, s6;
	s13 =	sadd.s32 $0x6B600, s7;
	[dreg:$0x5] =	wrdreg s26  }
0x13: {  	v0 =	vimm.f32 $0.0e+00;
	[dreg:$0x6] =	wrdreg s31;
	s25 =	simm.s32 $0x2880;
	s26 =	simm.s32 $0x4  }
.LBB2_1:
0x14: {  	s0 =	rddreg [dreg:$0x3]  }
0x15: {  	[tilespmem:s3], [sflag:$0x7] =	stream.linear.gather [hbm4b:s0+s3], $0x2800, $0x38;
	[tilespmem:$0x1E900] =	vst v63  }
0x16: {  	_ =	swait.ge [sflag:s18], $0x2800  }
0x17: {  	[sflag:s18] =	ssyncset.done $0x0  }
0x18: {  	s31 =	simm.s32 $0x200;
	s0 =	simm.s32 $0x0;
	[sflag:s18] =	ssyncadd.s32 $0xFFFFD800  }
.LBB2_2:
0x19: {  	p0 =	sne.s32 s31, $0xFE00;
	[tilespmem:s0+$0x2970] =	vst v0  }
0x1a: {  	[tilespmem:s0+$0x2900] =	vst v0  }
0x1b: {  	[tilespmem:s0+$0x2910] =	vst v0  }
.Ltmp0:
0x1c: {  	[tilespmem:s0+$0x2920] =	vst v0;
	(pc) =	sbr.rel @p0 .LBB2_2-.Ltmp0, $4  }
0x1d: {  	[tilespmem:s0+$0x2930] =	vst v0  }
0x1e: {  	[tilespmem:s0+$0x2940] =	vst v0  }
0x1f: {  	[tilespmem:s0+$0x2950] =	vst v0  }
0x20: {  	[tilespmem:s0+$0x2960] =	vst v0;
	s0 =	sshra.s32 s31, $0x2;
	s31 =	sadd.s32 $0x200, s31  }
0x21: {  	[tilespmem:s0+$0x2970] =	vst v0  }
0x22: {  	[tilespmem:s0+$0x2900] =	vst v0  }
0x23: {  	[tilespmem:s0+$0x2910] =	vst v0  }
0x24: {  	[tilespmem:s0+$0x2920] =	vst v0  }
0x25: {  	[tilespmem:s0+$0x2930] =	vst v0  }
0x26: {  	[tilespmem:s0+$0x2940] =	vst v0  }
0x27: {  	[tilespmem:s0+$0x2950] =	vst v0  }
0x28: {  	[tilespmem:s0+$0x2960] =	vst v0  }
0x29: {  	[spmem:s6] =	stream.linear.scatter [tilespmem:s19], [sflag:$0x3], $0x4000, $0x38;
	[tilespmem:$0x1E900] =	vst v63  }
0x2a: {  	s7 =	rddreg [dreg:$0x4]  }
0x2b: {  	[spmem:s7] =	stream.linear.scatter [tilespmem:s19], [sflag:$0x3], $0x4000, $0x38;
	[tilespmem:$0x1E900] =	vst v63  }
0x2c: {  	s8 =	rddreg [dreg:$0x5]  }
0x2d: {  	[spmem:s8] =	stream.linear.scatter [tilespmem:s19], [sflag:$0x3], $0x4000, $0x38;
	[tilespmem:$0x1E900] =	vst v63  }
0x2e: {  	s9 =	rddreg [dreg:$0x6]  }
0x2f: {  	[spmem:s9] =	stream.linear.scatter [tilespmem:s19], [sflag:$0x3], $0x4000, $0x38;
	[tilespmem:$0x1E900] =	vst v63  }
0x30: {  	_ = 	snop  }
0x31: {  	[spmem:s11] =	stream.linear.scatter [tilespmem:s19], [sflag:$0x3], $0x4000, $0x38;
	[tilespmem:$0x1E900] =	vst v63  }
0x32: {  	s10 =	simm.s32 $0x0  }
0x33: {  	[tilespmem:s20], [sflag:$0x7] =	stream.linear.gather [hbm4b:s12+s10], $0x80, $0x38;
	[tilespmem:$0x1E900] =	vst v63  }
0x34: {  	_ =	swait.ge [sflag:s18], $0x80  }
0x35: {  	[sflag:s18] =	ssyncset.done $0x0  }
0x36: {  	[sflag:s18] =	ssyncadd.s32 $0xFFFFFF80  }
0x37: {  	[tilespmem:s22], [sflag:$0x2] =	stream.indirect.gather [hbm4b:s4+s21], $0x80, s10, s21, $0xb8;
	[tilespmem:$0x1E900] =	vst v63  }
0x38: {  	_ =	swait.ge [sflag:s23], $0x4000  }
0x39: {  	[sflag:s23] =	ssyncset.done $0x0  }
0x3a: {  	[sflag:s23] =	ssyncadd.s32 $0xFFFFC000  }
0x3b: {  	_ =	swait.ge [sflag:s23], $0x4000  }
0x3c: {  	[sflag:s23] =	ssyncset.done $0x0  }
0x3d: {  	[sflag:s23] =	ssyncadd.s32 $0xFFFFC000  }
0x3e: {  	_ =	swait.ge [sflag:s23], $0x4000  }
0x3f: {  	[sflag:s23] =	ssyncset.done $0x0  }
0x40: {  	[sflag:s23] =	ssyncadd.s32 $0xFFFFC000  }
0x41: {  	_ =	swait.ge [sflag:s23], $0x4000  }
0x42: {  	[sflag:s23] =	ssyncset.done $0x0  }
0x43: {  	[sflag:s23] =	ssyncadd.s32 $0xFFFFC000  }
0x44: {  	_ =	swait.ge [sflag:s23], $0x4000  }
0x45: {  	[sflag:s23] =	ssyncset.done $0x0  }
0x46: {  	[sflag:s23] =	ssyncadd.s32 $0xFFFFC000  }
0x47: {  	s0 =	sand.u32 $0x60, s10;
	s7 =	sadd.s32 $0x0, s14;
	[bflag:$0x0] =	sbarrier.arrive $0xFFFF  }
0x48: {  	s0 =	sadd.s32 s0, s5;
	s7 =	sand.u32 $0xFFFFF80, s7;
	_ =	swait.ge [sflag:s24], $0x3E80  }
0x49: {  	s0 =	sadd.s32 s7, s0;
	[sflag:s24] =	ssyncset.done $0x0  }
0x4a: {  	s0 =	sadd.s32 $0x10, s0;
	[sflag:s24] =	ssyncadd.s32 $0xFFFFC180  }
0x4b: {  	[tilespmem:s25], [sflag:$0x4] =	stream.linear.gather [hbm4b:s0+s3], $0x80, $0x38;
	[tilespmem:$0x1E900] =	vst v63  }
0x4c: {  	_ = 	snop  }
0x4d: {  	[spmem:s2] =	stream.indirect.scatter.add.f32 [tilespmem:s22], [sflag:$0x5], $0x80, s20, s21, $0xb8;
	[tilespmem:$0x1E900] =	vst v63  }
0x4e: {  	s8 =	simm.s32 $0x80  }
0x4f: {  	[tilespmem:s19], [sflag:$0x1] =	stream.indirect.gather [hbm4b:s4+s21], $0x80, s8, s21, $0xb8;
	[tilespmem:$0x1E900] =	vst v63  }
0x50: {  	_ =	swait.ge [sflag:s26], $0x80  }
0x51: {  	[sflag:s26] =	ssyncset.done $0x0  }
0x52: {  	[sflag:s26] =	ssyncadd.s32 $0xFFFFFF80  }
0x53: {  	_ =	swait.ge [sflag:s28], $0x3E80  }
0x54: {  	[sflag:s28] =	ssyncset.done $0x0  }
0x55: {  	[sflag:s28] =	ssyncadd.s32 $0xFFFFC180  }
0x56: {  	[spmem:s2] =	stream.indirect.scatter.add.f32 [tilespmem:s19], [sflag:$0x6], $0x80, s25, s21, $0xb8;
	[tilespmem:$0x1E900] =	vst v63  }
0x57: {  	_ =	swait.ge [sflag:s29], $0x3E80  }
0x58: {  	[sflag:s29] =	ssyncset.done $0x0  }
0x59: {  	s9 =	sadd.s32 $0x0, s17;
	[sflag:s29] =	ssyncadd.s32 $0xFFFFC180  }
0x5a: {  	[tilespmem:s20], [sflag:$0x3] =	stream.linear.gather [hbm4b:s9+s3], $0x80, $0x38;
	[tilespmem:$0x1E900] =	vst v63  }
0x5b: {  	s10 =	simm.s32 $0x100  }
0x5c: {  	[tilespmem:s22], [sflag:$0x2] =	stream.indirect.gather [hbm4b:s4+s21], $0x80, s10, s21, $0xb8;
	[tilespmem:$0x1E900] =	vst v63  }
0x5d: {  	_ =	swait.ge [sflag:s23], $0x80  }
0x5e: {  	[sflag:s23] =	ssyncset.done $0x0  }
0x5f: {  	[sflag:s23] =	ssyncadd.s32 $0xFFFFFF80  }
0x60: {  	_ =	swait.ge [sflag:s24], $0x3E80  }
0x61: {  	s7 =	simm.s32 $0x40;
	s0 =	simm.s32 $0x20;
	[sflag:s24] =	ssyncset.done $0x0  }
0x62: {  	s31 =	sand.u32 $0x60, s0;
	s8 =	sadd.s32 $0x20, s14;
	[sflag:s24] =	ssyncadd.s32 $0xFFFFC180  }
0x63: {  	s31 =	sadd.s32 s31, s5;
	s8 =	sand.u32 $0xFFFFF80, s8;
	_ =	swait.ge [sflag:s30], $0x3E80  }
0x64: {  	s8 =	sadd.s32 s8, s31;
	s31 =	simm.s32 $0x200;
	[sflag:s30] =	ssyncset.done $0x0  }
.LBB2_4:
0x65: {  	s8 =	sadd.s32 $0x10, s8  }
0x66: {  	[sflag:s30] =	ssyncadd.s32 $0xFFFFC180;
	s9 =	smov.u32 s7;
	s10 =	sadd.s32 $0x20, s7  }
0x67: {  	[tilespmem:s25], [sflag:$0x4] =	stream.linear.gather [hbm4b:s8+s3], $0x80, $0x38;
	[tilespmem:$0x1E900] =	vst v63  }
0x68: {  	p0 =	sne.s32 s7, $0x4C0  }
0x69: {  	[spmem:s2] =	stream.indirect.scatter.add.f32 [tilespmem:s22], [sflag:$0x5], $0x80, s20, s21, $0xb8;
	[tilespmem:$0x1E900] =	vst v63  }
0x6a: {  	s7 =	sadd.s32 $0xFFFFFF80, s31  }
0x6b: {  	[tilespmem:s19], [sflag:$0x1] =	stream.indirect.gather [hbm4b:s4+s21], $0x80, s7, s21, $0xb8;
	[tilespmem:$0x1E900] =	vst v63  }
0x6c: {  	_ =	swait.ge [sflag:s26], $0x80  }
0x6d: {  	[sflag:s26] =	ssyncset.done $0x0  }
0x6e: {  	[sflag:s26] =	ssyncadd.s32 $0xFFFFFF80  }
0x6f: {  	_ =	swait.ge [sflag:s28], $0x3E80  }
0x70: {  	[sflag:s28] =	ssyncset.done $0x0  }
0x71: {  	[sflag:s28] =	ssyncadd.s32 $0xFFFFC180  }
0x72: {  	[spmem:s2] =	stream.indirect.scatter.add.f32 [tilespmem:s19], [sflag:$0x6], $0x80, s25, s21, $0xb8;
	[tilespmem:$0x1E900] =	vst v63  }
0x73: {  	_ =	swait.ge [sflag:s29], $0x3E80  }
0x74: {  	[sflag:s29] =	ssyncset.done $0x0  }
0x75: {  	s7 =	sadd.s32 s0, s17;
	s0 =	smov.u32 s9;
	[sflag:s29] =	ssyncadd.s32 $0xFFFFC180  }
0x76: {  	[tilespmem:s20], [sflag:$0x3] =	stream.linear.gather [hbm4b:s7+s3], $0x80, $0x38;
	[tilespmem:$0x1E900] =	vst v63  }
0x77: {  	_ = 	snop  }
0x78: {  	[tilespmem:s22], [sflag:$0x2] =	stream.indirect.gather [hbm4b:s4+s21], $0x80, s31, s21, $0xb8;
	[tilespmem:$0x1E900] =	vst v63  }
0x79: {  	_ =	swait.ge [sflag:s23], $0x80  }
0x7a: {  	[sflag:s23] =	ssyncset.done $0x0  }
0x7b: {  	[sflag:s23] =	ssyncadd.s32 $0xFFFFFF80  }
.Ltmp1:
0x7c: {  	_ =	swait.ge [sflag:s24], $0x3E80;
	(pc) =	sbr.rel @p0 .LBB2_4-.Ltmp1, $4  }
0x7d: {  	s8 =	sand.u32 $0x60, s0;
	s7 =	sadd.s32 s0, s14;
	[sflag:s24] =	ssyncset.done $0x0  }
0x7e: {  	s8 =	sadd.s32 s8, s5;
	s7 =	sand.u32 $0xFFFFF80, s7;
	[sflag:s24] =	ssyncadd.s32 $0xFFFFC180  }
0x7f: {  	s8 =	sadd.s32 s7, s8;
	_ =	swait.ge [sflag:s30], $0x3E80  }
0x80: {  	s31 =	sadd.s32 $0x100, s31;
	s7 =	smov.u32 s10;
	[sflag:s30] =	ssyncset.done $0x0  }
0x81: {  	s7 =	sadd.s32 $0x10, s8;
	[sflag:s30] =	ssyncadd.s32 $0xFFFFC180  }
0x82: {  	[tilespmem:s25], [sflag:$0x4] =	stream.linear.gather [hbm4b:s7+s3], $0x80, $0x38;
	[tilespmem:$0x1E900] =	vst v63  }
0x83: {  	_ = 	snop  }
0x84: {  	[spmem:s2] =	stream.indirect.scatter.add.f32 [tilespmem:s22], [sflag:$0x5], $0x80, s20, s21, $0xb8;
	[tilespmem:$0x1E900] =	vst v63  }
0x85: {  	s8 =	sadd.s32 $0xFFFFFF80, s31  }
0x86: {  	[tilespmem:s19], [sflag:$0x1] =	stream.indirect.gather [hbm4b:s4+s21], $0x80, s8, s21, $0xb8;
	[tilespmem:$0x1E900] =	vst v63  }
0x87: {  	_ =	swait.ge [sflag:s26], $0x80  }
0x88: {  	[sflag:s26] =	ssyncset.done $0x0  }
0x89: {  	[sflag:s26] =	ssyncadd.s32 $0xFFFFFF80  }
0x8a: {  	_ =	swait.ge [sflag:s28], $0x3E80  }
0x8b: {  	[sflag:s28] =	ssyncset.done $0x0  }
0x8c: {  	[sflag:s28] =	ssyncadd.s32 $0xFFFFC180  }
0x8d: {  	[spmem:s2] =	stream.indirect.scatter.add.f32 [tilespmem:s19], [sflag:$0x6], $0x80, s25, s21, $0xb8;
	[tilespmem:$0x1E900] =	vst v63  }
0x8e: {  	_ =	swait.ge [sflag:s29], $0x3E80  }
0x8f: {  	[sflag:s29] =	ssyncset.done $0x0  }
0x90: {  	s0 =	sadd.s32 s0, s17;
	[sflag:s29] =	ssyncadd.s32 $0xFFFFC180  }
0x91: {  	[tilespmem:s20], [sflag:$0x3] =	stream.linear.gather [hbm4b:s0+s3], $0x80, $0x38;
	[tilespmem:$0x1E900] =	vst v63  }
0x92: {  	_ = 	snop  }
0x93: {  	[tilespmem:s22], [sflag:$0x2] =	stream.indirect.gather [hbm4b:s4+s21], $0x80, s31, s21, $0xb8;
	[tilespmem:$0x1E900] =	vst v63  }
0x94: {  	_ =	swait.ge [sflag:s23], $0x80  }
0x95: {  	[sflag:s23] =	ssyncset.done $0x0  }
0x96: {  	[sflag:s23] =	ssyncadd.s32 $0xFFFFFF80  }
0x97: {  	_ =	swait.ge [sflag:s24], $0x3E80  }
0x98: {  	[sflag:s24] =	ssyncset.done $0x0  }
0x99: {  	[sflag:s24] =	ssyncadd.s32 $0xFFFFC180  }
0x9a: {  	_ =	swait.ge [sflag:s30], $0x3E80  }
0x9b: {  	[sflag:s30] =	ssyncset.done $0x0  }
0x9c: {  	[sflag:s30] =	ssyncadd.s32 $0xFFFFC180  }
0x9d: {  	[tilespmem:s25], [sflag:$0x4] =	stream.linear.gather [hbm4b:s16+s3], $0x80, $0x38;
	[tilespmem:$0x1E900] =	vst v63  }
0x9e: {  	_ = 	snop  }
0x9f: {  	[spmem:s2] =	stream.indirect.scatter.add.f32 [tilespmem:s22], [sflag:$0x5], $0x80, s20, s21, $0xb8;
	[tilespmem:$0x1E900] =	vst v63  }
0xa0: {  	s9 =	simm.s32 $0x2780  }
0xa1: {  	[tilespmem:s19], [sflag:$0x1] =	stream.indirect.gather [hbm4b:s4+s21], $0x80, s9, s21, $0xb8;
	[tilespmem:$0x1E900] =	vst v63  }
0xa2: {  	_ =	swait.ge [sflag:s26], $0x80  }
0xa3: {  	[sflag:s26] =	ssyncset.done $0x0  }
0xa4: {  	[sflag:s26] =	ssyncadd.s32 $0xFFFFFF80  }
0xa5: {  	_ =	swait.ge [sflag:s28], $0x3E80  }
0xa6: {  	[sflag:s28] =	ssyncset.done $0x0  }
0xa7: {  	[sflag:s28] =	ssyncadd.s32 $0xFFFFC180  }
0xa8: {  	[spmem:s2] =	stream.indirect.scatter.add.f32 [tilespmem:s19], [sflag:$0x6], $0x80, s25, s21, $0xb8;
	[tilespmem:$0x1E900] =	vst v63  }
0xa9: {  	_ =	swait.ge [sflag:s29], $0x3E80  }
0xaa: {  	[sflag:s29] =	ssyncset.done $0x0  }
0xab: {  	[sflag:s29] =	ssyncadd.s32 $0xFFFFC180  }
0xac: {  	s10 =	stileid.u32;
	_ =	swait.ge [sflag:s30], $0x3E80  }
0xad: {  	s1 =	sadd.s32 $0x1, s1;
	s0 =	sshll.u32 s10, $0x6;
	[sflag:s30] =	ssyncset.done $0x0  }
0xae: {  	p0 =	sne.s32 s1, s15;
	s0 =	sor.u32 $0x1C07, s0;
	[sflag:s30] =	ssyncadd.s32 $0xFFFFC180  }
.Ltmp2:
0xaf: {  	s31 =	sshrl.u32 s6, $0x3;
	[bflag:$0x0] =	sbarrier.arrive $0xFFFF;
	(pc) =	sbr.rel @p0 .LBB2_1-.Ltmp2, $4  }
0xb0: {  	[hbm:s13], [sflag:s0] =	dma.local [spmem:s31], $0x2800  }
0xb1: {  	_ =	swait.ge [sflag:s18], $0x2800  }
0xb2: {  	[sflag:s18] =	ssyncset.done $0x0  }
0xb3: {  	[sflag:s18] =	ssyncadd.s32 $0xFFFFD800  }
0xb4: {  	_ =	sfence.sel $0x180000  }
0xb5: {  	[bflag:$0x0] =	sbarrier.arrive $0xFFFF  }
0xb6: {  	_ =	strace $0x90000053  }
0xb7: {  	s0 =	stileid.u32;
	[bflag:$0x2] =	sbarrier.arrive $0xFFFF  }
0xb8: {  	p0 =	sne.s32 s0, $0x0;
	s0 =	rddreg [dreg:$0x2]  }
0xb9: {  	s0 =	sadd.s32 @!p0 $0x100000, s0  }
0xba: {  	[sflag:s0] =	ssyncadd.tile.s32 @!p0 $0x1;
	_ =	shalt  }
.Lfunc_end2:
_tile_overlayer_lowered:
.L_overlay_start_2:
0xbb: {  	(tag) =	ssettag $0x2  }
0xbc: {  	s0 =	rddreg [dreg:$0x0];
	s2 =	stileid.u32  }
0xbd: {  	s1 =	rddreg [dreg:$0x1];
	p0 =	sne.s32 s2, $0x0  }
0xbe: {  	s3 =	rddreg [dreg:$0x2];
	[bflag:$0x3] =	sbarrier.arrive $0xFFFF;
	s2 =	simm.s32 @!p0 $0x1C07  }
0xbf: {  	[timem:s3], [sflag:s2] =	dma.local @!p0 [hbm:s0], s1  }
0xc0: {  	s0 =	simm.s32 @!p0 $0x7  }
0xc1: {  	_ =	swait.ge @!p0 [sflag:s0], s1  }
0xc2: {  	s1 =	ssub.s32 @!p0 $0x0, s1;
	[sflag:s0] =	ssyncset.done @!p0 $0x0  }
0xc3: {  	[sflag:s0] =	ssyncadd.s32 @!p0 s1  }
0xc4: {  	[bflag:$0x3] =	sbarrier.arrive $0xFFFF  }
0xc5: {  	_ =	shalt  }

// kernel: kernel.29.cloned.1.call-start
scs
__scs_entry_jumppad:
0x0: {  	(pc) =	sbr.rel $0x88, $3  }
0x1: {  	(tag) =	ssettag $0x0;
	lr =	simm.s32 $0x1  }
0x2: {  	[smem:$0x3F88] =	sst lr;
	_ =	strace $0xD0000000  }
0x3: {  	_ = 	snop  }
0x4: {  	_ = 	snop  }
0x5: {  	_ = 	snop  }
0x6: {  	_ = 	snop  }
0x7: {  	_ = 	snop  }
__scs_overlays_trampoline_lowered:
0x8: {  	[smem:$0x3F97] =	sst s0  }
0x9: {  	[smem:$0x3F98] =	sst s1  }
0xa: {  	[smem:$0x3F99] =	sst s2  }
0xb: {  	[smem:$0x3F9A] =	sst s3  }
0xc: {  	[smem:$0x3F9B] =	sst s4  }
0xd: {  	[smem:$0x3F9C] =	sst s5  }
0xe: {  	[smem:$0x3F9D] =	sst s6  }
0xf: {  	[smem:$0x3F9E] =	sst s7  }
0x10: {  	[smem:$0x3F9F] =	sst s8  }
0x11: {  	[smem:$0x3FA0] =	sst s9;
	s0 =	simm.s32 @!p0 $0x0  }
0x12: {  	s1 =	sld [smem:$0x3F86];
	s0 =	simm.s32 @p0 $0x1  }
0x13: {  	[smem:$0x3FA1] =	sst s0;
	s0 =	simm.s32 @!p1 $0x0  }
0x14: {  	s2 =	sld [smem:$0x3F85];
	s0 =	simm.s32 @p1 $0x1  }
0x15: {  	[smem:$0x3FA2] =	sst s0;
	s0 =	simm.s32 @!p2 $0x0  }
0x16: {  	s3 =	sld [smem:$0x3FDB];
	s0 =	simm.s32 @p2 $0x1  }
0x17: {  	s4 =	simm.s32 $0x1BF5;
	[smem:$0x3FA4] =	sst s0  }
0x18: {  	s0 =	sld [smem:$0x3F87];
	_ =	swait.ge [sflag:s4], $0x0  }
0x19: {  	s7 =	sld [smem:$0x3F88]  }
0x1a: {  	s8 =	sadd.s32 $0xFFFFE003, lr  }
0x1b: {  	s9 =	sadd.s32 $0xFFFFFEF7, lr;
	s5 =	simm.s32 $0xFFFFFFFF;
	p2 =	slt.u32 s8, $0xFFFFF086  }
0x1c: {  	p1 =	slt.u32 s9, $0xF7A;
	s5 =	simm.s32 @!p2 $0x0  }
0x1d: {  	s5 =	simm.s32 @p1 $0x1;
	p0 =	seq.s32 s7, s2  }
0x1e: {  	s7 =	smul.u32 @!p0 $0xF7A, s2;
	p2 =	seq.s32 @!p0 s5, $0x0  }
0x1f: {  	s9 =	smul.u32 $0xF7A, s1;
	s8 =	simm.s32 @!p0 $0x1BF5;
	p2 =	por !p2, p0  }
0x20: {  	[sflag:s8] =	ssyncset.s32 @!p0 $0xFFFFF086;
	s6 =	sadd.s32 @!p0 s3, s7;
	s7 =	simm.s32 @!p0 $0x108  }
0x21: {  	s3 =	sadd.s32 s3, s9;
	s6 =	sadd.s32 @!p0 $0x88, s6;
	s7 =	simm.s32 @p2 $0x1082  }
0x22: {  	[simem:s7], [sflag:s8] =	dma.local @!p0 [hbm:s6], $0xF7A  }
0x23: {  	s9 =	sor.u32 $0xD0000000, s2;
	s6 =	simm.s32 $0x108;
	_ =	swait.ge @!p0 [sflag:s8], $0x0  }
0x24: {  	s3 =	sadd.s32 $0x88, s3;
	s6 =	simm.s32 @!p1 $0x1082;
	[sflag:s4] =	ssyncset.s32 $0xFFFFF086  }
0x25: {  	[simem:s6], [sflag:s4] =	dma.local [hbm:s3], $0xF7A  }
0x26: {  	[smem:$0x3F88] =	sst s1;
	(tag) =	ssettag s2;
	_ =	strace s9  }
0x27: {  	s1 =	sld [smem:$0x3F98]  }
0x28: {  	s2 =	sld [smem:$0x3F99]  }
0x29: {  	s4 =	sld [smem:$0x3F9B]  }
0x2a: {  	p0 =	seq.s32 s5, $0x0;
	s5 =	sld [smem:$0x3F9C]  }
0x2b: {  	s6 =	sld [smem:$0x3F9D]  }
0x2c: {  	s7 =	sld [smem:$0x3F9E]  }
0x2d: {  	s3 =	simm.s32 $0x108;
	s8 =	sld [smem:$0x3F9F]  }
0x2e: {  	s3 =	simm.s32 @!p0 $0x1082;
	s9 =	sld [smem:$0x3FA0]  }
0x2f: {  	lr =	sadd.s32 s0, s3;
	s0 =	sld [smem:$0x3F97]  }
0x30: {  	s3 =	sld [smem:$0x3F9A]  }
0x31: {  	[smem:$0x3FA3] =	sst s10  }
0x32: {  	s10 =	sld [smem:$0x3FA1];
	_ =	sdelay $0x3  }
0x33: {  	p0 =	seq.s32 s10, $0x1;
	s10 =	sld [smem:$0x3FA3];
	_ =	sdelay $0x3  }
0x34: {  	[smem:$0x3FA3] =	sst s10  }
0x35: {  	s10 =	sld [smem:$0x3FA2];
	_ =	sdelay $0x3  }
0x36: {  	p1 =	seq.s32 s10, $0x1;
	s10 =	sld [smem:$0x3FA3];
	_ =	sdelay $0x3  }
0x37: {  	[smem:$0x3FA3] =	sst s10  }
0x38: {  	s10 =	sld [smem:$0x3FA4]  }
0x39: {  	_ = 	snop;
	(pc) =	sbr.ind lr, $3  }
0x3a: {  	_ = 	snop  }
0x3b: {  	_ = 	snop  }
0x3c: {  	p2 =	seq.s32 s10, $0x1;
	s10 =	sld [smem:$0x3FA3]  }
0x3d: {  	_ =	shalt  }
0x3e: {  	_ =	shalt  }
0x3f: {  	_ =	shalt  }
0x40: {  	_ =	shalt  }
0x41: {  	_ =	shalt  }
0x42: {  	_ =	shalt  }
0x43: {  	_ =	shalt  }
0x44: {  	_ =	shalt  }
0x45: {  	_ =	shalt  }
0x46: {  	_ =	shalt  }
0x47: {  	_ =	shalt  }
0x48: {  	_ =	shalt  }
0x49: {  	_ =	shalt  }
0x4a: {  	_ =	shalt  }
0x4b: {  	_ =	shalt  }
0x4c: {  	_ =	shalt  }
0x4d: {  	_ =	shalt  }
0x4e: {  	_ =	shalt  }
0x4f: {  	_ =	shalt  }
0x50: {  	_ =	shalt  }
0x51: {  	_ =	shalt  }
0x52: {  	_ =	shalt  }
0x53: {  	_ =	shalt  }
0x54: {  	_ =	shalt  }
0x55: {  	_ =	shalt  }
0x56: {  	_ =	shalt  }
0x57: {  	_ =	shalt  }
0x58: {  	_ =	shalt  }
0x59: {  	_ =	shalt  }
0x5a: {  	_ =	shalt  }
0x5b: {  	_ =	shalt  }
0x5c: {  	_ =	shalt  }
0x5d: {  	_ =	shalt  }
0x5e: {  	_ =	shalt  }
0x5f: {  	_ =	shalt  }
0x60: {  	_ =	shalt  }
0x61: {  	_ =	shalt  }
0x62: {  	_ =	shalt  }
0x63: {  	_ =	shalt  }
0x64: {  	_ =	shalt  }
0x65: {  	_ =	shalt  }
0x66: {  	_ =	shalt  }
0x67: {  	_ =	shalt  }
0x68: {  	_ =	shalt  }
0x69: {  	_ =	shalt  }
0x6a: {  	_ =	shalt  }
0x6b: {  	_ =	shalt  }
0x6c: {  	_ =	shalt  }
0x6d: {  	_ =	shalt  }
0x6e: {  	_ =	shalt  }
0x6f: {  	_ =	shalt  }
0x70: {  	_ =	shalt  }
0x71: {  	_ =	shalt  }
0x72: {  	_ =	shalt  }
0x73: {  	_ =	shalt  }
0x74: {  	_ =	shalt  }
0x75: {  	_ =	shalt  }
0x76: {  	_ =	shalt  }
0x77: {  	_ =	shalt  }
0x78: {  	_ =	shalt  }
0x79: {  	_ =	shalt  }
0x7a: {  	_ =	shalt  }
0x7b: {  	_ =	shalt  }
0x7c: {  	_ =	shalt  }
0x7d: {  	_ =	shalt  }
0x7e: {  	_ =	shalt  }
0x7f: {  	_ =	shalt  }
0x80: {  	_ =	shalt  }
0x81: {  	_ =	shalt  }
0x82: {  	_ =	shalt  }
0x83: {  	_ =	shalt  }
0x84: {  	_ =	shalt  }
0x85: {  	_ =	shalt  }
0x86: {  	_ =	shalt  }
0x87: {  	_ =	shalt  }
.Lfunc_end0:
.L_simem_size_0:
called_computation.5_lowered:
.L_overlay_start_0:
0x88: {  	s2 =	sld [smem:$0x3FD9]  }
0x89: {  	s3 =	sld [smem:$0x3FFE];
	_ =	sdelay $0x1  }
0x8a: {  	s1 =	srdreg.scid  }
0x8b: {  	s0 =	sand.u32 $0x1, s1  }
0x8c: {  	s16 =	sshll.u32 s0, $0xA;
	s2 =	sadd.s32 s3, s2  }
0x8d: {  	s2 =	sadd.s32 s2, s16  }
0x8e: {  	[smem:$0x3FAF] =	sst s2  }
0x8f: {  	_ = 	snop  }
0x90: {  	(tm) =	ssettm $0x1  }
0x91: {  	s17 =	sld [smem:$0x3FFB];
	_ =	sdelay $0x3  }
0x92: {  	_ =	strace s17  }
0x93: {  	s2 =	sld [smem:$0x3FFC];
	_ =	sdelay $0x3  }
0x94: {  	_ =	strace s2  }
0x95: {  	s2 =	sld [smem:$0x3FFD];
	_ =	sdelay $0x3  }
0x96: {  	_ =	strace s2  }
0x97: {  	_ =	strace $0x8FFFFFFF  }
0x98: {  	s18 =	sld [smem:$0x3FDB];
	_ =	sdelay $0x1  }
0x99: {  	s19 =	simm.s32 $_scs_section_size  }
0x9a: {  	s4 =	simm.s32 $_size__tile_overlayer_lowered;
	s5 =	simm.s32 $_tile_overlayer_lowered  }
0x9b: {  	s22 =	simm.s32 $0x1BFF;
	s21 =	sshll.u32 s5, $0x1;
	s2 =	sadd.s32 s19, s18  }
0x9c: {  	s6 =	simm.s32 $0x0;
	s20 =	sshll.u32 s4, $0x1;
	s4 =	sadd.s32 s21, s2  }
0x9d: {  	[timem:s6], [sflag:s22] =	dma.local [hbm:s4], s20  }
0x9e: {  	_ =	swait.ge [sflag:s22], s20  }
0x9f: {  	s3 =	ssub.s32 $0x0, s20;
	[sflag:s22] =	ssyncset.done $0x0  }
0xa0: {  	[sflag:s22] =	ssyncadd.s32 s3;
	_ =	sdelay $0x1  }
0xa1: {  	s23 =	simm.s32 $0x1B8B  }
0xa2: {  	_ =	swait.ge [sflag:s23], $0x1  }
0xa3: {  	[sflag:s23] =	ssyncset.done $0x0  }
0xa4: {  	s25 =	simm.s32 $0x1B8E;
	s24 =	sld [smem:$0x3FFE];
	[sflag:s23] =	ssyncadd.s32 $0xFFFFFFFF  }
0xa5: {  	s26 =	simm.s32 $execute0_lowered;
	[smem:$0x3FD2] =	sst s25  }
0xa6: {  	s4 =	sshll.u32 s26, $0x1;
	_ =	strace $0x80000055;
	[dreg:$0x1] =	wrdreg $0xFFFFFFFF  }
0xa7: {  	s28 =	simm.s32 $_size_execute0_lowered;
	s2 =	sadd.s32 s2, s4;
	[dreg:$0x0] =	wrdreg $0x0  }
0xa8: {  	s4 =	sshll.u32 s28, $0x1;
	[dreg:$0x2] =	wrdreg s2  }
0xa9: {  	[dreg:$0x3] =	wrdreg s4  }
0xaa: {  	[dreg:$0x4] =	wrdreg $0xC0  }
0xab: {  	_ =	task [dreg:s6], $0x5FFFF  }
0xac: {  	[dreg:$0x1] =	wrdreg $0xFFFFFFFF  }
0xad: {  	[dreg:$0x0] =	wrdreg $0x60  }
0xae: {  	[dreg:$0x2] =	wrdreg s24  }
0xaf: {  	[dreg:$0x3] =	wrdreg $0xA9000  }
0xb0: {  	[dreg:$0x4] =	wrdreg $0x9  }
0xb1: {  	_ =	task.clear_ibuf [dreg:s6], $0x5FFFF;
	_ =	strace $0x90000055  }
0xb2: {  	s29 =	simm.s32 $0x9;
	_ =	strace $0x80000057  }
0xb3: {  	_ =	swait.ge [sflag:s29], $0x1  }
0xb4: {  	[sflag:s29] =	ssyncadd.s32 $0xFFFFFFFF  }
0xb5: {  	_ =	strace $0x90000057  }
0xb6: {  	_ =	sfence  }
0xb7: {  	s30 =	sld [smem:$0x0];
	_ =	sdelay $0x2  }
0xb8: {  	s31 =	sshll.u32 s1, $0xD;
	s1 =	sshrl.u32 s1, $0x2  }
0xb9: {  	s3 =	sand.u32 $0x4000, s31;
	s1 =	sadd.s32 s1, s30  }
0xba: {  	s0 =	sor.u32 s3, s0;
	s1 =	sshll.u32 s1, $0x11  }
0xbb: {  	s0 =	sor.u32 s1, s0  }
0xbc: {  	s0 =	sadd.s32 $0x8F2B, s0  }
0xbd: {  	[sflag:s0] =	ssyncadd.remote.s32 $0x1  }
0xbe: {  	_ =	sfence.sel $0xFFFF  }
0xbf: {  	[dreg:$0x0] =	wrdreg $0xFFFFFFFF;
	(pc) =	sbr.abs _section_cstart, $3  }
0xc0: {  	[dreg:$0x1] =	wrdreg $0xFFFFFFFF  }
0xc1: {  	_ =	task.clear_ibuf [dreg:s6], $0x2FFFF;
	_ =	strace $0x9FFFFFFF  }
0xc2: {  	(tm) =	ssettm $0x7FFFFFFF  }
0xc3: {  	_ =	shalt  }
tec
execute0_lowered:
.L_overlay_start_1:
0x0: {  	(tag) =	ssettag $0x1  }
0x1: {  	s0 =	srdreg.scid;
	s6 =	rddreg [dreg:$0x0]  }
0x2: {  	s11 =	stileid.u32;
	s2 =	rddreg [dreg:$0x1];
	s3 =	simm.s32 $0x0  }
0x3: {  	s18 =	simm.s32 $0x7;
	s19 =	simm.s32 $0x2900;
	s20 =	simm.s32 $0x2800  }
0x4: {  	s21 =	simm.s32 $0x7D;
	s22 =	simm.s32 $0x6900;
	s23 =	simm.s32 $0x3  }
0x5: {  	s28 =	simm.s32 $0x1;
	s29 =	simm.s32 $0x5;
	s7 =	smul.u32 $0x14000, s11  }
0x6: {  	s30 =	simm.s32 $0x6;
	s0 =	sand.u32 $0x1, s0;
	s9 =	smul.u32 $0x50000, s11  }
0x7: {  	s1 =	sshll.u32 s11, $0x1;
	[smem:$0x7FF] =	sst s3;
	s14 =	smul.u32 $0xA00, s11  }
0x8: {  	s4 =	sadd.s32 $0x1C400, s6;
	s1 =	sor.u32 s0, s1;
	s5 =	smul.u32 $0x140000, s0  }
0x9: {  	_ =	strace $0x80000056;
	s10 =	ssub.s32 $0x2, s0;
	s0 =	smul.u32 $0x500, s0  }
0xa: {  	s1 =	smul.u32 $0x500, s1;
	s24 =	sshrl.u32 s10, $0x1;
	s9 =	sshrl.u32 s9, $0x2  }
0xb: {  	s7 =	sadd.s32 s7, s5;
	s5 =	sadd.s32 $0x7800, s6;
	s15 =	ssub.s32 s10, s24  }
0xc: {  	s14 =	sadd.s32 s0, s14;
	s24 =	simm.s32 $0x2;
	s8 =	sadd.s32 s1, s6  }
0xd: {  	s7 =	sshrl.u32 s7, $0x3;
	s12 =	sadd.s32 s5, s1;
	s15 =	smax.u32 s15, $0x1  }
0xe: {  	s0 =	sadd.s32 s5, s14;
	s1 =	simm.s32 $0x0;
	s7 =	sadd.s32 s7, s6  }
0xf: {  	s6 =	sadd.s32 s9, s2;
	s8 =	sadd.s32 $0x12400, s8;
	s16 =	sadd.s32 $0x4F0, s12  }
0x10: {  	s17 =	sadd.s32 $0x20, s0;
	[dreg:$0x3] =	wrdreg s8;
	s25 =	sadd.s32 $0x4000, s6  }
0x11: {  	s26 =	sadd.s32 $0x8000, s6;
	s31 =	sadd.s32 $0xC000, s6;
	[dreg:$0x4] =	wrdreg s25  }
0x12: {  	s11 =	sadd.s32 $0x10000, s6;
	s13 =	sadd.s32 $0x6B600, s7;
	[dreg:$0x5] =	wrdreg s26  }
0x13: {  	v0 =	vimm.f32 $0.0e+00;
	[dreg:$0x6] =	wrdreg s31;
	s25 =	simm.s32 $0x2880;
	s26 =	simm.s32 $0x4  }
.LBB2_1:
0x14: {  	s0 =	rddreg [dreg:$0x3]  }
0x15: {  	[tilespmem:s3], [sflag:$0x7] =	stream.linear.gather [hbm4b:s0+s3], $0x2800, $0x38;
	[tilespmem:$0x1E900] =	vst v63  }
0x16: {  	_ =	swait.ge [sflag:s18], $0x2800  }
0x17: {  	[sflag:s18] =	ssyncset.done $0x0  }
0x18: {  	s31 =	simm.s32 $0x200;
	s0 =	simm.s32 $0x0;
	[sflag:s18] =	ssyncadd.s32 $0xFFFFD800  }
.LBB2_2:
0x19: {  	p0 =	sne.s32 s31, $0xFE00;
	[tilespmem:s0+$0x2970] =	vst v0  }
0x1a: {  	[tilespmem:s0+$0x2900] =	vst v0  }
0x1b: {  	[tilespmem:s0+$0x2910] =	vst v0  }
.Ltmp0:
0x1c: {  	[tilespmem:s0+$0x2920] =	vst v0;
	(pc) =	sbr.rel @p0 .LBB2_2-.Ltmp0, $4  }
0x1d: {  	[tilespmem:s0+$0x2930] =	vst v0  }
0x1e: {  	[tilespmem:s0+$0x2940] =	vst v0  }
0x1f: {  	[tilespmem:s0+$0x2950] =	vst v0  }
0x20: {  	[tilespmem:s0+$0x2960] =	vst v0;
	s0 =	sshra.s32 s31, $0x2;
	s31 =	sadd.s32 $0x200, s31  }
0x21: {  	[tilespmem:s0+$0x2970] =	vst v0  }
0x22: {  	[tilespmem:s0+$0x2900] =	vst v0  }
0x23: {  	[tilespmem:s0+$0x2910] =	vst v0  }
0x24: {  	[tilespmem:s0+$0x2920] =	vst v0  }
0x25: {  	[tilespmem:s0+$0x2930] =	vst v0  }
0x26: {  	[tilespmem:s0+$0x2940] =	vst v0  }
0x27: {  	[tilespmem:s0+$0x2950] =	vst v0  }
0x28: {  	[tilespmem:s0+$0x2960] =	vst v0  }
0x29: {  	[spmem:s6] =	stream.linear.scatter [tilespmem:s19], [sflag:$0x3], $0x4000, $0x38;
	[tilespmem:$0x1E900] =	vst v63  }
0x2a: {  	s7 =	rddreg [dreg:$0x4]  }
0x2b: {  	[spmem:s7] =	stream.linear.scatter [tilespmem:s19], [sflag:$0x3], $0x4000, $0x38;
	[tilespmem:$0x1E900] =	vst v63  }
0x2c: {  	s8 =	rddreg [dreg:$0x5]  }
0x2d: {  	[spmem:s8] =	stream.linear.scatter [tilespmem:s19], [sflag:$0x3], $0x4000, $0x38;
	[tilespmem:$0x1E900] =	vst v63  }
0x2e: {  	s9 =	rddreg [dreg:$0x6]  }
0x2f: {  	[spmem:s9] =	stream.linear.scatter [tilespmem:s19], [sflag:$0x3], $0x4000, $0x38;
	[tilespmem:$0x1E900] =	vst v63  }
0x30: {  	_ = 	snop  }
0x31: {  	[spmem:s11] =	stream.linear.scatter [tilespmem:s19], [sflag:$0x3], $0x4000, $0x38;
	[tilespmem:$0x1E900] =	vst v63  }
0x32: {  	s10 =	simm.s32 $0x0  }
0x33: {  	[tilespmem:s20], [sflag:$0x7] =	stream.linear.gather [hbm4b:s12+s10], $0x80, $0x38;
	[tilespmem:$0x1E900] =	vst v63  }
0x34: {  	_ =	swait.ge [sflag:s18], $0x80  }
0x35: {  	[sflag:s18] =	ssyncset.done $0x0  }
0x36: {  	[sflag:s18] =	ssyncadd.s32 $0xFFFFFF80  }
0x37: {  	[tilespmem:s22], [sflag:$0x2] =	stream.indirect.gather [hbm4b:s4+s21], $0x80, s10, s21, $0xb8;
	[tilespmem:$0x1E900] =	vst v63  }
0x38: {  	_ =	swait.ge [sflag:s23], $0x4000  }
0x39: {  	[sflag:s23] =	ssyncset.done $0x0  }
0x3a: {  	[sflag:s23] =	ssyncadd.s32 $0xFFFFC000  }
0x3b: {  	_ =	swait.ge [sflag:s23], $0x4000  }
0x3c: {  	[sflag:s23] =	ssyncset.done $0x0  }
0x3d: {  	[sflag:s23] =	ssyncadd.s32 $0xFFFFC000  }
0x3e: {  	_ =	swait.ge [sflag:s23], $0x4000  }
0x3f: {  	[sflag:s23] =	ssyncset.done $0x0  }
0x40: {  	[sflag:s23] =	ssyncadd.s32 $0xFFFFC000  }
0x41: {  	_ =	swait.ge [sflag:s23], $0x4000  }
0x42: {  	[sflag:s23] =	ssyncset.done $0x0  }
0x43: {  	[sflag:s23] =	ssyncadd.s32 $0xFFFFC000  }
0x44: {  	_ =	swait.ge [sflag:s23], $0x4000  }
0x45: {  	[sflag:s23] =	ssyncset.done $0x0  }
0x46: {  	[sflag:s23] =	ssyncadd.s32 $0xFFFFC000  }
0x47: {  	s0 =	sand.u32 $0x60, s10;
	s7 =	sadd.s32 $0x0, s14;
	[bflag:$0x0] =	sbarrier.arrive $0xFFFF  }
0x48: {  	s0 =	sadd.s32 s0, s5;
	s7 =	sand.u32 $0xFFFFF80, s7;
	_ =	swait.ge [sflag:s24], $0x3E80  }
0x49: {  	s0 =	sadd.s32 s7, s0;
	[sflag:s24] =	ssyncset.done $0x0  }
0x4a: {  	s0 =	sadd.s32 $0x10, s0;
	[sflag:s24] =	ssyncadd.s32 $0xFFFFC180  }
0x4b: {  	[tilespmem:s25], [sflag:$0x4] =	stream.linear.gather [hbm4b:s0+s3], $0x80, $0x38;
	[tilespmem:$0x1E900] =	vst v63  }
0x4c: {  	_ = 	snop  }
0x4d: {  	[spmem:s2] =	stream.indirect.scatter.add.f32 [tilespmem:s22], [sflag:$0x5], $0x80, s20, s21, $0xb8;
	[tilespmem:$0x1E900] =	vst v63  }
0x4e: {  	s8 =	simm.s32 $0x80  }
0x4f: {  	[tilespmem:s19], [sflag:$0x1] =	stream.indirect.gather [hbm4b:s4+s21], $0x80, s8, s21, $0xb8;
	[tilespmem:$0x1E900] =	vst v63  }
0x50: {  	_ =	swait.ge [sflag:s26], $0x80  }
0x51: {  	[sflag:s26] =	ssyncset.done $0x0  }
0x52: {  	[sflag:s26] =	ssyncadd.s32 $0xFFFFFF80  }
0x53: {  	_ =	swait.ge [sflag:s28], $0x3E80  }
0x54: {  	[sflag:s28] =	ssyncset.done $0x0  }
0x55: {  	[sflag:s28] =	ssyncadd.s32 $0xFFFFC180  }
0x56: {  	[spmem:s2] =	stream.indirect.scatter.add.f32 [tilespmem:s19], [sflag:$0x6], $0x80, s25, s21, $0xb8;
	[tilespmem:$0x1E900] =	vst v63  }
0x57: {  	_ =	swait.ge [sflag:s29], $0x3E80  }
0x58: {  	[sflag:s29] =	ssyncset.done $0x0  }
0x59: {  	s9 =	sadd.s32 $0x0, s17;
	[sflag:s29] =	ssyncadd.s32 $0xFFFFC180  }
0x5a: {  	[tilespmem:s20], [sflag:$0x3] =	stream.linear.gather [hbm4b:s9+s3], $0x80, $0x38;
	[tilespmem:$0x1E900] =	vst v63  }
0x5b: {  	s10 =	simm.s32 $0x100  }
0x5c: {  	[tilespmem:s22], [sflag:$0x2] =	stream.indirect.gather [hbm4b:s4+s21], $0x80, s10, s21, $0xb8;
	[tilespmem:$0x1E900] =	vst v63  }
0x5d: {  	_ =	swait.ge [sflag:s23], $0x80  }
0x5e: {  	[sflag:s23] =	ssyncset.done $0x0  }
0x5f: {  	[sflag:s23] =	ssyncadd.s32 $0xFFFFFF80  }
0x60: {  	_ =	swait.ge [sflag:s24], $0x3E80  }
0x61: {  	s7 =	simm.s32 $0x40;
	s0 =	simm.s32 $0x20;
	[sflag:s24] =	ssyncset.done $0x0  }
0x62: {  	s31 =	sand.u32 $0x60, s0;
	s8 =	sadd.s32 $0x20, s14;
	[sflag:s24] =	ssyncadd.s32 $0xFFFFC180  }
0x63: {  	s31 =	sadd.s32 s31, s5;
	s8 =	sand.u32 $0xFFFFF80, s8;
	_ =	swait.ge [sflag:s30], $0x3E80  }
0x64: {  	s8 =	sadd.s32 s8, s31;
	s31 =	simm.s32 $0x200;
	[sflag:s30] =	ssyncset.done $0x0  }
.LBB2_4:
0x65: {  	s8 =	sadd.s32 $0x10, s8  }
0x66: {  	[sflag:s30] =	ssyncadd.s32 $0xFFFFC180;
	s9 =	smov.u32 s7;
	s10 =	sadd.s32 $0x20, s7  }
0x67: {  	[tilespmem:s25], [sflag:$0x4] =	stream.linear.gather [hbm4b:s8+s3], $0x80, $0x38;
	[tilespmem:$0x1E900] =	vst v63  }
0x68: {  	p0 =	sne.s32 s7, $0x4C0  }
0x69: {  	[spmem:s2] =	stream.indirect.scatter.add.f32 [tilespmem:s22], [sflag:$0x5], $0x80, s20, s21, $0xb8;
	[tilespmem:$0x1E900] =	vst v63  }
0x6a: {  	s7 =	sadd.s32 $0xFFFFFF80, s31  }
0x6b: {  	[tilespmem:s19], [sflag:$0x1] =	stream.indirect.gather [hbm4b:s4+s21], $0x80, s7, s21, $0xb8;
	[tilespmem:$0x1E900] =	vst v63  }
0x6c: {  	_ =	swait.ge [sflag:s26], $0x80  }
0x6d: {  	[sflag:s26] =	ssyncset.done $0x0  }
0x6e: {  	[sflag:s26] =	ssyncadd.s32 $0xFFFFFF80  }
0x6f: {  	_ =	swait.ge [sflag:s28], $0x3E80  }
0x70: {  	[sflag:s28] =	ssyncset.done $0x0  }
0x71: {  	[sflag:s28] =	ssyncadd.s32 $0xFFFFC180  }
0x72: {  	[spmem:s2] =	stream.indirect.scatter.add.f32 [tilespmem:s19], [sflag:$0x6], $0x80, s25, s21, $0xb8;
	[tilespmem:$0x1E900] =	vst v63  }
0x73: {  	_ =	swait.ge [sflag:s29], $0x3E80  }
0x74: {  	[sflag:s29] =	ssyncset.done $0x0  }
0x75: {  	s7 =	sadd.s32 s0, s17;
	s0 =	smov.u32 s9;
	[sflag:s29] =	ssyncadd.s32 $0xFFFFC180  }
0x76: {  	[tilespmem:s20], [sflag:$0x3] =	stream.linear.gather [hbm4b:s7+s3], $0x80, $0x38;
	[tilespmem:$0x1E900] =	vst v63  }
0x77: {  	_ = 	snop  }
0x78: {  	[tilespmem:s22], [sflag:$0x2] =	stream.indirect.gather [hbm4b:s4+s21], $0x80, s31, s21, $0xb8;
	[tilespmem:$0x1E900] =	vst v63  }
0x79: {  	_ =	swait.ge [sflag:s23], $0x80  }
0x7a: {  	[sflag:s23] =	ssyncset.done $0x0  }
0x7b: {  	[sflag:s23] =	ssyncadd.s32 $0xFFFFFF80  }
.Ltmp1:
0x7c: {  	_ =	swait.ge [sflag:s24], $0x3E80;
	(pc) =	sbr.rel @p0 .LBB2_4-.Ltmp1, $4  }
0x7d: {  	s8 =	sand.u32 $0x60, s0;
	s7 =	sadd.s32 s0, s14;
	[sflag:s24] =	ssyncset.done $0x0  }
0x7e: {  	s8 =	sadd.s32 s8, s5;
	s7 =	sand.u32 $0xFFFFF80, s7;
	[sflag:s24] =	ssyncadd.s32 $0xFFFFC180  }
0x7f: {  	s8 =	sadd.s32 s7, s8;
	_ =	swait.ge [sflag:s30], $0x3E80  }
0x80: {  	s31 =	sadd.s32 $0x100, s31;
	s7 =	smov.u32 s10;
	[sflag:s30] =	ssyncset.done $0x0  }
0x81: {  	s7 =	sadd.s32 $0x10, s8;
	[sflag:s30] =	ssyncadd.s32 $0xFFFFC180  }
0x82: {  	[tilespmem:s25], [sflag:$0x4] =	stream.linear.gather [hbm4b:s7+s3], $0x80, $0x38;
	[tilespmem:$0x1E900] =	vst v63  }
0x83: {  	_ = 	snop  }
0x84: {  	[spmem:s2] =	stream.indirect.scatter.add.f32 [tilespmem:s22], [sflag:$0x5], $0x80, s20, s21, $0xb8;
	[tilespmem:$0x1E900] =	vst v63  }
0x85: {  	s8 =	sadd.s32 $0xFFFFFF80, s31  }
0x86: {  	[tilespmem:s19], [sflag:$0x1] =	stream.indirect.gather [hbm4b:s4+s21], $0x80, s8, s21, $0xb8;
	[tilespmem:$0x1E900] =	vst v63  }
0x87: {  	_ =	swait.ge [sflag:s26], $0x80  }
0x88: {  	[sflag:s26] =	ssyncset.done $0x0  }
0x89: {  	[sflag:s26] =	ssyncadd.s32 $0xFFFFFF80  }
0x8a: {  	_ =	swait.ge [sflag:s28], $0x3E80  }
0x8b: {  	[sflag:s28] =	ssyncset.done $0x0  }
0x8c: {  	[sflag:s28] =	ssyncadd.s32 $0xFFFFC180  }
0x8d: {  	[spmem:s2] =	stream.indirect.scatter.add.f32 [tilespmem:s19], [sflag:$0x6], $0x80, s25, s21, $0xb8;
	[tilespmem:$0x1E900] =	vst v63  }
0x8e: {  	_ =	swait.ge [sflag:s29], $0x3E80  }
0x8f: {  	[sflag:s29] =	ssyncset.done $0x0  }
0x90: {  	s0 =	sadd.s32 s0, s17;
	[sflag:s29] =	ssyncadd.s32 $0xFFFFC180  }
0x91: {  	[tilespmem:s20], [sflag:$0x3] =	stream.linear.gather [hbm4b:s0+s3], $0x80, $0x38;
	[tilespmem:$0x1E900] =	vst v63  }
0x92: {  	_ = 	snop  }
0x93: {  	[tilespmem:s22], [sflag:$0x2] =	stream.indirect.gather [hbm4b:s4+s21], $0x80, s31, s21, $0xb8;
	[tilespmem:$0x1E900] =	vst v63  }
0x94: {  	_ =	swait.ge [sflag:s23], $0x80  }
0x95: {  	[sflag:s23] =	ssyncset.done $0x0  }
0x96: {  	[sflag:s23] =	ssyncadd.s32 $0xFFFFFF80  }
0x97: {  	_ =	swait.ge [sflag:s24], $0x3E80  }
0x98: {  	[sflag:s24] =	ssyncset.done $0x0  }
0x99: {  	[sflag:s24] =	ssyncadd.s32 $0xFFFFC180  }
0x9a: {  	_ =	swait.ge [sflag:s30], $0x3E80  }
0x9b: {  	[sflag:s30] =	ssyncset.done $0x0  }
0x9c: {  	[sflag:s30] =	ssyncadd.s32 $0xFFFFC180  }
0x9d: {  	[tilespmem:s25], [sflag:$0x4] =	stream.linear.gather [hbm4b:s16+s3], $0x80, $0x38;
	[tilespmem:$0x1E900] =	vst v63  }
0x9e: {  	_ = 	snop  }
0x9f: {  	[spmem:s2] =	stream.indirect.scatter.add.f32 [tilespmem:s22], [sflag:$0x5], $0x80, s20, s21, $0xb8;
	[tilespmem:$0x1E900] =	vst v63  }
0xa0: {  	s9 =	simm.s32 $0x2780  }
0xa1: {  	[tilespmem:s19], [sflag:$0x1] =	stream.indirect.gather [hbm4b:s4+s21], $0x80, s9, s21, $0xb8;
	[tilespmem:$0x1E900] =	vst v63  }
0xa2: {  	_ =	swait.ge [sflag:s26], $0x80  }
0xa3: {  	[sflag:s26] =	ssyncset.done $0x0  }
0xa4: {  	[sflag:s26] =	ssyncadd.s32 $0xFFFFFF80  }
0xa5: {  	_ =	swait.ge [sflag:s28], $0x3E80  }
0xa6: {  	[sflag:s28] =	ssyncset.done $0x0  }
0xa7: {  	[sflag:s28] =	ssyncadd.s32 $0xFFFFC180  }
0xa8: {  	[spmem:s2] =	stream.indirect.scatter.add.f32 [tilespmem:s19], [sflag:$0x6], $0x80, s25, s21, $0xb8;
	[tilespmem:$0x1E900] =	vst v63  }
0xa9: {  	_ =	swait.ge [sflag:s29], $0x3E80  }
0xaa: {  	[sflag:s29] =	ssyncset.done $0x0  }
0xab: {  	[sflag:s29] =	ssyncadd.s32 $0xFFFFC180  }
0xac: {  	s10 =	stileid.u32;
	_ =	swait.ge [sflag:s30], $0x3E80  }
0xad: {  	s1 =	sadd.s32 $0x1, s1;
	s0 =	sshll.u32 s10, $0x6;
	[sflag:s30] =	ssyncset.done $0x0  }
0xae: {  	p0 =	sne.s32 s1, s15;
	s0 =	sor.u32 $0x1C07, s0;
	[sflag:s30] =	ssyncadd.s32 $0xFFFFC180  }
.Ltmp2:
0xaf: {  	s31 =	sshrl.u32 s6, $0x3;
	[bflag:$0x0] =	sbarrier.arrive $0xFFFF;
	(pc) =	sbr.rel @p0 .LBB2_1-.Ltmp2, $4  }
0xb0: {  	[hbm:s13], [sflag:s0] =	dma.local [spmem:s31], $0x2800  }
0xb1: {  	_ =	swait.ge [sflag:s18], $0x2800  }
0xb2: {  	[sflag:s18] =	ssyncset.done $0x0  }
0xb3: {  	[sflag:s18] =	ssyncadd.s32 $0xFFFFD800  }
0xb4: {  	_ =	sfence.sel $0x180000  }
0xb5: {  	[bflag:$0x0] =	sbarrier.arrive $0xFFFF  }
0xb6: {  	_ =	strace $0x90000056  }
0xb7: {  	s0 =	stileid.u32;
	[bflag:$0x2] =	sbarrier.arrive $0xFFFF  }
0xb8: {  	p0 =	sne.s32 s0, $0x0;
	s0 =	rddreg [dreg:$0x2]  }
0xb9: {  	s0 =	sadd.s32 @!p0 $0x100000, s0  }
0xba: {  	[sflag:s0] =	ssyncadd.tile.s32 @!p0 $0x1;
	_ =	shalt  }
.Lfunc_end2:
_tile_overlayer_lowered:
.L_overlay_start_2:
0xbb: {  	(tag) =	ssettag $0x2  }
0xbc: {  	s0 =	rddreg [dreg:$0x0];
	s2 =	stileid.u32  }
0xbd: {  	s1 =	rddreg [dreg:$0x1];
	p0 =	sne.s32 s2, $0x0  }
0xbe: {  	s3 =	rddreg [dreg:$0x2];
	[bflag:$0x3] =	sbarrier.arrive $0xFFFF;
	s2 =	simm.s32 @!p0 $0x1C07  }
0xbf: {  	[timem:s3], [sflag:s2] =	dma.local @!p0 [hbm:s0], s1  }
0xc0: {  	s0 =	simm.s32 @!p0 $0x7  }
0xc1: {  	_ =	swait.ge @!p0 [sflag:s0], s1  }
0xc2: {  	s1 =	ssub.s32 @!p0 $0x0, s1;
	[sflag:s0] =	ssyncset.done @!p0 $0x0  }
0xc3: {  	[sflag:s0] =	ssyncadd.s32 @!p0 s1  }
0xc4: {  	[bflag:$0x3] =	sbarrier.arrive $0xFFFF  }
0xc5: {  	_ =	shalt  }

</sc_bundles>
